<compile_context>
chip_gen: v7x
topology: tpu7x:2x2x1
jax: 0.10.2.dev20260603
libtpu: 0.0.44.dev20260713+nightly
codegen_flags: <defaults>
</compile_context>

<pallas_src>
import functools

import jax
import jax.numpy as jnp
from jax import lax
from jax.experimental import pallas as pl
from jax.experimental.pallas import tpu as pltpu
from jax.experimental.pallas import tpu_sc as plsc

F = 128
FPL = 2048
NK = 11
NL = 3
MAXD = 10.0

NC = 2
NS = 16
NW = NC * NS
CH = 128
DEPTH = 2
DW = 128

BN = 400


NB = 8


def _segsum_kernel(np_rows, rpt, a_sc, b_sc):
    mesh = plsc.VectorSubcoreMesh(core_axis_name="c", subcore_axis_name="s")

    @functools.partial(
        pl.kernel,
        out_type=jax.ShapeDtypeStruct((NC * np_rows, F), jnp.float32),
        mesh=mesh,
        scratch_types=[
            pltpu.VMEM((2 * NB, CH), jnp.int32),
            pltpu.VMEM((2 * NB, CH), jnp.int32),
            [pltpu.VMEM((CH, F), jnp.float32)] * DEPTH,
            pltpu.VMEM_SHARED((np_rows, F), jnp.float32),
            pltpu.SemaphoreType.DMA,
            pltpu.SemaphoreType.DMA,
            [pltpu.SemaphoreType.DMA] * DEPTH,
            [pltpu.SemaphoreType.DMA] * DEPTH,
        ],
    )
    def segsum(x_hbm, src2_hbm, dst2_hbm, z_hbm, out_hbm,
               srcb_v, dstb_v, rows, h_sh, si0, si1, sem_r, sem_s):
        c = lax.axis_index("c")
        s = lax.axis_index("s")
        r0 = s * rpt
        nzc = rpt // CH
        nsc = jnp.where(c == 0, a_sc, b_sc)
        crow = jnp.where(c == 0, s * (a_sc * NB),
                         NS * (a_sc * NB) + s * (b_sc * NB))

        pltpu.sync_copy(z_hbm, rows[0])

        def zbody(j, carry):
            pltpu.sync_copy(rows[0], h_sh.at[pl.ds(r0 + j * CH, CH)])
            return carry

        lax.fori_loop(0, nzc, zbody, 0)
        pltpu.sync_copy(src2_hbm.at[pl.ds(crow, NB)], srcb_v.at[pl.ds(0, NB)])
        pltpu.sync_copy(dst2_hbm.at[pl.ds(crow, NB)], dstb_v.at[pl.ds(0, NB)])
        plsc.subcore_barrier()

        def body(j, carry):
            par = lax.rem(j, 2)
            npar = 1 - par
            pbase = par * NB
            nxt = lax.rem(j + 1, nsc)
            di0 = pltpu.async_copy(
                src2_hbm.at[pl.ds(crow + nxt * NB, NB)],
                srcb_v.at[pl.ds(npar * NB, NB)], si0)
            di1 = pltpu.async_copy(
                dst2_hbm.at[pl.ds(crow + nxt * NB, NB)],
                dstb_v.at[pl.ds(npar * NB, NB)], si1)
            dg = [None] * DEPTH
            dsc = [None] * DEPTH
            for t in range(DEPTH - 1):
                dg[t] = pltpu.async_copy(
                    x_hbm.at[srcb_v.at[pbase + t]], rows[t], sem_r[t])
            for jj in range(NB):
                b = jj % DEPTH
                dg[b].wait()
                dsc[b] = pltpu.async_copy(
                    rows[b], h_sh.at[dstb_v.at[pbase + jj]],
                    sem_s[b], add=True)
                nxt_c = jj + DEPTH - 1
                if nxt_c < NB:
                    nb_ = nxt_c % DEPTH
                    if dsc[nb_] is not None:
                        dsc[nb_].wait()
                    dg[nb_] = pltpu.async_copy(
                        x_hbm.at[srcb_v.at[pbase + nxt_c]],
                        rows[nb_], sem_r[nb_])
            for jj in range(max(0, NB - DEPTH), NB):
                dsc[jj % DEPTH].wait()
            di0.wait()
            di1.wait()
            return carry

        lax.fori_loop(0, nsc, body, 0)
        plsc.subcore_barrier()

        def obody(j, carry):
            pltpu.sync_copy(h_sh.at[pl.ds(r0 + j * CH, CH)], rows[0])
            pltpu.sync_copy(
                rows[0], out_hbm.at[pl.ds(c * np_rows + r0 + j * CH, CH)])
            return carry

        lax.fori_loop(0, nzc, obody, 0)

    return segsum


def _deg_kernel(np_rows, rpt, epw, nch):
    mesh = plsc.VectorSubcoreMesh(core_axis_name="c", subcore_axis_name="s")

    @functools.partial(
        pl.kernel,
        out_type=jax.ShapeDtypeStruct((NC * np_rows, DW), jnp.float32),
        mesh=mesh,
        scratch_types=[
            pltpu.VMEM((1, CH), jnp.int32),
            pltpu.VMEM((CH, DW), jnp.float32),
            pltpu.VMEM_SHARED((np_rows, DW), jnp.float32),
        ],
    )
    def degk(dst2_hbm, ones_hbm, zd_hbm, out_hbm, dst_v, buf_v, d_sh):
        c = lax.axis_index("c")
        s = lax.axis_index("s")
        wid = c * NS + s
        r0 = s * rpt
        nzc = rpt // CH
        crow = wid * (epw // CH)
        pltpu.sync_copy(zd_hbm, buf_v)

        def zbody(j, carry):
            pltpu.sync_copy(buf_v, d_sh.at[pl.ds(r0 + j * CH, CH)])
            return carry

        lax.fori_loop(0, nzc, zbody, 0)
        pltpu.sync_copy(ones_hbm, buf_v)
        plsc.subcore_barrier()

        def body(g, carry):
            pltpu.sync_copy(dst2_hbm.at[pl.ds(crow + g, 1)], dst_v)
            pltpu.sync_copy(buf_v, d_sh.at[dst_v.at[0]], add=True)
            return carry

        lax.fori_loop(0, nch, body, 0)
        plsc.subcore_barrier()

        def obody(j, carry):
            pltpu.sync_copy(d_sh.at[pl.ds(r0 + j * CH, CH)], buf_v)
            pltpu.sync_copy(
                buf_v, out_hbm.at[pl.ds(c * np_rows + r0 + j * CH, CH)])
            return carry

        lax.fori_loop(0, nzc, obody, 0)

    return degk


def _mfconv_body(x_ref, hp_ref, dp_ref, wb_ref, bl_ref, xo_ref):
    h = (hp_ref[0] + hp_ref[1]).astype(jnp.bfloat16)
    x = x_ref[...].astype(jnp.bfloat16)
    z = jnp.dot(h, wb_ref[0:F], preferred_element_type=jnp.float32)
    z = z + jnp.dot(x, wb_ref[F:2 * F], preferred_element_type=jnp.float32)
    z = z + jnp.broadcast_to(bl_ref[0:1], (BN, NK * F))
    d16 = jnp.minimum(dp_ref[0] + dp_ref[1], MAXD)
    deg = jnp.max(d16, axis=1, keepdims=True)
    kid = (lax.broadcasted_iota(jnp.int32, (BN, NK * F), 1) // F
           ).astype(jnp.float32)
    zm = jnp.where(kid == jnp.broadcast_to(deg, (BN, NK * F)), z, 0.0)
    acc = zm[:, 0:F]
    for k in range(1, NK):
        acc = acc + zm[:, k * F:(k + 1) * F]
    xo_ref[...] = jax.nn.sigmoid(acc)


def _mfconv_call(n_nodes, np_rows, x, hp, dp, wb, bl):
    return pl.pallas_call(
        _mfconv_body,
        grid=(n_nodes // BN,),
        in_specs=[
            pl.BlockSpec((BN, F), lambda i: (i, 0)),
            pl.BlockSpec((NC, BN, F), lambda i: (0, i, 0)),
            pl.BlockSpec((NC, BN, DW), lambda i: (0, i, 0)),
            pl.BlockSpec((2 * F, NK * F), lambda i: (0, 0)),
            pl.BlockSpec((1, NK * F), lambda i: (0, 0)),
        ],
        out_specs=pl.BlockSpec((BN, F), lambda i: (i, 0)),
        out_shape=jax.ShapeDtypeStruct((np_rows, F), jnp.float32),
    )(x, hp, dp, wb, bl)


def _finger_body(x_ref, wl_ref, fp_ref):
    i = pl.program_id(0)
    lg = jnp.dot(x_ref[...], wl_ref[0:F], preferred_element_type=jnp.float32)
    lg = lg + jnp.broadcast_to(wl_ref[F:F + 1], (BN, FPL))
    m = jnp.max(lg, axis=1, keepdims=True)
    e = jnp.exp(lg - m)
    y = e / jnp.sum(e, axis=1, keepdims=True)
    rowsum = jnp.sum(y, axis=0, keepdims=True)
    upd = jnp.broadcast_to(rowsum, (8, FPL))

    @pl.when(i == 0)
    def _():
        fp_ref[...] = upd

    @pl.when(i > 0)
    def _():
        fp_ref[...] = fp_ref[...] + upd


def _finger_call(n_nodes, x, wl):
    return pl.pallas_call(
        _finger_body,
        grid=(n_nodes // BN,),
        in_specs=[
            pl.BlockSpec((BN, F), lambda i: (i, 0)),
            pl.BlockSpec((F + 1, FPL), lambda i: (0, 0)),
        ],
        out_specs=pl.BlockSpec((8, FPL), lambda i: (0, 0)),
        out_shape=jax.ShapeDtypeStruct((8, FPL), jnp.float32),
    )(x, wl)


def kernel(x, edge_index, Wl, bl, Wr, Wlin, blin):
    n = x.shape[0]
    e = edge_index.shape[1]
    rpt = -(-(n + 1) // (NS * CH)) * CH
    np_rows = NS * rpt
    ep = -(-e // (NW * CH * NB)) * (NW * CH * NB)
    epw = ep // NW
    nch = epw // CH
    tot_sc = ep // (NS * CH * NB)
    a_sc = (15 * tot_sc) // 20
    b_sc = tot_sc - a_sc

    src2 = jnp.concatenate(
        [edge_index[0].astype(jnp.int32),
         jnp.full((ep - e + NB * CH,), n, jnp.int32)]).reshape(-1, CH)
    dst2 = jnp.concatenate(
        [edge_index[1].astype(jnp.int32),
         jnp.full((ep - e + NB * CH,), n, jnp.int32)]).reshape(-1, CH)

    zrows = jnp.zeros((CH, F), jnp.float32)
    zd = jnp.zeros((CH, DW), jnp.float32)
    ones = jnp.ones((CH, DW), jnp.float32)

    segsum = _segsum_kernel(np_rows, rpt, a_sc, b_sc)
    degk = _deg_kernel(np_rows, rpt, epw, nch)

    dp = degk(dst2, ones, zd).reshape(NC, np_rows, DW)

    w1 = jnp.transpose(Wl, (0, 3, 1, 2)).reshape(NL, F, NK * F)
    w2 = jnp.transpose(Wr, (0, 3, 1, 2)).reshape(NL, F, NK * F)
    wbig = jnp.concatenate([w1, w2], axis=1).astype(jnp.bfloat16)
    blr = bl.reshape(NL, 1, NK * F)
    wlinb = jnp.concatenate(
        [jnp.transpose(Wlin, (0, 2, 1)), blin[:, None, :]], axis=1)

    xc = jnp.concatenate(
        [x.astype(jnp.float32), jnp.zeros((np_rows - n, F), jnp.float32)],
        axis=0)
    fps = []
    for layer in range(NL):
        hp = segsum(xc, src2, dst2, zrows).reshape(NC, np_rows, F)
        xc = _mfconv_call(n, np_rows, xc, hp, dp, wbig[layer], blr[layer])
        fps.append(_finger_call(n, xc, wlinb[layer]))
    return fps[0][0] + fps[1][0] + fps[2][0]

# --- scband reference (transcript-rebuilt; emitter-appended) ---
"""Pipeline reference for scband-neural-fingerprint-79001628442887 (READ-ONLY COPY).

The authoritative reference and input builder live on the scoring server;
editing this copy changes nothing except your own understanding.
"""

import jax, jax.numpy as jnp
import numpy as np

NUM_FEATURES = 128
FINGERPRINT_LENGTH = 2048
NUM_LAYERS = 3
MAX_DEGREE = 10  # PyG MFConv default
N_NODES = 10000
N_EDGES = 320000


def setup_inputs(seed: int = 0) -> dict:
    key = jax.random.key(seed)
    ks = [jax.random.fold_in(key, i) for i in range(8)]
    x = jax.random.normal(ks[0], (N_NODES, NUM_FEATURES), dtype=jnp.float32)
    edge_index = jax.random.randint(ks[1], (2, N_EDGES), 0, N_NODES, dtype=jnp.int64)
    s = 1.0 / np.sqrt(NUM_FEATURES)
    # MFConv per-degree weight banks: lins_l (with bias), lins_r (no bias)
    Wl = jax.random.uniform(ks[2], (NUM_LAYERS, MAX_DEGREE + 1, NUM_FEATURES, NUM_FEATURES), dtype=jnp.float32, minval=-s, maxval=s)
    bl = jax.random.uniform(ks[3], (NUM_LAYERS, MAX_DEGREE + 1, NUM_FEATURES), dtype=jnp.float32, minval=-s, maxval=s)
    Wr = jax.random.uniform(ks[4], (NUM_LAYERS, MAX_DEGREE + 1, NUM_FEATURES, NUM_FEATURES), dtype=jnp.float32, minval=-s, maxval=s)
    # Per-layer Linear projecting to fingerprint length
    Wlin = jax.random.uniform(ks[5], (NUM_LAYERS, FINGERPRINT_LENGTH, NUM_FEATURES), dtype=jnp.float32, minval=-s, maxval=s)
    blin = jax.random.uniform(ks[6], (NUM_LAYERS, FINGERPRINT_LENGTH), dtype=jnp.float32, minval=-s, maxval=s)
    return {"x": x, "edge_index": edge_index, "Wl": Wl, "bl": bl, "Wr": Wr, "Wlin": Wlin, "blin": blin}


def reference(x, edge_index, Wl, bl, Wr, Wlin, blin):
    N = x.shape[0]
    src = edge_index[0]
    dst = edge_index[1]
    # node in-degree (flow = source_to_target), clamped to max_degree
    deg = jnp.bincount(dst, length=N)
    deg = jnp.clip(deg, 0, MAX_DEGREE)
    deg_oh = jax.nn.one_hot(deg, MAX_DEGREE + 1, dtype=x.dtype)  # [N, K]
    fingerprint = jnp.zeros((FINGERPRINT_LENGTH,), dtype=x.dtype)
    for layer in range(NUM_LAYERS):
        # MFConv: h_i = sum_{j in N(i)} x_j  (scatter-add)
        h = jax.ops.segment_sum(x[src], dst, num_segments=N)
        # apply degree-indexed linear layers; masks over degrees are disjoint
        out_l = jnp.einsum('nd,kfd->nkf', h, Wl[layer]) + bl[layer][None, :, :]
        out_r = jnp.einsum('nd,kfd->nkf', x, Wr[layer])
        x = jnp.sum(deg_oh[:, :, None] * (out_l + out_r), axis=1)
        x = jax.nn.sigmoid(x)
        y = jax.nn.softmax(x @ Wlin[layer].T + blin[layer][None, :], axis=1)
        fingerprint = fingerprint + jnp.sum(y, axis=0)
    return fingerprint

if __name__ == "__main__":
    import jax
    _d = setup_inputs()
    print(jax.jit(kernel)(*tuple(_d.values())))

</pallas_src>

<mosaic_0001>
#map = affine_map<(d0, d1) -> (0, 0)>
module attributes {stable_mosaic.version = 14 : i64} {
  func.func @degk(%arg0: i32, %arg1: i32, %arg2: memref<2568x128xi32, #tpu.memory_space<hbm>>, %arg3: memref<128x128xf32, #tpu.memory_space<hbm>>, %arg4: memref<128x128xf32, #tpu.memory_space<hbm>>, %arg5: memref<20480x128xf32, #tpu.memory_space<hbm>>, %arg6: memref<1x128xi32, #tpu.memory_space<vmem>>, %arg7: memref<128x128xf32, #tpu.memory_space<vmem>>, %arg8: memref<10240x128xf32, #tpu.memory_space<vmem_shared>>) attributes {dimension_semantics = [#tpu.dimension_semantics<core_parallel>, #tpu.dimension_semantics<subcore_parallel>], iteration_bounds = array<i64: 2, 16>, scalar_prefetch = 0 : i64, scratch_operands = 3 : i64, tpu.core_type = #tpu.core_type<sc_vector_subcore>, window_params = [{transform_indices = #map}, {transform_indices = #map}, {transform_indices = #map}, {transform_indices = #map}]} {
    %mul3A = arith.constant 16 : i32
    %mul3A_0 = arith.muli %arg0, %mul3A : i32
    %add3A = arith.addi %mul3A_0, %arg1 : i32
    %mul3A_1 = arith.constant 640 : i32
    %mul3A_2 = arith.muli %arg1, %mul3A_1 : i32
    %mul3A_3 = arith.constant 80 : i32
    %mul3A_4 = arith.muli %add3A, %mul3A_3 : i32
    "tpu.region"() ({
      %run_scoped3A = tpu.sem_alloc : memref<!tpu.dma_semaphore, #tpu.memory_space<semaphore_mem>>
      tpu.enqueue_dma source(%arg4 : memref<128x128xf32, #tpu.memory_space<hbm>>) target(%arg7 : memref<128x128xf32, #tpu.memory_space<vmem>>) target_semaphore(%run_scoped3A : memref<!tpu.dma_semaphore, #tpu.memory_space<semaphore_mem>>)
      tpu.wait_dma2 semaphore(%run_scoped3A : memref<!tpu.dma_semaphore, #tpu.memory_space<semaphore_mem>>) src(%arg4 : memref<128x128xf32, #tpu.memory_space<hbm>>) dst(%arg7 : memref<128x128xf32, #tpu.memory_space<vmem>>)
      tpu.yield
    }) : () -> ()
    %scan3A = arith.constant 0 : i32
    %scan3A_5 = arith.constant 0 : i32
    %scan3A_6 = arith.constant 5 : i32
    %scan3A_7 = arith.addi %scan3A_5, %scan3A_6 : i32
    %scan3A_8 = arith.constant 1 : i32
    scf.for %scan3A_23 = %scan3A_5 to %scan3A_7 step %scan3A_8  : i32 {
      %mul3A_24 = arith.constant 128 : i32
      %mul3A_25 = arith.muli %scan3A_23, %mul3A_24 : i32
      %add3A_26 = arith.addi %mul3A_2, %mul3A_25 : i32
      "tpu.region"() ({
        %run_scoped3A = tpu.sem_alloc : memref<!tpu.dma_semaphore, #tpu.memory_space<semaphore_mem>>
        %dma_start3A = arith.constant 0 : i32
        %dma_start3A_27 = tpu.memref_slice %arg8[%add3A_26, %dma_start3A] : memref<10240x128xf32, #tpu.memory_space<vmem_shared>> -> memref<128x128xf32, #tpu.memory_space<vmem_shared>>
        %dma_start3A_28 = arith.constant 0 : i32
        %dma_start3A_29 = tpu.memref_slice %arg8[%add3A_26, %dma_start3A_28] : memref<10240x128xf32, #tpu.memory_space<vmem_shared>> -> memref<128x128xf32, #tpu.memory_space<vmem_shared>>
        tpu.enqueue_dma source(%arg7 : memref<128x128xf32, #tpu.memory_space<vmem>>) target(%dma_start3A_29 : memref<128x128xf32, #tpu.memory_space<vmem_shared>>) target_semaphore(%run_scoped3A : memref<!tpu.dma_semaphore, #tpu.memory_space<semaphore_mem>>)
        %dma_wait3A = arith.constant 0 : i32
        %dma_wait3A_30 = tpu.memref_slice %arg8[%add3A_26, %dma_wait3A] : memref<10240x128xf32, #tpu.memory_space<vmem_shared>> -> memref<128x128xf32, #tpu.memory_space<vmem_shared>>
        %dma_wait3A_31 = arith.constant 0 : i32
        %dma_wait3A_32 = tpu.memref_slice %arg8[%add3A_26, %dma_wait3A_31] : memref<10240x128xf32, #tpu.memory_space<vmem_shared>> -> memref<128x128xf32, #tpu.memory_space<vmem_shared>>
        tpu.wait_dma2 semaphore(%run_scoped3A : memref<!tpu.dma_semaphore, #tpu.memory_space<semaphore_mem>>) src(%arg7 : memref<128x128xf32, #tpu.memory_space<vmem>>) dst(%dma_wait3A_32 : memref<128x128xf32, #tpu.memory_space<vmem_shared>>)
        tpu.yield
      }) : () -> ()
    }
    %scan3A_9 = arith.constant 5 : i32
    "tpu.region"() ({
      %run_scoped3A = tpu.sem_alloc : memref<!tpu.dma_semaphore, #tpu.memory_space<semaphore_mem>>
      tpu.enqueue_dma source(%arg3 : memref<128x128xf32, #tpu.memory_space<hbm>>) target(%arg7 : memref<128x128xf32, #tpu.memory_space<vmem>>) target_semaphore(%run_scoped3A : memref<!tpu.dma_semaphore, #tpu.memory_space<semaphore_mem>>)
      tpu.wait_dma2 semaphore(%run_scoped3A : memref<!tpu.dma_semaphore, #tpu.memory_space<semaphore_mem>>) src(%arg3 : memref<128x128xf32, #tpu.memory_space<hbm>>) dst(%arg7 : memref<128x128xf32, #tpu.memory_space<vmem>>)
      tpu.yield
    }) : () -> ()
    %barrier3A = arith.constant 0 : index
    tpu.barrier barrier_id(%barrier3A)
    %scan3A_10 = arith.constant 0 : i32
    %scan3A_11 = arith.constant 0 : i32
    %scan3A_12 = arith.constant 80 : i32
    %scan3A_13 = arith.addi %scan3A_11, %scan3A_12 : i32
    %scan3A_14 = arith.constant 1 : i32
    scf.for %scan3A_23 = %scan3A_11 to %scan3A_13 step %scan3A_14  : i32 {
      %add3A_24 = arith.addi %mul3A_4, %scan3A_23 : i32
      "tpu.region"() ({
        %run_scoped3A_25 = tpu.sem_alloc : memref<!tpu.dma_semaphore, #tpu.memory_space<semaphore_mem>>
        %dma_start3A = arith.constant 0 : i32
        %dma_start3A_26 = tpu.memref_slice %arg2[%add3A_24, %dma_start3A] : memref<2568x128xi32, #tpu.memory_space<hbm>> -> memref<1x128xi32, #tpu.memory_space<hbm>>
        %dma_start3A_27 = arith.constant 0 : i32
        %dma_start3A_28 = tpu.memref_slice %arg2[%add3A_24, %dma_start3A_27] : memref<2568x128xi32, #tpu.memory_space<hbm>> -> memref<1x128xi32, #tpu.memory_space<hbm>>
        tpu.enqueue_dma source(%dma_start3A_28 : memref<1x128xi32, #tpu.memory_space<hbm>>) target(%arg6 : memref<1x128xi32, #tpu.memory_space<vmem>>) target_semaphore(%run_scoped3A_25 : memref<!tpu.dma_semaphore, #tpu.memory_space<semaphore_mem>>)
        %dma_wait3A = arith.constant 0 : i32
        %dma_wait3A_29 = tpu.memref_slice %arg2[%add3A_24, %dma_wait3A] : memref<2568x128xi32, #tpu.memory_space<hbm>> -> memref<1x128xi32, #tpu.memory_space<hbm>>
        %dma_wait3A_30 = arith.constant 0 : i32
        %dma_wait3A_31 = tpu.memref_slice %arg2[%add3A_24, %dma_wait3A_30] : memref<2568x128xi32, #tpu.memory_space<hbm>> -> memref<1x128xi32, #tpu.memory_space<hbm>>
        tpu.wait_dma2 semaphore(%run_scoped3A_25 : memref<!tpu.dma_semaphore, #tpu.memory_space<semaphore_mem>>) src(%dma_wait3A_31 : memref<1x128xi32, #tpu.memory_space<hbm>>) dst(%arg6 : memref<1x128xi32, #tpu.memory_space<vmem>>)
        tpu.yield
      }) : () -> ()
      %run_scoped3A = arith.constant 0 : i32
      "tpu.region"() ({
        %run_scoped3A_25 = tpu.sem_alloc : memref<!tpu.dma_semaphore, #tpu.memory_space<semaphore_mem>>
        %dma_start3A = arith.constant 0 : i32
        %dma_start3A_26 = tpu.memref_slice %arg6[%run_scoped3A, %dma_start3A] : memref<1x128xi32, #tpu.memory_space<vmem>> -> memref<1x128xi32, #tpu.memory_space<vmem>>
        %dma_start3A_27 = tpu.memref_squeeze %dma_start3A_26 : memref<1x128xi32, #tpu.memory_space<vmem>> -> memref<128xi32, #tpu.memory_space<vmem>>
        %dma_start3A_28 = arith.constant 0 : i32
        %dma_start3A_29 = arith.constant 0 : i32
        %dma_start3A_30 = tpu.memref_slice %arg8[%dma_start3A_28, %dma_start3A_29] : memref<10240x128xf32, #tpu.memory_space<vmem_shared>> -> memref<10240x128xf32, #tpu.memory_space<vmem_shared>>
        tpu.enqueue_indirect_dma source(%arg7 : memref<128x128xf32, #tpu.memory_space<vmem>>) target(%dma_start3A_30 : memref<10240x128xf32, #tpu.memory_space<vmem_shared>>) offsets(%dma_start3A_27 : memref<128xi32, #tpu.memory_space<vmem>>) semaphore(%run_scoped3A_25 : memref<!tpu.dma_semaphore, #tpu.memory_space<semaphore_mem>>) {add = true}
        %dma_wait3A = arith.constant 0 : i32
        %dma_wait3A_31 = tpu.memref_slice %arg6[%run_scoped3A, %dma_wait3A] : memref<1x128xi32, #tpu.memory_space<vmem>> -> memref<1x128xi32, #tpu.memory_space<vmem>>
        %dma_wait3A_32 = tpu.memref_squeeze %dma_wait3A_31 : memref<1x128xi32, #tpu.memory_space<vmem>> -> memref<128xi32, #tpu.memory_space<vmem>>
        %dma_wait3A_33 = arith.constant 0 : i32
        %dma_wait3A_34 = arith.constant 0 : i32
        %dma_wait3A_35 = tpu.memref_slice %arg8[%dma_wait3A_33, %dma_wait3A_34] : memref<10240x128xf32, #tpu.memory_space<vmem_shared>> -> memref<10240x128xf32, #tpu.memory_space<vmem_shared>>
        tpu.wait_indirect_dma semaphore(%run_scoped3A_25 : memref<!tpu.dma_semaphore, #tpu.memory_space<semaphore_mem>>) src(%arg7 : memref<128x128xf32, #tpu.memory_space<vmem>>) dst(%dma_wait3A_35 : memref<10240x128xf32, #tpu.memory_space<vmem_shared>>)
        tpu.yield
      }) : () -> ()
    }
    %scan3A_15 = arith.constant 80 : i32
    %barrier3A_16 = arith.constant 0 : index
    tpu.barrier barrier_id(%barrier3A_16)
    %scan3A_17 = arith.constant 0 : i32
    %scan3A_18 = arith.constant 0 : i32
    %scan3A_19 = arith.constant 5 : i32
    %scan3A_20 = arith.addi %scan3A_18, %scan3A_19 : i32
    %scan3A_21 = arith.constant 1 : i32
    scf.for %scan3A_23 = %scan3A_18 to %scan3A_20 step %scan3A_21  : i32 {
      %mul3A_24 = arith.constant 128 : i32
      %mul3A_25 = arith.muli %scan3A_23, %mul3A_24 : i32
      %add3A_26 = arith.addi %mul3A_2, %mul3A_25 : i32
      "tpu.region"() ({
        %run_scoped3A = tpu.sem_alloc : memref<!tpu.dma_semaphore, #tpu.memory_space<semaphore_mem>>
        %dma_start3A = arith.constant 0 : i32
        %dma_start3A_33 = tpu.memref_slice %arg8[%add3A_26, %dma_start3A] : memref<10240x128xf32, #tpu.memory_space<vmem_shared>> -> memref<128x128xf32, #tpu.memory_space<vmem_shared>>
        %dma_start3A_34 = arith.constant 0 : i32
        %dma_start3A_35 = tpu.memref_slice %arg8[%add3A_26, %dma_start3A_34] : memref<10240x128xf32, #tpu.memory_space<vmem_shared>> -> memref<128x128xf32, #tpu.memory_space<vmem_shared>>
        tpu.enqueue_dma source(%dma_start3A_35 : memref<128x128xf32, #tpu.memory_space<vmem_shared>>) target(%arg7 : memref<128x128xf32, #tpu.memory_space<vmem>>) target_semaphore(%run_scoped3A : memref<!tpu.dma_semaphore, #tpu.memory_space<semaphore_mem>>)
        %dma_wait3A = arith.constant 0 : i32
        %dma_wait3A_36 = tpu.memref_slice %arg8[%add3A_26, %dma_wait3A] : memref<10240x128xf32, #tpu.memory_space<vmem_shared>> -> memref<128x128xf32, #tpu.memory_space<vmem_shared>>
        %dma_wait3A_37 = arith.constant 0 : i32
        %dma_wait3A_38 = tpu.memref_slice %arg8[%add3A_26, %dma_wait3A_37] : memref<10240x128xf32, #tpu.memory_space<vmem_shared>> -> memref<128x128xf32, #tpu.memory_space<vmem_shared>>
        tpu.wait_dma2 semaphore(%run_scoped3A : memref<!tpu.dma_semaphore, #tpu.memory_space<semaphore_mem>>) src(%dma_wait3A_38 : memref<128x128xf32, #tpu.memory_space<vmem_shared>>) dst(%arg7 : memref<128x128xf32, #tpu.memory_space<vmem>>)
        tpu.yield
      }) : () -> ()
      %mul3A_27 = arith.constant 10240 : i32
      %mul3A_28 = arith.muli %arg0, %mul3A_27 : i32
      %add3A_29 = arith.addi %mul3A_28, %mul3A_2 : i32
      %mul3A_30 = arith.constant 128 : i32
      %mul3A_31 = arith.muli %scan3A_23, %mul3A_30 : i32
      %add3A_32 = arith.addi %add3A_29, %mul3A_31 : i32
      "tpu.region"() ({
        %run_scoped3A = tpu.sem_alloc : memref<!tpu.dma_semaphore, #tpu.memory_space<semaphore_mem>>
        %dma_start3A = arith.constant 0 : i32
        %dma_start3A_33 = tpu.memref_slice %arg5[%add3A_32, %dma_start3A] : memref<20480x128xf32, #tpu.memory_space<hbm>> -> memref<128x128xf32, #tpu.memory_space<hbm>>
        %dma_start3A_34 = arith.constant 0 : i32
        %dma_start3A_35 = tpu.memref_slice %arg5[%add3A_32, %dma_start3A_34] : memref<20480x128xf32, #tpu.memory_space<hbm>> -> memref<128x128xf32, #tpu.memory_space<hbm>>
        tpu.enqueue_dma source(%arg7 : memref<128x128xf32, #tpu.memory_space<vmem>>) target(%dma_start3A_35 : memref<128x128xf32, #tpu.memory_space<hbm>>) target_semaphore(%run_scoped3A : memref<!tpu.dma_semaphore, #tpu.memory_space<semaphore_mem>>)
        %dma_wait3A = arith.constant 0 : i32
        %dma_wait3A_36 = tpu.memref_slice %arg5[%add3A_32, %dma_wait3A] : memref<20480x128xf32, #tpu.memory_space<hbm>> -> memref<128x128xf32, #tpu.memory_space<hbm>>
        %dma_wait3A_37 = arith.constant 0 : i32
        %dma_wait3A_38 = tpu.memref_slice %arg5[%add3A_32, %dma_wait3A_37] : memref<20480x128xf32, #tpu.memory_space<hbm>> -> memref<128x128xf32, #tpu.memory_space<hbm>>
        tpu.wait_dma2 semaphore(%run_scoped3A : memref<!tpu.dma_semaphore, #tpu.memory_space<semaphore_mem>>) src(%arg7 : memref<128x128xf32, #tpu.memory_space<vmem>>) dst(%dma_wait3A_38 : memref<128x128xf32, #tpu.memory_space<hbm>>)
        tpu.yield
      }) : () -> ()
    }
    %scan3A_22 = arith.constant 5 : i32
    return
  }
}

#map = affine_map<(d0, d1) -> (0, 0)>
module attributes {stable_mosaic.version = 14 : i64} {
  func.func @segsum(%arg0: i32, %arg1: i32, %arg2: memref<10240x128xf32, #tpu.memory_space<hbm>>, %arg3: memref<2568x128xi32, #tpu.memory_space<hbm>>, %arg4: memref<2568x128xi32, #tpu.memory_space<hbm>>, %arg5: memref<128x128xf32, #tpu.memory_space<hbm>>, %arg6: memref<20480x128xf32, #tpu.memory_space<hbm>>, %arg7: memref<16x128xi32, #tpu.memory_space<vmem>>, %arg8: memref<16x128xi32, #tpu.memory_space<vmem>>, %arg9: memref<128x128xf32, #tpu.memory_space<vmem>>, %arg10: memref<128x128xf32, #tpu.memory_space<vmem>>, %arg11: memref<10240x128xf32, #tpu.memory_space<vmem_shared>>, %arg12: memref<!tpu.dma_semaphore, #tpu.memory_space<semaphore_mem>>, %arg13: memref<!tpu.dma_semaphore, #tpu.memory_space<semaphore_mem>>, %arg14: memref<!tpu.dma_semaphore, #tpu.memory_space<semaphore_mem>>, %arg15: memref<!tpu.dma_semaphore, #tpu.memory_space<semaphore_mem>>, %arg16: memref<!tpu.dma_semaphore, #tpu.memory_space<semaphore_mem>>, %arg17: memref<!tpu.dma_semaphore, #tpu.memory_space<semaphore_mem>>) attributes {dimension_semantics = [#tpu.dimension_semantics<core_parallel>, #tpu.dimension_semantics<subcore_parallel>], iteration_bounds = array<i64: 2, 16>, scalar_prefetch = 0 : i64, scratch_operands = 11 : i64, tpu.core_type = #tpu.core_type<sc_vector_subcore>, window_params = [{transform_indices = #map}, {transform_indices = #map}, {transform_indices = #map}, {transform_indices = #map}, {transform_indices = #map}]} {
    %mul3A = arith.constant 640 : i32
    %mul3A_0 = arith.muli %arg1, %mul3A : i32
    %eq3A = arith.constant 0 : i32
    %eq3A_1 = arith.cmpi eq, %arg0, %eq3A : i32
    %jit3A = arith.constant 15 : i32
    %jit3A_2 = arith.constant 5 : i32
    %select_n3A = arith.select %eq3A_1, %jit3A, %jit3A_2 : i32
    %eq3A_3 = arith.constant 0 : i32
    %eq3A_4 = arith.cmpi eq, %arg0, %eq3A_3 : i32
    %mul3A_5 = arith.constant 120 : i32
    %mul3A_6 = arith.muli %arg1, %mul3A_5 : i32
    %mul3A_7 = arith.constant 40 : i32
    %mul3A_8 = arith.muli %arg1, %mul3A_7 : i32
    %add3A = arith.constant 1920 : i32
    %add3A_9 = arith.addi %add3A, %mul3A_8 : i32
    %select_n3A_10 = arith.select %eq3A_4, %mul3A_6, %add3A_9 : i32
    "tpu.region"() ({
      %run_scoped3A = tpu.sem_alloc : memref<!tpu.dma_semaphore, #tpu.memory_space<semaphore_mem>>
      tpu.enqueue_dma source(%arg5 : memref<128x128xf32, #tpu.memory_space<hbm>>) target(%arg9 : memref<128x128xf32, #tpu.memory_space<vmem>>) target_semaphore(%run_scoped3A : memref<!tpu.dma_semaphore, #tpu.memory_space<semaphore_mem>>)
      tpu.wait_dma2 semaphore(%run_scoped3A : memref<!tpu.dma_semaphore, #tpu.memory_space<semaphore_mem>>) src(%arg5 : memref<128x128xf32, #tpu.memory_space<hbm>>) dst(%arg9 : memref<128x128xf32, #tpu.memory_space<vmem>>)
      tpu.yield
    }) : () -> ()
    %scan3A = arith.constant 0 : i32
    %scan3A_11 = arith.constant 0 : i32
    %scan3A_12 = arith.constant 5 : i32
    %scan3A_13 = arith.addi %scan3A_11, %scan3A_12 : i32
    %scan3A_14 = arith.constant 1 : i32
    scf.for %scan3A_32 = %scan3A_11 to %scan3A_13 step %scan3A_14  : i32 {
      %mul3A_33 = arith.constant 128 : i32
      %mul3A_34 = arith.muli %scan3A_32, %mul3A_33 : i32
      %add3A_35 = arith.addi %mul3A_0, %mul3A_34 : i32
      "tpu.region"() ({
        %run_scoped3A = tpu.sem_alloc : memref<!tpu.dma_semaphore, #tpu.memory_space<semaphore_mem>>
        %dma_start3A = arith.constant 0 : i32
        %dma_start3A_36 = tpu.memref_slice %arg11[%add3A_35, %dma_start3A] : memref<10240x128xf32, #tpu.memory_space<vmem_shared>> -> memref<128x128xf32, #tpu.memory_space<vmem_shared>>
        %dma_start3A_37 = arith.constant 0 : i32
        %dma_start3A_38 = tpu.memref_slice %arg11[%add3A_35, %dma_start3A_37] : memref<10240x128xf32, #tpu.memory_space<vmem_shared>> -> memref<128x128xf32, #tpu.memory_space<vmem_shared>>
        tpu.enqueue_dma source(%arg9 : memref<128x128xf32, #tpu.memory_space<vmem>>) target(%dma_start3A_38 : memref<128x128xf32, #tpu.memory_space<vmem_shared>>) target_semaphore(%run_scoped3A : memref<!tpu.dma_semaphore, #tpu.memory_space<semaphore_mem>>)
        %dma_wait3A = arith.constant 0 : i32
        %dma_wait3A_39 = tpu.memref_slice %arg11[%add3A_35, %dma_wait3A] : memref<10240x128xf32, #tpu.memory_space<vmem_shared>> -> memref<128x128xf32, #tpu.memory_space<vmem_shared>>
        %dma_wait3A_40 = arith.constant 0 : i32
        %dma_wait3A_41 = tpu.memref_slice %arg11[%add3A_35, %dma_wait3A_40] : memref<10240x128xf32, #tpu.memory_space<vmem_shared>> -> memref<128x128xf32, #tpu.memory_space<vmem_shared>>
        tpu.wait_dma2 semaphore(%run_scoped3A : memref<!tpu.dma_semaphore, #tpu.memory_space<semaphore_mem>>) src(%arg9 : memref<128x128xf32, #tpu.memory_space<vmem>>) dst(%dma_wait3A_41 : memref<128x128xf32, #tpu.memory_space<vmem_shared>>)
        tpu.yield
      }) : () -> ()
    }
    %scan3A_15 = arith.constant 5 : i32
    "tpu.region"() ({
      %run_scoped3A = tpu.sem_alloc : memref<!tpu.dma_semaphore, #tpu.memory_space<semaphore_mem>>
      %dma_start3A = arith.constant 0 : i32
      %dma_start3A_32 = arith.constant 0 : i32
      %dma_start3A_33 = tpu.memref_slice %arg7[%dma_start3A, %dma_start3A_32] : memref<16x128xi32, #tpu.memory_space<vmem>> -> memref<8x128xi32, #tpu.memory_space<vmem>>
      %dma_start3A_34 = arith.constant 0 : i32
      %dma_start3A_35 = tpu.memref_slice %arg3[%select_n3A_10, %dma_start3A_34] : memref<2568x128xi32, #tpu.memory_space<hbm>> -> memref<8x128xi32, #tpu.memory_space<hbm>>
      %dma_start3A_36 = arith.constant 0 : i32
      %dma_start3A_37 = arith.constant 0 : i32
      %dma_start3A_38 = tpu.memref_slice %arg7[%dma_start3A_36, %dma_start3A_37] : memref<16x128xi32, #tpu.memory_space<vmem>> -> memref<8x128xi32, #tpu.memory_space<vmem>>
      %dma_start3A_39 = arith.constant 0 : i32
      %dma_start3A_40 = tpu.memref_slice %arg3[%select_n3A_10, %dma_start3A_39] : memref<2568x128xi32, #tpu.memory_space<hbm>> -> memref<8x128xi32, #tpu.memory_space<hbm>>
      tpu.enqueue_dma source(%dma_start3A_40 : memref<8x128xi32, #tpu.memory_space<hbm>>) target(%dma_start3A_38 : memref<8x128xi32, #tpu.memory_space<vmem>>) target_semaphore(%run_scoped3A : memref<!tpu.dma_semaphore, #tpu.memory_space<semaphore_mem>>)
      %dma_wait3A = arith.constant 0 : i32
      %dma_wait3A_41 = arith.constant 0 : i32
      %dma_wait3A_42 = tpu.memref_slice %arg7[%dma_wait3A, %dma_wait3A_41] : memref<16x128xi32, #tpu.memory_space<vmem>> -> memref<8x128xi32, #tpu.memory_space<vmem>>
      %dma_wait3A_43 = arith.constant 0 : i32
      %dma_wait3A_44 = tpu.memref_slice %arg3[%select_n3A_10, %dma_wait3A_43] : memref<2568x128xi32, #tpu.memory_space<hbm>> -> memref<8x128xi32, #tpu.memory_space<hbm>>
      %dma_wait3A_45 = arith.constant 0 : i32
      %dma_wait3A_46 = arith.constant 0 : i32
      %dma_wait3A_47 = tpu.memref_slice %arg7[%dma_wait3A_45, %dma_wait3A_46] : memref<16x128xi32, #tpu.memory_space<vmem>> -> memref<8x128xi32, #tpu.memory_space<vmem>>
      %dma_wait3A_48 = arith.constant 0 : i32
      %dma_wait3A_49 = tpu.memref_slice %arg3[%select_n3A_10, %dma_wait3A_48] : memref<2568x128xi32, #tpu.memory_space<hbm>> -> memref<8x128xi32, #tpu.memory_space<hbm>>
      tpu.wait_dma2 semaphore(%run_scoped3A : memref<!tpu.dma_semaphore, #tpu.memory_space<semaphore_mem>>) src(%dma_wait3A_49 : memref<8x128xi32, #tpu.memory_space<hbm>>) dst(%dma_wait3A_47 : memref<8x128xi32, #tpu.memory_space<vmem>>)
      tpu.yield
    }) : () -> ()
    "tpu.region"() ({
      %run_scoped3A = tpu.sem_alloc : memref<!tpu.dma_semaphore, #tpu.memory_space<semaphore_mem>>
      %dma_start3A = arith.constant 0 : i32
      %dma_start3A_32 = arith.constant 0 : i32
      %dma_start3A_33 = tpu.memref_slice %arg8[%dma_start3A, %dma_start3A_32] : memref<16x128xi32, #tpu.memory_space<vmem>> -> memref<8x128xi32, #tpu.memory_space<vmem>>
      %dma_start3A_34 = arith.constant 0 : i32
      %dma_start3A_35 = tpu.memref_slice %arg4[%select_n3A_10, %dma_start3A_34] : memref<2568x128xi32, #tpu.memory_space<hbm>> -> memref<8x128xi32, #tpu.memory_space<hbm>>
      %dma_start3A_36 = arith.constant 0 : i32
      %dma_start3A_37 = arith.constant 0 : i32
      %dma_start3A_38 = tpu.memref_slice %arg8[%dma_start3A_36, %dma_start3A_37] : memref<16x128xi32, #tpu.memory_space<vmem>> -> memref<8x128xi32, #tpu.memory_space<vmem>>
      %dma_start3A_39 = arith.constant 0 : i32
      %dma_start3A_40 = tpu.memref_slice %arg4[%select_n3A_10, %dma_start3A_39] : memref<2568x128xi32, #tpu.memory_space<hbm>> -> memref<8x128xi32, #tpu.memory_space<hbm>>
      tpu.enqueue_dma source(%dma_start3A_40 : memref<8x128xi32, #tpu.memory_space<hbm>>) target(%dma_start3A_38 : memref<8x128xi32, #tpu.memory_space<vmem>>) target_semaphore(%run_scoped3A : memref<!tpu.dma_semaphore, #tpu.memory_space<semaphore_mem>>)
      %dma_wait3A = arith.constant 0 : i32
      %dma_wait3A_41 = arith.constant 0 : i32
      %dma_wait3A_42 = tpu.memref_slice %arg8[%dma_wait3A, %dma_wait3A_41] : memref<16x128xi32, #tpu.memory_space<vmem>> -> memref<8x128xi32, #tpu.memory_space<vmem>>
      %dma_wait3A_43 = arith.constant 0 : i32
      %dma_wait3A_44 = tpu.memref_slice %arg4[%select_n3A_10, %dma_wait3A_43] : memref<2568x128xi32, #tpu.memory_space<hbm>> -> memref<8x128xi32, #tpu.memory_space<hbm>>
      %dma_wait3A_45 = arith.constant 0 : i32
      %dma_wait3A_46 = arith.constant 0 : i32
      %dma_wait3A_47 = tpu.memref_slice %arg8[%dma_wait3A_45, %dma_wait3A_46] : memref<16x128xi32, #tpu.memory_space<vmem>> -> memref<8x128xi32, #tpu.memory_space<vmem>>
      %dma_wait3A_48 = arith.constant 0 : i32
      %dma_wait3A_49 = tpu.memref_slice %arg4[%select_n3A_10, %dma_wait3A_48] : memref<2568x128xi32, #tpu.memory_space<hbm>> -> memref<8x128xi32, #tpu.memory_space<hbm>>
      tpu.wait_dma2 semaphore(%run_scoped3A : memref<!tpu.dma_semaphore, #tpu.memory_space<semaphore_mem>>) src(%dma_wait3A_49 : memref<8x128xi32, #tpu.memory_space<hbm>>) dst(%dma_wait3A_47 : memref<8x128xi32, #tpu.memory_space<vmem>>)
      tpu.yield
    }) : () -> ()
    %barrier3A = arith.constant 0 : index
    tpu.barrier barrier_id(%barrier3A)
    %while3A = arith.constant 0 : i32
    %while3A_16 = arith.constant 0 : i32
    %while3A_17 = arith.subi %select_n3A, %while3A_16 : i32
    %while3A_18 = arith.addi %while3A_16, %while3A_17 : i32
    %while3A_19 = arith.constant 1 : i32
    %while3A_20 = arith.divsi %while3A_17, %while3A_19 : i32
    %while3A_21 = arith.muli %while3A_20, %while3A_19 : i32
    %while3A_22 = arith.addi %while3A_16, %while3A_21 : i32
    %while3A_23 = arith.constant 1 : i32
    scf.for %while3A_32 = %while3A_16 to %while3A_22 step %while3A_23  : i32 {
      %rem3A = arith.constant 2 : i32
      %rem3A_33 = arith.remsi %while3A_32, %rem3A : i32
      %sub3A = arith.constant 1 : i32
      %sub3A_34 = arith.subi %sub3A, %rem3A_33 : i32
      %mul3A_35 = arith.constant 8 : i32
      %mul3A_36 = arith.muli %rem3A_33, %mul3A_35 : i32
      %add3A_37 = arith.constant 1 : i32
      %add3A_38 = arith.addi %while3A_32, %add3A_37 : i32
      %rem3A_39 = arith.remsi %add3A_38, %select_n3A : i32
      %mul3A_40 = arith.constant 8 : i32
      %mul3A_41 = arith.muli %rem3A_39, %mul3A_40 : i32
      %add3A_42 = arith.addi %select_n3A_10, %mul3A_41 : i32
      %mul3A_43 = arith.constant 8 : i32
      %mul3A_44 = arith.muli %sub3A_34, %mul3A_43 : i32
      %dma_start3A = arith.constant 0 : i32
      %dma_start3A_45 = tpu.memref_slice %arg7[%mul3A_44, %dma_start3A] : memref<16x128xi32, #tpu.memory_space<vmem>> -> memref<8x128xi32, #tpu.memory_space<vmem>>
      %dma_start3A_46 = arith.constant 0 : i32
      %dma_start3A_47 = tpu.memref_slice %arg3[%add3A_42, %dma_start3A_46] : memref<2568x128xi32, #tpu.memory_space<hbm>> -> memref<8x128xi32, #tpu.memory_space<hbm>>
      %dma_start3A_48 = arith.constant 0 : i32
      %dma_start3A_49 = tpu.memref_slice %arg7[%mul3A_44, %dma_start3A_48] : memref<16x128xi32, #tpu.memory_space<vmem>> -> memref<8x128xi32, #tpu.memory_space<vmem>>
      %dma_start3A_50 = arith.constant 0 : i32
      %dma_start3A_51 = tpu.memref_slice %arg3[%add3A_42, %dma_start3A_50] : memref<2568x128xi32, #tpu.memory_space<hbm>> -> memref<8x128xi32, #tpu.memory_space<hbm>>
      tpu.enqueue_dma source(%dma_start3A_51 : memref<8x128xi32, #tpu.memory_space<hbm>>) target(%dma_start3A_49 : memref<8x128xi32, #tpu.memory_space<vmem>>) target_semaphore(%arg12 : memref<!tpu.dma_semaphore, #tpu.memory_space<semaphore_mem>>)
      %mul3A_52 = arith.constant 8 : i32
      %mul3A_53 = arith.muli %rem3A_39, %mul3A_52 : i32
      %add3A_54 = arith.addi %select_n3A_10, %mul3A_53 : i32
      %mul3A_55 = arith.constant 8 : i32
      %mul3A_56 = arith.muli %sub3A_34, %mul3A_55 : i32
      %dma_start3A_57 = arith.constant 0 : i32
      %dma_start3A_58 = tpu.memref_slice %arg8[%mul3A_56, %dma_start3A_57] : memref<16x128xi32, #tpu.memory_space<vmem>> -> memref<8x128xi32, #tpu.memory_space<vmem>>
      %dma_start3A_59 = arith.constant 0 : i32
      %dma_start3A_60 = tpu.memref_slice %arg4[%add3A_54, %dma_start3A_59] : memref<2568x128xi32, #tpu.memory_space<hbm>> -> memref<8x128xi32, #tpu.memory_space<hbm>>
      %dma_start3A_61 = arith.constant 0 : i32
      %dma_start3A_62 = tpu.memref_slice %arg8[%mul3A_56, %dma_start3A_61] : memref<16x128xi32, #tpu.memory_space<vmem>> -> memref<8x128xi32, #tpu.memory_space<vmem>>
      %dma_start3A_63 = arith.constant 0 : i32
      %dma_start3A_64 = tpu.memref_slice %arg4[%add3A_54, %dma_start3A_63] : memref<2568x128xi32, #tpu.memory_space<hbm>> -> memref<8x128xi32, #tpu.memory_space<hbm>>
      tpu.enqueue_dma source(%dma_start3A_64 : memref<8x128xi32, #tpu.memory_space<hbm>>) target(%dma_start3A_62 : memref<8x128xi32, #tpu.memory_space<vmem>>) target_semaphore(%arg13 : memref<!tpu.dma_semaphore, #tpu.memory_space<semaphore_mem>>)
      %add3A_65 = arith.constant 0 : i32
      %add3A_66 = arith.addi %mul3A_36, %add3A_65 : i32
      %dma_start3A_67 = arith.constant 0 : i32
      %dma_start3A_68 = tpu.memref_slice %arg7[%add3A_66, %dma_start3A_67] : memref<16x128xi32, #tpu.memory_space<vmem>> -> memref<1x128xi32, #tpu.memory_space<vmem>>
      %dma_start3A_69 = tpu.memref_squeeze %dma_start3A_68 : memref<1x128xi32, #tpu.memory_space<vmem>> -> memref<128xi32, #tpu.memory_space<vmem>>
      %dma_start3A_70 = arith.constant 0 : i32
      %dma_start3A_71 = arith.constant 0 : i32
      %dma_start3A_72 = tpu.memref_slice %arg2[%dma_start3A_70, %dma_start3A_71] : memref<10240x128xf32, #tpu.memory_space<hbm>> -> memref<10240x128xf32, #tpu.memory_space<hbm>>
      tpu.enqueue_indirect_dma source(%dma_start3A_72 : memref<10240x128xf32, #tpu.memory_space<hbm>>) target(%arg9 : memref<128x128xf32, #tpu.memory_space<vmem>>) offsets(%dma_start3A_69 : memref<128xi32, #tpu.memory_space<vmem>>) semaphore(%arg14 : memref<!tpu.dma_semaphore, #tpu.memory_space<semaphore_mem>>)
      %dma_wait3A = arith.constant 0 : i32
      %dma_wait3A_73 = tpu.memref_slice %arg7[%add3A_66, %dma_wait3A] : memref<16x128xi32, #tpu.memory_space<vmem>> -> memref<1x128xi32, #tpu.memory_space<vmem>>
      %dma_wait3A_74 = tpu.memref_squeeze %dma_wait3A_73 : memref<1x128xi32, #tpu.memory_space<vmem>> -> memref<128xi32, #tpu.memory_space<vmem>>
      %dma_wait3A_75 = arith.constant 0 : i32
      %dma_wait3A_76 = arith.constant 0 : i32
      %dma_wait3A_77 = tpu.memref_slice %arg2[%dma_wait3A_75, %dma_wait3A_76] : memref<10240x128xf32, #tpu.memory_space<hbm>> -> memref<10240x128xf32, #tpu.memory_space<hbm>>
      tpu.wait_indirect_dma semaphore(%arg14 : memref<!tpu.dma_semaphore, #tpu.memory_space<semaphore_mem>>) src(%dma_wait3A_77 : memref<10240x128xf32, #tpu.memory_space<hbm>>) dst(%arg9 : memref<128x128xf32, #tpu.memory_space<vmem>>)
      %add3A_78 = arith.constant 0 : i32
      %add3A_79 = arith.addi %mul3A_36, %add3A_78 : i32
      %dma_start3A_80 = arith.constant 0 : i32
      %dma_start3A_81 = tpu.memref_slice %arg8[%add3A_79, %dma_start3A_80] : memref<16x128xi32, #tpu.memory_space<vmem>> -> memref<1x128xi32, #tpu.memory_space<vmem>>
      %dma_start3A_82 = tpu.memref_squeeze %dma_start3A_81 : memref<1x128xi32, #tpu.memory_space<vmem>> -> memref<128xi32, #tpu.memory_space<vmem>>
      %dma_start3A_83 = arith.constant 0 : i32
      %dma_start3A_84 = arith.constant 0 : i32
      %dma_start3A_85 = tpu.memref_slice %arg11[%dma_start3A_83, %dma_start3A_84] : memref<10240x128xf32, #tpu.memory_space<vmem_shared>> -> memref<10240x128xf32, #tpu.memory_space<vmem_shared>>
      tpu.enqueue_indirect_dma source(%arg9 : memref<128x128xf32, #tpu.memory_space<vmem>>) target(%dma_start3A_85 : memref<10240x128xf32, #tpu.memory_space<vmem_shared>>) offsets(%dma_start3A_82 : memref<128xi32, #tpu.memory_space<vmem>>) semaphore(%arg16 : memref<!tpu.dma_semaphore, #tpu.memory_space<semaphore_mem>>) {add = true}
      %add3A_86 = arith.constant 1 : i32
      %add3A_87 = arith.addi %mul3A_36, %add3A_86 : i32
      %dma_start3A_88 = arith.constant 0 : i32
      %dma_start3A_89 = tpu.memref_slice %arg7[%add3A_87, %dma_start3A_88] : memref<16x128xi32, #tpu.memory_space<vmem>> -> memref<1x128xi32, #tpu.memory_space<vmem>>
      %dma_start3A_90 = tpu.memref_squeeze %dma_start3A_89 : memref<1x128xi32, #tpu.memory_space<vmem>> -> memref<128xi32, #tpu.memory_space<vmem>>
      %dma_start3A_91 = arith.constant 0 : i32
      %dma_start3A_92 = arith.constant 0 : i32
      %dma_start3A_93 = tpu.memref_slice %arg2[%dma_start3A_91, %dma_start3A_92] : memref<10240x128xf32, #tpu.memory_space<hbm>> -> memref<10240x128xf32, #tpu.memory_space<hbm>>
      tpu.enqueue_indirect_dma source(%dma_start3A_93 : memref<10240x128xf32, #tpu.memory_space<hbm>>) target(%arg10 : memref<128x128xf32, #tpu.memory_space<vmem>>) offsets(%dma_start3A_90 : memref<128xi32, #tpu.memory_space<vmem>>) semaphore(%arg15 : memref<!tpu.dma_semaphore, #tpu.memory_space<semaphore_mem>>)
      %dma_wait3A_94 = arith.constant 0 : i32
      %dma_wait3A_95 = tpu.memref_slice %arg7[%add3A_87, %dma_wait3A_94] : memref<16x128xi32, #tpu.memory_space<vmem>> -> memref<1x128xi32, #tpu.memory_space<vmem>>
      %dma_wait3A_96 = tpu.memref_squeeze %dma_wait3A_95 : memref<1x128xi32, #tpu.memory_space<vmem>> -> memref<128xi32, #tpu.memory_space<vmem>>
      %dma_wait3A_97 = arith.constant 0 : i32
      %dma_wait3A_98 = arith.constant 0 : i32
      %dma_wait3A_99 = tpu.memref_slice %arg2[%dma_wait3A_97, %dma_wait3A_98] : memref<10240x128xf32, #tpu.memory_space<hbm>> -> memref<10240x128xf32, #tpu.memory_space<hbm>>
      tpu.wait_indirect_dma semaphore(%arg15 : memref<!tpu.dma_semaphore, #tpu.memory_space<semaphore_mem>>) src(%dma_wait3A_99 : memref<10240x128xf32, #tpu.memory_space<hbm>>) dst(%arg10 : memref<128x128xf32, #tpu.memory_space<vmem>>)
      %add3A_100 = arith.constant 1 : i32
      %add3A_101 = arith.addi %mul3A_36, %add3A_100 : i32
      %dma_start3A_102 = arith.constant 0 : i32
      %dma_start3A_103 = tpu.memref_slice %arg8[%add3A_101, %dma_start3A_102] : memref<16x128xi32, #tpu.memory_space<vmem>> -> memref<1x128xi32, #tpu.memory_space<vmem>>
      %dma_start3A_104 = tpu.memref_squeeze %dma_start3A_103 : memref<1x128xi32, #tpu.memory_space<vmem>> -> memref<128xi32, #tpu.memory_space<vmem>>
      %dma_start3A_105 = arith.constant 0 : i32
      %dma_start3A_106 = arith.constant 0 : i32
      %dma_start3A_107 = tpu.memref_slice %arg11[%dma_start3A_105, %dma_start3A_106] : memref<10240x128xf32, #tpu.memory_space<vmem_shared>> -> memref<10240x128xf32, #tpu.memory_space<vmem_shared>>
      tpu.enqueue_indirect_dma source(%arg10 : memref<128x128xf32, #tpu.memory_space<vmem>>) target(%dma_start3A_107 : memref<10240x128xf32, #tpu.memory_space<vmem_shared>>) offsets(%dma_start3A_104 : memref<128xi32, #tpu.memory_space<vmem>>) semaphore(%arg17 : memref<!tpu.dma_semaphore, #tpu.memory_space<semaphore_mem>>) {add = true}
      %dma_wait3A_108 = arith.constant 0 : i32
      %dma_wait3A_109 = tpu.memref_slice %arg8[%add3A_79, %dma_wait3A_108] : memref<16x128xi32, #tpu.memory_space<vmem>> -> memref<1x128xi32, #tpu.memory_space<vmem>>
      %dma_wait3A_110 = tpu.memref_squeeze %dma_wait3A_109 : memref<1x128xi32, #tpu.memory_space<vmem>> -> memref<128xi32, #tpu.memory_space<vmem>>
      %dma_wait3A_111 = arith.constant 0 : i32
      %dma_wait3A_112 = arith.constant 0 : i32
      %dma_wait3A_113 = tpu.memref_slice %arg11[%dma_wait3A_111, %dma_wait3A_112] : memref<10240x128xf32, #tpu.memory_space<vmem_shared>> -> memref<10240x128xf32, #tpu.memory_space<vmem_shared>>
      tpu.wait_indirect_dma semaphore(%arg16 : memref<!tpu.dma_semaphore, #tpu.memory_space<semaphore_mem>>) src(%arg9 : memref<128x128xf32, #tpu.memory_space<vmem>>) dst(%dma_wait3A_113 : memref<10240x128xf32, #tpu.memory_space<vmem_shared>>)
      %add3A_114 = arith.constant 2 : i32
      %add3A_115 = arith.addi %mul3A_36, %add3A_114 : i32
      %dma_start3A_116 = arith.constant 0 : i32
      %dma_start3A_117 = tpu.memref_slice %arg7[%add3A_115, %dma_start3A_116] : memref<16x128xi32, #tpu.memory_space<vmem>> -> memref<1x128xi32, #tpu.memory_space<vmem>>
      %dma_start3A_118 = tpu.memref_squeeze %dma_start3A_117 : memref<1x128xi32, #tpu.memory_space<vmem>> -> memref<128xi32, #tpu.memory_space<vmem>>
      %dma_start3A_119 = arith.constant 0 : i32
      %dma_start3A_120 = arith.constant 0 : i32
      %dma_start3A_121 = tpu.memref_slice %arg2[%dma_start3A_119, %dma_start3A_120] : memref<10240x128xf32, #tpu.memory_space<hbm>> -> memref<10240x128xf32, #tpu.memory_space<hbm>>
      tpu.enqueue_indirect_dma source(%dma_start3A_121 : memref<10240x128xf32, #tpu.memory_space<hbm>>) target(%arg9 : memref<128x128xf32, #tpu.memory_space<vmem>>) offsets(%dma_start3A_118 : memref<128xi32, #tpu.memory_space<vmem>>) semaphore(%arg14 : memref<!tpu.dma_semaphore, #tpu.memory_space<semaphore_mem>>)
      %dma_wait3A_122 = arith.constant 0 : i32
      %dma_wait3A_123 = tpu.memref_slice %arg7[%add3A_115, %dma_wait3A_122] : memref<16x128xi32, #tpu.memory_space<vmem>> -> memref<1x128xi32, #tpu.memory_space<vmem>>
      %dma_wait3A_124 = tpu.memref_squeeze %dma_wait3A_123 : memref<1x128xi32, #tpu.memory_space<vmem>> -> memref<128xi32, #tpu.memory_space<vmem>>
      %dma_wait3A_125 = arith.constant 0 : i32
      %dma_wait3A_126 = arith.constant 0 : i32
      %dma_wait3A_127 = tpu.memref_slice %arg2[%dma_wait3A_125, %dma_wait3A_126] : memref<10240x128xf32, #tpu.memory_space<hbm>> -> memref<10240x128xf32, #tpu.memory_space<hbm>>
      tpu.wait_indirect_dma semaphore(%arg14 : memref<!tpu.dma_semaphore, #tpu.memory_space<semaphore_mem>>) src(%dma_wait3A_127 : memref<10240x128xf32, #tpu.memory_space<hbm>>) dst(%arg9 : memref<128x128xf32, #tpu.memory_space<vmem>>)
      %add3A_128 = arith.constant 2 : i32
      %add3A_129 = arith.addi %mul3A_36, %add3A_128 : i32
      %dma_start3A_130 = arith.constant 0 : i32
      %dma_start3A_131 = tpu.memref_slice %arg8[%add3A_129, %dma_start3A_130] : memref<16x128xi32, #tpu.memory_space<vmem>> -> memref<1x128xi32, #tpu.memory_space<vmem>>
      %dma_start3A_132 = tpu.memref_squeeze %dma_start3A_131 : memref<1x128xi32, #tpu.memory_space<vmem>> -> memref<128xi32, #tpu.memory_space<vmem>>
      %dma_start3A_133 = arith.constant 0 : i32
      %dma_start3A_134 = arith.constant 0 : i32
      %dma_start3A_135 = tpu.memref_slice %arg11[%dma_start3A_133, %dma_start3A_134] : memref<10240x128xf32, #tpu.memory_space<vmem_shared>> -> memref<10240x128xf32, #tpu.memory_space<vmem_shared>>
      tpu.enqueue_indirect_dma source(%arg9 : memref<128x128xf32, #tpu.memory_space<vmem>>) target(%dma_start3A_135 : memref<10240x128xf32, #tpu.memory_space<vmem_shared>>) offsets(%dma_start3A_132 : memref<128xi32, #tpu.memory_space<vmem>>) semaphore(%arg16 : memref<!tpu.dma_semaphore, #tpu.memory_space<semaphore_mem>>) {add = true}
      %dma_wait3A_136 = arith.constant 0 : i32
      %dma_wait3A_137 = tpu.memref_slice %arg8[%add3A_101, %dma_wait3A_136] : memref<16x128xi32, #tpu.memory_space<vmem>> -> memref<1x128xi32, #tpu.memory_space<vmem>>
      %dma_wait3A_138 = tpu.memref_squeeze %dma_wait3A_137 : memref<1x128xi32, #tpu.memory_space<vmem>> -> memref<128xi32, #tpu.memory_space<vmem>>
      %dma_wait3A_139 = arith.constant 0 : i32
      %dma_wait3A_140 = arith.constant 0 : i32
      %dma_wait3A_141 = tpu.memref_slice %arg11[%dma_wait3A_139, %dma_wait3A_140] : memref<10240x128xf32, #tpu.memory_space<vmem_shared>> -> memref<10240x128xf32, #tpu.memory_space<vmem_shared>>
      tpu.wait_indirect_dma semaphore(%arg17 : memref<!tpu.dma_semaphore, #tpu.memory_space<semaphore_mem>>) src(%arg10 : memref<128x128xf32, #tpu.memory_space<vmem>>) dst(%dma_wait3A_141 : memref<10240x128xf32, #tpu.memory_space<vmem_shared>>)
      %add3A_142 = arith.constant 3 : i32
      %add3A_143 = arith.addi %mul3A_36, %add3A_142 : i32
      %dma_start3A_144 = arith.constant 0 : i32
      %dma_start3A_145 = tpu.memref_slice %arg7[%add3A_143, %dma_start3A_144] : memref<16x128xi32, #tpu.memory_space<vmem>> -> memref<1x128xi32, #tpu.memory_space<vmem>>
      %dma_start3A_146 = tpu.memref_squeeze %dma_start3A_145 : memref<1x128xi32, #tpu.memory_space<vmem>> -> memref<128xi32, #tpu.memory_space<vmem>>
      %dma_start3A_147 = arith.constant 0 : i32
      %dma_start3A_148 = arith.constant 0 : i32
      %dma_start3A_149 = tpu.memref_slice %arg2[%dma_start3A_147, %dma_start3A_148] : memref<10240x128xf32, #tpu.memory_space<hbm>> -> memref<10240x128xf32, #tpu.memory_space<hbm>>
      tpu.enqueue_indirect_dma source(%dma_start3A_149 : memref<10240x128xf32, #tpu.memory_space<hbm>>) target(%arg10 : memref<128x128xf32, #tpu.memory_space<vmem>>) offsets(%dma_start3A_146 : memref<128xi32, #tpu.memory_space<vmem>>) semaphore(%arg15 : memref<!tpu.dma_semaphore, #tpu.memory_space<semaphore_mem>>)
      %dma_wait3A_150 = arith.constant 0 : i32
      %dma_wait3A_151 = tpu.memref_slice %arg7[%add3A_143, %dma_wait3A_150] : memref<16x128xi32, #tpu.memory_space<vmem>> -> memref<1x128xi32, #tpu.memory_space<vmem>>
      %dma_wait3A_152 = tpu.memref_squeeze %dma_wait3A_151 : memref<1x128xi32, #tpu.memory_space<vmem>> -> memref<128xi32, #tpu.memory_space<vmem>>
      %dma_wait3A_153 = arith.constant 0 : i32
      %dma_wait3A_154 = arith.constant 0 : i32
      %dma_wait3A_155 = tpu.memref_slice %arg2[%dma_wait3A_153, %dma_wait3A_154] : memref<10240x128xf32, #tpu.memory_space<hbm>> -> memref<10240x128xf32, #tpu.memory_space<hbm>>
      tpu.wait_indirect_dma semaphore(%arg15 : memref<!tpu.dma_semaphore, #tpu.memory_space<semaphore_mem>>) src(%dma_wait3A_155 : memref<10240x128xf32, #tpu.memory_space<hbm>>) dst(%arg10 : memref<128x128xf32, #tpu.memory_space<vmem>>)
      %add3A_156 = arith.constant 3 : i32
      %add3A_157 = arith.addi %mul3A_36, %add3A_156 : i32
      %dma_start3A_158 = arith.constant 0 : i32
      %dma_start3A_159 = tpu.memref_slice %arg8[%add3A_157, %dma_start3A_158] : memref<16x128xi32, #tpu.memory_space<vmem>> -> memref<1x128xi32, #tpu.memory_space<vmem>>
      %dma_start3A_160 = tpu.memref_squeeze %dma_start3A_159 : memref<1x128xi32, #tpu.memory_space<vmem>> -> memref<128xi32, #tpu.memory_space<vmem>>
      %dma_start3A_161 = arith.constant 0 : i32
      %dma_start3A_162 = arith.constant 0 : i32
      %dma_start3A_163 = tpu.memref_slice %arg11[%dma_start3A_161, %dma_start3A_162] : memref<10240x128xf32, #tpu.memory_space<vmem_shared>> -> memref<10240x128xf32, #tpu.memory_space<vmem_shared>>
      tpu.enqueue_indirect_dma source(%arg10 : memref<128x128xf32, #tpu.memory_space<vmem>>) target(%dma_start3A_163 : memref<10240x128xf32, #tpu.memory_space<vmem_shared>>) offsets(%dma_start3A_160 : memref<128xi32, #tpu.memory_space<vmem>>) semaphore(%arg17 : memref<!tpu.dma_semaphore, #tpu.memory_space<semaphore_mem>>) {add = true}
      %dma_wait3A_164 = arith.constant 0 : i32
      %dma_wait3A_165 = tpu.memref_slice %arg8[%add3A_129, %dma_wait3A_164] : memref<16x128xi32, #tpu.memory_space<vmem>> -> memref<1x128xi32, #tpu.memory_space<vmem>>
      %dma_wait3A_166 = tpu.memref_squeeze %dma_wait3A_165 : memref<1x128xi32, #tpu.memory_space<vmem>> -> memref<128xi32, #tpu.memory_space<vmem>>
      %dma_wait3A_167 = arith.constant 0 : i32
      %dma_wait3A_168 = arith.constant 0 : i32
      %dma_wait3A_169 = tpu.memref_slice %arg11[%dma_wait3A_167, %dma_wait3A_168] : memref<10240x128xf32, #tpu.memory_space<vmem_shared>> -> memref<10240x128xf32, #tpu.memory_space<vmem_shared>>
      tpu.wait_indirect_dma semaphore(%arg16 : memref<!tpu.dma_semaphore, #tpu.memory_space<semaphore_mem>>) src(%arg9 : memref<128x128xf32, #tpu.memory_space<vmem>>) dst(%dma_wait3A_169 : memref<10240x128xf32, #tpu.memory_space<vmem_shared>>)
      %add3A_170 = arith.constant 4 : i32
      %add3A_171 = arith.addi %mul3A_36, %add3A_170 : i32
      %dma_start3A_172 = arith.constant 0 : i32
      %dma_start3A_173 = tpu.memref_slice %arg7[%add3A_171, %dma_start3A_172] : memref<16x128xi32, #tpu.memory_space<vmem>> -> memref<1x128xi32, #tpu.memory_space<vmem>>
      %dma_start3A_174 = tpu.memref_squeeze %dma_start3A_173 : memref<1x128xi32, #tpu.memory_space<vmem>> -> memref<128xi32, #tpu.memory_space<vmem>>
      %dma_start3A_175 = arith.constant 0 : i32
      %dma_start3A_176 = arith.constant 0 : i32
      %dma_start3A_177 = tpu.memref_slice %arg2[%dma_start3A_175, %dma_start3A_176] : memref<10240x128xf32, #tpu.memory_space<hbm>> -> memref<10240x128xf32, #tpu.memory_space<hbm>>
      tpu.enqueue_indirect_dma source(%dma_start3A_177 : memref<10240x128xf32, #tpu.memory_space<hbm>>) target(%arg9 : memref<128x128xf32, #tpu.memory_space<vmem>>) offsets(%dma_start3A_174 : memref<128xi32, #tpu.memory_space<vmem>>) semaphore(%arg14 : memref<!tpu.dma_semaphore, #tpu.memory_space<semaphore_mem>>)
      %dma_wait3A_178 = arith.constant 0 : i32
      %dma_wait3A_179 = tpu.memref_slice %arg7[%add3A_171, %dma_wait3A_178] : memref<16x128xi32, #tpu.memory_space<vmem>> -> memref<1x128xi32, #tpu.memory_space<vmem>>
      %dma_wait3A_180 = tpu.memref_squeeze %dma_wait3A_179 : memref<1x128xi32, #tpu.memory_space<vmem>> -> memref<128xi32, #tpu.memory_space<vmem>>
      %dma_wait3A_181 = arith.constant 0 : i32
      %dma_wait3A_182 = arith.constant 0 : i32
      %dma_wait3A_183 = tpu.memref_slice %arg2[%dma_wait3A_181, %dma_wait3A_182] : memref<10240x128xf32, #tpu.memory_space<hbm>> -> memref<10240x128xf32, #tpu.memory_space<hbm>>
      tpu.wait_indirect_dma semaphore(%arg14 : memref<!tpu.dma_semaphore, #tpu.memory_space<semaphore_mem>>) src(%dma_wait3A_183 : memref<10240x128xf32, #tpu.memory_space<hbm>>) dst(%arg9 : memref<128x128xf32, #tpu.memory_space<vmem>>)
      %add3A_184 = arith.constant 4 : i32
      %add3A_185 = arith.addi %mul3A_36, %add3A_184 : i32
      %dma_start3A_186 = arith.constant 0 : i32
      %dma_start3A_187 = tpu.memref_slice %arg8[%add3A_185, %dma_start3A_186] : memref<16x128xi32, #tpu.memory_space<vmem>> -> memref<1x128xi32, #tpu.memory_space<vmem>>
      %dma_start3A_188 = tpu.memref_squeeze %dma_start3A_187 : memref<1x128xi32, #tpu.memory_space<vmem>> -> memref<128xi32, #tpu.memory_space<vmem>>
      %dma_start3A_189 = arith.constant 0 : i32
      %dma_start3A_190 = arith.constant 0 : i32
      %dma_start3A_191 = tpu.memref_slice %arg11[%dma_start3A_189, %dma_start3A_190] : memref<10240x128xf32, #tpu.memory_space<vmem_shared>> -> memref<10240x128xf32, #tpu.memory_space<vmem_shared>>
      tpu.enqueue_indirect_dma source(%arg9 : memref<128x128xf32, #tpu.memory_space<vmem>>) target(%dma_start3A_191 : memref<10240x128xf32, #tpu.memory_space<vmem_shared>>) offsets(%dma_start3A_188 : memref<128xi32, #tpu.memory_space<vmem>>) semaphore(%arg16 : memref<!tpu.dma_semaphore, #tpu.memory_space<semaphore_mem>>) {add = true}
      %dma_wait3A_192 = arith.constant 0 : i32
      %dma_wait3A_193 = tpu.memref_slice %arg8[%add3A_157, %dma_wait3A_192] : memref<16x128xi32, #tpu.memory_space<vmem>> -> memref<1x128xi32, #tpu.memory_space<vmem>>
      %dma_wait3A_194 = tpu.memref_squeeze %dma_wait3A_193 : memref<1x128xi32, #tpu.memory_space<vmem>> -> memref<128xi32, #tpu.memory_space<vmem>>
      %dma_wait3A_195 = arith.constant 0 : i32
      %dma_wait3A_196 = arith.constant 0 : i32
      %dma_wait3A_197 = tpu.memref_slice %arg11[%dma_wait3A_195, %dma_wait3A_196] : memref<10240x128xf32, #tpu.memory_space<vmem_shared>> -> memref<10240x128xf32, #tpu.memory_space<vmem_shared>>
      tpu.wait_indirect_dma semaphore(%arg17 : memref<!tpu.dma_semaphore, #tpu.memory_space<semaphore_mem>>) src(%arg10 : memref<128x128xf32, #tpu.memory_space<vmem>>) dst(%dma_wait3A_197 : memref<10240x128xf32, #tpu.memory_space<vmem_shared>>)
      %add3A_198 = arith.constant 5 : i32
      %add3A_199 = arith.addi %mul3A_36, %add3A_198 : i32
      %dma_start3A_200 = arith.constant 0 : i32
      %dma_start3A_201 = tpu.memref_slice %arg7[%add3A_199, %dma_start3A_200] : memref<16x128xi32, #tpu.memory_space<vmem>> -> memref<1x128xi32, #tpu.memory_space<vmem>>
      %dma_start3A_202 = tpu.memref_squeeze %dma_start3A_201 : memref<1x128xi32, #tpu.memory_space<vmem>> -> memref<128xi32, #tpu.memory_space<vmem>>
      %dma_start3A_203 = arith.constant 0 : i32
      %dma_start3A_204 = arith.constant 0 : i32
      %dma_start3A_205 = tpu.memref_slice %arg2[%dma_start3A_203, %dma_start3A_204] : memref<10240x128xf32, #tpu.memory_space<hbm>> -> memref<10240x128xf32, #tpu.memory_space<hbm>>
      tpu.enqueue_indirect_dma source(%dma_start3A_205 : memref<10240x128xf32, #tpu.memory_space<hbm>>) target(%arg10 : memref<128x128xf32, #tpu.memory_space<vmem>>) offsets(%dma_start3A_202 : memref<128xi32, #tpu.memory_space<vmem>>) semaphore(%arg15 : memref<!tpu.dma_semaphore, #tpu.memory_space<semaphore_mem>>)
      %dma_wait3A_206 = arith.constant 0 : i32
      %dma_wait3A_207 = tpu.memref_slice %arg7[%add3A_199, %dma_wait3A_206] : memref<16x128xi32, #tpu.memory_space<vmem>> -> memref<1x128xi32, #tpu.memory_space<vmem>>
      %dma_wait3A_208 = tpu.memref_squeeze %dma_wait3A_207 : memref<1x128xi32, #tpu.memory_space<vmem>> -> memref<128xi32, #tpu.memory_space<vmem>>
      %dma_wait3A_209 = arith.constant 0 : i32
      %dma_wait3A_210 = arith.constant 0 : i32
      %dma_wait3A_211 = tpu.memref_slice %arg2[%dma_wait3A_209, %dma_wait3A_210] : memref<10240x128xf32, #tpu.memory_space<hbm>> -> memref<10240x128xf32, #tpu.memory_space<hbm>>
      tpu.wait_indirect_dma semaphore(%arg15 : memref<!tpu.dma_semaphore, #tpu.memory_space<semaphore_mem>>) src(%dma_wait3A_211 : memref<10240x128xf32, #tpu.memory_space<hbm>>) dst(%arg10 : memref<128x128xf32, #tpu.memory_space<vmem>>)
      %add3A_212 = arith.constant 5 : i32
      %add3A_213 = arith.addi %mul3A_36, %add3A_212 : i32
      %dma_start3A_214 = arith.constant 0 : i32
      %dma_start3A_215 = tpu.memref_slice %arg8[%add3A_213, %dma_start3A_214] : memref<16x128xi32, #tpu.memory_space<vmem>> -> memref<1x128xi32, #tpu.memory_space<vmem>>
      %dma_start3A_216 = tpu.memref_squeeze %dma_start3A_215 : memref<1x128xi32, #tpu.memory_space<vmem>> -> memref<128xi32, #tpu.memory_space<vmem>>
      %dma_start3A_217 = arith.constant 0 : i32
      %dma_start3A_218 = arith.constant 0 : i32
      %dma_start3A_219 = tpu.memref_slice %arg11[%dma_start3A_217, %dma_start3A_218] : memref<10240x128xf32, #tpu.memory_space<vmem_shared>> -> memref<10240x128xf32, #tpu.memory_space<vmem_shared>>
      tpu.enqueue_indirect_dma source(%arg10 : memref<128x128xf32, #tpu.memory_space<vmem>>) target(%dma_start3A_219 : memref<10240x128xf32, #tpu.memory_space<vmem_shared>>) offsets(%dma_start3A_216 : memref<128xi32, #tpu.memory_space<vmem>>) semaphore(%arg17 : memref<!tpu.dma_semaphore, #tpu.memory_space<semaphore_mem>>) {add = true}
      %dma_wait3A_220 = arith.constant 0 : i32
      %dma_wait3A_221 = tpu.memref_slice %arg8[%add3A_185, %dma_wait3A_220] : memref<16x128xi32, #tpu.memory_space<vmem>> -> memref<1x128xi32, #tpu.memory_space<vmem>>
      %dma_wait3A_222 = tpu.memref_squeeze %dma_wait3A_221 : memref<1x128xi32, #tpu.memory_space<vmem>> -> memref<128xi32, #tpu.memory_space<vmem>>
      %dma_wait3A_223 = arith.constant 0 : i32
      %dma_wait3A_224 = arith.constant 0 : i32
      %dma_wait3A_225 = tpu.memref_slice %arg11[%dma_wait3A_223, %dma_wait3A_224] : memref<10240x128xf32, #tpu.memory_space<vmem_shared>> -> memref<10240x128xf32, #tpu.memory_space<vmem_shared>>
      tpu.wait_indirect_dma semaphore(%arg16 : memref<!tpu.dma_semaphore, #tpu.memory_space<semaphore_mem>>) src(%arg9 : memref<128x128xf32, #tpu.memory_space<vmem>>) dst(%dma_wait3A_225 : memref<10240x128xf32, #tpu.memory_space<vmem_shared>>)
      %add3A_226 = arith.constant 6 : i32
      %add3A_227 = arith.addi %mul3A_36, %add3A_226 : i32
      %dma_start3A_228 = arith.constant 0 : i32
      %dma_start3A_229 = tpu.memref_slice %arg7[%add3A_227, %dma_start3A_228] : memref<16x128xi32, #tpu.memory_space<vmem>> -> memref<1x128xi32, #tpu.memory_space<vmem>>
      %dma_start3A_230 = tpu.memref_squeeze %dma_start3A_229 : memref<1x128xi32, #tpu.memory_space<vmem>> -> memref<128xi32, #tpu.memory_space<vmem>>
      %dma_start3A_231 = arith.constant 0 : i32
      %dma_start3A_232 = arith.constant 0 : i32
      %dma_start3A_233 = tpu.memref_slice %arg2[%dma_start3A_231, %dma_start3A_232] : memref<10240x128xf32, #tpu.memory_space<hbm>> -> memref<10240x128xf32, #tpu.memory_space<hbm>>
      tpu.enqueue_indirect_dma source(%dma_start3A_233 : memref<10240x128xf32, #tpu.memory_space<hbm>>) target(%arg9 : memref<128x128xf32, #tpu.memory_space<vmem>>) offsets(%dma_start3A_230 : memref<128xi32, #tpu.memory_space<vmem>>) semaphore(%arg14 : memref<!tpu.dma_semaphore, #tpu.memory_space<semaphore_mem>>)
      %dma_wait3A_234 = arith.constant 0 : i32
      %dma_wait3A_235 = tpu.memref_slice %arg7[%add3A_227, %dma_wait3A_234] : memref<16x128xi32, #tpu.memory_space<vmem>> -> memref<1x128xi32, #tpu.memory_space<vmem>>
      %dma_wait3A_236 = tpu.memref_squeeze %dma_wait3A_235 : memref<1x128xi32, #tpu.memory_space<vmem>> -> memref<128xi32, #tpu.memory_space<vmem>>
      %dma_wait3A_237 = arith.constant 0 : i32
      %dma_wait3A_238 = arith.constant 0 : i32
      %dma_wait3A_239 = tpu.memref_slice %arg2[%dma_wait3A_237, %dma_wait3A_238] : memref<10240x128xf32, #tpu.memory_space<hbm>> -> memref<10240x128xf32, #tpu.memory_space<hbm>>
      tpu.wait_indirect_dma semaphore(%arg14 : memref<!tpu.dma_semaphore, #tpu.memory_space<semaphore_mem>>) src(%dma_wait3A_239 : memref<10240x128xf32, #tpu.memory_space<hbm>>) dst(%arg9 : memref<128x128xf32, #tpu.memory_space<vmem>>)
      %add3A_240 = arith.constant 6 : i32
      %add3A_241 = arith.addi %mul3A_36, %add3A_240 : i32
      %dma_start3A_242 = arith.constant 0 : i32
      %dma_start3A_243 = tpu.memref_slice %arg8[%add3A_241, %dma_start3A_242] : memref<16x128xi32, #tpu.memory_space<vmem>> -> memref<1x128xi32, #tpu.memory_space<vmem>>
      %dma_start3A_244 = tpu.memref_squeeze %dma_start3A_243 : memref<1x128xi32, #tpu.memory_space<vmem>> -> memref<128xi32, #tpu.memory_space<vmem>>
      %dma_start3A_245 = arith.constant 0 : i32
      %dma_start3A_246 = arith.constant 0 : i32
      %dma_start3A_247 = tpu.memref_slice %arg11[%dma_start3A_245, %dma_start3A_246] : memref<10240x128xf32, #tpu.memory_space<vmem_shared>> -> memref<10240x128xf32, #tpu.memory_space<vmem_shared>>
      tpu.enqueue_indirect_dma source(%arg9 : memref<128x128xf32, #tpu.memory_space<vmem>>) target(%dma_start3A_247 : memref<10240x128xf32, #tpu.memory_space<vmem_shared>>) offsets(%dma_start3A_244 : memref<128xi32, #tpu.memory_space<vmem>>) semaphore(%arg16 : memref<!tpu.dma_semaphore, #tpu.memory_space<semaphore_mem>>) {add = true}
      %dma_wait3A_248 = arith.constant 0 : i32
      %dma_wait3A_249 = tpu.memref_slice %arg8[%add3A_213, %dma_wait3A_248] : memref<16x128xi32, #tpu.memory_space<vmem>> -> memref<1x128xi32, #tpu.memory_space<vmem>>
      %dma_wait3A_250 = tpu.memref_squeeze %dma_wait3A_249 : memref<1x128xi32, #tpu.memory_space<vmem>> -> memref<128xi32, #tpu.memory_space<vmem>>
      %dma_wait3A_251 = arith.constant 0 : i32
      %dma_wait3A_252 = arith.constant 0 : i32
      %dma_wait3A_253 = tpu.memref_slice %arg11[%dma_wait3A_251, %dma_wait3A_252] : memref<10240x128xf32, #tpu.memory_space<vmem_shared>> -> memref<10240x128xf32, #tpu.memory_space<vmem_shared>>
      tpu.wait_indirect_dma semaphore(%arg17 : memref<!tpu.dma_semaphore, #tpu.memory_space<semaphore_mem>>) src(%arg10 : memref<128x128xf32, #tpu.memory_space<vmem>>) dst(%dma_wait3A_253 : memref<10240x128xf32, #tpu.memory_space<vmem_shared>>)
      %add3A_254 = arith.constant 7 : i32
      %add3A_255 = arith.addi %mul3A_36, %add3A_254 : i32
      %dma_start3A_256 = arith.constant 0 : i32
      %dma_start3A_257 = tpu.memref_slice %arg7[%add3A_255, %dma_start3A_256] : memref<16x128xi32, #tpu.memory_space<vmem>> -> memref<1x128xi32, #tpu.memory_space<vmem>>
      %dma_start3A_258 = tpu.memref_squeeze %dma_start3A_257 : memref<1x128xi32, #tpu.memory_space<vmem>> -> memref<128xi32, #tpu.memory_space<vmem>>
      %dma_start3A_259 = arith.constant 0 : i32
      %dma_start3A_260 = arith.constant 0 : i32
      %dma_start3A_261 = tpu.memref_slice %arg2[%dma_start3A_259, %dma_start3A_260] : memref<10240x128xf32, #tpu.memory_space<hbm>> -> memref<10240x128xf32, #tpu.memory_space<hbm>>
      tpu.enqueue_indirect_dma source(%dma_start3A_261 : memref<10240x128xf32, #tpu.memory_space<hbm>>) target(%arg10 : memref<128x128xf32, #tpu.memory_space<vmem>>) offsets(%dma_start3A_258 : memref<128xi32, #tpu.memory_space<vmem>>) semaphore(%arg15 : memref<!tpu.dma_semaphore, #tpu.memory_space<semaphore_mem>>)
      %dma_wait3A_262 = arith.constant 0 : i32
      %dma_wait3A_263 = tpu.memref_slice %arg7[%add3A_255, %dma_wait3A_262] : memref<16x128xi32, #tpu.memory_space<vmem>> -> memref<1x128xi32, #tpu.memory_space<vmem>>
      %dma_wait3A_264 = tpu.memref_squeeze %dma_wait3A_263 : memref<1x128xi32, #tpu.memory_space<vmem>> -> memref<128xi32, #tpu.memory_space<vmem>>
      %dma_wait3A_265 = arith.constant 0 : i32
      %dma_wait3A_266 = arith.constant 0 : i32
      %dma_wait3A_267 = tpu.memref_slice %arg2[%dma_wait3A_265, %dma_wait3A_266] : memref<10240x128xf32, #tpu.memory_space<hbm>> -> memref<10240x128xf32, #tpu.memory_space<hbm>>
      tpu.wait_indirect_dma semaphore(%arg15 : memref<!tpu.dma_semaphore, #tpu.memory_space<semaphore_mem>>) src(%dma_wait3A_267 : memref<10240x128xf32, #tpu.memory_space<hbm>>) dst(%arg10 : memref<128x128xf32, #tpu.memory_space<vmem>>)
      %add3A_268 = arith.constant 7 : i32
      %add3A_269 = arith.addi %mul3A_36, %add3A_268 : i32
      %dma_start3A_270 = arith.constant 0 : i32
      %dma_start3A_271 = tpu.memref_slice %arg8[%add3A_269, %dma_start3A_270] : memref<16x128xi32, #tpu.memory_space<vmem>> -> memref<1x128xi32, #tpu.memory_space<vmem>>
      %dma_start3A_272 = tpu.memref_squeeze %dma_start3A_271 : memref<1x128xi32, #tpu.memory_space<vmem>> -> memref<128xi32, #tpu.memory_space<vmem>>
      %dma_start3A_273 = arith.constant 0 : i32
      %dma_start3A_274 = arith.constant 0 : i32
      %dma_start3A_275 = tpu.memref_slice %arg11[%dma_start3A_273, %dma_start3A_274] : memref<10240x128xf32, #tpu.memory_space<vmem_shared>> -> memref<10240x128xf32, #tpu.memory_space<vmem_shared>>
      tpu.enqueue_indirect_dma source(%arg10 : memref<128x128xf32, #tpu.memory_space<vmem>>) target(%dma_start3A_275 : memref<10240x128xf32, #tpu.memory_space<vmem_shared>>) offsets(%dma_start3A_272 : memref<128xi32, #tpu.memory_space<vmem>>) semaphore(%arg17 : memref<!tpu.dma_semaphore, #tpu.memory_space<semaphore_mem>>) {add = true}
      %dma_wait3A_276 = arith.constant 0 : i32
      %dma_wait3A_277 = tpu.memref_slice %arg8[%add3A_241, %dma_wait3A_276] : memref<16x128xi32, #tpu.memory_space<vmem>> -> memref<1x128xi32, #tpu.memory_space<vmem>>
      %dma_wait3A_278 = tpu.memref_squeeze %dma_wait3A_277 : memref<1x128xi32, #tpu.memory_space<vmem>> -> memref<128xi32, #tpu.memory_space<vmem>>
      %dma_wait3A_279 = arith.constant 0 : i32
      %dma_wait3A_280 = arith.constant 0 : i32
      %dma_wait3A_281 = tpu.memref_slice %arg11[%dma_wait3A_279, %dma_wait3A_280] : memref<10240x128xf32, #tpu.memory_space<vmem_shared>> -> memref<10240x128xf32, #tpu.memory_space<vmem_shared>>
      tpu.wait_indirect_dma semaphore(%arg16 : memref<!tpu.dma_semaphore, #tpu.memory_space<semaphore_mem>>) src(%arg9 : memref<128x128xf32, #tpu.memory_space<vmem>>) dst(%dma_wait3A_281 : memref<10240x128xf32, #tpu.memory_space<vmem_shared>>)
      %dma_wait3A_282 = arith.constant 0 : i32
      %dma_wait3A_283 = tpu.memref_slice %arg8[%add3A_269, %dma_wait3A_282] : memref<16x128xi32, #tpu.memory_space<vmem>> -> memref<1x128xi32, #tpu.memory_space<vmem>>
      %dma_wait3A_284 = tpu.memref_squeeze %dma_wait3A_283 : memref<1x128xi32, #tpu.memory_space<vmem>> -> memref<128xi32, #tpu.memory_space<vmem>>
      %dma_wait3A_285 = arith.constant 0 : i32
      %dma_wait3A_286 = arith.constant 0 : i32
      %dma_wait3A_287 = tpu.memref_slice %arg11[%dma_wait3A_285, %dma_wait3A_286] : memref<10240x128xf32, #tpu.memory_space<vmem_shared>> -> memref<10240x128xf32, #tpu.memory_space<vmem_shared>>
      tpu.wait_indirect_dma semaphore(%arg17 : memref<!tpu.dma_semaphore, #tpu.memory_space<semaphore_mem>>) src(%arg10 : memref<128x128xf32, #tpu.memory_space<vmem>>) dst(%dma_wait3A_287 : memref<10240x128xf32, #tpu.memory_space<vmem_shared>>)
      %dma_wait3A_288 = arith.constant 0 : i32
      %dma_wait3A_289 = tpu.memref_slice %arg7[%mul3A_44, %dma_wait3A_288] : memref<16x128xi32, #tpu.memory_space<vmem>> -> memref<8x128xi32, #tpu.memory_space<vmem>>
      %dma_wait3A_290 = arith.constant 0 : i32
      %dma_wait3A_291 = tpu.memref_slice %arg3[%add3A_42, %dma_wait3A_290] : memref<2568x128xi32, #tpu.memory_space<hbm>> -> memref<8x128xi32, #tpu.memory_space<hbm>>
      %dma_wait3A_292 = arith.constant 0 : i32
      %dma_wait3A_293 = tpu.memref_slice %arg7[%mul3A_44, %dma_wait3A_292] : memref<16x128xi32, #tpu.memory_space<vmem>> -> memref<8x128xi32, #tpu.memory_space<vmem>>
      %dma_wait3A_294 = arith.constant 0 : i32
      %dma_wait3A_295 = tpu.memref_slice %arg3[%add3A_42, %dma_wait3A_294] : memref<2568x128xi32, #tpu.memory_space<hbm>> -> memref<8x128xi32, #tpu.memory_space<hbm>>
      tpu.wait_dma2 semaphore(%arg12 : memref<!tpu.dma_semaphore, #tpu.memory_space<semaphore_mem>>) src(%dma_wait3A_295 : memref<8x128xi32, #tpu.memory_space<hbm>>) dst(%dma_wait3A_293 : memref<8x128xi32, #tpu.memory_space<vmem>>)
      %dma_wait3A_296 = arith.constant 0 : i32
      %dma_wait3A_297 = tpu.memref_slice %arg8[%mul3A_56, %dma_wait3A_296] : memref<16x128xi32, #tpu.memory_space<vmem>> -> memref<8x128xi32, #tpu.memory_space<vmem>>
      %dma_wait3A_298 = arith.constant 0 : i32
      %dma_wait3A_299 = tpu.memref_slice %arg4[%add3A_54, %dma_wait3A_298] : memref<2568x128xi32, #tpu.memory_space<hbm>> -> memref<8x128xi32, #tpu.memory_space<hbm>>
      %dma_wait3A_300 = arith.constant 0 : i32
      %dma_wait3A_301 = tpu.memref_slice %arg8[%mul3A_56, %dma_wait3A_300] : memref<16x128xi32, #tpu.memory_space<vmem>> -> memref<8x128xi32, #tpu.memory_space<vmem>>
      %dma_wait3A_302 = arith.constant 0 : i32
      %dma_wait3A_303 = tpu.memref_slice %arg4[%add3A_54, %dma_wait3A_302] : memref<2568x128xi32, #tpu.memory_space<hbm>> -> memref<8x128xi32, #tpu.memory_space<hbm>>
      tpu.wait_dma2 semaphore(%arg13 : memref<!tpu.dma_semaphore, #tpu.memory_space<semaphore_mem>>) src(%dma_wait3A_303 : memref<8x128xi32, #tpu.memory_space<hbm>>) dst(%dma_wait3A_301 : memref<8x128xi32, #tpu.memory_space<vmem>>)
    }
    %while3A_24 = arith.constant 1 : i32
    scf.for %while3A_32 = %while3A_22 to %while3A_18 step %while3A_24  : i32 {
      %rem3A = arith.constant 2 : i32
      %rem3A_33 = arith.remsi %while3A_32, %rem3A : i32
      %sub3A = arith.constant 1 : i32
      %sub3A_34 = arith.subi %sub3A, %rem3A_33 : i32
      %mul3A_35 = arith.constant 8 : i32
      %mul3A_36 = arith.muli %rem3A_33, %mul3A_35 : i32
      %add3A_37 = arith.constant 1 : i32
      %add3A_38 = arith.addi %while3A_32, %add3A_37 : i32
      %rem3A_39 = arith.remsi %add3A_38, %select_n3A : i32
      %mul3A_40 = arith.constant 8 : i32
      %mul3A_41 = arith.muli %rem3A_39, %mul3A_40 : i32
      %add3A_42 = arith.addi %select_n3A_10, %mul3A_41 : i32
      %mul3A_43 = arith.constant 8 : i32
      %mul3A_44 = arith.muli %sub3A_34, %mul3A_43 : i32
      %dma_start3A = arith.constant 0 : i32
      %dma_start3A_45 = tpu.memref_slice %arg7[%mul3A_44, %dma_start3A] : memref<16x128xi32, #tpu.memory_space<vmem>> -> memref<8x128xi32, #tpu.memory_space<vmem>>
      %dma_start3A_46 = arith.constant 0 : i32
      %dma_start3A_47 = tpu.memref_slice %arg3[%add3A_42, %dma_start3A_46] : memref<2568x128xi32, #tpu.memory_space<hbm>> -> memref<8x128xi32, #tpu.memory_space<hbm>>
      %dma_start3A_48 = arith.constant 0 : i32
      %dma_start3A_49 = tpu.memref_slice %arg7[%mul3A_44, %dma_start3A_48] : memref<16x128xi32, #tpu.memory_space<vmem>> -> memref<8x128xi32, #tpu.memory_space<vmem>>
      %dma_start3A_50 = arith.constant 0 : i32
      %dma_start3A_51 = tpu.memref_slice %arg3[%add3A_42, %dma_start3A_50] : memref<2568x128xi32, #tpu.memory_space<hbm>> -> memref<8x128xi32, #tpu.memory_space<hbm>>
      tpu.enqueue_dma source(%dma_start3A_51 : memref<8x128xi32, #tpu.memory_space<hbm>>) target(%dma_start3A_49 : memref<8x128xi32, #tpu.memory_space<vmem>>) target_semaphore(%arg12 : memref<!tpu.dma_semaphore, #tpu.memory_space<semaphore_mem>>)
      %mul3A_52 = arith.constant 8 : i32
      %mul3A_53 = arith.muli %rem3A_39, %mul3A_52 : i32
      %add3A_54 = arith.addi %select_n3A_10, %mul3A_53 : i32
      %mul3A_55 = arith.constant 8 : i32
      %mul3A_56 = arith.muli %sub3A_34, %mul3A_55 : i32
      %dma_start3A_57 = arith.constant 0 : i32
      %dma_start3A_58 = tpu.memref_slice %arg8[%mul3A_56, %dma_start3A_57] : memref<16x128xi32, #tpu.memory_space<vmem>> -> memref<8x128xi32, #tpu.memory_space<vmem>>
      %dma_start3A_59 = arith.constant 0 : i32
      %dma_start3A_60 = tpu.memref_slice %arg4[%add3A_54, %dma_start3A_59] : memref<2568x128xi32, #tpu.memory_space<hbm>> -> memref<8x128xi32, #tpu.memory_space<hbm>>
      %dma_start3A_61 = arith.constant 0 : i32
      %dma_start3A_62 = tpu.memref_slice %arg8[%mul3A_56, %dma_start3A_61] : memref<16x128xi32, #tpu.memory_space<vmem>> -> memref<8x128xi32, #tpu.memory_space<vmem>>
      %dma_start3A_63 = arith.constant 0 : i32
      %dma_start3A_64 = tpu.memref_slice %arg4[%add3A_54, %dma_start3A_63] : memref<2568x128xi32, #tpu.memory_space<hbm>> -> memref<8x128xi32, #tpu.memory_space<hbm>>
      tpu.enqueue_dma source(%dma_start3A_64 : memref<8x128xi32, #tpu.memory_space<hbm>>) target(%dma_start3A_62 : memref<8x128xi32, #tpu.memory_space<vmem>>) target_semaphore(%arg13 : memref<!tpu.dma_semaphore, #tpu.memory_space<semaphore_mem>>)
      %add3A_65 = arith.constant 0 : i32
      %add3A_66 = arith.addi %mul3A_36, %add3A_65 : i32
      %dma_start3A_67 = arith.constant 0 : i32
      %dma_start3A_68 = tpu.memref_slice %arg7[%add3A_66, %dma_start3A_67] : memref<16x128xi32, #tpu.memory_space<vmem>> -> memref<1x128xi32, #tpu.memory_space<vmem>>
      %dma_start3A_69 = tpu.memref_squeeze %dma_start3A_68 : memref<1x128xi32, #tpu.memory_space<vmem>> -> memref<128xi32, #tpu.memory_space<vmem>>
      %dma_start3A_70 = arith.constant 0 : i32
      %dma_start3A_71 = arith.constant 0 : i32
      %dma_start3A_72 = tpu.memref_slice %arg2[%dma_start3A_70, %dma_start3A_71] : memref<10240x128xf32, #tpu.memory_space<hbm>> -> memref<10240x128xf32, #tpu.memory_space<hbm>>
      tpu.enqueue_indirect_dma source(%dma_start3A_72 : memref<10240x128xf32, #tpu.memory_space<hbm>>) target(%arg9 : memref<128x128xf32, #tpu.memory_space<vmem>>) offsets(%dma_start3A_69 : memref<128xi32, #tpu.memory_space<vmem>>) semaphore(%arg14 : memref<!tpu.dma_semaphore, #tpu.memory_space<semaphore_mem>>)
      %dma_wait3A = arith.constant 0 : i32
      %dma_wait3A_73 = tpu.memref_slice %arg7[%add3A_66, %dma_wait3A] : memref<16x128xi32, #tpu.memory_space<vmem>> -> memref<1x128xi32, #tpu.memory_space<vmem>>
      %dma_wait3A_74 = tpu.memref_squeeze %dma_wait3A_73 : memref<1x128xi32, #tpu.memory_space<vmem>> -> memref<128xi32, #tpu.memory_space<vmem>>
      %dma_wait3A_75 = arith.constant 0 : i32
      %dma_wait3A_76 = arith.constant 0 : i32
      %dma_wait3A_77 = tpu.memref_slice %arg2[%dma_wait3A_75, %dma_wait3A_76] : memref<10240x128xf32, #tpu.memory_space<hbm>> -> memref<10240x128xf32, #tpu.memory_space<hbm>>
      tpu.wait_indirect_dma semaphore(%arg14 : memref<!tpu.dma_semaphore, #tpu.memory_space<semaphore_mem>>) src(%dma_wait3A_77 : memref<10240x128xf32, #tpu.memory_space<hbm>>) dst(%arg9 : memref<128x128xf32, #tpu.memory_space<vmem>>)
      %add3A_78 = arith.constant 0 : i32
      %add3A_79 = arith.addi %mul3A_36, %add3A_78 : i32
      %dma_start3A_80 = arith.constant 0 : i32
      %dma_start3A_81 = tpu.memref_slice %arg8[%add3A_79, %dma_start3A_80] : memref<16x128xi32, #tpu.memory_space<vmem>> -> memref<1x128xi32, #tpu.memory_space<vmem>>
      %dma_start3A_82 = tpu.memref_squeeze %dma_start3A_81 : memref<1x128xi32, #tpu.memory_space<vmem>> -> memref<128xi32, #tpu.memory_space<vmem>>
      %dma_start3A_83 = arith.constant 0 : i32
      %dma_start3A_84 = arith.constant 0 : i32
      %dma_start3A_85 = tpu.memref_slice %arg11[%dma_start3A_83, %dma_start3A_84] : memref<10240x128xf32, #tpu.memory_space<vmem_shared>> -> memref<10240x128xf32, #tpu.memory_space<vmem_shared>>
      tpu.enqueue_indirect_dma source(%arg9 : memref<128x128xf32, #tpu.memory_space<vmem>>) target(%dma_start3A_85 : memref<10240x128xf32, #tpu.memory_space<vmem_shared>>) offsets(%dma_start3A_82 : memref<128xi32, #tpu.memory_space<vmem>>) semaphore(%arg16 : memref<!tpu.dma_semaphore, #tpu.memory_space<semaphore_mem>>) {add = true}
      %add3A_86 = arith.constant 1 : i32
      %add3A_87 = arith.addi %mul3A_36, %add3A_86 : i32
      %dma_start3A_88 = arith.constant 0 : i32
      %dma_start3A_89 = tpu.memref_slice %arg7[%add3A_87, %dma_start3A_88] : memref<16x128xi32, #tpu.memory_space<vmem>> -> memref<1x128xi32, #tpu.memory_space<vmem>>
      %dma_start3A_90 = tpu.memref_squeeze %dma_start3A_89 : memref<1x128xi32, #tpu.memory_space<vmem>> -> memref<128xi32, #tpu.memory_space<vmem>>
      %dma_start3A_91 = arith.constant 0 : i32
      %dma_start3A_92 = arith.constant 0 : i32
      %dma_start3A_93 = tpu.memref_slice %arg2[%dma_start3A_91, %dma_start3A_92] : memref<10240x128xf32, #tpu.memory_space<hbm>> -> memref<10240x128xf32, #tpu.memory_space<hbm>>
      tpu.enqueue_indirect_dma source(%dma_start3A_93 : memref<10240x128xf32, #tpu.memory_space<hbm>>) target(%arg10 : memref<128x128xf32, #tpu.memory_space<vmem>>) offsets(%dma_start3A_90 : memref<128xi32, #tpu.memory_space<vmem>>) semaphore(%arg15 : memref<!tpu.dma_semaphore, #tpu.memory_space<semaphore_mem>>)
      %dma_wait3A_94 = arith.constant 0 : i32
      %dma_wait3A_95 = tpu.memref_slice %arg7[%add3A_87, %dma_wait3A_94] : memref<16x128xi32, #tpu.memory_space<vmem>> -> memref<1x128xi32, #tpu.memory_space<vmem>>
      %dma_wait3A_96 = tpu.memref_squeeze %dma_wait3A_95 : memref<1x128xi32, #tpu.memory_space<vmem>> -> memref<128xi32, #tpu.memory_space<vmem>>
      %dma_wait3A_97 = arith.constant 0 : i32
      %dma_wait3A_98 = arith.constant 0 : i32
      %dma_wait3A_99 = tpu.memref_slice %arg2[%dma_wait3A_97, %dma_wait3A_98] : memref<10240x128xf32, #tpu.memory_space<hbm>> -> memref<10240x128xf32, #tpu.memory_space<hbm>>
      tpu.wait_indirect_dma semaphore(%arg15 : memref<!tpu.dma_semaphore, #tpu.memory_space<semaphore_mem>>) src(%dma_wait3A_99 : memref<10240x128xf32, #tpu.memory_space<hbm>>) dst(%arg10 : memref<128x128xf32, #tpu.memory_space<vmem>>)
      %add3A_100 = arith.constant 1 : i32
      %add3A_101 = arith.addi %mul3A_36, %add3A_100 : i32
      %dma_start3A_102 = arith.constant 0 : i32
      %dma_start3A_103 = tpu.memref_slice %arg8[%add3A_101, %dma_start3A_102] : memref<16x128xi32, #tpu.memory_space<vmem>> -> memref<1x128xi32, #tpu.memory_space<vmem>>
      %dma_start3A_104 = tpu.memref_squeeze %dma_start3A_103 : memref<1x128xi32, #tpu.memory_space<vmem>> -> memref<128xi32, #tpu.memory_space<vmem>>
      %dma_start3A_105 = arith.constant 0 : i32
      %dma_start3A_106 = arith.constant 0 : i32
      %dma_start3A_107 = tpu.memref_slice %arg11[%dma_start3A_105, %dma_start3A_106] : memref<10240x128xf32, #tpu.memory_space<vmem_shared>> -> memref<10240x128xf32, #tpu.memory_space<vmem_shared>>
      tpu.enqueue_indirect_dma source(%arg10 : memref<128x128xf32, #tpu.memory_space<vmem>>) target(%dma_start3A_107 : memref<10240x128xf32, #tpu.memory_space<vmem_shared>>) offsets(%dma_start3A_104 : memref<128xi32, #tpu.memory_space<vmem>>) semaphore(%arg17 : memref<!tpu.dma_semaphore, #tpu.memory_space<semaphore_mem>>) {add = true}
      %dma_wait3A_108 = arith.constant 0 : i32
      %dma_wait3A_109 = tpu.memref_slice %arg8[%add3A_79, %dma_wait3A_108] : memref<16x128xi32, #tpu.memory_space<vmem>> -> memref<1x128xi32, #tpu.memory_space<vmem>>
      %dma_wait3A_110 = tpu.memref_squeeze %dma_wait3A_109 : memref<1x128xi32, #tpu.memory_space<vmem>> -> memref<128xi32, #tpu.memory_space<vmem>>
      %dma_wait3A_111 = arith.constant 0 : i32
      %dma_wait3A_112 = arith.constant 0 : i32
      %dma_wait3A_113 = tpu.memref_slice %arg11[%dma_wait3A_111, %dma_wait3A_112] : memref<10240x128xf32, #tpu.memory_space<vmem_shared>> -> memref<10240x128xf32, #tpu.memory_space<vmem_shared>>
      tpu.wait_indirect_dma semaphore(%arg16 : memref<!tpu.dma_semaphore, #tpu.memory_space<semaphore_mem>>) src(%arg9 : memref<128x128xf32, #tpu.memory_space<vmem>>) dst(%dma_wait3A_113 : memref<10240x128xf32, #tpu.memory_space<vmem_shared>>)
      %add3A_114 = arith.constant 2 : i32
      %add3A_115 = arith.addi %mul3A_36, %add3A_114 : i32
      %dma_start3A_116 = arith.constant 0 : i32
      %dma_start3A_117 = tpu.memref_slice %arg7[%add3A_115, %dma_start3A_116] : memref<16x128xi32, #tpu.memory_space<vmem>> -> memref<1x128xi32, #tpu.memory_space<vmem>>
      %dma_start3A_118 = tpu.memref_squeeze %dma_start3A_117 : memref<1x128xi32, #tpu.memory_space<vmem>> -> memref<128xi32, #tpu.memory_space<vmem>>
      %dma_start3A_119 = arith.constant 0 : i32
      %dma_start3A_120 = arith.constant 0 : i32
      %dma_start3A_121 = tpu.memref_slice %arg2[%dma_start3A_119, %dma_start3A_120] : memref<10240x128xf32, #tpu.memory_space<hbm>> -> memref<10240x128xf32, #tpu.memory_space<hbm>>
      tpu.enqueue_indirect_dma source(%dma_start3A_121 : memref<10240x128xf32, #tpu.memory_space<hbm>>) target(%arg9 : memref<128x128xf32, #tpu.memory_space<vmem>>) offsets(%dma_start3A_118 : memref<128xi32, #tpu.memory_space<vmem>>) semaphore(%arg14 : memref<!tpu.dma_semaphore, #tpu.memory_space<semaphore_mem>>)
      %dma_wait3A_122 = arith.constant 0 : i32
      %dma_wait3A_123 = tpu.memref_slice %arg7[%add3A_115, %dma_wait3A_122] : memref<16x128xi32, #tpu.memory_space<vmem>> -> memref<1x128xi32, #tpu.memory_space<vmem>>
      %dma_wait3A_124 = tpu.memref_squeeze %dma_wait3A_123 : memref<1x128xi32, #tpu.memory_space<vmem>> -> memref<128xi32, #tpu.memory_space<vmem>>
      %dma_wait3A_125 = arith.constant 0 : i32
      %dma_wait3A_126 = arith.constant 0 : i32
      %dma_wait3A_127 = tpu.memref_slice %arg2[%dma_wait3A_125, %dma_wait3A_126] : memref<10240x128xf32, #tpu.memory_space<hbm>> -> memref<10240x128xf32, #tpu.memory_space<hbm>>
      tpu.wait_indirect_dma semaphore(%arg14 : memref<!tpu.dma_semaphore, #tpu.memory_space<semaphore_mem>>) src(%dma_wait3A_127 : memref<10240x128xf32, #tpu.memory_space<hbm>>) dst(%arg9 : memref<128x128xf32, #tpu.memory_space<vmem>>)
      %add3A_128 = arith.constant 2 : i32
      %add3A_129 = arith.addi %mul3A_36, %add3A_128 : i32
      %dma_start3A_130 = arith.constant 0 : i32
      %dma_start3A_131 = tpu.memref_slice %arg8[%add3A_129, %dma_start3A_130] : memref<16x128xi32, #tpu.memory_space<vmem>> -> memref<1x128xi32, #tpu.memory_space<vmem>>
      %dma_start3A_132 = tpu.memref_squeeze %dma_start3A_131 : memref<1x128xi32, #tpu.memory_space<vmem>> -> memref<128xi32, #tpu.memory_space<vmem>>
      %dma_start3A_133 = arith.constant 0 : i32
      %dma_start3A_134 = arith.constant 0 : i32
      %dma_start3A_135 = tpu.memref_slice %arg11[%dma_start3A_133, %dma_start3A_134] : memref<10240x128xf32, #tpu.memory_space<vmem_shared>> -> memref<10240x128xf32, #tpu.memory_space<vmem_shared>>
      tpu.enqueue_indirect_dma source(%arg9 : memref<128x128xf32, #tpu.memory_space<vmem>>) target(%dma_start3A_135 : memref<10240x128xf32, #tpu.memory_space<vmem_shared>>) offsets(%dma_start3A_132 : memref<128xi32, #tpu.memory_space<vmem>>) semaphore(%arg16 : memref<!tpu.dma_semaphore, #tpu.memory_space<semaphore_mem>>) {add = true}
      %dma_wait3A_136 = arith.constant 0 : i32
      %dma_wait3A_137 = tpu.memref_slice %arg8[%add3A_101, %dma_wait3A_136] : memref<16x128xi32, #tpu.memory_space<vmem>> -> memref<1x128xi32, #tpu.memory_space<vmem>>
      %dma_wait3A_138 = tpu.memref_squeeze %dma_wait3A_137 : memref<1x128xi32, #tpu.memory_space<vmem>> -> memref<128xi32, #tpu.memory_space<vmem>>
      %dma_wait3A_139 = arith.constant 0 : i32
      %dma_wait3A_140 = arith.constant 0 : i32
      %dma_wait3A_141 = tpu.memref_slice %arg11[%dma_wait3A_139, %dma_wait3A_140] : memref<10240x128xf32, #tpu.memory_space<vmem_shared>> -> memref<10240x128xf32, #tpu.memory_space<vmem_shared>>
      tpu.wait_indirect_dma semaphore(%arg17 : memref<!tpu.dma_semaphore, #tpu.memory_space<semaphore_mem>>) src(%arg10 : memref<128x128xf32, #tpu.memory_space<vmem>>) dst(%dma_wait3A_141 : memref<10240x128xf32, #tpu.memory_space<vmem_shared>>)
      %add3A_142 = arith.constant 3 : i32
      %add3A_143 = arith.addi %mul3A_36, %add3A_142 : i32
      %dma_start3A_144 = arith.constant 0 : i32
      %dma_start3A_145 = tpu.memref_slice %arg7[%add3A_143, %dma_start3A_144] : memref<16x128xi32, #tpu.memory_space<vmem>> -> memref<1x128xi32, #tpu.memory_space<vmem>>
      %dma_start3A_146 = tpu.memref_squeeze %dma_start3A_145 : memref<1x128xi32, #tpu.memory_space<vmem>> -> memref<128xi32, #tpu.memory_space<vmem>>
      %dma_start3A_147 = arith.constant 0 : i32
      %dma_start3A_148 = arith.constant 0 : i32
      %dma_start3A_149 = tpu.memref_slice %arg2[%dma_start3A_147, %dma_start3A_148] : memref<10240x128xf32, #tpu.memory_space<hbm>> -> memref<10240x128xf32, #tpu.memory_space<hbm>>
      tpu.enqueue_indirect_dma source(%dma_start3A_149 : memref<10240x128xf32, #tpu.memory_space<hbm>>) target(%arg10 : memref<128x128xf32, #tpu.memory_space<vmem>>) offsets(%dma_start3A_146 : memref<128xi32, #tpu.memory_space<vmem>>) semaphore(%arg15 : memref<!tpu.dma_semaphore, #tpu.memory_space<semaphore_mem>>)
      %dma_wait3A_150 = arith.constant 0 : i32
      %dma_wait3A_151 = tpu.memref_slice %arg7[%add3A_143, %dma_wait3A_150] : memref<16x128xi32, #tpu.memory_space<vmem>> -> memref<1x128xi32, #tpu.memory_space<vmem>>
      %dma_wait3A_152 = tpu.memref_squeeze %dma_wait3A_151 : memref<1x128xi32, #tpu.memory_space<vmem>> -> memref<128xi32, #tpu.memory_space<vmem>>
      %dma_wait3A_153 = arith.constant 0 : i32
      %dma_wait3A_154 = arith.constant 0 : i32
      %dma_wait3A_155 = tpu.memref_slice %arg2[%dma_wait3A_153, %dma_wait3A_154] : memref<10240x128xf32, #tpu.memory_space<hbm>> -> memref<10240x128xf32, #tpu.memory_space<hbm>>
      tpu.wait_indirect_dma semaphore(%arg15 : memref<!tpu.dma_semaphore, #tpu.memory_space<semaphore_mem>>) src(%dma_wait3A_155 : memref<10240x128xf32, #tpu.memory_space<hbm>>) dst(%arg10 : memref<128x128xf32, #tpu.memory_space<vmem>>)
      %add3A_156 = arith.constant 3 : i32
      %add3A_157 = arith.addi %mul3A_36, %add3A_156 : i32
      %dma_start3A_158 = arith.constant 0 : i32
      %dma_start3A_159 = tpu.memref_slice %arg8[%add3A_157, %dma_start3A_158] : memref<16x128xi32, #tpu.memory_space<vmem>> -> memref<1x128xi32, #tpu.memory_space<vmem>>
      %dma_start3A_160 = tpu.memref_squeeze %dma_start3A_159 : memref<1x128xi32, #tpu.memory_space<vmem>> -> memref<128xi32, #tpu.memory_space<vmem>>
      %dma_start3A_161 = arith.constant 0 : i32
      %dma_start3A_162 = arith.constant 0 : i32
      %dma_start3A_163 = tpu.memref_slice %arg11[%dma_start3A_161, %dma_start3A_162] : memref<10240x128xf32, #tpu.memory_space<vmem_shared>> -> memref<10240x128xf32, #tpu.memory_space<vmem_shared>>
      tpu.enqueue_indirect_dma source(%arg10 : memref<128x128xf32, #tpu.memory_space<vmem>>) target(%dma_start3A_163 : memref<10240x128xf32, #tpu.memory_space<vmem_shared>>) offsets(%dma_start3A_160 : memref<128xi32, #tpu.memory_space<vmem>>) semaphore(%arg17 : memref<!tpu.dma_semaphore, #tpu.memory_space<semaphore_mem>>) {add = true}
      %dma_wait3A_164 = arith.constant 0 : i32
      %dma_wait3A_165 = tpu.memref_slice %arg8[%add3A_129, %dma_wait3A_164] : memref<16x128xi32, #tpu.memory_space<vmem>> -> memref<1x128xi32, #tpu.memory_space<vmem>>
      %dma_wait3A_166 = tpu.memref_squeeze %dma_wait3A_165 : memref<1x128xi32, #tpu.memory_space<vmem>> -> memref<128xi32, #tpu.memory_space<vmem>>
      %dma_wait3A_167 = arith.constant 0 : i32
      %dma_wait3A_168 = arith.constant 0 : i32
      %dma_wait3A_169 = tpu.memref_slice %arg11[%dma_wait3A_167, %dma_wait3A_168] : memref<10240x128xf32, #tpu.memory_space<vmem_shared>> -> memref<10240x128xf32, #tpu.memory_space<vmem_shared>>
      tpu.wait_indirect_dma semaphore(%arg16 : memref<!tpu.dma_semaphore, #tpu.memory_space<semaphore_mem>>) src(%arg9 : memref<128x128xf32, #tpu.memory_space<vmem>>) dst(%dma_wait3A_169 : memref<10240x128xf32, #tpu.memory_space<vmem_shared>>)
      %add3A_170 = arith.constant 4 : i32
      %add3A_171 = arith.addi %mul3A_36, %add3A_170 : i32
      %dma_start3A_172 = arith.constant 0 : i32
      %dma_start3A_173 = tpu.memref_slice %arg7[%add3A_171, %dma_start3A_172] : memref<16x128xi32, #tpu.memory_space<vmem>> -> memref<1x128xi32, #tpu.memory_space<vmem>>
      %dma_start3A_174 = tpu.memref_squeeze %dma_start3A_173 : memref<1x128xi32, #tpu.memory_space<vmem>> -> memref<128xi32, #tpu.memory_space<vmem>>
      %dma_start3A_175 = arith.constant 0 : i32
      %dma_start3A_176 = arith.constant 0 : i32
      %dma_start3A_177 = tpu.memref_slice %arg2[%dma_start3A_175, %dma_start3A_176] : memref<10240x128xf32, #tpu.memory_space<hbm>> -> memref<10240x128xf32, #tpu.memory_space<hbm>>
      tpu.enqueue_indirect_dma source(%dma_start3A_177 : memref<10240x128xf32, #tpu.memory_space<hbm>>) target(%arg9 : memref<128x128xf32, #tpu.memory_space<vmem>>) offsets(%dma_start3A_174 : memref<128xi32, #tpu.memory_space<vmem>>) semaphore(%arg14 : memref<!tpu.dma_semaphore, #tpu.memory_space<semaphore_mem>>)
      %dma_wait3A_178 = arith.constant 0 : i32
      %dma_wait3A_179 = tpu.memref_slice %arg7[%add3A_171, %dma_wait3A_178] : memref<16x128xi32, #tpu.memory_space<vmem>> -> memref<1x128xi32, #tpu.memory_space<vmem>>
      %dma_wait3A_180 = tpu.memref_squeeze %dma_wait3A_179 : memref<1x128xi32, #tpu.memory_space<vmem>> -> memref<128xi32, #tpu.memory_space<vmem>>
      %dma_wait3A_181 = arith.constant 0 : i32
      %dma_wait3A_182 = arith.constant 0 : i32
      %dma_wait3A_183 = tpu.memref_slice %arg2[%dma_wait3A_181, %dma_wait3A_182] : memref<10240x128xf32, #tpu.memory_space<hbm>> -> memref<10240x128xf32, #tpu.memory_space<hbm>>
      tpu.wait_indirect_dma semaphore(%arg14 : memref<!tpu.dma_semaphore, #tpu.memory_space<semaphore_mem>>) src(%dma_wait3A_183 : memref<10240x128xf32, #tpu.memory_space<hbm>>) dst(%arg9 : memref<128x128xf32, #tpu.memory_space<vmem>>)
      %add3A_184 = arith.constant 4 : i32
      %add3A_185 = arith.addi %mul3A_36, %add3A_184 : i32
      %dma_start3A_186 = arith.constant 0 : i32
      %dma_start3A_187 = tpu.memref_slice %arg8[%add3A_185, %dma_start3A_186] : memref<16x128xi32, #tpu.memory_space<vmem>> -> memref<1x128xi32, #tpu.memory_space<vmem>>
      %dma_start3A_188 = tpu.memref_squeeze %dma_start3A_187 : memref<1x128xi32, #tpu.memory_space<vmem>> -> memref<128xi32, #tpu.memory_space<vmem>>
      %dma_start3A_189 = arith.constant 0 : i32
      %dma_start3A_190 = arith.constant 0 : i32
      %dma_start3A_191 = tpu.memref_slice %arg11[%dma_start3A_189, %dma_start3A_190] : memref<10240x128xf32, #tpu.memory_space<vmem_shared>> -> memref<10240x128xf32, #tpu.memory_space<vmem_shared>>
      tpu.enqueue_indirect_dma source(%arg9 : memref<128x128xf32, #tpu.memory_space<vmem>>) target(%dma_start3A_191 : memref<10240x128xf32, #tpu.memory_space<vmem_shared>>) offsets(%dma_start3A_188 : memref<128xi32, #tpu.memory_space<vmem>>) semaphore(%arg16 : memref<!tpu.dma_semaphore, #tpu.memory_space<semaphore_mem>>) {add = true}
      %dma_wait3A_192 = arith.constant 0 : i32
      %dma_wait3A_193 = tpu.memref_slice %arg8[%add3A_157, %dma_wait3A_192] : memref<16x128xi32, #tpu.memory_space<vmem>> -> memref<1x128xi32, #tpu.memory_space<vmem>>
      %dma_wait3A_194 = tpu.memref_squeeze %dma_wait3A_193 : memref<1x128xi32, #tpu.memory_space<vmem>> -> memref<128xi32, #tpu.memory_space<vmem>>
      %dma_wait3A_195 = arith.constant 0 : i32
      %dma_wait3A_196 = arith.constant 0 : i32
      %dma_wait3A_197 = tpu.memref_slice %arg11[%dma_wait3A_195, %dma_wait3A_196] : memref<10240x128xf32, #tpu.memory_space<vmem_shared>> -> memref<10240x128xf32, #tpu.memory_space<vmem_shared>>
      tpu.wait_indirect_dma semaphore(%arg17 : memref<!tpu.dma_semaphore, #tpu.memory_space<semaphore_mem>>) src(%arg10 : memref<128x128xf32, #tpu.memory_space<vmem>>) dst(%dma_wait3A_197 : memref<10240x128xf32, #tpu.memory_space<vmem_shared>>)
      %add3A_198 = arith.constant 5 : i32
      %add3A_199 = arith.addi %mul3A_36, %add3A_198 : i32
      %dma_start3A_200 = arith.constant 0 : i32
      %dma_start3A_201 = tpu.memref_slice %arg7[%add3A_199, %dma_start3A_200] : memref<16x128xi32, #tpu.memory_space<vmem>> -> memref<1x128xi32, #tpu.memory_space<vmem>>
      %dma_start3A_202 = tpu.memref_squeeze %dma_start3A_201 : memref<1x128xi32, #tpu.memory_space<vmem>> -> memref<128xi32, #tpu.memory_space<vmem>>
      %dma_start3A_203 = arith.constant 0 : i32
      %dma_start3A_204 = arith.constant 0 : i32
      %dma_start3A_205 = tpu.memref_slice %arg2[%dma_start3A_203, %dma_start3A_204] : memref<10240x128xf32, #tpu.memory_space<hbm>> -> memref<10240x128xf32, #tpu.memory_space<hbm>>
      tpu.enqueue_indirect_dma source(%dma_start3A_205 : memref<10240x128xf32, #tpu.memory_space<hbm>>) target(%arg10 : memref<128x128xf32, #tpu.memory_space<vmem>>) offsets(%dma_start3A_202 : memref<128xi32, #tpu.memory_space<vmem>>) semaphore(%arg15 : memref<!tpu.dma_semaphore, #tpu.memory_space<semaphore_mem>>)
      %dma_wait3A_206 = arith.constant 0 : i32
      %dma_wait3A_207 = tpu.memref_slice %arg7[%add3A_199, %dma_wait3A_206] : memref<16x128xi32, #tpu.memory_space<vmem>> -> memref<1x128xi32, #tpu.memory_space<vmem>>
      %dma_wait3A_208 = tpu.memref_squeeze %dma_wait3A_207 : memref<1x128xi32, #tpu.memory_space<vmem>> -> memref<128xi32, #tpu.memory_space<vmem>>
      %dma_wait3A_209 = arith.constant 0 : i32
      %dma_wait3A_210 = arith.constant 0 : i32
      %dma_wait3A_211 = tpu.memref_slice %arg2[%dma_wait3A_209, %dma_wait3A_210] : memref<10240x128xf32, #tpu.memory_space<hbm>> -> memref<10240x128xf32, #tpu.memory_space<hbm>>
      tpu.wait_indirect_dma semaphore(%arg15 : memref<!tpu.dma_semaphore, #tpu.memory_space<semaphore_mem>>) src(%dma_wait3A_211 : memref<10240x128xf32, #tpu.memory_space<hbm>>) dst(%arg10 : memref<128x128xf32, #tpu.memory_space<vmem>>)
      %add3A_212 = arith.constant 5 : i32
      %add3A_213 = arith.addi %mul3A_36, %add3A_212 : i32
      %dma_start3A_214 = arith.constant 0 : i32
      %dma_start3A_215 = tpu.memref_slice %arg8[%add3A_213, %dma_start3A_214] : memref<16x128xi32, #tpu.memory_space<vmem>> -> memref<1x128xi32, #tpu.memory_space<vmem>>
      %dma_start3A_216 = tpu.memref_squeeze %dma_start3A_215 : memref<1x128xi32, #tpu.memory_space<vmem>> -> memref<128xi32, #tpu.memory_space<vmem>>
      %dma_start3A_217 = arith.constant 0 : i32
      %dma_start3A_218 = arith.constant 0 : i32
      %dma_start3A_219 = tpu.memref_slice %arg11[%dma_start3A_217, %dma_start3A_218] : memref<10240x128xf32, #tpu.memory_space<vmem_shared>> -> memref<10240x128xf32, #tpu.memory_space<vmem_shared>>
      tpu.enqueue_indirect_dma source(%arg10 : memref<128x128xf32, #tpu.memory_space<vmem>>) target(%dma_start3A_219 : memref<10240x128xf32, #tpu.memory_space<vmem_shared>>) offsets(%dma_start3A_216 : memref<128xi32, #tpu.memory_space<vmem>>) semaphore(%arg17 : memref<!tpu.dma_semaphore, #tpu.memory_space<semaphore_mem>>) {add = true}
      %dma_wait3A_220 = arith.constant 0 : i32
      %dma_wait3A_221 = tpu.memref_slice %arg8[%add3A_185, %dma_wait3A_220] : memref<16x128xi32, #tpu.memory_space<vmem>> -> memref<1x128xi32, #tpu.memory_space<vmem>>
      %dma_wait3A_222 = tpu.memref_squeeze %dma_wait3A_221 : memref<1x128xi32, #tpu.memory_space<vmem>> -> memref<128xi32, #tpu.memory_space<vmem>>
      %dma_wait3A_223 = arith.constant 0 : i32
      %dma_wait3A_224 = arith.constant 0 : i32
      %dma_wait3A_225 = tpu.memref_slice %arg11[%dma_wait3A_223, %dma_wait3A_224] : memref<10240x128xf32, #tpu.memory_space<vmem_shared>> -> memref<10240x128xf32, #tpu.memory_space<vmem_shared>>
      tpu.wait_indirect_dma semaphore(%arg16 : memref<!tpu.dma_semaphore, #tpu.memory_space<semaphore_mem>>) src(%arg9 : memref<128x128xf32, #tpu.memory_space<vmem>>) dst(%dma_wait3A_225 : memref<10240x128xf32, #tpu.memory_space<vmem_shared>>)
      %add3A_226 = arith.constant 6 : i32
      %add3A_227 = arith.addi %mul3A_36, %add3A_226 : i32
      %dma_start3A_228 = arith.constant 0 : i32
      %dma_start3A_229 = tpu.memref_slice %arg7[%add3A_227, %dma_start3A_228] : memref<16x128xi32, #tpu.memory_space<vmem>> -> memref<1x128xi32, #tpu.memory_space<vmem>>
      %dma_start3A_230 = tpu.memref_squeeze %dma_start3A_229 : memref<1x128xi32, #tpu.memory_space<vmem>> -> memref<128xi32, #tpu.memory_space<vmem>>
      %dma_start3A_231 = arith.constant 0 : i32
      %dma_start3A_232 = arith.constant 0 : i32
      %dma_start3A_233 = tpu.memref_slice %arg2[%dma_start3A_231, %dma_start3A_232] : memref<10240x128xf32, #tpu.memory_space<hbm>> -> memref<10240x128xf32, #tpu.memory_space<hbm>>
      tpu.enqueue_indirect_dma source(%dma_start3A_233 : memref<10240x128xf32, #tpu.memory_space<hbm>>) target(%arg9 : memref<128x128xf32, #tpu.memory_space<vmem>>) offsets(%dma_start3A_230 : memref<128xi32, #tpu.memory_space<vmem>>) semaphore(%arg14 : memref<!tpu.dma_semaphore, #tpu.memory_space<semaphore_mem>>)
      %dma_wait3A_234 = arith.constant 0 : i32
      %dma_wait3A_235 = tpu.memref_slice %arg7[%add3A_227, %dma_wait3A_234] : memref<16x128xi32, #tpu.memory_space<vmem>> -> memref<1x128xi32, #tpu.memory_space<vmem>>
      %dma_wait3A_236 = tpu.memref_squeeze %dma_wait3A_235 : memref<1x128xi32, #tpu.memory_space<vmem>> -> memref<128xi32, #tpu.memory_space<vmem>>
      %dma_wait3A_237 = arith.constant 0 : i32
      %dma_wait3A_238 = arith.constant 0 : i32
      %dma_wait3A_239 = tpu.memref_slice %arg2[%dma_wait3A_237, %dma_wait3A_238] : memref<10240x128xf32, #tpu.memory_space<hbm>> -> memref<10240x128xf32, #tpu.memory_space<hbm>>
      tpu.wait_indirect_dma semaphore(%arg14 : memref<!tpu.dma_semaphore, #tpu.memory_space<semaphore_mem>>) src(%dma_wait3A_239 : memref<10240x128xf32, #tpu.memory_space<hbm>>) dst(%arg9 : memref<128x128xf32, #tpu.memory_space<vmem>>)
      %add3A_240 = arith.constant 6 : i32
      %add3A_241 = arith.addi %mul3A_36, %add3A_240 : i32
      %dma_start3A_242 = arith.constant 0 : i32
      %dma_start3A_243 = tpu.memref_slice %arg8[%add3A_241, %dma_start3A_242] : memref<16x128xi32, #tpu.memory_space<vmem>> -> memref<1x128xi32, #tpu.memory_space<vmem>>
      %dma_start3A_244 = tpu.memref_squeeze %dma_start3A_243 : memref<1x128xi32, #tpu.memory_space<vmem>> -> memref<128xi32, #tpu.memory_space<vmem>>
      %dma_start3A_245 = arith.constant 0 : i32
      %dma_start3A_246 = arith.constant 0 : i32
      %dma_start3A_247 = tpu.memref_slice %arg11[%dma_start3A_245, %dma_start3A_246] : memref<10240x128xf32, #tpu.memory_space<vmem_shared>> -> memref<10240x128xf32, #tpu.memory_space<vmem_shared>>
      tpu.enqueue_indirect_dma source(%arg9 : memref<128x128xf32, #tpu.memory_space<vmem>>) target(%dma_start3A_247 : memref<10240x128xf32, #tpu.memory_space<vmem_shared>>) offsets(%dma_start3A_244 : memref<128xi32, #tpu.memory_space<vmem>>) semaphore(%arg16 : memref<!tpu.dma_semaphore, #tpu.memory_space<semaphore_mem>>) {add = true}
      %dma_wait3A_248 = arith.constant 0 : i32
      %dma_wait3A_249 = tpu.memref_slice %arg8[%add3A_213, %dma_wait3A_248] : memref<16x128xi32, #tpu.memory_space<vmem>> -> memref<1x128xi32, #tpu.memory_space<vmem>>
      %dma_wait3A_250 = tpu.memref_squeeze %dma_wait3A_249 : memref<1x128xi32, #tpu.memory_space<vmem>> -> memref<128xi32, #tpu.memory_space<vmem>>
      %dma_wait3A_251 = arith.constant 0 : i32
      %dma_wait3A_252 = arith.constant 0 : i32
      %dma_wait3A_253 = tpu.memref_slice %arg11[%dma_wait3A_251, %dma_wait3A_252] : memref<10240x128xf32, #tpu.memory_space<vmem_shared>> -> memref<10240x128xf32, #tpu.memory_space<vmem_shared>>
      tpu.wait_indirect_dma semaphore(%arg17 : memref<!tpu.dma_semaphore, #tpu.memory_space<semaphore_mem>>) src(%arg10 : memref<128x128xf32, #tpu.memory_space<vmem>>) dst(%dma_wait3A_253 : memref<10240x128xf32, #tpu.memory_space<vmem_shared>>)
      %add3A_254 = arith.constant 7 : i32
      %add3A_255 = arith.addi %mul3A_36, %add3A_254 : i32
      %dma_start3A_256 = arith.constant 0 : i32
      %dma_start3A_257 = tpu.memref_slice %arg7[%add3A_255, %dma_start3A_256] : memref<16x128xi32, #tpu.memory_space<vmem>> -> memref<1x128xi32, #tpu.memory_space<vmem>>
      %dma_start3A_258 = tpu.memref_squeeze %dma_start3A_257 : memref<1x128xi32, #tpu.memory_space<vmem>> -> memref<128xi32, #tpu.memory_space<vmem>>
      %dma_start3A_259 = arith.constant 0 : i32
      %dma_start3A_260 = arith.constant 0 : i32
      %dma_start3A_261 = tpu.memref_slice %arg2[%dma_start3A_259, %dma_start3A_260] : memref<10240x128xf32, #tpu.memory_space<hbm>> -> memref<10240x128xf32, #tpu.memory_space<hbm>>
      tpu.enqueue_indirect_dma source(%dma_start3A_261 : memref<10240x128xf32, #tpu.memory_space<hbm>>) target(%arg10 : memref<128x128xf32, #tpu.memory_space<vmem>>) offsets(%dma_start3A_258 : memref<128xi32, #tpu.memory_space<vmem>>) semaphore(%arg15 : memref<!tpu.dma_semaphore, #tpu.memory_space<semaphore_mem>>)
      %dma_wait3A_262 = arith.constant 0 : i32
      %dma_wait3A_263 = tpu.memref_slice %arg7[%add3A_255, %dma_wait3A_262] : memref<16x128xi32, #tpu.memory_space<vmem>> -> memref<1x128xi32, #tpu.memory_space<vmem>>
      %dma_wait3A_264 = tpu.memref_squeeze %dma_wait3A_263 : memref<1x128xi32, #tpu.memory_space<vmem>> -> memref<128xi32, #tpu.memory_space<vmem>>
      %dma_wait3A_265 = arith.constant 0 : i32
      %dma_wait3A_266 = arith.constant 0 : i32
      %dma_wait3A_267 = tpu.memref_slice %arg2[%dma_wait3A_265, %dma_wait3A_266] : memref<10240x128xf32, #tpu.memory_space<hbm>> -> memref<10240x128xf32, #tpu.memory_space<hbm>>
      tpu.wait_indirect_dma semaphore(%arg15 : memref<!tpu.dma_semaphore, #tpu.memory_space<semaphore_mem>>) src(%dma_wait3A_267 : memref<10240x128xf32, #tpu.memory_space<hbm>>) dst(%arg10 : memref<128x128xf32, #tpu.memory_space<vmem>>)
      %add3A_268 = arith.constant 7 : i32
      %add3A_269 = arith.addi %mul3A_36, %add3A_268 : i32
      %dma_start3A_270 = arith.constant 0 : i32
      %dma_start3A_271 = tpu.memref_slice %arg8[%add3A_269, %dma_start3A_270] : memref<16x128xi32, #tpu.memory_space<vmem>> -> memref<1x128xi32, #tpu.memory_space<vmem>>
      %dma_start3A_272 = tpu.memref_squeeze %dma_start3A_271 : memref<1x128xi32, #tpu.memory_space<vmem>> -> memref<128xi32, #tpu.memory_space<vmem>>
      %dma_start3A_273 = arith.constant 0 : i32
      %dma_start3A_274 = arith.constant 0 : i32
      %dma_start3A_275 = tpu.memref_slice %arg11[%dma_start3A_273, %dma_start3A_274] : memref<10240x128xf32, #tpu.memory_space<vmem_shared>> -> memref<10240x128xf32, #tpu.memory_space<vmem_shared>>
      tpu.enqueue_indirect_dma source(%arg10 : memref<128x128xf32, #tpu.memory_space<vmem>>) target(%dma_start3A_275 : memref<10240x128xf32, #tpu.memory_space<vmem_shared>>) offsets(%dma_start3A_272 : memref<128xi32, #tpu.memory_space<vmem>>) semaphore(%arg17 : memref<!tpu.dma_semaphore, #tpu.memory_space<semaphore_mem>>) {add = true}
      %dma_wait3A_276 = arith.constant 0 : i32
      %dma_wait3A_277 = tpu.memref_slice %arg8[%add3A_241, %dma_wait3A_276] : memref<16x128xi32, #tpu.memory_space<vmem>> -> memref<1x128xi32, #tpu.memory_space<vmem>>
      %dma_wait3A_278 = tpu.memref_squeeze %dma_wait3A_277 : memref<1x128xi32, #tpu.memory_space<vmem>> -> memref<128xi32, #tpu.memory_space<vmem>>
      %dma_wait3A_279 = arith.constant 0 : i32
      %dma_wait3A_280 = arith.constant 0 : i32
      %dma_wait3A_281 = tpu.memref_slice %arg11[%dma_wait3A_279, %dma_wait3A_280] : memref<10240x128xf32, #tpu.memory_space<vmem_shared>> -> memref<10240x128xf32, #tpu.memory_space<vmem_shared>>
      tpu.wait_indirect_dma semaphore(%arg16 : memref<!tpu.dma_semaphore, #tpu.memory_space<semaphore_mem>>) src(%arg9 : memref<128x128xf32, #tpu.memory_space<vmem>>) dst(%dma_wait3A_281 : memref<10240x128xf32, #tpu.memory_space<vmem_shared>>)
      %dma_wait3A_282 = arith.constant 0 : i32
      %dma_wait3A_283 = tpu.memref_slice %arg8[%add3A_269, %dma_wait3A_282] : memref<16x128xi32, #tpu.memory_space<vmem>> -> memref<1x128xi32, #tpu.memory_space<vmem>>
      %dma_wait3A_284 = tpu.memref_squeeze %dma_wait3A_283 : memref<1x128xi32, #tpu.memory_space<vmem>> -> memref<128xi32, #tpu.memory_space<vmem>>
      %dma_wait3A_285 = arith.constant 0 : i32
      %dma_wait3A_286 = arith.constant 0 : i32
      %dma_wait3A_287 = tpu.memref_slice %arg11[%dma_wait3A_285, %dma_wait3A_286] : memref<10240x128xf32, #tpu.memory_space<vmem_shared>> -> memref<10240x128xf32, #tpu.memory_space<vmem_shared>>
      tpu.wait_indirect_dma semaphore(%arg17 : memref<!tpu.dma_semaphore, #tpu.memory_space<semaphore_mem>>) src(%arg10 : memref<128x128xf32, #tpu.memory_space<vmem>>) dst(%dma_wait3A_287 : memref<10240x128xf32, #tpu.memory_space<vmem_shared>>)
      %dma_wait3A_288 = arith.constant 0 : i32
      %dma_wait3A_289 = tpu.memref_slice %arg7[%mul3A_44, %dma_wait3A_288] : memref<16x128xi32, #tpu.memory_space<vmem>> -> memref<8x128xi32, #tpu.memory_space<vmem>>
      %dma_wait3A_290 = arith.constant 0 : i32
      %dma_wait3A_291 = tpu.memref_slice %arg3[%add3A_42, %dma_wait3A_290] : memref<2568x128xi32, #tpu.memory_space<hbm>> -> memref<8x128xi32, #tpu.memory_space<hbm>>
      %dma_wait3A_292 = arith.constant 0 : i32
      %dma_wait3A_293 = tpu.memref_slice %arg7[%mul3A_44, %dma_wait3A_292] : memref<16x128xi32, #tpu.memory_space<vmem>> -> memref<8x128xi32, #tpu.memory_space<vmem>>
      %dma_wait3A_294 = arith.constant 0 : i32
      %dma_wait3A_295 = tpu.memref_slice %arg3[%add3A_42, %dma_wait3A_294] : memref<2568x128xi32, #tpu.memory_space<hbm>> -> memref<8x128xi32, #tpu.memory_space<hbm>>
      tpu.wait_dma2 semaphore(%arg12 : memref<!tpu.dma_semaphore, #tpu.memory_space<semaphore_mem>>) src(%dma_wait3A_295 : memref<8x128xi32, #tpu.memory_space<hbm>>) dst(%dma_wait3A_293 : memref<8x128xi32, #tpu.memory_space<vmem>>)
      %dma_wait3A_296 = arith.constant 0 : i32
      %dma_wait3A_297 = tpu.memref_slice %arg8[%mul3A_56, %dma_wait3A_296] : memref<16x128xi32, #tpu.memory_space<vmem>> -> memref<8x128xi32, #tpu.memory_space<vmem>>
      %dma_wait3A_298 = arith.constant 0 : i32
      %dma_wait3A_299 = tpu.memref_slice %arg4[%add3A_54, %dma_wait3A_298] : memref<2568x128xi32, #tpu.memory_space<hbm>> -> memref<8x128xi32, #tpu.memory_space<hbm>>
      %dma_wait3A_300 = arith.constant 0 : i32
      %dma_wait3A_301 = tpu.memref_slice %arg8[%mul3A_56, %dma_wait3A_300] : memref<16x128xi32, #tpu.memory_space<vmem>> -> memref<8x128xi32, #tpu.memory_space<vmem>>
      %dma_wait3A_302 = arith.constant 0 : i32
      %dma_wait3A_303 = tpu.memref_slice %arg4[%add3A_54, %dma_wait3A_302] : memref<2568x128xi32, #tpu.memory_space<hbm>> -> memref<8x128xi32, #tpu.memory_space<hbm>>
      tpu.wait_dma2 semaphore(%arg13 : memref<!tpu.dma_semaphore, #tpu.memory_space<semaphore_mem>>) src(%dma_wait3A_303 : memref<8x128xi32, #tpu.memory_space<hbm>>) dst(%dma_wait3A_301 : memref<8x128xi32, #tpu.memory_space<vmem>>)
    }
    %barrier3A_25 = arith.constant 0 : index
    tpu.barrier barrier_id(%barrier3A_25)
    %scan3A_26 = arith.constant 0 : i32
    %scan3A_27 = arith.constant 0 : i32
    %scan3A_28 = arith.constant 5 : i32
    %scan3A_29 = arith.addi %scan3A_27, %scan3A_28 : i32
    %scan3A_30 = arith.constant 1 : i32
    scf.for %scan3A_32 = %scan3A_27 to %scan3A_29 step %scan3A_30  : i32 {
      %mul3A_33 = arith.constant 128 : i32
      %mul3A_34 = arith.muli %scan3A_32, %mul3A_33 : i32
      %add3A_35 = arith.addi %mul3A_0, %mul3A_34 : i32
      "tpu.region"() ({
        %run_scoped3A = tpu.sem_alloc : memref<!tpu.dma_semaphore, #tpu.memory_space<semaphore_mem>>
        %dma_start3A = arith.constant 0 : i32
        %dma_start3A_42 = tpu.memref_slice %arg11[%add3A_35, %dma_start3A] : memref<10240x128xf32, #tpu.memory_space<vmem_shared>> -> memref<128x128xf32, #tpu.memory_space<vmem_shared>>
        %dma_start3A_43 = arith.constant 0 : i32
        %dma_start3A_44 = tpu.memref_slice %arg11[%add3A_35, %dma_start3A_43] : memref<10240x128xf32, #tpu.memory_space<vmem_shared>> -> memref<128x128xf32, #tpu.memory_space<vmem_shared>>
        tpu.enqueue_dma source(%dma_start3A_44 : memref<128x128xf32, #tpu.memory_space<vmem_shared>>) target(%arg9 : memref<128x128xf32, #tpu.memory_space<vmem>>) target_semaphore(%run_scoped3A : memref<!tpu.dma_semaphore, #tpu.memory_space<semaphore_mem>>)
        %dma_wait3A = arith.constant 0 : i32
        %dma_wait3A_45 = tpu.memref_slice %arg11[%add3A_35, %dma_wait3A] : memref<10240x128xf32, #tpu.memory_space<vmem_shared>> -> memref<128x128xf32, #tpu.memory_space<vmem_shared>>
        %dma_wait3A_46 = arith.constant 0 : i32
        %dma_wait3A_47 = tpu.memref_slice %arg11[%add3A_35, %dma_wait3A_46] : memref<10240x128xf32, #tpu.memory_space<vmem_shared>> -> memref<128x128xf32, #tpu.memory_space<vmem_shared>>
        tpu.wait_dma2 semaphore(%run_scoped3A : memref<!tpu.dma_semaphore, #tpu.memory_space<semaphore_mem>>) src(%dma_wait3A_47 : memref<128x128xf32, #tpu.memory_space<vmem_shared>>) dst(%arg9 : memref<128x128xf32, #tpu.memory_space<vmem>>)
        tpu.yield
      }) : () -> ()
      %mul3A_36 = arith.constant 10240 : i32
      %mul3A_37 = arith.muli %arg0, %mul3A_36 : i32
      %add3A_38 = arith.addi %mul3A_37, %mul3A_0 : i32
      %mul3A_39 = arith.constant 128 : i32
      %mul3A_40 = arith.muli %scan3A_32, %mul3A_39 : i32
      %add3A_41 = arith.addi %add3A_38, %mul3A_40 : i32
      "tpu.region"() ({
        %run_scoped3A = tpu.sem_alloc : memref<!tpu.dma_semaphore, #tpu.memory_space<semaphore_mem>>
        %dma_start3A = arith.constant 0 : i32
        %dma_start3A_42 = tpu.memref_slice %arg6[%add3A_41, %dma_start3A] : memref<20480x128xf32, #tpu.memory_space<hbm>> -> memref<128x128xf32, #tpu.memory_space<hbm>>
        %dma_start3A_43 = arith.constant 0 : i32
        %dma_start3A_44 = tpu.memref_slice %arg6[%add3A_41, %dma_start3A_43] : memref<20480x128xf32, #tpu.memory_space<hbm>> -> memref<128x128xf32, #tpu.memory_space<hbm>>
        tpu.enqueue_dma source(%arg9 : memref<128x128xf32, #tpu.memory_space<vmem>>) target(%dma_start3A_44 : memref<128x128xf32, #tpu.memory_space<hbm>>) target_semaphore(%run_scoped3A : memref<!tpu.dma_semaphore, #tpu.memory_space<semaphore_mem>>)
        %dma_wait3A = arith.constant 0 : i32
        %dma_wait3A_45 = tpu.memref_slice %arg6[%add3A_41, %dma_wait3A] : memref<20480x128xf32, #tpu.memory_space<hbm>> -> memref<128x128xf32, #tpu.memory_space<hbm>>
        %dma_wait3A_46 = arith.constant 0 : i32
        %dma_wait3A_47 = tpu.memref_slice %arg6[%add3A_41, %dma_wait3A_46] : memref<20480x128xf32, #tpu.memory_space<hbm>> -> memref<128x128xf32, #tpu.memory_space<hbm>>
        tpu.wait_dma2 semaphore(%run_scoped3A : memref<!tpu.dma_semaphore, #tpu.memory_space<semaphore_mem>>) src(%arg9 : memref<128x128xf32, #tpu.memory_space<vmem>>) dst(%dma_wait3A_47 : memref<128x128xf32, #tpu.memory_space<hbm>>)
        tpu.yield
      }) : () -> ()
    }
    %scan3A_31 = arith.constant 5 : i32
    return
  }
}

#map = affine_map<(d0, d1) -> (0, 0)>
module attributes {stable_mosaic.version = 14 : i64} {
  func.func @segsum(%arg0: i32, %arg1: i32, %arg2: memref<10240x128xf32, #tpu.memory_space<hbm>>, %arg3: memref<2568x128xi32, #tpu.memory_space<hbm>>, %arg4: memref<2568x128xi32, #tpu.memory_space<hbm>>, %arg5: memref<128x128xf32, #tpu.memory_space<hbm>>, %arg6: memref<20480x128xf32, #tpu.memory_space<hbm>>, %arg7: memref<16x128xi32, #tpu.memory_space<vmem>>, %arg8: memref<16x128xi32, #tpu.memory_space<vmem>>, %arg9: memref<128x128xf32, #tpu.memory_space<vmem>>, %arg10: memref<128x128xf32, #tpu.memory_space<vmem>>, %arg11: memref<10240x128xf32, #tpu.memory_space<vmem_shared>>, %arg12: memref<!tpu.dma_semaphore, #tpu.memory_space<semaphore_mem>>, %arg13: memref<!tpu.dma_semaphore, #tpu.memory_space<semaphore_mem>>, %arg14: memref<!tpu.dma_semaphore, #tpu.memory_space<semaphore_mem>>, %arg15: memref<!tpu.dma_semaphore, #tpu.memory_space<semaphore_mem>>, %arg16: memref<!tpu.dma_semaphore, #tpu.memory_space<semaphore_mem>>, %arg17: memref<!tpu.dma_semaphore, #tpu.memory_space<semaphore_mem>>) attributes {dimension_semantics = [#tpu.dimension_semantics<core_parallel>, #tpu.dimension_semantics<subcore_parallel>], iteration_bounds = array<i64: 2, 16>, scalar_prefetch = 0 : i64, scratch_operands = 11 : i64, tpu.core_type = #tpu.core_type<sc_vector_subcore>, window_params = [{transform_indices = #map}, {transform_indices = #map}, {transform_indices = #map}, {transform_indices = #map}, {transform_indices = #map}]} {
    %mul3A = arith.constant 640 : i32
    %mul3A_0 = arith.muli %arg1, %mul3A : i32
    %eq3A = arith.constant 0 : i32
    %eq3A_1 = arith.cmpi eq, %arg0, %eq3A : i32
    %jit3A = arith.constant 15 : i32
    %jit3A_2 = arith.constant 5 : i32
    %select_n3A = arith.select %eq3A_1, %jit3A, %jit3A_2 : i32
    %eq3A_3 = arith.constant 0 : i32
    %eq3A_4 = arith.cmpi eq, %arg0, %eq3A_3 : i32
    %mul3A_5 = arith.constant 120 : i32
    %mul3A_6 = arith.muli %arg1, %mul3A_5 : i32
    %mul3A_7 = arith.constant 40 : i32
    %mul3A_8 = arith.muli %arg1, %mul3A_7 : i32
    %add3A = arith.constant 1920 : i32
    %add3A_9 = arith.addi %add3A, %mul3A_8 : i32
    %select_n3A_10 = arith.select %eq3A_4, %mul3A_6, %add3A_9 : i32
    "tpu.region"() ({
      %run_scoped3A = tpu.sem_alloc : memref<!tpu.dma_semaphore, #tpu.memory_space<semaphore_mem>>
      tpu.enqueue_dma source(%arg5 : memref<128x128xf32, #tpu.memory_space<hbm>>) target(%arg9 : memref<128x128xf32, #tpu.memory_space<vmem>>) target_semaphore(%run_scoped3A : memref<!tpu.dma_semaphore, #tpu.memory_space<semaphore_mem>>)
      tpu.wait_dma2 semaphore(%run_scoped3A : memref<!tpu.dma_semaphore, #tpu.memory_space<semaphore_mem>>) src(%arg5 : memref<128x128xf32, #tpu.memory_space<hbm>>) dst(%arg9 : memref<128x128xf32, #tpu.memory_space<vmem>>)
      tpu.yield
    }) : () -> ()
    %scan3A = arith.constant 0 : i32
    %scan3A_11 = arith.constant 0 : i32
    %scan3A_12 = arith.constant 5 : i32
    %scan3A_13 = arith.addi %scan3A_11, %scan3A_12 : i32
    %scan3A_14 = arith.constant 1 : i32
    scf.for %scan3A_32 = %scan3A_11 to %scan3A_13 step %scan3A_14  : i32 {
      %mul3A_33 = arith.constant 128 : i32
      %mul3A_34 = arith.muli %scan3A_32, %mul3A_33 : i32
      %add3A_35 = arith.addi %mul3A_0, %mul3A_34 : i32
      "tpu.region"() ({
        %run_scoped3A = tpu.sem_alloc : memref<!tpu.dma_semaphore, #tpu.memory_space<semaphore_mem>>
        %dma_start3A = arith.constant 0 : i32
        %dma_start3A_36 = tpu.memref_slice %arg11[%add3A_35, %dma_start3A] : memref<10240x128xf32, #tpu.memory_space<vmem_shared>> -> memref<128x128xf32, #tpu.memory_space<vmem_shared>>
        %dma_start3A_37 = arith.constant 0 : i32
        %dma_start3A_38 = tpu.memref_slice %arg11[%add3A_35, %dma_start3A_37] : memref<10240x128xf32, #tpu.memory_space<vmem_shared>> -> memref<128x128xf32, #tpu.memory_space<vmem_shared>>
        tpu.enqueue_dma source(%arg9 : memref<128x128xf32, #tpu.memory_space<vmem>>) target(%dma_start3A_38 : memref<128x128xf32, #tpu.memory_space<vmem_shared>>) target_semaphore(%run_scoped3A : memref<!tpu.dma_semaphore, #tpu.memory_space<semaphore_mem>>)
        %dma_wait3A = arith.constant 0 : i32
        %dma_wait3A_39 = tpu.memref_slice %arg11[%add3A_35, %dma_wait3A] : memref<10240x128xf32, #tpu.memory_space<vmem_shared>> -> memref<128x128xf32, #tpu.memory_space<vmem_shared>>
        %dma_wait3A_40 = arith.constant 0 : i32
        %dma_wait3A_41 = tpu.memref_slice %arg11[%add3A_35, %dma_wait3A_40] : memref<10240x128xf32, #tpu.memory_space<vmem_shared>> -> memref<128x128xf32, #tpu.memory_space<vmem_shared>>
        tpu.wait_dma2 semaphore(%run_scoped3A : memref<!tpu.dma_semaphore, #tpu.memory_space<semaphore_mem>>) src(%arg9 : memref<128x128xf32, #tpu.memory_space<vmem>>) dst(%dma_wait3A_41 : memref<128x128xf32, #tpu.memory_space<vmem_shared>>)
        tpu.yield
      }) : () -> ()
    }
    %scan3A_15 = arith.constant 5 : i32
    "tpu.region"() ({
      %run_scoped3A = tpu.sem_alloc : memref<!tpu.dma_semaphore, #tpu.memory_space<semaphore_mem>>
      %dma_start3A = arith.constant 0 : i32
      %dma_start3A_32 = arith.constant 0 : i32
      %dma_start3A_33 = tpu.memref_slice %arg7[%dma_start3A, %dma_start3A_32] : memref<16x128xi32, #tpu.memory_space<vmem>> -> memref<8x128xi32, #tpu.memory_space<vmem>>
      %dma_start3A_34 = arith.constant 0 : i32
      %dma_start3A_35 = tpu.memref_slice %arg3[%select_n3A_10, %dma_start3A_34] : memref<2568x128xi32, #tpu.memory_space<hbm>> -> memref<8x128xi32, #tpu.memory_space<hbm>>
      %dma_start3A_36 = arith.constant 0 : i32
      %dma_start3A_37 = arith.constant 0 : i32
      %dma_start3A_38 = tpu.memref_slice %arg7[%dma_start3A_36, %dma_start3A_37] : memref<16x128xi32, #tpu.memory_space<vmem>> -> memref<8x128xi32, #tpu.memory_space<vmem>>
      %dma_start3A_39 = arith.constant 0 : i32
      %dma_start3A_40 = tpu.memref_slice %arg3[%select_n3A_10, %dma_start3A_39] : memref<2568x128xi32, #tpu.memory_space<hbm>> -> memref<8x128xi32, #tpu.memory_space<hbm>>
      tpu.enqueue_dma source(%dma_start3A_40 : memref<8x128xi32, #tpu.memory_space<hbm>>) target(%dma_start3A_38 : memref<8x128xi32, #tpu.memory_space<vmem>>) target_semaphore(%run_scoped3A : memref<!tpu.dma_semaphore, #tpu.memory_space<semaphore_mem>>)
      %dma_wait3A = arith.constant 0 : i32
      %dma_wait3A_41 = arith.constant 0 : i32
      %dma_wait3A_42 = tpu.memref_slice %arg7[%dma_wait3A, %dma_wait3A_41] : memref<16x128xi32, #tpu.memory_space<vmem>> -> memref<8x128xi32, #tpu.memory_space<vmem>>
      %dma_wait3A_43 = arith.constant 0 : i32
      %dma_wait3A_44 = tpu.memref_slice %arg3[%select_n3A_10, %dma_wait3A_43] : memref<2568x128xi32, #tpu.memory_space<hbm>> -> memref<8x128xi32, #tpu.memory_space<hbm>>
      %dma_wait3A_45 = arith.constant 0 : i32
      %dma_wait3A_46 = arith.constant 0 : i32
      %dma_wait3A_47 = tpu.memref_slice %arg7[%dma_wait3A_45, %dma_wait3A_46] : memref<16x128xi32, #tpu.memory_space<vmem>> -> memref<8x128xi32, #tpu.memory_space<vmem>>
      %dma_wait3A_48 = arith.constant 0 : i32
      %dma_wait3A_49 = tpu.memref_slice %arg3[%select_n3A_10, %dma_wait3A_48] : memref<2568x128xi32, #tpu.memory_space<hbm>> -> memref<8x128xi32, #tpu.memory_space<hbm>>
      tpu.wait_dma2 semaphore(%run_scoped3A : memref<!tpu.dma_semaphore, #tpu.memory_space<semaphore_mem>>) src(%dma_wait3A_49 : memref<8x128xi32, #tpu.memory_space<hbm>>) dst(%dma_wait3A_47 : memref<8x128xi32, #tpu.memory_space<vmem>>)
      tpu.yield
    }) : () -> ()
    "tpu.region"() ({
      %run_scoped3A = tpu.sem_alloc : memref<!tpu.dma_semaphore, #tpu.memory_space<semaphore_mem>>
      %dma_start3A = arith.constant 0 : i32
      %dma_start3A_32 = arith.constant 0 : i32
      %dma_start3A_33 = tpu.memref_slice %arg8[%dma_start3A, %dma_start3A_32] : memref<16x128xi32, #tpu.memory_space<vmem>> -> memref<8x128xi32, #tpu.memory_space<vmem>>
      %dma_start3A_34 = arith.constant 0 : i32
      %dma_start3A_35 = tpu.memref_slice %arg4[%select_n3A_10, %dma_start3A_34] : memref<2568x128xi32, #tpu.memory_space<hbm>> -> memref<8x128xi32, #tpu.memory_space<hbm>>
      %dma_start3A_36 = arith.constant 0 : i32
      %dma_start3A_37 = arith.constant 0 : i32
      %dma_start3A_38 = tpu.memref_slice %arg8[%dma_start3A_36, %dma_start3A_37] : memref<16x128xi32, #tpu.memory_space<vmem>> -> memref<8x128xi32, #tpu.memory_space<vmem>>
      %dma_start3A_39 = arith.constant 0 : i32
      %dma_start3A_40 = tpu.memref_slice %arg4[%select_n3A_10, %dma_start3A_39] : memref<2568x128xi32, #tpu.memory_space<hbm>> -> memref<8x128xi32, #tpu.memory_space<hbm>>
      tpu.enqueue_dma source(%dma_start3A_40 : memref<8x128xi32, #tpu.memory_space<hbm>>) target(%dma_start3A_38 : memref<8x128xi32, #tpu.memory_space<vmem>>) target_semaphore(%run_scoped3A : memref<!tpu.dma_semaphore, #tpu.memory_space<semaphore_mem>>)
      %dma_wait3A = arith.constant 0 : i32
      %dma_wait3A_41 = arith.constant 0 : i32
      %dma_wait3A_42 = tpu.memref_slice %arg8[%dma_wait3A, %dma_wait3A_41] : memref<16x128xi32, #tpu.memory_space<vmem>> -> memref<8x128xi32, #tpu.memory_space<vmem>>
      %dma_wait3A_43 = arith.constant 0 : i32
      %dma_wait3A_44 = tpu.memref_slice %arg4[%select_n3A_10, %dma_wait3A_43] : memref<2568x128xi32, #tpu.memory_space<hbm>> -> memref<8x128xi32, #tpu.memory_space<hbm>>
      %dma_wait3A_45 = arith.constant 0 : i32
      %dma_wait3A_46 = arith.constant 0 : i32
      %dma_wait3A_47 = tpu.memref_slice %arg8[%dma_wait3A_45, %dma_wait3A_46] : memref<16x128xi32, #tpu.memory_space<vmem>> -> memref<8x128xi32, #tpu.memory_space<vmem>>
      %dma_wait3A_48 = arith.constant 0 : i32
      %dma_wait3A_49 = tpu.memref_slice %arg4[%select_n3A_10, %dma_wait3A_48] : memref<2568x128xi32, #tpu.memory_space<hbm>> -> memref<8x128xi32, #tpu.memory_space<hbm>>
      tpu.wait_dma2 semaphore(%run_scoped3A : memref<!tpu.dma_semaphore, #tpu.memory_space<semaphore_mem>>) src(%dma_wait3A_49 : memref<8x128xi32, #tpu.memory_space<hbm>>) dst(%dma_wait3A_47 : memref<8x128xi32, #tpu.memory_space<vmem>>)
      tpu.yield
    }) : () -> ()
    %barrier3A = arith.constant 0 : index
    tpu.barrier barrier_id(%barrier3A)
    %while3A = arith.constant 0 : i32
    %while3A_16 = arith.constant 0 : i32
    %while3A_17 = arith.subi %select_n3A, %while3A_16 : i32
    %while3A_18 = arith.addi %while3A_16, %while3A_17 : i32
    %while3A_19 = arith.constant 1 : i32
    %while3A_20 = arith.divsi %while3A_17, %while3A_19 : i32
    %while3A_21 = arith.muli %while3A_20, %while3A_19 : i32
    %while3A_22 = arith.addi %while3A_16, %while3A_21 : i32
    %while3A_23 = arith.constant 1 : i32
    scf.for %while3A_32 = %while3A_16 to %while3A_22 step %while3A_23  : i32 {
      %rem3A = arith.constant 2 : i32
      %rem3A_33 = arith.remsi %while3A_32, %rem3A : i32
      %sub3A = arith.constant 1 : i32
      %sub3A_34 = arith.subi %sub3A, %rem3A_33 : i32
      %mul3A_35 = arith.constant 8 : i32
      %mul3A_36 = arith.muli %rem3A_33, %mul3A_35 : i32
      %add3A_37 = arith.constant 1 : i32
      %add3A_38 = arith.addi %while3A_32, %add3A_37 : i32
      %rem3A_39 = arith.remsi %add3A_38, %select_n3A : i32
      %mul3A_40 = arith.constant 8 : i32
      %mul3A_41 = arith.muli %rem3A_39, %mul3A_40 : i32
      %add3A_42 = arith.addi %select_n3A_10, %mul3A_41 : i32
      %mul3A_43 = arith.constant 8 : i32
      %mul3A_44 = arith.muli %sub3A_34, %mul3A_43 : i32
      %dma_start3A = arith.constant 0 : i32
      %dma_start3A_45 = tpu.memref_slice %arg7[%mul3A_44, %dma_start3A] : memref<16x128xi32, #tpu.memory_space<vmem>> -> memref<8x128xi32, #tpu.memory_space<vmem>>
      %dma_start3A_46 = arith.constant 0 : i32
      %dma_start3A_47 = tpu.memref_slice %arg3[%add3A_42, %dma_start3A_46] : memref<2568x128xi32, #tpu.memory_space<hbm>> -> memref<8x128xi32, #tpu.memory_space<hbm>>
      %dma_start3A_48 = arith.constant 0 : i32
      %dma_start3A_49 = tpu.memref_slice %arg7[%mul3A_44, %dma_start3A_48] : memref<16x128xi32, #tpu.memory_space<vmem>> -> memref<8x128xi32, #tpu.memory_space<vmem>>
      %dma_start3A_50 = arith.constant 0 : i32
      %dma_start3A_51 = tpu.memref_slice %arg3[%add3A_42, %dma_start3A_50] : memref<2568x128xi32, #tpu.memory_space<hbm>> -> memref<8x128xi32, #tpu.memory_space<hbm>>
      tpu.enqueue_dma source(%dma_start3A_51 : memref<8x128xi32, #tpu.memory_space<hbm>>) target(%dma_start3A_49 : memref<8x128xi32, #tpu.memory_space<vmem>>) target_semaphore(%arg12 : memref<!tpu.dma_semaphore, #tpu.memory_space<semaphore_mem>>)
      %mul3A_52 = arith.constant 8 : i32
      %mul3A_53 = arith.muli %rem3A_39, %mul3A_52 : i32
      %add3A_54 = arith.addi %select_n3A_10, %mul3A_53 : i32
      %mul3A_55 = arith.constant 8 : i32
      %mul3A_56 = arith.muli %sub3A_34, %mul3A_55 : i32
      %dma_start3A_57 = arith.constant 0 : i32
      %dma_start3A_58 = tpu.memref_slice %arg8[%mul3A_56, %dma_start3A_57] : memref<16x128xi32, #tpu.memory_space<vmem>> -> memref<8x128xi32, #tpu.memory_space<vmem>>
      %dma_start3A_59 = arith.constant 0 : i32
      %dma_start3A_60 = tpu.memref_slice %arg4[%add3A_54, %dma_start3A_59] : memref<2568x128xi32, #tpu.memory_space<hbm>> -> memref<8x128xi32, #tpu.memory_space<hbm>>
      %dma_start3A_61 = arith.constant 0 : i32
      %dma_start3A_62 = tpu.memref_slice %arg8[%mul3A_56, %dma_start3A_61] : memref<16x128xi32, #tpu.memory_space<vmem>> -> memref<8x128xi32, #tpu.memory_space<vmem>>
      %dma_start3A_63 = arith.constant 0 : i32
      %dma_start3A_64 = tpu.memref_slice %arg4[%add3A_54, %dma_start3A_63] : memref<2568x128xi32, #tpu.memory_space<hbm>> -> memref<8x128xi32, #tpu.memory_space<hbm>>
      tpu.enqueue_dma source(%dma_start3A_64 : memref<8x128xi32, #tpu.memory_space<hbm>>) target(%dma_start3A_62 : memref<8x128xi32, #tpu.memory_space<vmem>>) target_semaphore(%arg13 : memref<!tpu.dma_semaphore, #tpu.memory_space<semaphore_mem>>)
      %add3A_65 = arith.constant 0 : i32
      %add3A_66 = arith.addi %mul3A_36, %add3A_65 : i32
      %dma_start3A_67 = arith.constant 0 : i32
      %dma_start3A_68 = tpu.memref_slice %arg7[%add3A_66, %dma_start3A_67] : memref<16x128xi32, #tpu.memory_space<vmem>> -> memref<1x128xi32, #tpu.memory_space<vmem>>
      %dma_start3A_69 = tpu.memref_squeeze %dma_start3A_68 : memref<1x128xi32, #tpu.memory_space<vmem>> -> memref<128xi32, #tpu.memory_space<vmem>>
      %dma_start3A_70 = arith.constant 0 : i32
      %dma_start3A_71 = arith.constant 0 : i32
      %dma_start3A_72 = tpu.memref_slice %arg2[%dma_start3A_70, %dma_start3A_71] : memref<10240x128xf32, #tpu.memory_space<hbm>> -> memref<10240x128xf32, #tpu.memory_space<hbm>>
      tpu.enqueue_indirect_dma source(%dma_start3A_72 : memref<10240x128xf32, #tpu.memory_space<hbm>>) target(%arg9 : memref<128x128xf32, #tpu.memory_space<vmem>>) offsets(%dma_start3A_69 : memref<128xi32, #tpu.memory_space<vmem>>) semaphore(%arg14 : memref<!tpu.dma_semaphore, #tpu.memory_space<semaphore_mem>>)
      %dma_wait3A = arith.constant 0 : i32
      %dma_wait3A_73 = tpu.memref_slice %arg7[%add3A_66, %dma_wait3A] : memref<16x128xi32, #tpu.memory_space<vmem>> -> memref<1x128xi32, #tpu.memory_space<vmem>>
      %dma_wait3A_74 = tpu.memref_squeeze %dma_wait3A_73 : memref<1x128xi32, #tpu.memory_space<vmem>> -> memref<128xi32, #tpu.memory_space<vmem>>
      %dma_wait3A_75 = arith.constant 0 : i32
      %dma_wait3A_76 = arith.constant 0 : i32
      %dma_wait3A_77 = tpu.memref_slice %arg2[%dma_wait3A_75, %dma_wait3A_76] : memref<10240x128xf32, #tpu.memory_space<hbm>> -> memref<10240x128xf32, #tpu.memory_space<hbm>>
      tpu.wait_indirect_dma semaphore(%arg14 : memref<!tpu.dma_semaphore, #tpu.memory_space<semaphore_mem>>) src(%dma_wait3A_77 : memref<10240x128xf32, #tpu.memory_space<hbm>>) dst(%arg9 : memref<128x128xf32, #tpu.memory_space<vmem>>)
      %add3A_78 = arith.constant 0 : i32
      %add3A_79 = arith.addi %mul3A_36, %add3A_78 : i32
      %dma_start3A_80 = arith.constant 0 : i32
      %dma_start3A_81 = tpu.memref_slice %arg8[%add3A_79, %dma_start3A_80] : memref<16x128xi32, #tpu.memory_space<vmem>> -> memref<1x128xi32, #tpu.memory_space<vmem>>
      %dma_start3A_82 = tpu.memref_squeeze %dma_start3A_81 : memref<1x128xi32, #tpu.memory_space<vmem>> -> memref<128xi32, #tpu.memory_space<vmem>>
      %dma_start3A_83 = arith.constant 0 : i32
      %dma_start3A_84 = arith.constant 0 : i32
      %dma_start3A_85 = tpu.memref_slice %arg11[%dma_start3A_83, %dma_start3A_84] : memref<10240x128xf32, #tpu.memory_space<vmem_shared>> -> memref<10240x128xf32, #tpu.memory_space<vmem_shared>>
      tpu.enqueue_indirect_dma source(%arg9 : memref<128x128xf32, #tpu.memory_space<vmem>>) target(%dma_start3A_85 : memref<10240x128xf32, #tpu.memory_space<vmem_shared>>) offsets(%dma_start3A_82 : memref<128xi32, #tpu.memory_space<vmem>>) semaphore(%arg16 : memref<!tpu.dma_semaphore, #tpu.memory_space<semaphore_mem>>) {add = true}
      %add3A_86 = arith.constant 1 : i32
      %add3A_87 = arith.addi %mul3A_36, %add3A_86 : i32
      %dma_start3A_88 = arith.constant 0 : i32
      %dma_start3A_89 = tpu.memref_slice %arg7[%add3A_87, %dma_start3A_88] : memref<16x128xi32, #tpu.memory_space<vmem>> -> memref<1x128xi32, #tpu.memory_space<vmem>>
      %dma_start3A_90 = tpu.memref_squeeze %dma_start3A_89 : memref<1x128xi32, #tpu.memory_space<vmem>> -> memref<128xi32, #tpu.memory_space<vmem>>
      %dma_start3A_91 = arith.constant 0 : i32
      %dma_start3A_92 = arith.constant 0 : i32
      %dma_start3A_93 = tpu.memref_slice %arg2[%dma_start3A_91, %dma_start3A_92] : memref<10240x128xf32, #tpu.memory_space<hbm>> -> memref<10240x128xf32, #tpu.memory_space<hbm>>
      tpu.enqueue_indirect_dma source(%dma_start3A_93 : memref<10240x128xf32, #tpu.memory_space<hbm>>) target(%arg10 : memref<128x128xf32, #tpu.memory_space<vmem>>) offsets(%dma_start3A_90 : memref<128xi32, #tpu.memory_space<vmem>>) semaphore(%arg15 : memref<!tpu.dma_semaphore, #tpu.memory_space<semaphore_mem>>)
      %dma_wait3A_94 = arith.constant 0 : i32
      %dma_wait3A_95 = tpu.memref_slice %arg7[%add3A_87, %dma_wait3A_94] : memref<16x128xi32, #tpu.memory_space<vmem>> -> memref<1x128xi32, #tpu.memory_space<vmem>>
      %dma_wait3A_96 = tpu.memref_squeeze %dma_wait3A_95 : memref<1x128xi32, #tpu.memory_space<vmem>> -> memref<128xi32, #tpu.memory_space<vmem>>
      %dma_wait3A_97 = arith.constant 0 : i32
      %dma_wait3A_98 = arith.constant 0 : i32
      %dma_wait3A_99 = tpu.memref_slice %arg2[%dma_wait3A_97, %dma_wait3A_98] : memref<10240x128xf32, #tpu.memory_space<hbm>> -> memref<10240x128xf32, #tpu.memory_space<hbm>>
      tpu.wait_indirect_dma semaphore(%arg15 : memref<!tpu.dma_semaphore, #tpu.memory_space<semaphore_mem>>) src(%dma_wait3A_99 : memref<10240x128xf32, #tpu.memory_space<hbm>>) dst(%arg10 : memref<128x128xf32, #tpu.memory_space<vmem>>)
      %add3A_100 = arith.constant 1 : i32
      %add3A_101 = arith.addi %mul3A_36, %add3A_100 : i32
      %dma_start3A_102 = arith.constant 0 : i32
      %dma_start3A_103 = tpu.memref_slice %arg8[%add3A_101, %dma_start3A_102] : memref<16x128xi32, #tpu.memory_space<vmem>> -> memref<1x128xi32, #tpu.memory_space<vmem>>
      %dma_start3A_104 = tpu.memref_squeeze %dma_start3A_103 : memref<1x128xi32, #tpu.memory_space<vmem>> -> memref<128xi32, #tpu.memory_space<vmem>>
      %dma_start3A_105 = arith.constant 0 : i32
      %dma_start3A_106 = arith.constant 0 : i32
      %dma_start3A_107 = tpu.memref_slice %arg11[%dma_start3A_105, %dma_start3A_106] : memref<10240x128xf32, #tpu.memory_space<vmem_shared>> -> memref<10240x128xf32, #tpu.memory_space<vmem_shared>>
      tpu.enqueue_indirect_dma source(%arg10 : memref<128x128xf32, #tpu.memory_space<vmem>>) target(%dma_start3A_107 : memref<10240x128xf32, #tpu.memory_space<vmem_shared>>) offsets(%dma_start3A_104 : memref<128xi32, #tpu.memory_space<vmem>>) semaphore(%arg17 : memref<!tpu.dma_semaphore, #tpu.memory_space<semaphore_mem>>) {add = true}
      %dma_wait3A_108 = arith.constant 0 : i32
      %dma_wait3A_109 = tpu.memref_slice %arg8[%add3A_79, %dma_wait3A_108] : memref<16x128xi32, #tpu.memory_space<vmem>> -> memref<1x128xi32, #tpu.memory_space<vmem>>
      %dma_wait3A_110 = tpu.memref_squeeze %dma_wait3A_109 : memref<1x128xi32, #tpu.memory_space<vmem>> -> memref<128xi32, #tpu.memory_space<vmem>>
      %dma_wait3A_111 = arith.constant 0 : i32
      %dma_wait3A_112 = arith.constant 0 : i32
      %dma_wait3A_113 = tpu.memref_slice %arg11[%dma_wait3A_111, %dma_wait3A_112] : memref<10240x128xf32, #tpu.memory_space<vmem_shared>> -> memref<10240x128xf32, #tpu.memory_space<vmem_shared>>
      tpu.wait_indirect_dma semaphore(%arg16 : memref<!tpu.dma_semaphore, #tpu.memory_space<semaphore_mem>>) src(%arg9 : memref<128x128xf32, #tpu.memory_space<vmem>>) dst(%dma_wait3A_113 : memref<10240x128xf32, #tpu.memory_space<vmem_shared>>)
      %add3A_114 = arith.constant 2 : i32
      %add3A_115 = arith.addi %mul3A_36, %add3A_114 : i32
      %dma_start3A_116 = arith.constant 0 : i32
      %dma_start3A_117 = tpu.memref_slice %arg7[%add3A_115, %dma_start3A_116] : memref<16x128xi32, #tpu.memory_space<vmem>> -> memref<1x128xi32, #tpu.memory_space<vmem>>
      %dma_start3A_118 = tpu.memref_squeeze %dma_start3A_117 : memref<1x128xi32, #tpu.memory_space<vmem>> -> memref<128xi32, #tpu.memory_space<vmem>>
      %dma_start3A_119 = arith.constant 0 : i32
      %dma_start3A_120 = arith.constant 0 : i32
      %dma_start3A_121 = tpu.memref_slice %arg2[%dma_start3A_119, %dma_start3A_120] : memref<10240x128xf32, #tpu.memory_space<hbm>> -> memref<10240x128xf32, #tpu.memory_space<hbm>>
      tpu.enqueue_indirect_dma source(%dma_start3A_121 : memref<10240x128xf32, #tpu.memory_space<hbm>>) target(%arg9 : memref<128x128xf32, #tpu.memory_space<vmem>>) offsets(%dma_start3A_118 : memref<128xi32, #tpu.memory_space<vmem>>) semaphore(%arg14 : memref<!tpu.dma_semaphore, #tpu.memory_space<semaphore_mem>>)
      %dma_wait3A_122 = arith.constant 0 : i32
      %dma_wait3A_123 = tpu.memref_slice %arg7[%add3A_115, %dma_wait3A_122] : memref<16x128xi32, #tpu.memory_space<vmem>> -> memref<1x128xi32, #tpu.memory_space<vmem>>
      %dma_wait3A_124 = tpu.memref_squeeze %dma_wait3A_123 : memref<1x128xi32, #tpu.memory_space<vmem>> -> memref<128xi32, #tpu.memory_space<vmem>>
      %dma_wait3A_125 = arith.constant 0 : i32
      %dma_wait3A_126 = arith.constant 0 : i32
      %dma_wait3A_127 = tpu.memref_slice %arg2[%dma_wait3A_125, %dma_wait3A_126] : memref<10240x128xf32, #tpu.memory_space<hbm>> -> memref<10240x128xf32, #tpu.memory_space<hbm>>
      tpu.wait_indirect_dma semaphore(%arg14 : memref<!tpu.dma_semaphore, #tpu.memory_space<semaphore_mem>>) src(%dma_wait3A_127 : memref<10240x128xf32, #tpu.memory_space<hbm>>) dst(%arg9 : memref<128x128xf32, #tpu.memory_space<vmem>>)
      %add3A_128 = arith.constant 2 : i32
      %add3A_129 = arith.addi %mul3A_36, %add3A_128 : i32
      %dma_start3A_130 = arith.constant 0 : i32
      %dma_start3A_131 = tpu.memref_slice %arg8[%add3A_129, %dma_start3A_130] : memref<16x128xi32, #tpu.memory_space<vmem>> -> memref<1x128xi32, #tpu.memory_space<vmem>>
      %dma_start3A_132 = tpu.memref_squeeze %dma_start3A_131 : memref<1x128xi32, #tpu.memory_space<vmem>> -> memref<128xi32, #tpu.memory_space<vmem>>
      %dma_start3A_133 = arith.constant 0 : i32
      %dma_start3A_134 = arith.constant 0 : i32
      %dma_start3A_135 = tpu.memref_slice %arg11[%dma_start3A_133, %dma_start3A_134] : memref<10240x128xf32, #tpu.memory_space<vmem_shared>> -> memref<10240x128xf32, #tpu.memory_space<vmem_shared>>
      tpu.enqueue_indirect_dma source(%arg9 : memref<128x128xf32, #tpu.memory_space<vmem>>) target(%dma_start3A_135 : memref<10240x128xf32, #tpu.memory_space<vmem_shared>>) offsets(%dma_start3A_132 : memref<128xi32, #tpu.memory_space<vmem>>) semaphore(%arg16 : memref<!tpu.dma_semaphore, #tpu.memory_space<semaphore_mem>>) {add = true}
      %dma_wait3A_136 = arith.constant 0 : i32
      %dma_wait3A_137 = tpu.memref_slice %arg8[%add3A_101, %dma_wait3A_136] : memref<16x128xi32, #tpu.memory_space<vmem>> -> memref<1x128xi32, #tpu.memory_space<vmem>>
      %dma_wait3A_138 = tpu.memref_squeeze %dma_wait3A_137 : memref<1x128xi32, #tpu.memory_space<vmem>> -> memref<128xi32, #tpu.memory_space<vmem>>
      %dma_wait3A_139 = arith.constant 0 : i32
      %dma_wait3A_140 = arith.constant 0 : i32
      %dma_wait3A_141 = tpu.memref_slice %arg11[%dma_wait3A_139, %dma_wait3A_140] : memref<10240x128xf32, #tpu.memory_space<vmem_shared>> -> memref<10240x128xf32, #tpu.memory_space<vmem_shared>>
      tpu.wait_indirect_dma semaphore(%arg17 : memref<!tpu.dma_semaphore, #tpu.memory_space<semaphore_mem>>) src(%arg10 : memref<128x128xf32, #tpu.memory_space<vmem>>) dst(%dma_wait3A_141 : memref<10240x128xf32, #tpu.memory_space<vmem_shared>>)
      %add3A_142 = arith.constant 3 : i32
      %add3A_143 = arith.addi %mul3A_36, %add3A_142 : i32
      %dma_start3A_144 = arith.constant 0 : i32
      %dma_start3A_145 = tpu.memref_slice %arg7[%add3A_143, %dma_start3A_144] : memref<16x128xi32, #tpu.memory_space<vmem>> -> memref<1x128xi32, #tpu.memory_space<vmem>>
      %dma_start3A_146 = tpu.memref_squeeze %dma_start3A_145 : memref<1x128xi32, #tpu.memory_space<vmem>> -> memref<128xi32, #tpu.memory_space<vmem>>
      %dma_start3A_147 = arith.constant 0 : i32
      %dma_start3A_148 = arith.constant 0 : i32
      %dma_start3A_149 = tpu.memref_slice %arg2[%dma_start3A_147, %dma_start3A_148] : memref<10240x128xf32, #tpu.memory_space<hbm>> -> memref<10240x128xf32, #tpu.memory_space<hbm>>
      tpu.enqueue_indirect_dma source(%dma_start3A_149 : memref<10240x128xf32, #tpu.memory_space<hbm>>) target(%arg10 : memref<128x128xf32, #tpu.memory_space<vmem>>) offsets(%dma_start3A_146 : memref<128xi32, #tpu.memory_space<vmem>>) semaphore(%arg15 : memref<!tpu.dma_semaphore, #tpu.memory_space<semaphore_mem>>)
      %dma_wait3A_150 = arith.constant 0 : i32
      %dma_wait3A_151 = tpu.memref_slice %arg7[%add3A_143, %dma_wait3A_150] : memref<16x128xi32, #tpu.memory_space<vmem>> -> memref<1x128xi32, #tpu.memory_space<vmem>>
      %dma_wait3A_152 = tpu.memref_squeeze %dma_wait3A_151 : memref<1x128xi32, #tpu.memory_space<vmem>> -> memref<128xi32, #tpu.memory_space<vmem>>
      %dma_wait3A_153 = arith.constant 0 : i32
      %dma_wait3A_154 = arith.constant 0 : i32
      %dma_wait3A_155 = tpu.memref_slice %arg2[%dma_wait3A_153, %dma_wait3A_154] : memref<10240x128xf32, #tpu.memory_space<hbm>> -> memref<10240x128xf32, #tpu.memory_space<hbm>>
      tpu.wait_indirect_dma semaphore(%arg15 : memref<!tpu.dma_semaphore, #tpu.memory_space<semaphore_mem>>) src(%dma_wait3A_155 : memref<10240x128xf32, #tpu.memory_space<hbm>>) dst(%arg10 : memref<128x128xf32, #tpu.memory_space<vmem>>)
      %add3A_156 = arith.constant 3 : i32
      %add3A_157 = arith.addi %mul3A_36, %add3A_156 : i32
      %dma_start3A_158 = arith.constant 0 : i32
      %dma_start3A_159 = tpu.memref_slice %arg8[%add3A_157, %dma_start3A_158] : memref<16x128xi32, #tpu.memory_space<vmem>> -> memref<1x128xi32, #tpu.memory_space<vmem>>
      %dma_start3A_160 = tpu.memref_squeeze %dma_start3A_159 : memref<1x128xi32, #tpu.memory_space<vmem>> -> memref<128xi32, #tpu.memory_space<vmem>>
      %dma_start3A_161 = arith.constant 0 : i32
      %dma_start3A_162 = arith.constant 0 : i32
      %dma_start3A_163 = tpu.memref_slice %arg11[%dma_start3A_161, %dma_start3A_162] : memref<10240x128xf32, #tpu.memory_space<vmem_shared>> -> memref<10240x128xf32, #tpu.memory_space<vmem_shared>>
      tpu.enqueue_indirect_dma source(%arg10 : memref<128x128xf32, #tpu.memory_space<vmem>>) target(%dma_start3A_163 : memref<10240x128xf32, #tpu.memory_space<vmem_shared>>) offsets(%dma_start3A_160 : memref<128xi32, #tpu.memory_space<vmem>>) semaphore(%arg17 : memref<!tpu.dma_semaphore, #tpu.memory_space<semaphore_mem>>) {add = true}
      %dma_wait3A_164 = arith.constant 0 : i32
      %dma_wait3A_165 = tpu.memref_slice %arg8[%add3A_129, %dma_wait3A_164] : memref<16x128xi32, #tpu.memory_space<vmem>> -> memref<1x128xi32, #tpu.memory_space<vmem>>
      %dma_wait3A_166 = tpu.memref_squeeze %dma_wait3A_165 : memref<1x128xi32, #tpu.memory_space<vmem>> -> memref<128xi32, #tpu.memory_space<vmem>>
      %dma_wait3A_167 = arith.constant 0 : i32
      %dma_wait3A_168 = arith.constant 0 : i32
      %dma_wait3A_169 = tpu.memref_slice %arg11[%dma_wait3A_167, %dma_wait3A_168] : memref<10240x128xf32, #tpu.memory_space<vmem_shared>> -> memref<10240x128xf32, #tpu.memory_space<vmem_shared>>
      tpu.wait_indirect_dma semaphore(%arg16 : memref<!tpu.dma_semaphore, #tpu.memory_space<semaphore_mem>>) src(%arg9 : memref<128x128xf32, #tpu.memory_space<vmem>>) dst(%dma_wait3A_169 : memref<10240x128xf32, #tpu.memory_space<vmem_shared>>)
      %add3A_170 = arith.constant 4 : i32
      %add3A_171 = arith.addi %mul3A_36, %add3A_170 : i32
      %dma_start3A_172 = arith.constant 0 : i32
      %dma_start3A_173 = tpu.memref_slice %arg7[%add3A_171, %dma_start3A_172] : memref<16x128xi32, #tpu.memory_space<vmem>> -> memref<1x128xi32, #tpu.memory_space<vmem>>
      %dma_start3A_174 = tpu.memref_squeeze %dma_start3A_173 : memref<1x128xi32, #tpu.memory_space<vmem>> -> memref<128xi32, #tpu.memory_space<vmem>>
      %dma_start3A_175 = arith.constant 0 : i32
      %dma_start3A_176 = arith.constant 0 : i32
      %dma_start3A_177 = tpu.memref_slice %arg2[%dma_start3A_175, %dma_start3A_176] : memref<10240x128xf32, #tpu.memory_space<hbm>> -> memref<10240x128xf32, #tpu.memory_space<hbm>>
      tpu.enqueue_indirect_dma source(%dma_start3A_177 : memref<10240x128xf32, #tpu.memory_space<hbm>>) target(%arg9 : memref<128x128xf32, #tpu.memory_space<vmem>>) offsets(%dma_start3A_174 : memref<128xi32, #tpu.memory_space<vmem>>) semaphore(%arg14 : memref<!tpu.dma_semaphore, #tpu.memory_space<semaphore_mem>>)
      %dma_wait3A_178 = arith.constant 0 : i32
      %dma_wait3A_179 = tpu.memref_slice %arg7[%add3A_171, %dma_wait3A_178] : memref<16x128xi32, #tpu.memory_space<vmem>> -> memref<1x128xi32, #tpu.memory_space<vmem>>
      %dma_wait3A_180 = tpu.memref_squeeze %dma_wait3A_179 : memref<1x128xi32, #tpu.memory_space<vmem>> -> memref<128xi32, #tpu.memory_space<vmem>>
      %dma_wait3A_181 = arith.constant 0 : i32
      %dma_wait3A_182 = arith.constant 0 : i32
      %dma_wait3A_183 = tpu.memref_slice %arg2[%dma_wait3A_181, %dma_wait3A_182] : memref<10240x128xf32, #tpu.memory_space<hbm>> -> memref<10240x128xf32, #tpu.memory_space<hbm>>
      tpu.wait_indirect_dma semaphore(%arg14 : memref<!tpu.dma_semaphore, #tpu.memory_space<semaphore_mem>>) src(%dma_wait3A_183 : memref<10240x128xf32, #tpu.memory_space<hbm>>) dst(%arg9 : memref<128x128xf32, #tpu.memory_space<vmem>>)
      %add3A_184 = arith.constant 4 : i32
      %add3A_185 = arith.addi %mul3A_36, %add3A_184 : i32
      %dma_start3A_186 = arith.constant 0 : i32
      %dma_start3A_187 = tpu.memref_slice %arg8[%add3A_185, %dma_start3A_186] : memref<16x128xi32, #tpu.memory_space<vmem>> -> memref<1x128xi32, #tpu.memory_space<vmem>>
      %dma_start3A_188 = tpu.memref_squeeze %dma_start3A_187 : memref<1x128xi32, #tpu.memory_space<vmem>> -> memref<128xi32, #tpu.memory_space<vmem>>
      %dma_start3A_189 = arith.constant 0 : i32
      %dma_start3A_190 = arith.constant 0 : i32
      %dma_start3A_191 = tpu.memref_slice %arg11[%dma_start3A_189, %dma_start3A_190] : memref<10240x128xf32, #tpu.memory_space<vmem_shared>> -> memref<10240x128xf32, #tpu.memory_space<vmem_shared>>
      tpu.enqueue_indirect_dma source(%arg9 : memref<128x128xf32, #tpu.memory_space<vmem>>) target(%dma_start3A_191 : memref<10240x128xf32, #tpu.memory_space<vmem_shared>>) offsets(%dma_start3A_188 : memref<128xi32, #tpu.memory_space<vmem>>) semaphore(%arg16 : memref<!tpu.dma_semaphore, #tpu.memory_space<semaphore_mem>>) {add = true}
      %dma_wait3A_192 = arith.constant 0 : i32
      %dma_wait3A_193 = tpu.memref_slice %arg8[%add3A_157, %dma_wait3A_192] : memref<16x128xi32, #tpu.memory_space<vmem>> -> memref<1x128xi32, #tpu.memory_space<vmem>>
      %dma_wait3A_194 = tpu.memref_squeeze %dma_wait3A_193 : memref<1x128xi32, #tpu.memory_space<vmem>> -> memref<128xi32, #tpu.memory_space<vmem>>
      %dma_wait3A_195 = arith.constant 0 : i32
      %dma_wait3A_196 = arith.constant 0 : i32
      %dma_wait3A_197 = tpu.memref_slice %arg11[%dma_wait3A_195, %dma_wait3A_196] : memref<10240x128xf32, #tpu.memory_space<vmem_shared>> -> memref<10240x128xf32, #tpu.memory_space<vmem_shared>>
      tpu.wait_indirect_dma semaphore(%arg17 : memref<!tpu.dma_semaphore, #tpu.memory_space<semaphore_mem>>) src(%arg10 : memref<128x128xf32, #tpu.memory_space<vmem>>) dst(%dma_wait3A_197 : memref<10240x128xf32, #tpu.memory_space<vmem_shared>>)
      %add3A_198 = arith.constant 5 : i32
      %add3A_199 = arith.addi %mul3A_36, %add3A_198 : i32
      %dma_start3A_200 = arith.constant 0 : i32
      %dma_start3A_201 = tpu.memref_slice %arg7[%add3A_199, %dma_start3A_200] : memref<16x128xi32, #tpu.memory_space<vmem>> -> memref<1x128xi32, #tpu.memory_space<vmem>>
      %dma_start3A_202 = tpu.memref_squeeze %dma_start3A_201 : memref<1x128xi32, #tpu.memory_space<vmem>> -> memref<128xi32, #tpu.memory_space<vmem>>
      %dma_start3A_203 = arith.constant 0 : i32
      %dma_start3A_204 = arith.constant 0 : i32
      %dma_start3A_205 = tpu.memref_slice %arg2[%dma_start3A_203, %dma_start3A_204] : memref<10240x128xf32, #tpu.memory_space<hbm>> -> memref<10240x128xf32, #tpu.memory_space<hbm>>
      tpu.enqueue_indirect_dma source(%dma_start3A_205 : memref<10240x128xf32, #tpu.memory_space<hbm>>) target(%arg10 : memref<128x128xf32, #tpu.memory_space<vmem>>) offsets(%dma_start3A_202 : memref<128xi32, #tpu.memory_space<vmem>>) semaphore(%arg15 : memref<!tpu.dma_semaphore, #tpu.memory_space<semaphore_mem>>)
      %dma_wait3A_206 = arith.constant 0 : i32
      %dma_wait3A_207 = tpu.memref_slice %arg7[%add3A_199, %dma_wait3A_206] : memref<16x128xi32, #tpu.memory_space<vmem>> -> memref<1x128xi32, #tpu.memory_space<vmem>>
      %dma_wait3A_208 = tpu.memref_squeeze %dma_wait3A_207 : memref<1x128xi32, #tpu.memory_space<vmem>> -> memref<128xi32, #tpu.memory_space<vmem>>
      %dma_wait3A_209 = arith.constant 0 : i32
      %dma_wait3A_210 = arith.constant 0 : i32
      %dma_wait3A_211 = tpu.memref_slice %arg2[%dma_wait3A_209, %dma_wait3A_210] : memref<10240x128xf32, #tpu.memory_space<hbm>> -> memref<10240x128xf32, #tpu.memory_space<hbm>>
      tpu.wait_indirect_dma semaphore(%arg15 : memref<!tpu.dma_semaphore, #tpu.memory_space<semaphore_mem>>) src(%dma_wait3A_211 : memref<10240x128xf32, #tpu.memory_space<hbm>>) dst(%arg10 : memref<128x128xf32, #tpu.memory_space<vmem>>)
      %add3A_212 = arith.constant 5 : i32
      %add3A_213 = arith.addi %mul3A_36, %add3A_212 : i32
      %dma_start3A_214 = arith.constant 0 : i32
      %dma_start3A_215 = tpu.memref_slice %arg8[%add3A_213, %dma_start3A_214] : memref<16x128xi32, #tpu.memory_space<vmem>> -> memref<1x128xi32, #tpu.memory_space<vmem>>
      %dma_start3A_216 = tpu.memref_squeeze %dma_start3A_215 : memref<1x128xi32, #tpu.memory_space<vmem>> -> memref<128xi32, #tpu.memory_space<vmem>>
      %dma_start3A_217 = arith.constant 0 : i32
      %dma_start3A_218 = arith.constant 0 : i32
      %dma_start3A_219 = tpu.memref_slice %arg11[%dma_start3A_217, %dma_start3A_218] : memref<10240x128xf32, #tpu.memory_space<vmem_shared>> -> memref<10240x128xf32, #tpu.memory_space<vmem_shared>>
      tpu.enqueue_indirect_dma source(%arg10 : memref<128x128xf32, #tpu.memory_space<vmem>>) target(%dma_start3A_219 : memref<10240x128xf32, #tpu.memory_space<vmem_shared>>) offsets(%dma_start3A_216 : memref<128xi32, #tpu.memory_space<vmem>>) semaphore(%arg17 : memref<!tpu.dma_semaphore, #tpu.memory_space<semaphore_mem>>) {add = true}
      %dma_wait3A_220 = arith.constant 0 : i32
      %dma_wait3A_221 = tpu.memref_slice %arg8[%add3A_185, %dma_wait3A_220] : memref<16x128xi32, #tpu.memory_space<vmem>> -> memref<1x128xi32, #tpu.memory_space<vmem>>
      %dma_wait3A_222 = tpu.memref_squeeze %dma_wait3A_221 : memref<1x128xi32, #tpu.memory_space<vmem>> -> memref<128xi32, #tpu.memory_space<vmem>>
      %dma_wait3A_223 = arith.constant 0 : i32
      %dma_wait3A_224 = arith.constant 0 : i32
      %dma_wait3A_225 = tpu.memref_slice %arg11[%dma_wait3A_223, %dma_wait3A_224] : memref<10240x128xf32, #tpu.memory_space<vmem_shared>> -> memref<10240x128xf32, #tpu.memory_space<vmem_shared>>
      tpu.wait_indirect_dma semaphore(%arg16 : memref<!tpu.dma_semaphore, #tpu.memory_space<semaphore_mem>>) src(%arg9 : memref<128x128xf32, #tpu.memory_space<vmem>>) dst(%dma_wait3A_225 : memref<10240x128xf32, #tpu.memory_space<vmem_shared>>)
      %add3A_226 = arith.constant 6 : i32
      %add3A_227 = arith.addi %mul3A_36, %add3A_226 : i32
      %dma_start3A_228 = arith.constant 0 : i32
      %dma_start3A_229 = tpu.memref_slice %arg7[%add3A_227, %dma_start3A_228] : memref<16x128xi32, #tpu.memory_space<vmem>> -> memref<1x128xi32, #tpu.memory_space<vmem>>
      %dma_start3A_230 = tpu.memref_squeeze %dma_start3A_229 : memref<1x128xi32, #tpu.memory_space<vmem>> -> memref<128xi32, #tpu.memory_space<vmem>>
      %dma_start3A_231 = arith.constant 0 : i32
      %dma_start3A_232 = arith.constant 0 : i32
      %dma_start3A_233 = tpu.memref_slice %arg2[%dma_start3A_231, %dma_start3A_232] : memref<10240x128xf32, #tpu.memory_space<hbm>> -> memref<10240x128xf32, #tpu.memory_space<hbm>>
      tpu.enqueue_indirect_dma source(%dma_start3A_233 : memref<10240x128xf32, #tpu.memory_space<hbm>>) target(%arg9 : memref<128x128xf32, #tpu.memory_space<vmem>>) offsets(%dma_start3A_230 : memref<128xi32, #tpu.memory_space<vmem>>) semaphore(%arg14 : memref<!tpu.dma_semaphore, #tpu.memory_space<semaphore_mem>>)
      %dma_wait3A_234 = arith.constant 0 : i32
      %dma_wait3A_235 = tpu.memref_slice %arg7[%add3A_227, %dma_wait3A_234] : memref<16x128xi32, #tpu.memory_space<vmem>> -> memref<1x128xi32, #tpu.memory_space<vmem>>
      %dma_wait3A_236 = tpu.memref_squeeze %dma_wait3A_235 : memref<1x128xi32, #tpu.memory_space<vmem>> -> memref<128xi32, #tpu.memory_space<vmem>>
      %dma_wait3A_237 = arith.constant 0 : i32
      %dma_wait3A_238 = arith.constant 0 : i32
      %dma_wait3A_239 = tpu.memref_slice %arg2[%dma_wait3A_237, %dma_wait3A_238] : memref<10240x128xf32, #tpu.memory_space<hbm>> -> memref<10240x128xf32, #tpu.memory_space<hbm>>
      tpu.wait_indirect_dma semaphore(%arg14 : memref<!tpu.dma_semaphore, #tpu.memory_space<semaphore_mem>>) src(%dma_wait3A_239 : memref<10240x128xf32, #tpu.memory_space<hbm>>) dst(%arg9 : memref<128x128xf32, #tpu.memory_space<vmem>>)
      %add3A_240 = arith.constant 6 : i32
      %add3A_241 = arith.addi %mul3A_36, %add3A_240 : i32
      %dma_start3A_242 = arith.constant 0 : i32
      %dma_start3A_243 = tpu.memref_slice %arg8[%add3A_241, %dma_start3A_242] : memref<16x128xi32, #tpu.memory_space<vmem>> -> memref<1x128xi32, #tpu.memory_space<vmem>>
      %dma_start3A_244 = tpu.memref_squeeze %dma_start3A_243 : memref<1x128xi32, #tpu.memory_space<vmem>> -> memref<128xi32, #tpu.memory_space<vmem>>
      %dma_start3A_245 = arith.constant 0 : i32
      %dma_start3A_246 = arith.constant 0 : i32
      %dma_start3A_247 = tpu.memref_slice %arg11[%dma_start3A_245, %dma_start3A_246] : memref<10240x128xf32, #tpu.memory_space<vmem_shared>> -> memref<10240x128xf32, #tpu.memory_space<vmem_shared>>
      tpu.enqueue_indirect_dma source(%arg9 : memref<128x128xf32, #tpu.memory_space<vmem>>) target(%dma_start3A_247 : memref<10240x128xf32, #tpu.memory_space<vmem_shared>>) offsets(%dma_start3A_244 : memref<128xi32, #tpu.memory_space<vmem>>) semaphore(%arg16 : memref<!tpu.dma_semaphore, #tpu.memory_space<semaphore_mem>>) {add = true}
      %dma_wait3A_248 = arith.constant 0 : i32
      %dma_wait3A_249 = tpu.memref_slice %arg8[%add3A_213, %dma_wait3A_248] : memref<16x128xi32, #tpu.memory_space<vmem>> -> memref<1x128xi32, #tpu.memory_space<vmem>>
      %dma_wait3A_250 = tpu.memref_squeeze %dma_wait3A_249 : memref<1x128xi32, #tpu.memory_space<vmem>> -> memref<128xi32, #tpu.memory_space<vmem>>
      %dma_wait3A_251 = arith.constant 0 : i32
      %dma_wait3A_252 = arith.constant 0 : i32
      %dma_wait3A_253 = tpu.memref_slice %arg11[%dma_wait3A_251, %dma_wait3A_252] : memref<10240x128xf32, #tpu.memory_space<vmem_shared>> -> memref<10240x128xf32, #tpu.memory_space<vmem_shared>>
      tpu.wait_indirect_dma semaphore(%arg17 : memref<!tpu.dma_semaphore, #tpu.memory_space<semaphore_mem>>) src(%arg10 : memref<128x128xf32, #tpu.memory_space<vmem>>) dst(%dma_wait3A_253 : memref<10240x128xf32, #tpu.memory_space<vmem_shared>>)
      %add3A_254 = arith.constant 7 : i32
      %add3A_255 = arith.addi %mul3A_36, %add3A_254 : i32
      %dma_start3A_256 = arith.constant 0 : i32
      %dma_start3A_257 = tpu.memref_slice %arg7[%add3A_255, %dma_start3A_256] : memref<16x128xi32, #tpu.memory_space<vmem>> -> memref<1x128xi32, #tpu.memory_space<vmem>>
      %dma_start3A_258 = tpu.memref_squeeze %dma_start3A_257 : memref<1x128xi32, #tpu.memory_space<vmem>> -> memref<128xi32, #tpu.memory_space<vmem>>
      %dma_start3A_259 = arith.constant 0 : i32
      %dma_start3A_260 = arith.constant 0 : i32
      %dma_start3A_261 = tpu.memref_slice %arg2[%dma_start3A_259, %dma_start3A_260] : memref<10240x128xf32, #tpu.memory_space<hbm>> -> memref<10240x128xf32, #tpu.memory_space<hbm>>
      tpu.enqueue_indirect_dma source(%dma_start3A_261 : memref<10240x128xf32, #tpu.memory_space<hbm>>) target(%arg10 : memref<128x128xf32, #tpu.memory_space<vmem>>) offsets(%dma_start3A_258 : memref<128xi32, #tpu.memory_space<vmem>>) semaphore(%arg15 : memref<!tpu.dma_semaphore, #tpu.memory_space<semaphore_mem>>)
      %dma_wait3A_262 = arith.constant 0 : i32
      %dma_wait3A_263 = tpu.memref_slice %arg7[%add3A_255, %dma_wait3A_262] : memref<16x128xi32, #tpu.memory_space<vmem>> -> memref<1x128xi32, #tpu.memory_space<vmem>>
      %dma_wait3A_264 = tpu.memref_squeeze %dma_wait3A_263 : memref<1x128xi32, #tpu.memory_space<vmem>> -> memref<128xi32, #tpu.memory_space<vmem>>
      %dma_wait3A_265 = arith.constant 0 : i32
      %dma_wait3A_266 = arith.constant 0 : i32
      %dma_wait3A_267 = tpu.memref_slice %arg2[%dma_wait3A_265, %dma_wait3A_266] : memref<10240x128xf32, #tpu.memory_space<hbm>> -> memref<10240x128xf32, #tpu.memory_space<hbm>>
      tpu.wait_indirect_dma semaphore(%arg15 : memref<!tpu.dma_semaphore, #tpu.memory_space<semaphore_mem>>) src(%dma_wait3A_267 : memref<10240x128xf32, #tpu.memory_space<hbm>>) dst(%arg10 : memref<128x128xf32, #tpu.memory_space<vmem>>)
      %add3A_268 = arith.constant 7 : i32
      %add3A_269 = arith.addi %mul3A_36, %add3A_268 : i32
      %dma_start3A_270 = arith.constant 0 : i32
      %dma_start3A_271 = tpu.memref_slice %arg8[%add3A_269, %dma_start3A_270] : memref<16x128xi32, #tpu.memory_space<vmem>> -> memref<1x128xi32, #tpu.memory_space<vmem>>
      %dma_start3A_272 = tpu.memref_squeeze %dma_start3A_271 : memref<1x128xi32, #tpu.memory_space<vmem>> -> memref<128xi32, #tpu.memory_space<vmem>>
      %dma_start3A_273 = arith.constant 0 : i32
      %dma_start3A_274 = arith.constant 0 : i32
      %dma_start3A_275 = tpu.memref_slice %arg11[%dma_start3A_273, %dma_start3A_274] : memref<10240x128xf32, #tpu.memory_space<vmem_shared>> -> memref<10240x128xf32, #tpu.memory_space<vmem_shared>>
      tpu.enqueue_indirect_dma source(%arg10 : memref<128x128xf32, #tpu.memory_space<vmem>>) target(%dma_start3A_275 : memref<10240x128xf32, #tpu.memory_space<vmem_shared>>) offsets(%dma_start3A_272 : memref<128xi32, #tpu.memory_space<vmem>>) semaphore(%arg17 : memref<!tpu.dma_semaphore, #tpu.memory_space<semaphore_mem>>) {add = true}
      %dma_wait3A_276 = arith.constant 0 : i32
      %dma_wait3A_277 = tpu.memref_slice %arg8[%add3A_241, %dma_wait3A_276] : memref<16x128xi32, #tpu.memory_space<vmem>> -> memref<1x128xi32, #tpu.memory_space<vmem>>
      %dma_wait3A_278 = tpu.memref_squeeze %dma_wait3A_277 : memref<1x128xi32, #tpu.memory_space<vmem>> -> memref<128xi32, #tpu.memory_space<vmem>>
      %dma_wait3A_279 = arith.constant 0 : i32
      %dma_wait3A_280 = arith.constant 0 : i32
      %dma_wait3A_281 = tpu.memref_slice %arg11[%dma_wait3A_279, %dma_wait3A_280] : memref<10240x128xf32, #tpu.memory_space<vmem_shared>> -> memref<10240x128xf32, #tpu.memory_space<vmem_shared>>
      tpu.wait_indirect_dma semaphore(%arg16 : memref<!tpu.dma_semaphore, #tpu.memory_space<semaphore_mem>>) src(%arg9 : memref<128x128xf32, #tpu.memory_space<vmem>>) dst(%dma_wait3A_281 : memref<10240x128xf32, #tpu.memory_space<vmem_shared>>)
      %dma_wait3A_282 = arith.constant 0 : i32
      %dma_wait3A_283 = tpu.memref_slice %arg8[%add3A_269, %dma_wait3A_282] : memref<16x128xi32, #tpu.memory_space<vmem>> -> memref<1x128xi32, #tpu.memory_space<vmem>>
      %dma_wait3A_284 = tpu.memref_squeeze %dma_wait3A_283 : memref<1x128xi32, #tpu.memory_space<vmem>> -> memref<128xi32, #tpu.memory_space<vmem>>
      %dma_wait3A_285 = arith.constant 0 : i32
      %dma_wait3A_286 = arith.constant 0 : i32
      %dma_wait3A_287 = tpu.memref_slice %arg11[%dma_wait3A_285, %dma_wait3A_286] : memref<10240x128xf32, #tpu.memory_space<vmem_shared>> -> memref<10240x128xf32, #tpu.memory_space<vmem_shared>>
      tpu.wait_indirect_dma semaphore(%arg17 : memref<!tpu.dma_semaphore, #tpu.memory_space<semaphore_mem>>) src(%arg10 : memref<128x128xf32, #tpu.memory_space<vmem>>) dst(%dma_wait3A_287 : memref<10240x128xf32, #tpu.memory_space<vmem_shared>>)
      %dma_wait3A_288 = arith.constant 0 : i32
      %dma_wait3A_289 = tpu.memref_slice %arg7[%mul3A_44, %dma_wait3A_288] : memref<16x128xi32, #tpu.memory_space<vmem>> -> memref<8x128xi32, #tpu.memory_space<vmem>>
      %dma_wait3A_290 = arith.constant 0 : i32
      %dma_wait3A_291 = tpu.memref_slice %arg3[%add3A_42, %dma_wait3A_290] : memref<2568x128xi32, #tpu.memory_space<hbm>> -> memref<8x128xi32, #tpu.memory_space<hbm>>
      %dma_wait3A_292 = arith.constant 0 : i32
      %dma_wait3A_293 = tpu.memref_slice %arg7[%mul3A_44, %dma_wait3A_292] : memref<16x128xi32, #tpu.memory_space<vmem>> -> memref<8x128xi32, #tpu.memory_space<vmem>>
      %dma_wait3A_294 = arith.constant 0 : i32
      %dma_wait3A_295 = tpu.memref_slice %arg3[%add3A_42, %dma_wait3A_294] : memref<2568x128xi32, #tpu.memory_space<hbm>> -> memref<8x128xi32, #tpu.memory_space<hbm>>
      tpu.wait_dma2 semaphore(%arg12 : memref<!tpu.dma_semaphore, #tpu.memory_space<semaphore_mem>>) src(%dma_wait3A_295 : memref<8x128xi32, #tpu.memory_space<hbm>>) dst(%dma_wait3A_293 : memref<8x128xi32, #tpu.memory_space<vmem>>)
      %dma_wait3A_296 = arith.constant 0 : i32
      %dma_wait3A_297 = tpu.memref_slice %arg8[%mul3A_56, %dma_wait3A_296] : memref<16x128xi32, #tpu.memory_space<vmem>> -> memref<8x128xi32, #tpu.memory_space<vmem>>
      %dma_wait3A_298 = arith.constant 0 : i32
      %dma_wait3A_299 = tpu.memref_slice %arg4[%add3A_54, %dma_wait3A_298] : memref<2568x128xi32, #tpu.memory_space<hbm>> -> memref<8x128xi32, #tpu.memory_space<hbm>>
      %dma_wait3A_300 = arith.constant 0 : i32
      %dma_wait3A_301 = tpu.memref_slice %arg8[%mul3A_56, %dma_wait3A_300] : memref<16x128xi32, #tpu.memory_space<vmem>> -> memref<8x128xi32, #tpu.memory_space<vmem>>
      %dma_wait3A_302 = arith.constant 0 : i32
      %dma_wait3A_303 = tpu.memref_slice %arg4[%add3A_54, %dma_wait3A_302] : memref<2568x128xi32, #tpu.memory_space<hbm>> -> memref<8x128xi32, #tpu.memory_space<hbm>>
      tpu.wait_dma2 semaphore(%arg13 : memref<!tpu.dma_semaphore, #tpu.memory_space<semaphore_mem>>) src(%dma_wait3A_303 : memref<8x128xi32, #tpu.memory_space<hbm>>) dst(%dma_wait3A_301 : memref<8x128xi32, #tpu.memory_space<vmem>>)
    }
    %while3A_24 = arith.constant 1 : i32
    scf.for %while3A_32 = %while3A_22 to %while3A_18 step %while3A_24  : i32 {
      %rem3A = arith.constant 2 : i32
      %rem3A_33 = arith.remsi %while3A_32, %rem3A : i32
      %sub3A = arith.constant 1 : i32
      %sub3A_34 = arith.subi %sub3A, %rem3A_33 : i32
      %mul3A_35 = arith.constant 8 : i32
      %mul3A_36 = arith.muli %rem3A_33, %mul3A_35 : i32
      %add3A_37 = arith.constant 1 : i32
      %add3A_38 = arith.addi %while3A_32, %add3A_37 : i32
      %rem3A_39 = arith.remsi %add3A_38, %select_n3A : i32
      %mul3A_40 = arith.constant 8 : i32
      %mul3A_41 = arith.muli %rem3A_39, %mul3A_40 : i32
      %add3A_42 = arith.addi %select_n3A_10, %mul3A_41 : i32
      %mul3A_43 = arith.constant 8 : i32
      %mul3A_44 = arith.muli %sub3A_34, %mul3A_43 : i32
      %dma_start3A = arith.constant 0 : i32
      %dma_start3A_45 = tpu.memref_slice %arg7[%mul3A_44, %dma_start3A] : memref<16x128xi32, #tpu.memory_space<vmem>> -> memref<8x128xi32, #tpu.memory_space<vmem>>
      %dma_start3A_46 = arith.constant 0 : i32
      %dma_start3A_47 = tpu.memref_slice %arg3[%add3A_42, %dma_start3A_46] : memref<2568x128xi32, #tpu.memory_space<hbm>> -> memref<8x128xi32, #tpu.memory_space<hbm>>
      %dma_start3A_48 = arith.constant 0 : i32
      %dma_start3A_49 = tpu.memref_slice %arg7[%mul3A_44, %dma_start3A_48] : memref<16x128xi32, #tpu.memory_space<vmem>> -> memref<8x128xi32, #tpu.memory_space<vmem>>
      %dma_start3A_50 = arith.constant 0 : i32
      %dma_start3A_51 = tpu.memref_slice %arg3[%add3A_42, %dma_start3A_50] : memref<2568x128xi32, #tpu.memory_space<hbm>> -> memref<8x128xi32, #tpu.memory_space<hbm>>
      tpu.enqueue_dma source(%dma_start3A_51 : memref<8x128xi32, #tpu.memory_space<hbm>>) target(%dma_start3A_49 : memref<8x128xi32, #tpu.memory_space<vmem>>) target_semaphore(%arg12 : memref<!tpu.dma_semaphore, #tpu.memory_space<semaphore_mem>>)
      %mul3A_52 = arith.constant 8 : i32
      %mul3A_53 = arith.muli %rem3A_39, %mul3A_52 : i32
      %add3A_54 = arith.addi %select_n3A_10, %mul3A_53 : i32
      %mul3A_55 = arith.constant 8 : i32
      %mul3A_56 = arith.muli %sub3A_34, %mul3A_55 : i32
      %dma_start3A_57 = arith.constant 0 : i32
      %dma_start3A_58 = tpu.memref_slice %arg8[%mul3A_56, %dma_start3A_57] : memref<16x128xi32, #tpu.memory_space<vmem>> -> memref<8x128xi32, #tpu.memory_space<vmem>>
      %dma_start3A_59 = arith.constant 0 : i32
      %dma_start3A_60 = tpu.memref_slice %arg4[%add3A_54, %dma_start3A_59] : memref<2568x128xi32, #tpu.memory_space<hbm>> -> memref<8x128xi32, #tpu.memory_space<hbm>>
      %dma_start3A_61 = arith.constant 0 : i32
      %dma_start3A_62 = tpu.memref_slice %arg8[%mul3A_56, %dma_start3A_61] : memref<16x128xi32, #tpu.memory_space<vmem>> -> memref<8x128xi32, #tpu.memory_space<vmem>>
      %dma_start3A_63 = arith.constant 0 : i32
      %dma_start3A_64 = tpu.memref_slice %arg4[%add3A_54, %dma_start3A_63] : memref<2568x128xi32, #tpu.memory_space<hbm>> -> memref<8x128xi32, #tpu.memory_space<hbm>>
      tpu.enqueue_dma source(%dma_start3A_64 : memref<8x128xi32, #tpu.memory_space<hbm>>) target(%dma_start3A_62 : memref<8x128xi32, #tpu.memory_space<vmem>>) target_semaphore(%arg13 : memref<!tpu.dma_semaphore, #tpu.memory_space<semaphore_mem>>)
      %add3A_65 = arith.constant 0 : i32
      %add3A_66 = arith.addi %mul3A_36, %add3A_65 : i32
      %dma_start3A_67 = arith.constant 0 : i32
      %dma_start3A_68 = tpu.memref_slice %arg7[%add3A_66, %dma_start3A_67] : memref<16x128xi32, #tpu.memory_space<vmem>> -> memref<1x128xi32, #tpu.memory_space<vmem>>
      %dma_start3A_69 = tpu.memref_squeeze %dma_start3A_68 : memref<1x128xi32, #tpu.memory_space<vmem>> -> memref<128xi32, #tpu.memory_space<vmem>>
      %dma_start3A_70 = arith.constant 0 : i32
      %dma_start3A_71 = arith.constant 0 : i32
      %dma_start3A_72 = tpu.memref_slice %arg2[%dma_start3A_70, %dma_start3A_71] : memref<10240x128xf32, #tpu.memory_space<hbm>> -> memref<10240x128xf32, #tpu.memory_space<hbm>>
      tpu.enqueue_indirect_dma source(%dma_start3A_72 : memref<10240x128xf32, #tpu.memory_space<hbm>>) target(%arg9 : memref<128x128xf32, #tpu.memory_space<vmem>>) offsets(%dma_start3A_69 : memref<128xi32, #tpu.memory_space<vmem>>) semaphore(%arg14 : memref<!tpu.dma_semaphore, #tpu.memory_space<semaphore_mem>>)
      %dma_wait3A = arith.constant 0 : i32
      %dma_wait3A_73 = tpu.memref_slice %arg7[%add3A_66, %dma_wait3A] : memref<16x128xi32, #tpu.memory_space<vmem>> -> memref<1x128xi32, #tpu.memory_space<vmem>>
      %dma_wait3A_74 = tpu.memref_squeeze %dma_wait3A_73 : memref<1x128xi32, #tpu.memory_space<vmem>> -> memref<128xi32, #tpu.memory_space<vmem>>
      %dma_wait3A_75 = arith.constant 0 : i32
      %dma_wait3A_76 = arith.constant 0 : i32
      %dma_wait3A_77 = tpu.memref_slice %arg2[%dma_wait3A_75, %dma_wait3A_76] : memref<10240x128xf32, #tpu.memory_space<hbm>> -> memref<10240x128xf32, #tpu.memory_space<hbm>>
      tpu.wait_indirect_dma semaphore(%arg14 : memref<!tpu.dma_semaphore, #tpu.memory_space<semaphore_mem>>) src(%dma_wait3A_77 : memref<10240x128xf32, #tpu.memory_space<hbm>>) dst(%arg9 : memref<128x128xf32, #tpu.memory_space<vmem>>)
      %add3A_78 = arith.constant 0 : i32
      %add3A_79 = arith.addi %mul3A_36, %add3A_78 : i32
      %dma_start3A_80 = arith.constant 0 : i32
      %dma_start3A_81 = tpu.memref_slice %arg8[%add3A_79, %dma_start3A_80] : memref<16x128xi32, #tpu.memory_space<vmem>> -> memref<1x128xi32, #tpu.memory_space<vmem>>
      %dma_start3A_82 = tpu.memref_squeeze %dma_start3A_81 : memref<1x128xi32, #tpu.memory_space<vmem>> -> memref<128xi32, #tpu.memory_space<vmem>>
      %dma_start3A_83 = arith.constant 0 : i32
      %dma_start3A_84 = arith.constant 0 : i32
      %dma_start3A_85 = tpu.memref_slice %arg11[%dma_start3A_83, %dma_start3A_84] : memref<10240x128xf32, #tpu.memory_space<vmem_shared>> -> memref<10240x128xf32, #tpu.memory_space<vmem_shared>>
      tpu.enqueue_indirect_dma source(%arg9 : memref<128x128xf32, #tpu.memory_space<vmem>>) target(%dma_start3A_85 : memref<10240x128xf32, #tpu.memory_space<vmem_shared>>) offsets(%dma_start3A_82 : memref<128xi32, #tpu.memory_space<vmem>>) semaphore(%arg16 : memref<!tpu.dma_semaphore, #tpu.memory_space<semaphore_mem>>) {add = true}
      %add3A_86 = arith.constant 1 : i32
      %add3A_87 = arith.addi %mul3A_36, %add3A_86 : i32
      %dma_start3A_88 = arith.constant 0 : i32
      %dma_start3A_89 = tpu.memref_slice %arg7[%add3A_87, %dma_start3A_88] : memref<16x128xi32, #tpu.memory_space<vmem>> -> memref<1x128xi32, #tpu.memory_space<vmem>>
      %dma_start3A_90 = tpu.memref_squeeze %dma_start3A_89 : memref<1x128xi32, #tpu.memory_space<vmem>> -> memref<128xi32, #tpu.memory_space<vmem>>
      %dma_start3A_91 = arith.constant 0 : i32
      %dma_start3A_92 = arith.constant 0 : i32
      %dma_start3A_93 = tpu.memref_slice %arg2[%dma_start3A_91, %dma_start3A_92] : memref<10240x128xf32, #tpu.memory_space<hbm>> -> memref<10240x128xf32, #tpu.memory_space<hbm>>
      tpu.enqueue_indirect_dma source(%dma_start3A_93 : memref<10240x128xf32, #tpu.memory_space<hbm>>) target(%arg10 : memref<128x128xf32, #tpu.memory_space<vmem>>) offsets(%dma_start3A_90 : memref<128xi32, #tpu.memory_space<vmem>>) semaphore(%arg15 : memref<!tpu.dma_semaphore, #tpu.memory_space<semaphore_mem>>)
      %dma_wait3A_94 = arith.constant 0 : i32
      %dma_wait3A_95 = tpu.memref_slice %arg7[%add3A_87, %dma_wait3A_94] : memref<16x128xi32, #tpu.memory_space<vmem>> -> memref<1x128xi32, #tpu.memory_space<vmem>>
      %dma_wait3A_96 = tpu.memref_squeeze %dma_wait3A_95 : memref<1x128xi32, #tpu.memory_space<vmem>> -> memref<128xi32, #tpu.memory_space<vmem>>
      %dma_wait3A_97 = arith.constant 0 : i32
      %dma_wait3A_98 = arith.constant 0 : i32
      %dma_wait3A_99 = tpu.memref_slice %arg2[%dma_wait3A_97, %dma_wait3A_98] : memref<10240x128xf32, #tpu.memory_space<hbm>> -> memref<10240x128xf32, #tpu.memory_space<hbm>>
      tpu.wait_indirect_dma semaphore(%arg15 : memref<!tpu.dma_semaphore, #tpu.memory_space<semaphore_mem>>) src(%dma_wait3A_99 : memref<10240x128xf32, #tpu.memory_space<hbm>>) dst(%arg10 : memref<128x128xf32, #tpu.memory_space<vmem>>)
      %add3A_100 = arith.constant 1 : i32
      %add3A_101 = arith.addi %mul3A_36, %add3A_100 : i32
      %dma_start3A_102 = arith.constant 0 : i32
      %dma_start3A_103 = tpu.memref_slice %arg8[%add3A_101, %dma_start3A_102] : memref<16x128xi32, #tpu.memory_space<vmem>> -> memref<1x128xi32, #tpu.memory_space<vmem>>
      %dma_start3A_104 = tpu.memref_squeeze %dma_start3A_103 : memref<1x128xi32, #tpu.memory_space<vmem>> -> memref<128xi32, #tpu.memory_space<vmem>>
      %dma_start3A_105 = arith.constant 0 : i32
      %dma_start3A_106 = arith.constant 0 : i32
      %dma_start3A_107 = tpu.memref_slice %arg11[%dma_start3A_105, %dma_start3A_106] : memref<10240x128xf32, #tpu.memory_space<vmem_shared>> -> memref<10240x128xf32, #tpu.memory_space<vmem_shared>>
      tpu.enqueue_indirect_dma source(%arg10 : memref<128x128xf32, #tpu.memory_space<vmem>>) target(%dma_start3A_107 : memref<10240x128xf32, #tpu.memory_space<vmem_shared>>) offsets(%dma_start3A_104 : memref<128xi32, #tpu.memory_space<vmem>>) semaphore(%arg17 : memref<!tpu.dma_semaphore, #tpu.memory_space<semaphore_mem>>) {add = true}
      %dma_wait3A_108 = arith.constant 0 : i32
      %dma_wait3A_109 = tpu.memref_slice %arg8[%add3A_79, %dma_wait3A_108] : memref<16x128xi32, #tpu.memory_space<vmem>> -> memref<1x128xi32, #tpu.memory_space<vmem>>
      %dma_wait3A_110 = tpu.memref_squeeze %dma_wait3A_109 : memref<1x128xi32, #tpu.memory_space<vmem>> -> memref<128xi32, #tpu.memory_space<vmem>>
      %dma_wait3A_111 = arith.constant 0 : i32
      %dma_wait3A_112 = arith.constant 0 : i32
      %dma_wait3A_113 = tpu.memref_slice %arg11[%dma_wait3A_111, %dma_wait3A_112] : memref<10240x128xf32, #tpu.memory_space<vmem_shared>> -> memref<10240x128xf32, #tpu.memory_space<vmem_shared>>
      tpu.wait_indirect_dma semaphore(%arg16 : memref<!tpu.dma_semaphore, #tpu.memory_space<semaphore_mem>>) src(%arg9 : memref<128x128xf32, #tpu.memory_space<vmem>>) dst(%dma_wait3A_113 : memref<10240x128xf32, #tpu.memory_space<vmem_shared>>)
      %add3A_114 = arith.constant 2 : i32
      %add3A_115 = arith.addi %mul3A_36, %add3A_114 : i32
      %dma_start3A_116 = arith.constant 0 : i32
      %dma_start3A_117 = tpu.memref_slice %arg7[%add3A_115, %dma_start3A_116] : memref<16x128xi32, #tpu.memory_space<vmem>> -> memref<1x128xi32, #tpu.memory_space<vmem>>
      %dma_start3A_118 = tpu.memref_squeeze %dma_start3A_117 : memref<1x128xi32, #tpu.memory_space<vmem>> -> memref<128xi32, #tpu.memory_space<vmem>>
      %dma_start3A_119 = arith.constant 0 : i32
      %dma_start3A_120 = arith.constant 0 : i32
      %dma_start3A_121 = tpu.memref_slice %arg2[%dma_start3A_119, %dma_start3A_120] : memref<10240x128xf32, #tpu.memory_space<hbm>> -> memref<10240x128xf32, #tpu.memory_space<hbm>>
      tpu.enqueue_indirect_dma source(%dma_start3A_121 : memref<10240x128xf32, #tpu.memory_space<hbm>>) target(%arg9 : memref<128x128xf32, #tpu.memory_space<vmem>>) offsets(%dma_start3A_118 : memref<128xi32, #tpu.memory_space<vmem>>) semaphore(%arg14 : memref<!tpu.dma_semaphore, #tpu.memory_space<semaphore_mem>>)
      %dma_wait3A_122 = arith.constant 0 : i32
      %dma_wait3A_123 = tpu.memref_slice %arg7[%add3A_115, %dma_wait3A_122] : memref<16x128xi32, #tpu.memory_space<vmem>> -> memref<1x128xi32, #tpu.memory_space<vmem>>
      %dma_wait3A_124 = tpu.memref_squeeze %dma_wait3A_123 : memref<1x128xi32, #tpu.memory_space<vmem>> -> memref<128xi32, #tpu.memory_space<vmem>>
      %dma_wait3A_125 = arith.constant 0 : i32
      %dma_wait3A_126 = arith.constant 0 : i32
      %dma_wait3A_127 = tpu.memref_slice %arg2[%dma_wait3A_125, %dma_wait3A_126] : memref<10240x128xf32, #tpu.memory_space<hbm>> -> memref<10240x128xf32, #tpu.memory_space<hbm>>
      tpu.wait_indirect_dma semaphore(%arg14 : memref<!tpu.dma_semaphore, #tpu.memory_space<semaphore_mem>>) src(%dma_wait3A_127 : memref<10240x128xf32, #tpu.memory_space<hbm>>) dst(%arg9 : memref<128x128xf32, #tpu.memory_space<vmem>>)
      %add3A_128 = arith.constant 2 : i32
      %add3A_129 = arith.addi %mul3A_36, %add3A_128 : i32
      %dma_start3A_130 = arith.constant 0 : i32
      %dma_start3A_131 = tpu.memref_slice %arg8[%add3A_129, %dma_start3A_130] : memref<16x128xi32, #tpu.memory_space<vmem>> -> memref<1x128xi32, #tpu.memory_space<vmem>>
      %dma_start3A_132 = tpu.memref_squeeze %dma_start3A_131 : memref<1x128xi32, #tpu.memory_space<vmem>> -> memref<128xi32, #tpu.memory_space<vmem>>
      %dma_start3A_133 = arith.constant 0 : i32
      %dma_start3A_134 = arith.constant 0 : i32
      %dma_start3A_135 = tpu.memref_slice %arg11[%dma_start3A_133, %dma_start3A_134] : memref<10240x128xf32, #tpu.memory_space<vmem_shared>> -> memref<10240x128xf32, #tpu.memory_space<vmem_shared>>
      tpu.enqueue_indirect_dma source(%arg9 : memref<128x128xf32, #tpu.memory_space<vmem>>) target(%dma_start3A_135 : memref<10240x128xf32, #tpu.memory_space<vmem_shared>>) offsets(%dma_start3A_132 : memref<128xi32, #tpu.memory_space<vmem>>) semaphore(%arg16 : memref<!tpu.dma_semaphore, #tpu.memory_space<semaphore_mem>>) {add = true}
      %dma_wait3A_136 = arith.constant 0 : i32
      %dma_wait3A_137 = tpu.memref_slice %arg8[%add3A_101, %dma_wait3A_136] : memref<16x128xi32, #tpu.memory_space<vmem>> -> memref<1x128xi32, #tpu.memory_space<vmem>>
      %dma_wait3A_138 = tpu.memref_squeeze %dma_wait3A_137 : memref<1x128xi32, #tpu.memory_space<vmem>> -> memref<128xi32, #tpu.memory_space<vmem>>
      %dma_wait3A_139 = arith.constant 0 : i32
      %dma_wait3A_140 = arith.constant 0 : i32
      %dma_wait3A_141 = tpu.memref_slice %arg11[%dma_wait3A_139, %dma_wait3A_140] : memref<10240x128xf32, #tpu.memory_space<vmem_shared>> -> memref<10240x128xf32, #tpu.memory_space<vmem_shared>>
      tpu.wait_indirect_dma semaphore(%arg17 : memref<!tpu.dma_semaphore, #tpu.memory_space<semaphore_mem>>) src(%arg10 : memref<128x128xf32, #tpu.memory_space<vmem>>) dst(%dma_wait3A_141 : memref<10240x128xf32, #tpu.memory_space<vmem_shared>>)
      %add3A_142 = arith.constant 3 : i32
      %add3A_143 = arith.addi %mul3A_36, %add3A_142 : i32
      %dma_start3A_144 = arith.constant 0 : i32
      %dma_start3A_145 = tpu.memref_slice %arg7[%add3A_143, %dma_start3A_144] : memref<16x128xi32, #tpu.memory_space<vmem>> -> memref<1x128xi32, #tpu.memory_space<vmem>>
      %dma_start3A_146 = tpu.memref_squeeze %dma_start3A_145 : memref<1x128xi32, #tpu.memory_space<vmem>> -> memref<128xi32, #tpu.memory_space<vmem>>
      %dma_start3A_147 = arith.constant 0 : i32
      %dma_start3A_148 = arith.constant 0 : i32
      %dma_start3A_149 = tpu.memref_slice %arg2[%dma_start3A_147, %dma_start3A_148] : memref<10240x128xf32, #tpu.memory_space<hbm>> -> memref<10240x128xf32, #tpu.memory_space<hbm>>
      tpu.enqueue_indirect_dma source(%dma_start3A_149 : memref<10240x128xf32, #tpu.memory_space<hbm>>) target(%arg10 : memref<128x128xf32, #tpu.memory_space<vmem>>) offsets(%dma_start3A_146 : memref<128xi32, #tpu.memory_space<vmem>>) semaphore(%arg15 : memref<!tpu.dma_semaphore, #tpu.memory_space<semaphore_mem>>)
      %dma_wait3A_150 = arith.constant 0 : i32
      %dma_wait3A_151 = tpu.memref_slice %arg7[%add3A_143, %dma_wait3A_150] : memref<16x128xi32, #tpu.memory_space<vmem>> -> memref<1x128xi32, #tpu.memory_space<vmem>>
      %dma_wait3A_152 = tpu.memref_squeeze %dma_wait3A_151 : memref<1x128xi32, #tpu.memory_space<vmem>> -> memref<128xi32, #tpu.memory_space<vmem>>
      %dma_wait3A_153 = arith.constant 0 : i32
      %dma_wait3A_154 = arith.constant 0 : i32
      %dma_wait3A_155 = tpu.memref_slice %arg2[%dma_wait3A_153, %dma_wait3A_154] : memref<10240x128xf32, #tpu.memory_space<hbm>> -> memref<10240x128xf32, #tpu.memory_space<hbm>>
      tpu.wait_indirect_dma semaphore(%arg15 : memref<!tpu.dma_semaphore, #tpu.memory_space<semaphore_mem>>) src(%dma_wait3A_155 : memref<10240x128xf32, #tpu.memory_space<hbm>>) dst(%arg10 : memref<128x128xf32, #tpu.memory_space<vmem>>)
      %add3A_156 = arith.constant 3 : i32
      %add3A_157 = arith.addi %mul3A_36, %add3A_156 : i32
      %dma_start3A_158 = arith.constant 0 : i32
      %dma_start3A_159 = tpu.memref_slice %arg8[%add3A_157, %dma_start3A_158] : memref<16x128xi32, #tpu.memory_space<vmem>> -> memref<1x128xi32, #tpu.memory_space<vmem>>
      %dma_start3A_160 = tpu.memref_squeeze %dma_start3A_159 : memref<1x128xi32, #tpu.memory_space<vmem>> -> memref<128xi32, #tpu.memory_space<vmem>>
      %dma_start3A_161 = arith.constant 0 : i32
      %dma_start3A_162 = arith.constant 0 : i32
      %dma_start3A_163 = tpu.memref_slice %arg11[%dma_start3A_161, %dma_start3A_162] : memref<10240x128xf32, #tpu.memory_space<vmem_shared>> -> memref<10240x128xf32, #tpu.memory_space<vmem_shared>>
      tpu.enqueue_indirect_dma source(%arg10 : memref<128x128xf32, #tpu.memory_space<vmem>>) target(%dma_start3A_163 : memref<10240x128xf32, #tpu.memory_space<vmem_shared>>) offsets(%dma_start3A_160 : memref<128xi32, #tpu.memory_space<vmem>>) semaphore(%arg17 : memref<!tpu.dma_semaphore, #tpu.memory_space<semaphore_mem>>) {add = true}
      %dma_wait3A_164 = arith.constant 0 : i32
      %dma_wait3A_165 = tpu.memref_slice %arg8[%add3A_129, %dma_wait3A_164] : memref<16x128xi32, #tpu.memory_space<vmem>> -> memref<1x128xi32, #tpu.memory_space<vmem>>
      %dma_wait3A_166 = tpu.memref_squeeze %dma_wait3A_165 : memref<1x128xi32, #tpu.memory_space<vmem>> -> memref<128xi32, #tpu.memory_space<vmem>>
      %dma_wait3A_167 = arith.constant 0 : i32
      %dma_wait3A_168 = arith.constant 0 : i32
      %dma_wait3A_169 = tpu.memref_slice %arg11[%dma_wait3A_167, %dma_wait3A_168] : memref<10240x128xf32, #tpu.memory_space<vmem_shared>> -> memref<10240x128xf32, #tpu.memory_space<vmem_shared>>
      tpu.wait_indirect_dma semaphore(%arg16 : memref<!tpu.dma_semaphore, #tpu.memory_space<semaphore_mem>>) src(%arg9 : memref<128x128xf32, #tpu.memory_space<vmem>>) dst(%dma_wait3A_169 : memref<10240x128xf32, #tpu.memory_space<vmem_shared>>)
      %add3A_170 = arith.constant 4 : i32
      %add3A_171 = arith.addi %mul3A_36, %add3A_170 : i32
      %dma_start3A_172 = arith.constant 0 : i32
      %dma_start3A_173 = tpu.memref_slice %arg7[%add3A_171, %dma_start3A_172] : memref<16x128xi32, #tpu.memory_space<vmem>> -> memref<1x128xi32, #tpu.memory_space<vmem>>
      %dma_start3A_174 = tpu.memref_squeeze %dma_start3A_173 : memref<1x128xi32, #tpu.memory_space<vmem>> -> memref<128xi32, #tpu.memory_space<vmem>>
      %dma_start3A_175 = arith.constant 0 : i32
      %dma_start3A_176 = arith.constant 0 : i32
      %dma_start3A_177 = tpu.memref_slice %arg2[%dma_start3A_175, %dma_start3A_176] : memref<10240x128xf32, #tpu.memory_space<hbm>> -> memref<10240x128xf32, #tpu.memory_space<hbm>>
      tpu.enqueue_indirect_dma source(%dma_start3A_177 : memref<10240x128xf32, #tpu.memory_space<hbm>>) target(%arg9 : memref<128x128xf32, #tpu.memory_space<vmem>>) offsets(%dma_start3A_174 : memref<128xi32, #tpu.memory_space<vmem>>) semaphore(%arg14 : memref<!tpu.dma_semaphore, #tpu.memory_space<semaphore_mem>>)
      %dma_wait3A_178 = arith.constant 0 : i32
      %dma_wait3A_179 = tpu.memref_slice %arg7[%add3A_171, %dma_wait3A_178] : memref<16x128xi32, #tpu.memory_space<vmem>> -> memref<1x128xi32, #tpu.memory_space<vmem>>
      %dma_wait3A_180 = tpu.memref_squeeze %dma_wait3A_179 : memref<1x128xi32, #tpu.memory_space<vmem>> -> memref<128xi32, #tpu.memory_space<vmem>>
      %dma_wait3A_181 = arith.constant 0 : i32
      %dma_wait3A_182 = arith.constant 0 : i32
      %dma_wait3A_183 = tpu.memref_slice %arg2[%dma_wait3A_181, %dma_wait3A_182] : memref<10240x128xf32, #tpu.memory_space<hbm>> -> memref<10240x128xf32, #tpu.memory_space<hbm>>
      tpu.wait_indirect_dma semaphore(%arg14 : memref<!tpu.dma_semaphore, #tpu.memory_space<semaphore_mem>>) src(%dma_wait3A_183 : memref<10240x128xf32, #tpu.memory_space<hbm>>) dst(%arg9 : memref<128x128xf32, #tpu.memory_space<vmem>>)
      %add3A_184 = arith.constant 4 : i32
      %add3A_185 = arith.addi %mul3A_36, %add3A_184 : i32
      %dma_start3A_186 = arith.constant 0 : i32
      %dma_start3A_187 = tpu.memref_slice %arg8[%add3A_185, %dma_start3A_186] : memref<16x128xi32, #tpu.memory_space<vmem>> -> memref<1x128xi32, #tpu.memory_space<vmem>>
      %dma_start3A_188 = tpu.memref_squeeze %dma_start3A_187 : memref<1x128xi32, #tpu.memory_space<vmem>> -> memref<128xi32, #tpu.memory_space<vmem>>
      %dma_start3A_189 = arith.constant 0 : i32
      %dma_start3A_190 = arith.constant 0 : i32
      %dma_start3A_191 = tpu.memref_slice %arg11[%dma_start3A_189, %dma_start3A_190] : memref<10240x128xf32, #tpu.memory_space<vmem_shared>> -> memref<10240x128xf32, #tpu.memory_space<vmem_shared>>
      tpu.enqueue_indirect_dma source(%arg9 : memref<128x128xf32, #tpu.memory_space<vmem>>) target(%dma_start3A_191 : memref<10240x128xf32, #tpu.memory_space<vmem_shared>>) offsets(%dma_start3A_188 : memref<128xi32, #tpu.memory_space<vmem>>) semaphore(%arg16 : memref<!tpu.dma_semaphore, #tpu.memory_space<semaphore_mem>>) {add = true}
      %dma_wait3A_192 = arith.constant 0 : i32
      %dma_wait3A_193 = tpu.memref_slice %arg8[%add3A_157, %dma_wait3A_192] : memref<16x128xi32, #tpu.memory_space<vmem>> -> memref<1x128xi32, #tpu.memory_space<vmem>>
      %dma_wait3A_194 = tpu.memref_squeeze %dma_wait3A_193 : memref<1x128xi32, #tpu.memory_space<vmem>> -> memref<128xi32, #tpu.memory_space<vmem>>
      %dma_wait3A_195 = arith.constant 0 : i32
      %dma_wait3A_196 = arith.constant 0 : i32
      %dma_wait3A_197 = tpu.memref_slice %arg11[%dma_wait3A_195, %dma_wait3A_196] : memref<10240x128xf32, #tpu.memory_space<vmem_shared>> -> memref<10240x128xf32, #tpu.memory_space<vmem_shared>>
      tpu.wait_indirect_dma semaphore(%arg17 : memref<!tpu.dma_semaphore, #tpu.memory_space<semaphore_mem>>) src(%arg10 : memref<128x128xf32, #tpu.memory_space<vmem>>) dst(%dma_wait3A_197 : memref<10240x128xf32, #tpu.memory_space<vmem_shared>>)
      %add3A_198 = arith.constant 5 : i32
      %add3A_199 = arith.addi %mul3A_36, %add3A_198 : i32
      %dma_start3A_200 = arith.constant 0 : i32
      %dma_start3A_201 = tpu.memref_slice %arg7[%add3A_199, %dma_start3A_200] : memref<16x128xi32, #tpu.memory_space<vmem>> -> memref<1x128xi32, #tpu.memory_space<vmem>>
      %dma_start3A_202 = tpu.memref_squeeze %dma_start3A_201 : memref<1x128xi32, #tpu.memory_space<vmem>> -> memref<128xi32, #tpu.memory_space<vmem>>
      %dma_start3A_203 = arith.constant 0 : i32
      %dma_start3A_204 = arith.constant 0 : i32
      %dma_start3A_205 = tpu.memref_slice %arg2[%dma_start3A_203, %dma_start3A_204] : memref<10240x128xf32, #tpu.memory_space<hbm>> -> memref<10240x128xf32, #tpu.memory_space<hbm>>
      tpu.enqueue_indirect_dma source(%dma_start3A_205 : memref<10240x128xf32, #tpu.memory_space<hbm>>) target(%arg10 : memref<128x128xf32, #tpu.memory_space<vmem>>) offsets(%dma_start3A_202 : memref<128xi32, #tpu.memory_space<vmem>>) semaphore(%arg15 : memref<!tpu.dma_semaphore, #tpu.memory_space<semaphore_mem>>)
      %dma_wait3A_206 = arith.constant 0 : i32
      %dma_wait3A_207 = tpu.memref_slice %arg7[%add3A_199, %dma_wait3A_206] : memref<16x128xi32, #tpu.memory_space<vmem>> -> memref<1x128xi32, #tpu.memory_space<vmem>>
      %dma_wait3A_208 = tpu.memref_squeeze %dma_wait3A_207 : memref<1x128xi32, #tpu.memory_space<vmem>> -> memref<128xi32, #tpu.memory_space<vmem>>
      %dma_wait3A_209 = arith.constant 0 : i32
      %dma_wait3A_210 = arith.constant 0 : i32
      %dma_wait3A_211 = tpu.memref_slice %arg2[%dma_wait3A_209, %dma_wait3A_210] : memref<10240x128xf32, #tpu.memory_space<hbm>> -> memref<10240x128xf32, #tpu.memory_space<hbm>>
      tpu.wait_indirect_dma semaphore(%arg15 : memref<!tpu.dma_semaphore, #tpu.memory_space<semaphore_mem>>) src(%dma_wait3A_211 : memref<10240x128xf32, #tpu.memory_space<hbm>>) dst(%arg10 : memref<128x128xf32, #tpu.memory_space<vmem>>)
      %add3A_212 = arith.constant 5 : i32
      %add3A_213 = arith.addi %mul3A_36, %add3A_212 : i32
      %dma_start3A_214 = arith.constant 0 : i32
      %dma_start3A_215 = tpu.memref_slice %arg8[%add3A_213, %dma_start3A_214] : memref<16x128xi32, #tpu.memory_space<vmem>> -> memref<1x128xi32, #tpu.memory_space<vmem>>
      %dma_start3A_216 = tpu.memref_squeeze %dma_start3A_215 : memref<1x128xi32, #tpu.memory_space<vmem>> -> memref<128xi32, #tpu.memory_space<vmem>>
      %dma_start3A_217 = arith.constant 0 : i32
      %dma_start3A_218 = arith.constant 0 : i32
      %dma_start3A_219 = tpu.memref_slice %arg11[%dma_start3A_217, %dma_start3A_218] : memref<10240x128xf32, #tpu.memory_space<vmem_shared>> -> memref<10240x128xf32, #tpu.memory_space<vmem_shared>>
      tpu.enqueue_indirect_dma source(%arg10 : memref<128x128xf32, #tpu.memory_space<vmem>>) target(%dma_start3A_219 : memref<10240x128xf32, #tpu.memory_space<vmem_shared>>) offsets(%dma_start3A_216 : memref<128xi32, #tpu.memory_space<vmem>>) semaphore(%arg17 : memref<!tpu.dma_semaphore, #tpu.memory_space<semaphore_mem>>) {add = true}
      %dma_wait3A_220 = arith.constant 0 : i32
      %dma_wait3A_221 = tpu.memref_slice %arg8[%add3A_185, %dma_wait3A_220] : memref<16x128xi32, #tpu.memory_space<vmem>> -> memref<1x128xi32, #tpu.memory_space<vmem>>
      %dma_wait3A_222 = tpu.memref_squeeze %dma_wait3A_221 : memref<1x128xi32, #tpu.memory_space<vmem>> -> memref<128xi32, #tpu.memory_space<vmem>>
      %dma_wait3A_223 = arith.constant 0 : i32
      %dma_wait3A_224 = arith.constant 0 : i32
      %dma_wait3A_225 = tpu.memref_slice %arg11[%dma_wait3A_223, %dma_wait3A_224] : memref<10240x128xf32, #tpu.memory_space<vmem_shared>> -> memref<10240x128xf32, #tpu.memory_space<vmem_shared>>
      tpu.wait_indirect_dma semaphore(%arg16 : memref<!tpu.dma_semaphore, #tpu.memory_space<semaphore_mem>>) src(%arg9 : memref<128x128xf32, #tpu.memory_space<vmem>>) dst(%dma_wait3A_225 : memref<10240x128xf32, #tpu.memory_space<vmem_shared>>)
      %add3A_226 = arith.constant 6 : i32
      %add3A_227 = arith.addi %mul3A_36, %add3A_226 : i32
      %dma_start3A_228 = arith.constant 0 : i32
      %dma_start3A_229 = tpu.memref_slice %arg7[%add3A_227, %dma_start3A_228] : memref<16x128xi32, #tpu.memory_space<vmem>> -> memref<1x128xi32, #tpu.memory_space<vmem>>
      %dma_start3A_230 = tpu.memref_squeeze %dma_start3A_229 : memref<1x128xi32, #tpu.memory_space<vmem>> -> memref<128xi32, #tpu.memory_space<vmem>>
      %dma_start3A_231 = arith.constant 0 : i32
      %dma_start3A_232 = arith.constant 0 : i32
      %dma_start3A_233 = tpu.memref_slice %arg2[%dma_start3A_231, %dma_start3A_232] : memref<10240x128xf32, #tpu.memory_space<hbm>> -> memref<10240x128xf32, #tpu.memory_space<hbm>>
      tpu.enqueue_indirect_dma source(%dma_start3A_233 : memref<10240x128xf32, #tpu.memory_space<hbm>>) target(%arg9 : memref<128x128xf32, #tpu.memory_space<vmem>>) offsets(%dma_start3A_230 : memref<128xi32, #tpu.memory_space<vmem>>) semaphore(%arg14 : memref<!tpu.dma_semaphore, #tpu.memory_space<semaphore_mem>>)
      %dma_wait3A_234 = arith.constant 0 : i32
      %dma_wait3A_235 = tpu.memref_slice %arg7[%add3A_227, %dma_wait3A_234] : memref<16x128xi32, #tpu.memory_space<vmem>> -> memref<1x128xi32, #tpu.memory_space<vmem>>
      %dma_wait3A_236 = tpu.memref_squeeze %dma_wait3A_235 : memref<1x128xi32, #tpu.memory_space<vmem>> -> memref<128xi32, #tpu.memory_space<vmem>>
      %dma_wait3A_237 = arith.constant 0 : i32
      %dma_wait3A_238 = arith.constant 0 : i32
      %dma_wait3A_239 = tpu.memref_slice %arg2[%dma_wait3A_237, %dma_wait3A_238] : memref<10240x128xf32, #tpu.memory_space<hbm>> -> memref<10240x128xf32, #tpu.memory_space<hbm>>
      tpu.wait_indirect_dma semaphore(%arg14 : memref<!tpu.dma_semaphore, #tpu.memory_space<semaphore_mem>>) src(%dma_wait3A_239 : memref<10240x128xf32, #tpu.memory_space<hbm>>) dst(%arg9 : memref<128x128xf32, #tpu.memory_space<vmem>>)
      %add3A_240 = arith.constant 6 : i32
      %add3A_241 = arith.addi %mul3A_36, %add3A_240 : i32
      %dma_start3A_242 = arith.constant 0 : i32
      %dma_start3A_243 = tpu.memref_slice %arg8[%add3A_241, %dma_start3A_242] : memref<16x128xi32, #tpu.memory_space<vmem>> -> memref<1x128xi32, #tpu.memory_space<vmem>>
      %dma_start3A_244 = tpu.memref_squeeze %dma_start3A_243 : memref<1x128xi32, #tpu.memory_space<vmem>> -> memref<128xi32, #tpu.memory_space<vmem>>
      %dma_start3A_245 = arith.constant 0 : i32
      %dma_start3A_246 = arith.constant 0 : i32
      %dma_start3A_247 = tpu.memref_slice %arg11[%dma_start3A_245, %dma_start3A_246] : memref<10240x128xf32, #tpu.memory_space<vmem_shared>> -> memref<10240x128xf32, #tpu.memory_space<vmem_shared>>
      tpu.enqueue_indirect_dma source(%arg9 : memref<128x128xf32, #tpu.memory_space<vmem>>) target(%dma_start3A_247 : memref<10240x128xf32, #tpu.memory_space<vmem_shared>>) offsets(%dma_start3A_244 : memref<128xi32, #tpu.memory_space<vmem>>) semaphore(%arg16 : memref<!tpu.dma_semaphore, #tpu.memory_space<semaphore_mem>>) {add = true}
      %dma_wait3A_248 = arith.constant 0 : i32
      %dma_wait3A_249 = tpu.memref_slice %arg8[%add3A_213, %dma_wait3A_248] : memref<16x128xi32, #tpu.memory_space<vmem>> -> memref<1x128xi32, #tpu.memory_space<vmem>>
      %dma_wait3A_250 = tpu.memref_squeeze %dma_wait3A_249 : memref<1x128xi32, #tpu.memory_space<vmem>> -> memref<128xi32, #tpu.memory_space<vmem>>
      %dma_wait3A_251 = arith.constant 0 : i32
      %dma_wait3A_252 = arith.constant 0 : i32
      %dma_wait3A_253 = tpu.memref_slice %arg11[%dma_wait3A_251, %dma_wait3A_252] : memref<10240x128xf32, #tpu.memory_space<vmem_shared>> -> memref<10240x128xf32, #tpu.memory_space<vmem_shared>>
      tpu.wait_indirect_dma semaphore(%arg17 : memref<!tpu.dma_semaphore, #tpu.memory_space<semaphore_mem>>) src(%arg10 : memref<128x128xf32, #tpu.memory_space<vmem>>) dst(%dma_wait3A_253 : memref<10240x128xf32, #tpu.memory_space<vmem_shared>>)
      %add3A_254 = arith.constant 7 : i32
      %add3A_255 = arith.addi %mul3A_36, %add3A_254 : i32
      %dma_start3A_256 = arith.constant 0 : i32
      %dma_start3A_257 = tpu.memref_slice %arg7[%add3A_255, %dma_start3A_256] : memref<16x128xi32, #tpu.memory_space<vmem>> -> memref<1x128xi32, #tpu.memory_space<vmem>>
      %dma_start3A_258 = tpu.memref_squeeze %dma_start3A_257 : memref<1x128xi32, #tpu.memory_space<vmem>> -> memref<128xi32, #tpu.memory_space<vmem>>
      %dma_start3A_259 = arith.constant 0 : i32
      %dma_start3A_260 = arith.constant 0 : i32
      %dma_start3A_261 = tpu.memref_slice %arg2[%dma_start3A_259, %dma_start3A_260] : memref<10240x128xf32, #tpu.memory_space<hbm>> -> memref<10240x128xf32, #tpu.memory_space<hbm>>
      tpu.enqueue_indirect_dma source(%dma_start3A_261 : memref<10240x128xf32, #tpu.memory_space<hbm>>) target(%arg10 : memref<128x128xf32, #tpu.memory_space<vmem>>) offsets(%dma_start3A_258 : memref<128xi32, #tpu.memory_space<vmem>>) semaphore(%arg15 : memref<!tpu.dma_semaphore, #tpu.memory_space<semaphore_mem>>)
      %dma_wait3A_262 = arith.constant 0 : i32
      %dma_wait3A_263 = tpu.memref_slice %arg7[%add3A_255, %dma_wait3A_262] : memref<16x128xi32, #tpu.memory_space<vmem>> -> memref<1x128xi32, #tpu.memory_space<vmem>>
      %dma_wait3A_264 = tpu.memref_squeeze %dma_wait3A_263 : memref<1x128xi32, #tpu.memory_space<vmem>> -> memref<128xi32, #tpu.memory_space<vmem>>
      %dma_wait3A_265 = arith.constant 0 : i32
      %dma_wait3A_266 = arith.constant 0 : i32
      %dma_wait3A_267 = tpu.memref_slice %arg2[%dma_wait3A_265, %dma_wait3A_266] : memref<10240x128xf32, #tpu.memory_space<hbm>> -> memref<10240x128xf32, #tpu.memory_space<hbm>>
      tpu.wait_indirect_dma semaphore(%arg15 : memref<!tpu.dma_semaphore, #tpu.memory_space<semaphore_mem>>) src(%dma_wait3A_267 : memref<10240x128xf32, #tpu.memory_space<hbm>>) dst(%arg10 : memref<128x128xf32, #tpu.memory_space<vmem>>)
      %add3A_268 = arith.constant 7 : i32
      %add3A_269 = arith.addi %mul3A_36, %add3A_268 : i32
      %dma_start3A_270 = arith.constant 0 : i32
      %dma_start3A_271 = tpu.memref_slice %arg8[%add3A_269, %dma_start3A_270] : memref<16x128xi32, #tpu.memory_space<vmem>> -> memref<1x128xi32, #tpu.memory_space<vmem>>
      %dma_start3A_272 = tpu.memref_squeeze %dma_start3A_271 : memref<1x128xi32, #tpu.memory_space<vmem>> -> memref<128xi32, #tpu.memory_space<vmem>>
      %dma_start3A_273 = arith.constant 0 : i32
      %dma_start3A_274 = arith.constant 0 : i32
      %dma_start3A_275 = tpu.memref_slice %arg11[%dma_start3A_273, %dma_start3A_274] : memref<10240x128xf32, #tpu.memory_space<vmem_shared>> -> memref<10240x128xf32, #tpu.memory_space<vmem_shared>>
      tpu.enqueue_indirect_dma source(%arg10 : memref<128x128xf32, #tpu.memory_space<vmem>>) target(%dma_start3A_275 : memref<10240x128xf32, #tpu.memory_space<vmem_shared>>) offsets(%dma_start3A_272 : memref<128xi32, #tpu.memory_space<vmem>>) semaphore(%arg17 : memref<!tpu.dma_semaphore, #tpu.memory_space<semaphore_mem>>) {add = true}
      %dma_wait3A_276 = arith.constant 0 : i32
      %dma_wait3A_277 = tpu.memref_slice %arg8[%add3A_241, %dma_wait3A_276] : memref<16x128xi32, #tpu.memory_space<vmem>> -> memref<1x128xi32, #tpu.memory_space<vmem>>
      %dma_wait3A_278 = tpu.memref_squeeze %dma_wait3A_277 : memref<1x128xi32, #tpu.memory_space<vmem>> -> memref<128xi32, #tpu.memory_space<vmem>>
      %dma_wait3A_279 = arith.constant 0 : i32
      %dma_wait3A_280 = arith.constant 0 : i32
      %dma_wait3A_281 = tpu.memref_slice %arg11[%dma_wait3A_279, %dma_wait3A_280] : memref<10240x128xf32, #tpu.memory_space<vmem_shared>> -> memref<10240x128xf32, #tpu.memory_space<vmem_shared>>
      tpu.wait_indirect_dma semaphore(%arg16 : memref<!tpu.dma_semaphore, #tpu.memory_space<semaphore_mem>>) src(%arg9 : memref<128x128xf32, #tpu.memory_space<vmem>>) dst(%dma_wait3A_281 : memref<10240x128xf32, #tpu.memory_space<vmem_shared>>)
      %dma_wait3A_282 = arith.constant 0 : i32
      %dma_wait3A_283 = tpu.memref_slice %arg8[%add3A_269, %dma_wait3A_282] : memref<16x128xi32, #tpu.memory_space<vmem>> -> memref<1x128xi32, #tpu.memory_space<vmem>>
      %dma_wait3A_284 = tpu.memref_squeeze %dma_wait3A_283 : memref<1x128xi32, #tpu.memory_space<vmem>> -> memref<128xi32, #tpu.memory_space<vmem>>
      %dma_wait3A_285 = arith.constant 0 : i32
      %dma_wait3A_286 = arith.constant 0 : i32
      %dma_wait3A_287 = tpu.memref_slice %arg11[%dma_wait3A_285, %dma_wait3A_286] : memref<10240x128xf32, #tpu.memory_space<vmem_shared>> -> memref<10240x128xf32, #tpu.memory_space<vmem_shared>>
      tpu.wait_indirect_dma semaphore(%arg17 : memref<!tpu.dma_semaphore, #tpu.memory_space<semaphore_mem>>) src(%arg10 : memref<128x128xf32, #tpu.memory_space<vmem>>) dst(%dma_wait3A_287 : memref<10240x128xf32, #tpu.memory_space<vmem_shared>>)
      %dma_wait3A_288 = arith.constant 0 : i32
      %dma_wait3A_289 = tpu.memref_slice %arg7[%mul3A_44, %dma_wait3A_288] : memref<16x128xi32, #tpu.memory_space<vmem>> -> memref<8x128xi32, #tpu.memory_space<vmem>>
      %dma_wait3A_290 = arith.constant 0 : i32
      %dma_wait3A_291 = tpu.memref_slice %arg3[%add3A_42, %dma_wait3A_290] : memref<2568x128xi32, #tpu.memory_space<hbm>> -> memref<8x128xi32, #tpu.memory_space<hbm>>
      %dma_wait3A_292 = arith.constant 0 : i32
      %dma_wait3A_293 = tpu.memref_slice %arg7[%mul3A_44, %dma_wait3A_292] : memref<16x128xi32, #tpu.memory_space<vmem>> -> memref<8x128xi32, #tpu.memory_space<vmem>>
      %dma_wait3A_294 = arith.constant 0 : i32
      %dma_wait3A_295 = tpu.memref_slice %arg3[%add3A_42, %dma_wait3A_294] : memref<2568x128xi32, #tpu.memory_space<hbm>> -> memref<8x128xi32, #tpu.memory_space<hbm>>
      tpu.wait_dma2 semaphore(%arg12 : memref<!tpu.dma_semaphore, #tpu.memory_space<semaphore_mem>>) src(%dma_wait3A_295 : memref<8x128xi32, #tpu.memory_space<hbm>>) dst(%dma_wait3A_293 : memref<8x128xi32, #tpu.memory_space<vmem>>)
      %dma_wait3A_296 = arith.constant 0 : i32
      %dma_wait3A_297 = tpu.memref_slice %arg8[%mul3A_56, %dma_wait3A_296] : memref<16x128xi32, #tpu.memory_space<vmem>> -> memref<8x128xi32, #tpu.memory_space<vmem>>
      %dma_wait3A_298 = arith.constant 0 : i32
      %dma_wait3A_299 = tpu.memref_slice %arg4[%add3A_54, %dma_wait3A_298] : memref<2568x128xi32, #tpu.memory_space<hbm>> -> memref<8x128xi32, #tpu.memory_space<hbm>>
      %dma_wait3A_300 = arith.constant 0 : i32
      %dma_wait3A_301 = tpu.memref_slice %arg8[%mul3A_56, %dma_wait3A_300] : memref<16x128xi32, #tpu.memory_space<vmem>> -> memref<8x128xi32, #tpu.memory_space<vmem>>
      %dma_wait3A_302 = arith.constant 0 : i32
      %dma_wait3A_303 = tpu.memref_slice %arg4[%add3A_54, %dma_wait3A_302] : memref<2568x128xi32, #tpu.memory_space<hbm>> -> memref<8x128xi32, #tpu.memory_space<hbm>>
      tpu.wait_dma2 semaphore(%arg13 : memref<!tpu.dma_semaphore, #tpu.memory_space<semaphore_mem>>) src(%dma_wait3A_303 : memref<8x128xi32, #tpu.memory_space<hbm>>) dst(%dma_wait3A_301 : memref<8x128xi32, #tpu.memory_space<vmem>>)
    }
    %barrier3A_25 = arith.constant 0 : index
    tpu.barrier barrier_id(%barrier3A_25)
    %scan3A_26 = arith.constant 0 : i32
    %scan3A_27 = arith.constant 0 : i32
    %scan3A_28 = arith.constant 5 : i32
    %scan3A_29 = arith.addi %scan3A_27, %scan3A_28 : i32
    %scan3A_30 = arith.constant 1 : i32
    scf.for %scan3A_32 = %scan3A_27 to %scan3A_29 step %scan3A_30  : i32 {
      %mul3A_33 = arith.constant 128 : i32
      %mul3A_34 = arith.muli %scan3A_32, %mul3A_33 : i32
      %add3A_35 = arith.addi %mul3A_0, %mul3A_34 : i32
      "tpu.region"() ({
        %run_scoped3A = tpu.sem_alloc : memref<!tpu.dma_semaphore, #tpu.memory_space<semaphore_mem>>
        %dma_start3A = arith.constant 0 : i32
        %dma_start3A_42 = tpu.memref_slice %arg11[%add3A_35, %dma_start3A] : memref<10240x128xf32, #tpu.memory_space<vmem_shared>> -> memref<128x128xf32, #tpu.memory_space<vmem_shared>>
        %dma_start3A_43 = arith.constant 0 : i32
        %dma_start3A_44 = tpu.memref_slice %arg11[%add3A_35, %dma_start3A_43] : memref<10240x128xf32, #tpu.memory_space<vmem_shared>> -> memref<128x128xf32, #tpu.memory_space<vmem_shared>>
        tpu.enqueue_dma source(%dma_start3A_44 : memref<128x128xf32, #tpu.memory_space<vmem_shared>>) target(%arg9 : memref<128x128xf32, #tpu.memory_space<vmem>>) target_semaphore(%run_scoped3A : memref<!tpu.dma_semaphore, #tpu.memory_space<semaphore_mem>>)
        %dma_wait3A = arith.constant 0 : i32
        %dma_wait3A_45 = tpu.memref_slice %arg11[%add3A_35, %dma_wait3A] : memref<10240x128xf32, #tpu.memory_space<vmem_shared>> -> memref<128x128xf32, #tpu.memory_space<vmem_shared>>
        %dma_wait3A_46 = arith.constant 0 : i32
        %dma_wait3A_47 = tpu.memref_slice %arg11[%add3A_35, %dma_wait3A_46] : memref<10240x128xf32, #tpu.memory_space<vmem_shared>> -> memref<128x128xf32, #tpu.memory_space<vmem_shared>>
        tpu.wait_dma2 semaphore(%run_scoped3A : memref<!tpu.dma_semaphore, #tpu.memory_space<semaphore_mem>>) src(%dma_wait3A_47 : memref<128x128xf32, #tpu.memory_space<vmem_shared>>) dst(%arg9 : memref<128x128xf32, #tpu.memory_space<vmem>>)
        tpu.yield
      }) : () -> ()
      %mul3A_36 = arith.constant 10240 : i32
      %mul3A_37 = arith.muli %arg0, %mul3A_36 : i32
      %add3A_38 = arith.addi %mul3A_37, %mul3A_0 : i32
      %mul3A_39 = arith.constant 128 : i32
      %mul3A_40 = arith.muli %scan3A_32, %mul3A_39 : i32
      %add3A_41 = arith.addi %add3A_38, %mul3A_40 : i32
      "tpu.region"() ({
        %run_scoped3A = tpu.sem_alloc : memref<!tpu.dma_semaphore, #tpu.memory_space<semaphore_mem>>
        %dma_start3A = arith.constant 0 : i32
        %dma_start3A_42 = tpu.memref_slice %arg6[%add3A_41, %dma_start3A] : memref<20480x128xf32, #tpu.memory_space<hbm>> -> memref<128x128xf32, #tpu.memory_space<hbm>>
        %dma_start3A_43 = arith.constant 0 : i32
        %dma_start3A_44 = tpu.memref_slice %arg6[%add3A_41, %dma_start3A_43] : memref<20480x128xf32, #tpu.memory_space<hbm>> -> memref<128x128xf32, #tpu.memory_space<hbm>>
        tpu.enqueue_dma source(%arg9 : memref<128x128xf32, #tpu.memory_space<vmem>>) target(%dma_start3A_44 : memref<128x128xf32, #tpu.memory_space<hbm>>) target_semaphore(%run_scoped3A : memref<!tpu.dma_semaphore, #tpu.memory_space<semaphore_mem>>)
        %dma_wait3A = arith.constant 0 : i32
        %dma_wait3A_45 = tpu.memref_slice %arg6[%add3A_41, %dma_wait3A] : memref<20480x128xf32, #tpu.memory_space<hbm>> -> memref<128x128xf32, #tpu.memory_space<hbm>>
        %dma_wait3A_46 = arith.constant 0 : i32
        %dma_wait3A_47 = tpu.memref_slice %arg6[%add3A_41, %dma_wait3A_46] : memref<20480x128xf32, #tpu.memory_space<hbm>> -> memref<128x128xf32, #tpu.memory_space<hbm>>
        tpu.wait_dma2 semaphore(%run_scoped3A : memref<!tpu.dma_semaphore, #tpu.memory_space<semaphore_mem>>) src(%arg9 : memref<128x128xf32, #tpu.memory_space<vmem>>) dst(%dma_wait3A_47 : memref<128x128xf32, #tpu.memory_space<hbm>>)
        tpu.yield
      }) : () -> ()
    }
    %scan3A_31 = arith.constant 5 : i32
    return
  }
}

#map = affine_map<(d0, d1) -> (0, 0)>
module attributes {stable_mosaic.version = 14 : i64} {
  func.func @segsum(%arg0: i32, %arg1: i32, %arg2: memref<10240x128xf32, #tpu.memory_space<hbm>>, %arg3: memref<2568x128xi32, #tpu.memory_space<hbm>>, %arg4: memref<2568x128xi32, #tpu.memory_space<hbm>>, %arg5: memref<128x128xf32, #tpu.memory_space<hbm>>, %arg6: memref<20480x128xf32, #tpu.memory_space<hbm>>, %arg7: memref<16x128xi32, #tpu.memory_space<vmem>>, %arg8: memref<16x128xi32, #tpu.memory_space<vmem>>, %arg9: memref<128x128xf32, #tpu.memory_space<vmem>>, %arg10: memref<128x128xf32, #tpu.memory_space<vmem>>, %arg11: memref<10240x128xf32, #tpu.memory_space<vmem_shared>>, %arg12: memref<!tpu.dma_semaphore, #tpu.memory_space<semaphore_mem>>, %arg13: memref<!tpu.dma_semaphore, #tpu.memory_space<semaphore_mem>>, %arg14: memref<!tpu.dma_semaphore, #tpu.memory_space<semaphore_mem>>, %arg15: memref<!tpu.dma_semaphore, #tpu.memory_space<semaphore_mem>>, %arg16: memref<!tpu.dma_semaphore, #tpu.memory_space<semaphore_mem>>, %arg17: memref<!tpu.dma_semaphore, #tpu.memory_space<semaphore_mem>>) attributes {dimension_semantics = [#tpu.dimension_semantics<core_parallel>, #tpu.dimension_semantics<subcore_parallel>], iteration_bounds = array<i64: 2, 16>, scalar_prefetch = 0 : i64, scratch_operands = 11 : i64, tpu.core_type = #tpu.core_type<sc_vector_subcore>, window_params = [{transform_indices = #map}, {transform_indices = #map}, {transform_indices = #map}, {transform_indices = #map}, {transform_indices = #map}]} {
    %mul3A = arith.constant 640 : i32
    %mul3A_0 = arith.muli %arg1, %mul3A : i32
    %eq3A = arith.constant 0 : i32
    %eq3A_1 = arith.cmpi eq, %arg0, %eq3A : i32
    %jit3A = arith.constant 15 : i32
    %jit3A_2 = arith.constant 5 : i32
    %select_n3A = arith.select %eq3A_1, %jit3A, %jit3A_2 : i32
    %eq3A_3 = arith.constant 0 : i32
    %eq3A_4 = arith.cmpi eq, %arg0, %eq3A_3 : i32
    %mul3A_5 = arith.constant 120 : i32
    %mul3A_6 = arith.muli %arg1, %mul3A_5 : i32
    %mul3A_7 = arith.constant 40 : i32
    %mul3A_8 = arith.muli %arg1, %mul3A_7 : i32
    %add3A = arith.constant 1920 : i32
    %add3A_9 = arith.addi %add3A, %mul3A_8 : i32
    %select_n3A_10 = arith.select %eq3A_4, %mul3A_6, %add3A_9 : i32
    "tpu.region"() ({
      %run_scoped3A = tpu.sem_alloc : memref<!tpu.dma_semaphore, #tpu.memory_space<semaphore_mem>>
      tpu.enqueue_dma source(%arg5 : memref<128x128xf32, #tpu.memory_space<hbm>>) target(%arg9 : memref<128x128xf32, #tpu.memory_space<vmem>>) target_semaphore(%run_scoped3A : memref<!tpu.dma_semaphore, #tpu.memory_space<semaphore_mem>>)
      tpu.wait_dma2 semaphore(%run_scoped3A : memref<!tpu.dma_semaphore, #tpu.memory_space<semaphore_mem>>) src(%arg5 : memref<128x128xf32, #tpu.memory_space<hbm>>) dst(%arg9 : memref<128x128xf32, #tpu.memory_space<vmem>>)
      tpu.yield
    }) : () -> ()
    %scan3A = arith.constant 0 : i32
    %scan3A_11 = arith.constant 0 : i32
    %scan3A_12 = arith.constant 5 : i32
    %scan3A_13 = arith.addi %scan3A_11, %scan3A_12 : i32
    %scan3A_14 = arith.constant 1 : i32
    scf.for %scan3A_32 = %scan3A_11 to %scan3A_13 step %scan3A_14  : i32 {
      %mul3A_33 = arith.constant 128 : i32
      %mul3A_34 = arith.muli %scan3A_32, %mul3A_33 : i32
      %add3A_35 = arith.addi %mul3A_0, %mul3A_34 : i32
      "tpu.region"() ({
        %run_scoped3A = tpu.sem_alloc : memref<!tpu.dma_semaphore, #tpu.memory_space<semaphore_mem>>
        %dma_start3A = arith.constant 0 : i32
        %dma_start3A_36 = tpu.memref_slice %arg11[%add3A_35, %dma_start3A] : memref<10240x128xf32, #tpu.memory_space<vmem_shared>> -> memref<128x128xf32, #tpu.memory_space<vmem_shared>>
        %dma_start3A_37 = arith.constant 0 : i32
        %dma_start3A_38 = tpu.memref_slice %arg11[%add3A_35, %dma_start3A_37] : memref<10240x128xf32, #tpu.memory_space<vmem_shared>> -> memref<128x128xf32, #tpu.memory_space<vmem_shared>>
        tpu.enqueue_dma source(%arg9 : memref<128x128xf32, #tpu.memory_space<vmem>>) target(%dma_start3A_38 : memref<128x128xf32, #tpu.memory_space<vmem_shared>>) target_semaphore(%run_scoped3A : memref<!tpu.dma_semaphore, #tpu.memory_space<semaphore_mem>>)
        %dma_wait3A = arith.constant 0 : i32
        %dma_wait3A_39 = tpu.memref_slice %arg11[%add3A_35, %dma_wait3A] : memref<10240x128xf32, #tpu.memory_space<vmem_shared>> -> memref<128x128xf32, #tpu.memory_space<vmem_shared>>
        %dma_wait3A_40 = arith.constant 0 : i32
        %dma_wait3A_41 = tpu.memref_slice %arg11[%add3A_35, %dma_wait3A_40] : memref<10240x128xf32, #tpu.memory_space<vmem_shared>> -> memref<128x128xf32, #tpu.memory_space<vmem_shared>>
        tpu.wait_dma2 semaphore(%run_scoped3A : memref<!tpu.dma_semaphore, #tpu.memory_space<semaphore_mem>>) src(%arg9 : memref<128x128xf32, #tpu.memory_space<vmem>>) dst(%dma_wait3A_41 : memref<128x128xf32, #tpu.memory_space<vmem_shared>>)
        tpu.yield
      }) : () -> ()
    }
    %scan3A_15 = arith.constant 5 : i32
    "tpu.region"() ({
      %run_scoped3A = tpu.sem_alloc : memref<!tpu.dma_semaphore, #tpu.memory_space<semaphore_mem>>
      %dma_start3A = arith.constant 0 : i32
      %dma_start3A_32 = arith.constant 0 : i32
      %dma_start3A_33 = tpu.memref_slice %arg7[%dma_start3A, %dma_start3A_32] : memref<16x128xi32, #tpu.memory_space<vmem>> -> memref<8x128xi32, #tpu.memory_space<vmem>>
      %dma_start3A_34 = arith.constant 0 : i32
      %dma_start3A_35 = tpu.memref_slice %arg3[%select_n3A_10, %dma_start3A_34] : memref<2568x128xi32, #tpu.memory_space<hbm>> -> memref<8x128xi32, #tpu.memory_space<hbm>>
      %dma_start3A_36 = arith.constant 0 : i32
      %dma_start3A_37 = arith.constant 0 : i32
      %dma_start3A_38 = tpu.memref_slice %arg7[%dma_start3A_36, %dma_start3A_37] : memref<16x128xi32, #tpu.memory_space<vmem>> -> memref<8x128xi32, #tpu.memory_space<vmem>>
      %dma_start3A_39 = arith.constant 0 : i32
      %dma_start3A_40 = tpu.memref_slice %arg3[%select_n3A_10, %dma_start3A_39] : memref<2568x128xi32, #tpu.memory_space<hbm>> -> memref<8x128xi32, #tpu.memory_space<hbm>>
      tpu.enqueue_dma source(%dma_start3A_40 : memref<8x128xi32, #tpu.memory_space<hbm>>) target(%dma_start3A_38 : memref<8x128xi32, #tpu.memory_space<vmem>>) target_semaphore(%run_scoped3A : memref<!tpu.dma_semaphore, #tpu.memory_space<semaphore_mem>>)
      %dma_wait3A = arith.constant 0 : i32
      %dma_wait3A_41 = arith.constant 0 : i32
      %dma_wait3A_42 = tpu.memref_slice %arg7[%dma_wait3A, %dma_wait3A_41] : memref<16x128xi32, #tpu.memory_space<vmem>> -> memref<8x128xi32, #tpu.memory_space<vmem>>
      %dma_wait3A_43 = arith.constant 0 : i32
      %dma_wait3A_44 = tpu.memref_slice %arg3[%select_n3A_10, %dma_wait3A_43] : memref<2568x128xi32, #tpu.memory_space<hbm>> -> memref<8x128xi32, #tpu.memory_space<hbm>>
      %dma_wait3A_45 = arith.constant 0 : i32
      %dma_wait3A_46 = arith.constant 0 : i32
      %dma_wait3A_47 = tpu.memref_slice %arg7[%dma_wait3A_45, %dma_wait3A_46] : memref<16x128xi32, #tpu.memory_space<vmem>> -> memref<8x128xi32, #tpu.memory_space<vmem>>
      %dma_wait3A_48 = arith.constant 0 : i32
      %dma_wait3A_49 = tpu.memref_slice %arg3[%select_n3A_10, %dma_wait3A_48] : memref<2568x128xi32, #tpu.memory_space<hbm>> -> memref<8x128xi32, #tpu.memory_space<hbm>>
      tpu.wait_dma2 semaphore(%run_scoped3A : memref<!tpu.dma_semaphore, #tpu.memory_space<semaphore_mem>>) src(%dma_wait3A_49 : memref<8x128xi32, #tpu.memory_space<hbm>>) dst(%dma_wait3A_47 : memref<8x128xi32, #tpu.memory_space<vmem>>)
      tpu.yield
    }) : () -> ()
    "tpu.region"() ({
      %run_scoped3A = tpu.sem_alloc : memref<!tpu.dma_semaphore, #tpu.memory_space<semaphore_mem>>
      %dma_start3A = arith.constant 0 : i32
      %dma_start3A_32 = arith.constant 0 : i32
      %dma_start3A_33 = tpu.memref_slice %arg8[%dma_start3A, %dma_start3A_32] : memref<16x128xi32, #tpu.memory_space<vmem>> -> memref<8x128xi32, #tpu.memory_space<vmem>>
      %dma_start3A_34 = arith.constant 0 : i32
      %dma_start3A_35 = tpu.memref_slice %arg4[%select_n3A_10, %dma_start3A_34] : memref<2568x128xi32, #tpu.memory_space<hbm>> -> memref<8x128xi32, #tpu.memory_space<hbm>>
      %dma_start3A_36 = arith.constant 0 : i32
      %dma_start3A_37 = arith.constant 0 : i32
      %dma_start3A_38 = tpu.memref_slice %arg8[%dma_start3A_36, %dma_start3A_37] : memref<16x128xi32, #tpu.memory_space<vmem>> -> memref<8x128xi32, #tpu.memory_space<vmem>>
      %dma_start3A_39 = arith.constant 0 : i32
      %dma_start3A_40 = tpu.memref_slice %arg4[%select_n3A_10, %dma_start3A_39] : memref<2568x128xi32, #tpu.memory_space<hbm>> -> memref<8x128xi32, #tpu.memory_space<hbm>>
      tpu.enqueue_dma source(%dma_start3A_40 : memref<8x128xi32, #tpu.memory_space<hbm>>) target(%dma_start3A_38 : memref<8x128xi32, #tpu.memory_space<vmem>>) target_semaphore(%run_scoped3A : memref<!tpu.dma_semaphore, #tpu.memory_space<semaphore_mem>>)
      %dma_wait3A = arith.constant 0 : i32
      %dma_wait3A_41 = arith.constant 0 : i32
      %dma_wait3A_42 = tpu.memref_slice %arg8[%dma_wait3A, %dma_wait3A_41] : memref<16x128xi32, #tpu.memory_space<vmem>> -> memref<8x128xi32, #tpu.memory_space<vmem>>
      %dma_wait3A_43 = arith.constant 0 : i32
      %dma_wait3A_44 = tpu.memref_slice %arg4[%select_n3A_10, %dma_wait3A_43] : memref<2568x128xi32, #tpu.memory_space<hbm>> -> memref<8x128xi32, #tpu.memory_space<hbm>>
      %dma_wait3A_45 = arith.constant 0 : i32
      %dma_wait3A_46 = arith.constant 0 : i32
      %dma_wait3A_47 = tpu.memref_slice %arg8[%dma_wait3A_45, %dma_wait3A_46] : memref<16x128xi32, #tpu.memory_space<vmem>> -> memref<8x128xi32, #tpu.memory_space<vmem>>
      %dma_wait3A_48 = arith.constant 0 : i32
      %dma_wait3A_49 = tpu.memref_slice %arg4[%select_n3A_10, %dma_wait3A_48] : memref<2568x128xi32, #tpu.memory_space<hbm>> -> memref<8x128xi32, #tpu.memory_space<hbm>>
      tpu.wait_dma2 semaphore(%run_scoped3A : memref<!tpu.dma_semaphore, #tpu.memory_space<semaphore_mem>>) src(%dma_wait3A_49 : memref<8x128xi32, #tpu.memory_space<hbm>>) dst(%dma_wait3A_47 : memref<8x128xi32, #tpu.memory_space<vmem>>)
      tpu.yield
    }) : () -> ()
    %barrier3A = arith.constant 0 : index
    tpu.barrier barrier_id(%barrier3A)
    %while3A = arith.constant 0 : i32
    %while3A_16 = arith.constant 0 : i32
    %while3A_17 = arith.subi %select_n3A, %while3A_16 : i32
    %while3A_18 = arith.addi %while3A_16, %while3A_17 : i32
    %while3A_19 = arith.constant 1 : i32
    %while3A_20 = arith.divsi %while3A_17, %while3A_19 : i32
    %while3A_21 = arith.muli %while3A_20, %while3A_19 : i32
    %while3A_22 = arith.addi %while3A_16, %while3A_21 : i32
    %while3A_23 = arith.constant 1 : i32
    scf.for %while3A_32 = %while3A_16 to %while3A_22 step %while3A_23  : i32 {
      %rem3A = arith.constant 2 : i32
      %rem3A_33 = arith.remsi %while3A_32, %rem3A : i32
      %sub3A = arith.constant 1 : i32
      %sub3A_34 = arith.subi %sub3A, %rem3A_33 : i32
      %mul3A_35 = arith.constant 8 : i32
      %mul3A_36 = arith.muli %rem3A_33, %mul3A_35 : i32
      %add3A_37 = arith.constant 1 : i32
      %add3A_38 = arith.addi %while3A_32, %add3A_37 : i32
      %rem3A_39 = arith.remsi %add3A_38, %select_n3A : i32
      %mul3A_40 = arith.constant 8 : i32
      %mul3A_41 = arith.muli %rem3A_39, %mul3A_40 : i32
      %add3A_42 = arith.addi %select_n3A_10, %mul3A_41 : i32
      %mul3A_43 = arith.constant 8 : i32
      %mul3A_44 = arith.muli %sub3A_34, %mul3A_43 : i32
      %dma_start3A = arith.constant 0 : i32
      %dma_start3A_45 = tpu.memref_slice %arg7[%mul3A_44, %dma_start3A] : memref<16x128xi32, #tpu.memory_space<vmem>> -> memref<8x128xi32, #tpu.memory_space<vmem>>
      %dma_start3A_46 = arith.constant 0 : i32
      %dma_start3A_47 = tpu.memref_slice %arg3[%add3A_42, %dma_start3A_46] : memref<2568x128xi32, #tpu.memory_space<hbm>> -> memref<8x128xi32, #tpu.memory_space<hbm>>
      %dma_start3A_48 = arith.constant 0 : i32
      %dma_start3A_49 = tpu.memref_slice %arg7[%mul3A_44, %dma_start3A_48] : memref<16x128xi32, #tpu.memory_space<vmem>> -> memref<8x128xi32, #tpu.memory_space<vmem>>
      %dma_start3A_50 = arith.constant 0 : i32
      %dma_start3A_51 = tpu.memref_slice %arg3[%add3A_42, %dma_start3A_50] : memref<2568x128xi32, #tpu.memory_space<hbm>> -> memref<8x128xi32, #tpu.memory_space<hbm>>
      tpu.enqueue_dma source(%dma_start3A_51 : memref<8x128xi32, #tpu.memory_space<hbm>>) target(%dma_start3A_49 : memref<8x128xi32, #tpu.memory_space<vmem>>) target_semaphore(%arg12 : memref<!tpu.dma_semaphore, #tpu.memory_space<semaphore_mem>>)
      %mul3A_52 = arith.constant 8 : i32
      %mul3A_53 = arith.muli %rem3A_39, %mul3A_52 : i32
      %add3A_54 = arith.addi %select_n3A_10, %mul3A_53 : i32
      %mul3A_55 = arith.constant 8 : i32
      %mul3A_56 = arith.muli %sub3A_34, %mul3A_55 : i32
      %dma_start3A_57 = arith.constant 0 : i32
      %dma_start3A_58 = tpu.memref_slice %arg8[%mul3A_56, %dma_start3A_57] : memref<16x128xi32, #tpu.memory_space<vmem>> -> memref<8x128xi32, #tpu.memory_space<vmem>>
      %dma_start3A_59 = arith.constant 0 : i32
      %dma_start3A_60 = tpu.memref_slice %arg4[%add3A_54, %dma_start3A_59] : memref<2568x128xi32, #tpu.memory_space<hbm>> -> memref<8x128xi32, #tpu.memory_space<hbm>>
      %dma_start3A_61 = arith.constant 0 : i32
      %dma_start3A_62 = tpu.memref_slice %arg8[%mul3A_56, %dma_start3A_61] : memref<16x128xi32, #tpu.memory_space<vmem>> -> memref<8x128xi32, #tpu.memory_space<vmem>>
      %dma_start3A_63 = arith.constant 0 : i32
      %dma_start3A_64 = tpu.memref_slice %arg4[%add3A_54, %dma_start3A_63] : memref<2568x128xi32, #tpu.memory_space<hbm>> -> memref<8x128xi32, #tpu.memory_space<hbm>>
      tpu.enqueue_dma source(%dma_start3A_64 : memref<8x128xi32, #tpu.memory_space<hbm>>) target(%dma_start3A_62 : memref<8x128xi32, #tpu.memory_space<vmem>>) target_semaphore(%arg13 : memref<!tpu.dma_semaphore, #tpu.memory_space<semaphore_mem>>)
      %add3A_65 = arith.constant 0 : i32
      %add3A_66 = arith.addi %mul3A_36, %add3A_65 : i32
      %dma_start3A_67 = arith.constant 0 : i32
      %dma_start3A_68 = tpu.memref_slice %arg7[%add3A_66, %dma_start3A_67] : memref<16x128xi32, #tpu.memory_space<vmem>> -> memref<1x128xi32, #tpu.memory_space<vmem>>
      %dma_start3A_69 = tpu.memref_squeeze %dma_start3A_68 : memref<1x128xi32, #tpu.memory_space<vmem>> -> memref<128xi32, #tpu.memory_space<vmem>>
      %dma_start3A_70 = arith.constant 0 : i32
      %dma_start3A_71 = arith.constant 0 : i32
      %dma_start3A_72 = tpu.memref_slice %arg2[%dma_start3A_70, %dma_start3A_71] : memref<10240x128xf32, #tpu.memory_space<hbm>> -> memref<10240x128xf32, #tpu.memory_space<hbm>>
      tpu.enqueue_indirect_dma source(%dma_start3A_72 : memref<10240x128xf32, #tpu.memory_space<hbm>>) target(%arg9 : memref<128x128xf32, #tpu.memory_space<vmem>>) offsets(%dma_start3A_69 : memref<128xi32, #tpu.memory_space<vmem>>) semaphore(%arg14 : memref<!tpu.dma_semaphore, #tpu.memory_space<semaphore_mem>>)
      %dma_wait3A = arith.constant 0 : i32
      %dma_wait3A_73 = tpu.memref_slice %arg7[%add3A_66, %dma_wait3A] : memref<16x128xi32, #tpu.memory_space<vmem>> -> memref<1x128xi32, #tpu.memory_space<vmem>>
      %dma_wait3A_74 = tpu.memref_squeeze %dma_wait3A_73 : memref<1x128xi32, #tpu.memory_space<vmem>> -> memref<128xi32, #tpu.memory_space<vmem>>
      %dma_wait3A_75 = arith.constant 0 : i32
      %dma_wait3A_76 = arith.constant 0 : i32
      %dma_wait3A_77 = tpu.memref_slice %arg2[%dma_wait3A_75, %dma_wait3A_76] : memref<10240x128xf32, #tpu.memory_space<hbm>> -> memref<10240x128xf32, #tpu.memory_space<hbm>>
      tpu.wait_indirect_dma semaphore(%arg14 : memref<!tpu.dma_semaphore, #tpu.memory_space<semaphore_mem>>) src(%dma_wait3A_77 : memref<10240x128xf32, #tpu.memory_space<hbm>>) dst(%arg9 : memref<128x128xf32, #tpu.memory_space<vmem>>)
      %add3A_78 = arith.constant 0 : i32
      %add3A_79 = arith.addi %mul3A_36, %add3A_78 : i32
      %dma_start3A_80 = arith.constant 0 : i32
      %dma_start3A_81 = tpu.memref_slice %arg8[%add3A_79, %dma_start3A_80] : memref<16x128xi32, #tpu.memory_space<vmem>> -> memref<1x128xi32, #tpu.memory_space<vmem>>
      %dma_start3A_82 = tpu.memref_squeeze %dma_start3A_81 : memref<1x128xi32, #tpu.memory_space<vmem>> -> memref<128xi32, #tpu.memory_space<vmem>>
      %dma_start3A_83 = arith.constant 0 : i32
      %dma_start3A_84 = arith.constant 0 : i32
      %dma_start3A_85 = tpu.memref_slice %arg11[%dma_start3A_83, %dma_start3A_84] : memref<10240x128xf32, #tpu.memory_space<vmem_shared>> -> memref<10240x128xf32, #tpu.memory_space<vmem_shared>>
      tpu.enqueue_indirect_dma source(%arg9 : memref<128x128xf32, #tpu.memory_space<vmem>>) target(%dma_start3A_85 : memref<10240x128xf32, #tpu.memory_space<vmem_shared>>) offsets(%dma_start3A_82 : memref<128xi32, #tpu.memory_space<vmem>>) semaphore(%arg16 : memref<!tpu.dma_semaphore, #tpu.memory_space<semaphore_mem>>) {add = true}
      %add3A_86 = arith.constant 1 : i32
      %add3A_87 = arith.addi %mul3A_36, %add3A_86 : i32
      %dma_start3A_88 = arith.constant 0 : i32
      %dma_start3A_89 = tpu.memref_slice %arg7[%add3A_87, %dma_start3A_88] : memref<16x128xi32, #tpu.memory_space<vmem>> -> memref<1x128xi32, #tpu.memory_space<vmem>>
      %dma_start3A_90 = tpu.memref_squeeze %dma_start3A_89 : memref<1x128xi32, #tpu.memory_space<vmem>> -> memref<128xi32, #tpu.memory_space<vmem>>
      %dma_start3A_91 = arith.constant 0 : i32
      %dma_start3A_92 = arith.constant 0 : i32
      %dma_start3A_93 = tpu.memref_slice %arg2[%dma_start3A_91, %dma_start3A_92] : memref<10240x128xf32, #tpu.memory_space<hbm>> -> memref<10240x128xf32, #tpu.memory_space<hbm>>
      tpu.enqueue_indirect_dma source(%dma_start3A_93 : memref<10240x128xf32, #tpu.memory_space<hbm>>) target(%arg10 : memref<128x128xf32, #tpu.memory_space<vmem>>) offsets(%dma_start3A_90 : memref<128xi32, #tpu.memory_space<vmem>>) semaphore(%arg15 : memref<!tpu.dma_semaphore, #tpu.memory_space<semaphore_mem>>)
      %dma_wait3A_94 = arith.constant 0 : i32
      %dma_wait3A_95 = tpu.memref_slice %arg7[%add3A_87, %dma_wait3A_94] : memref<16x128xi32, #tpu.memory_space<vmem>> -> memref<1x128xi32, #tpu.memory_space<vmem>>
      %dma_wait3A_96 = tpu.memref_squeeze %dma_wait3A_95 : memref<1x128xi32, #tpu.memory_space<vmem>> -> memref<128xi32, #tpu.memory_space<vmem>>
      %dma_wait3A_97 = arith.constant 0 : i32
      %dma_wait3A_98 = arith.constant 0 : i32
      %dma_wait3A_99 = tpu.memref_slice %arg2[%dma_wait3A_97, %dma_wait3A_98] : memref<10240x128xf32, #tpu.memory_space<hbm>> -> memref<10240x128xf32, #tpu.memory_space<hbm>>
      tpu.wait_indirect_dma semaphore(%arg15 : memref<!tpu.dma_semaphore, #tpu.memory_space<semaphore_mem>>) src(%dma_wait3A_99 : memref<10240x128xf32, #tpu.memory_space<hbm>>) dst(%arg10 : memref<128x128xf32, #tpu.memory_space<vmem>>)
      %add3A_100 = arith.constant 1 : i32
      %add3A_101 = arith.addi %mul3A_36, %add3A_100 : i32
      %dma_start3A_102 = arith.constant 0 : i32
      %dma_start3A_103 = tpu.memref_slice %arg8[%add3A_101, %dma_start3A_102] : memref<16x128xi32, #tpu.memory_space<vmem>> -> memref<1x128xi32, #tpu.memory_space<vmem>>
      %dma_start3A_104 = tpu.memref_squeeze %dma_start3A_103 : memref<1x128xi32, #tpu.memory_space<vmem>> -> memref<128xi32, #tpu.memory_space<vmem>>
      %dma_start3A_105 = arith.constant 0 : i32
      %dma_start3A_106 = arith.constant 0 : i32
      %dma_start3A_107 = tpu.memref_slice %arg11[%dma_start3A_105, %dma_start3A_106] : memref<10240x128xf32, #tpu.memory_space<vmem_shared>> -> memref<10240x128xf32, #tpu.memory_space<vmem_shared>>
      tpu.enqueue_indirect_dma source(%arg10 : memref<128x128xf32, #tpu.memory_space<vmem>>) target(%dma_start3A_107 : memref<10240x128xf32, #tpu.memory_space<vmem_shared>>) offsets(%dma_start3A_104 : memref<128xi32, #tpu.memory_space<vmem>>) semaphore(%arg17 : memref<!tpu.dma_semaphore, #tpu.memory_space<semaphore_mem>>) {add = true}
      %dma_wait3A_108 = arith.constant 0 : i32
      %dma_wait3A_109 = tpu.memref_slice %arg8[%add3A_79, %dma_wait3A_108] : memref<16x128xi32, #tpu.memory_space<vmem>> -> memref<1x128xi32, #tpu.memory_space<vmem>>
      %dma_wait3A_110 = tpu.memref_squeeze %dma_wait3A_109 : memref<1x128xi32, #tpu.memory_space<vmem>> -> memref<128xi32, #tpu.memory_space<vmem>>
      %dma_wait3A_111 = arith.constant 0 : i32
      %dma_wait3A_112 = arith.constant 0 : i32
      %dma_wait3A_113 = tpu.memref_slice %arg11[%dma_wait3A_111, %dma_wait3A_112] : memref<10240x128xf32, #tpu.memory_space<vmem_shared>> -> memref<10240x128xf32, #tpu.memory_space<vmem_shared>>
      tpu.wait_indirect_dma semaphore(%arg16 : memref<!tpu.dma_semaphore, #tpu.memory_space<semaphore_mem>>) src(%arg9 : memref<128x128xf32, #tpu.memory_space<vmem>>) dst(%dma_wait3A_113 : memref<10240x128xf32, #tpu.memory_space<vmem_shared>>)
      %add3A_114 = arith.constant 2 : i32
      %add3A_115 = arith.addi %mul3A_36, %add3A_114 : i32
      %dma_start3A_116 = arith.constant 0 : i32
      %dma_start3A_117 = tpu.memref_slice %arg7[%add3A_115, %dma_start3A_116] : memref<16x128xi32, #tpu.memory_space<vmem>> -> memref<1x128xi32, #tpu.memory_space<vmem>>
      %dma_start3A_118 = tpu.memref_squeeze %dma_start3A_117 : memref<1x128xi32, #tpu.memory_space<vmem>> -> memref<128xi32, #tpu.memory_space<vmem>>
      %dma_start3A_119 = arith.constant 0 : i32
      %dma_start3A_120 = arith.constant 0 : i32
      %dma_start3A_121 = tpu.memref_slice %arg2[%dma_start3A_119, %dma_start3A_120] : memref<10240x128xf32, #tpu.memory_space<hbm>> -> memref<10240x128xf32, #tpu.memory_space<hbm>>
      tpu.enqueue_indirect_dma source(%dma_start3A_121 : memref<10240x128xf32, #tpu.memory_space<hbm>>) target(%arg9 : memref<128x128xf32, #tpu.memory_space<vmem>>) offsets(%dma_start3A_118 : memref<128xi32, #tpu.memory_space<vmem>>) semaphore(%arg14 : memref<!tpu.dma_semaphore, #tpu.memory_space<semaphore_mem>>)
      %dma_wait3A_122 = arith.constant 0 : i32
      %dma_wait3A_123 = tpu.memref_slice %arg7[%add3A_115, %dma_wait3A_122] : memref<16x128xi32, #tpu.memory_space<vmem>> -> memref<1x128xi32, #tpu.memory_space<vmem>>
      %dma_wait3A_124 = tpu.memref_squeeze %dma_wait3A_123 : memref<1x128xi32, #tpu.memory_space<vmem>> -> memref<128xi32, #tpu.memory_space<vmem>>
      %dma_wait3A_125 = arith.constant 0 : i32
      %dma_wait3A_126 = arith.constant 0 : i32
      %dma_wait3A_127 = tpu.memref_slice %arg2[%dma_wait3A_125, %dma_wait3A_126] : memref<10240x128xf32, #tpu.memory_space<hbm>> -> memref<10240x128xf32, #tpu.memory_space<hbm>>
      tpu.wait_indirect_dma semaphore(%arg14 : memref<!tpu.dma_semaphore, #tpu.memory_space<semaphore_mem>>) src(%dma_wait3A_127 : memref<10240x128xf32, #tpu.memory_space<hbm>>) dst(%arg9 : memref<128x128xf32, #tpu.memory_space<vmem>>)
      %add3A_128 = arith.constant 2 : i32
      %add3A_129 = arith.addi %mul3A_36, %add3A_128 : i32
      %dma_start3A_130 = arith.constant 0 : i32
      %dma_start3A_131 = tpu.memref_slice %arg8[%add3A_129, %dma_start3A_130] : memref<16x128xi32, #tpu.memory_space<vmem>> -> memref<1x128xi32, #tpu.memory_space<vmem>>
      %dma_start3A_132 = tpu.memref_squeeze %dma_start3A_131 : memref<1x128xi32, #tpu.memory_space<vmem>> -> memref<128xi32, #tpu.memory_space<vmem>>
      %dma_start3A_133 = arith.constant 0 : i32
      %dma_start3A_134 = arith.constant 0 : i32
      %dma_start3A_135 = tpu.memref_slice %arg11[%dma_start3A_133, %dma_start3A_134] : memref<10240x128xf32, #tpu.memory_space<vmem_shared>> -> memref<10240x128xf32, #tpu.memory_space<vmem_shared>>
      tpu.enqueue_indirect_dma source(%arg9 : memref<128x128xf32, #tpu.memory_space<vmem>>) target(%dma_start3A_135 : memref<10240x128xf32, #tpu.memory_space<vmem_shared>>) offsets(%dma_start3A_132 : memref<128xi32, #tpu.memory_space<vmem>>) semaphore(%arg16 : memref<!tpu.dma_semaphore, #tpu.memory_space<semaphore_mem>>) {add = true}
      %dma_wait3A_136 = arith.constant 0 : i32
      %dma_wait3A_137 = tpu.memref_slice %arg8[%add3A_101, %dma_wait3A_136] : memref<16x128xi32, #tpu.memory_space<vmem>> -> memref<1x128xi32, #tpu.memory_space<vmem>>
      %dma_wait3A_138 = tpu.memref_squeeze %dma_wait3A_137 : memref<1x128xi32, #tpu.memory_space<vmem>> -> memref<128xi32, #tpu.memory_space<vmem>>
      %dma_wait3A_139 = arith.constant 0 : i32
      %dma_wait3A_140 = arith.constant 0 : i32
      %dma_wait3A_141 = tpu.memref_slice %arg11[%dma_wait3A_139, %dma_wait3A_140] : memref<10240x128xf32, #tpu.memory_space<vmem_shared>> -> memref<10240x128xf32, #tpu.memory_space<vmem_shared>>
      tpu.wait_indirect_dma semaphore(%arg17 : memref<!tpu.dma_semaphore, #tpu.memory_space<semaphore_mem>>) src(%arg10 : memref<128x128xf32, #tpu.memory_space<vmem>>) dst(%dma_wait3A_141 : memref<10240x128xf32, #tpu.memory_space<vmem_shared>>)
      %add3A_142 = arith.constant 3 : i32
      %add3A_143 = arith.addi %mul3A_36, %add3A_142 : i32
      %dma_start3A_144 = arith.constant 0 : i32
      %dma_start3A_145 = tpu.memref_slice %arg7[%add3A_143, %dma_start3A_144] : memref<16x128xi32, #tpu.memory_space<vmem>> -> memref<1x128xi32, #tpu.memory_space<vmem>>
      %dma_start3A_146 = tpu.memref_squeeze %dma_start3A_145 : memref<1x128xi32, #tpu.memory_space<vmem>> -> memref<128xi32, #tpu.memory_space<vmem>>
      %dma_start3A_147 = arith.constant 0 : i32
      %dma_start3A_148 = arith.constant 0 : i32
      %dma_start3A_149 = tpu.memref_slice %arg2[%dma_start3A_147, %dma_start3A_148] : memref<10240x128xf32, #tpu.memory_space<hbm>> -> memref<10240x128xf32, #tpu.memory_space<hbm>>
      tpu.enqueue_indirect_dma source(%dma_start3A_149 : memref<10240x128xf32, #tpu.memory_space<hbm>>) target(%arg10 : memref<128x128xf32, #tpu.memory_space<vmem>>) offsets(%dma_start3A_146 : memref<128xi32, #tpu.memory_space<vmem>>) semaphore(%arg15 : memref<!tpu.dma_semaphore, #tpu.memory_space<semaphore_mem>>)
      %dma_wait3A_150 = arith.constant 0 : i32
      %dma_wait3A_151 = tpu.memref_slice %arg7[%add3A_143, %dma_wait3A_150] : memref<16x128xi32, #tpu.memory_space<vmem>> -> memref<1x128xi32, #tpu.memory_space<vmem>>
      %dma_wait3A_152 = tpu.memref_squeeze %dma_wait3A_151 : memref<1x128xi32, #tpu.memory_space<vmem>> -> memref<128xi32, #tpu.memory_space<vmem>>
      %dma_wait3A_153 = arith.constant 0 : i32
      %dma_wait3A_154 = arith.constant 0 : i32
      %dma_wait3A_155 = tpu.memref_slice %arg2[%dma_wait3A_153, %dma_wait3A_154] : memref<10240x128xf32, #tpu.memory_space<hbm>> -> memref<10240x128xf32, #tpu.memory_space<hbm>>
      tpu.wait_indirect_dma semaphore(%arg15 : memref<!tpu.dma_semaphore, #tpu.memory_space<semaphore_mem>>) src(%dma_wait3A_155 : memref<10240x128xf32, #tpu.memory_space<hbm>>) dst(%arg10 : memref<128x128xf32, #tpu.memory_space<vmem>>)
      %add3A_156 = arith.constant 3 : i32
      %add3A_157 = arith.addi %mul3A_36, %add3A_156 : i32
      %dma_start3A_158 = arith.constant 0 : i32
      %dma_start3A_159 = tpu.memref_slice %arg8[%add3A_157, %dma_start3A_158] : memref<16x128xi32, #tpu.memory_space<vmem>> -> memref<1x128xi32, #tpu.memory_space<vmem>>
      %dma_start3A_160 = tpu.memref_squeeze %dma_start3A_159 : memref<1x128xi32, #tpu.memory_space<vmem>> -> memref<128xi32, #tpu.memory_space<vmem>>
      %dma_start3A_161 = arith.constant 0 : i32
      %dma_start3A_162 = arith.constant 0 : i32
      %dma_start3A_163 = tpu.memref_slice %arg11[%dma_start3A_161, %dma_start3A_162] : memref<10240x128xf32, #tpu.memory_space<vmem_shared>> -> memref<10240x128xf32, #tpu.memory_space<vmem_shared>>
      tpu.enqueue_indirect_dma source(%arg10 : memref<128x128xf32, #tpu.memory_space<vmem>>) target(%dma_start3A_163 : memref<10240x128xf32, #tpu.memory_space<vmem_shared>>) offsets(%dma_start3A_160 : memref<128xi32, #tpu.memory_space<vmem>>) semaphore(%arg17 : memref<!tpu.dma_semaphore, #tpu.memory_space<semaphore_mem>>) {add = true}
      %dma_wait3A_164 = arith.constant 0 : i32
      %dma_wait3A_165 = tpu.memref_slice %arg8[%add3A_129, %dma_wait3A_164] : memref<16x128xi32, #tpu.memory_space<vmem>> -> memref<1x128xi32, #tpu.memory_space<vmem>>
      %dma_wait3A_166 = tpu.memref_squeeze %dma_wait3A_165 : memref<1x128xi32, #tpu.memory_space<vmem>> -> memref<128xi32, #tpu.memory_space<vmem>>
      %dma_wait3A_167 = arith.constant 0 : i32
      %dma_wait3A_168 = arith.constant 0 : i32
      %dma_wait3A_169 = tpu.memref_slice %arg11[%dma_wait3A_167, %dma_wait3A_168] : memref<10240x128xf32, #tpu.memory_space<vmem_shared>> -> memref<10240x128xf32, #tpu.memory_space<vmem_shared>>
      tpu.wait_indirect_dma semaphore(%arg16 : memref<!tpu.dma_semaphore, #tpu.memory_space<semaphore_mem>>) src(%arg9 : memref<128x128xf32, #tpu.memory_space<vmem>>) dst(%dma_wait3A_169 : memref<10240x128xf32, #tpu.memory_space<vmem_shared>>)
      %add3A_170 = arith.constant 4 : i32
      %add3A_171 = arith.addi %mul3A_36, %add3A_170 : i32
      %dma_start3A_172 = arith.constant 0 : i32
      %dma_start3A_173 = tpu.memref_slice %arg7[%add3A_171, %dma_start3A_172] : memref<16x128xi32, #tpu.memory_space<vmem>> -> memref<1x128xi32, #tpu.memory_space<vmem>>
      %dma_start3A_174 = tpu.memref_squeeze %dma_start3A_173 : memref<1x128xi32, #tpu.memory_space<vmem>> -> memref<128xi32, #tpu.memory_space<vmem>>
      %dma_start3A_175 = arith.constant 0 : i32
      %dma_start3A_176 = arith.constant 0 : i32
      %dma_start3A_177 = tpu.memref_slice %arg2[%dma_start3A_175, %dma_start3A_176] : memref<10240x128xf32, #tpu.memory_space<hbm>> -> memref<10240x128xf32, #tpu.memory_space<hbm>>
      tpu.enqueue_indirect_dma source(%dma_start3A_177 : memref<10240x128xf32, #tpu.memory_space<hbm>>) target(%arg9 : memref<128x128xf32, #tpu.memory_space<vmem>>) offsets(%dma_start3A_174 : memref<128xi32, #tpu.memory_space<vmem>>) semaphore(%arg14 : memref<!tpu.dma_semaphore, #tpu.memory_space<semaphore_mem>>)
      %dma_wait3A_178 = arith.constant 0 : i32
      %dma_wait3A_179 = tpu.memref_slice %arg7[%add3A_171, %dma_wait3A_178] : memref<16x128xi32, #tpu.memory_space<vmem>> -> memref<1x128xi32, #tpu.memory_space<vmem>>
      %dma_wait3A_180 = tpu.memref_squeeze %dma_wait3A_179 : memref<1x128xi32, #tpu.memory_space<vmem>> -> memref<128xi32, #tpu.memory_space<vmem>>
      %dma_wait3A_181 = arith.constant 0 : i32
      %dma_wait3A_182 = arith.constant 0 : i32
      %dma_wait3A_183 = tpu.memref_slice %arg2[%dma_wait3A_181, %dma_wait3A_182] : memref<10240x128xf32, #tpu.memory_space<hbm>> -> memref<10240x128xf32, #tpu.memory_space<hbm>>
      tpu.wait_indirect_dma semaphore(%arg14 : memref<!tpu.dma_semaphore, #tpu.memory_space<semaphore_mem>>) src(%dma_wait3A_183 : memref<10240x128xf32, #tpu.memory_space<hbm>>) dst(%arg9 : memref<128x128xf32, #tpu.memory_space<vmem>>)
      %add3A_184 = arith.constant 4 : i32
      %add3A_185 = arith.addi %mul3A_36, %add3A_184 : i32
      %dma_start3A_186 = arith.constant 0 : i32
      %dma_start3A_187 = tpu.memref_slice %arg8[%add3A_185, %dma_start3A_186] : memref<16x128xi32, #tpu.memory_space<vmem>> -> memref<1x128xi32, #tpu.memory_space<vmem>>
      %dma_start3A_188 = tpu.memref_squeeze %dma_start3A_187 : memref<1x128xi32, #tpu.memory_space<vmem>> -> memref<128xi32, #tpu.memory_space<vmem>>
      %dma_start3A_189 = arith.constant 0 : i32
      %dma_start3A_190 = arith.constant 0 : i32
      %dma_start3A_191 = tpu.memref_slice %arg11[%dma_start3A_189, %dma_start3A_190] : memref<10240x128xf32, #tpu.memory_space<vmem_shared>> -> memref<10240x128xf32, #tpu.memory_space<vmem_shared>>
      tpu.enqueue_indirect_dma source(%arg9 : memref<128x128xf32, #tpu.memory_space<vmem>>) target(%dma_start3A_191 : memref<10240x128xf32, #tpu.memory_space<vmem_shared>>) offsets(%dma_start3A_188 : memref<128xi32, #tpu.memory_space<vmem>>) semaphore(%arg16 : memref<!tpu.dma_semaphore, #tpu.memory_space<semaphore_mem>>) {add = true}
      %dma_wait3A_192 = arith.constant 0 : i32
      %dma_wait3A_193 = tpu.memref_slice %arg8[%add3A_157, %dma_wait3A_192] : memref<16x128xi32, #tpu.memory_space<vmem>> -> memref<1x128xi32, #tpu.memory_space<vmem>>
      %dma_wait3A_194 = tpu.memref_squeeze %dma_wait3A_193 : memref<1x128xi32, #tpu.memory_space<vmem>> -> memref<128xi32, #tpu.memory_space<vmem>>
      %dma_wait3A_195 = arith.constant 0 : i32
      %dma_wait3A_196 = arith.constant 0 : i32
      %dma_wait3A_197 = tpu.memref_slice %arg11[%dma_wait3A_195, %dma_wait3A_196] : memref<10240x128xf32, #tpu.memory_space<vmem_shared>> -> memref<10240x128xf32, #tpu.memory_space<vmem_shared>>
      tpu.wait_indirect_dma semaphore(%arg17 : memref<!tpu.dma_semaphore, #tpu.memory_space<semaphore_mem>>) src(%arg10 : memref<128x128xf32, #tpu.memory_space<vmem>>) dst(%dma_wait3A_197 : memref<10240x128xf32, #tpu.memory_space<vmem_shared>>)
      %add3A_198 = arith.constant 5 : i32
      %add3A_199 = arith.addi %mul3A_36, %add3A_198 : i32
      %dma_start3A_200 = arith.constant 0 : i32
      %dma_start3A_201 = tpu.memref_slice %arg7[%add3A_199, %dma_start3A_200] : memref<16x128xi32, #tpu.memory_space<vmem>> -> memref<1x128xi32, #tpu.memory_space<vmem>>
      %dma_start3A_202 = tpu.memref_squeeze %dma_start3A_201 : memref<1x128xi32, #tpu.memory_space<vmem>> -> memref<128xi32, #tpu.memory_space<vmem>>
      %dma_start3A_203 = arith.constant 0 : i32
      %dma_start3A_204 = arith.constant 0 : i32
      %dma_start3A_205 = tpu.memref_slice %arg2[%dma_start3A_203, %dma_start3A_204] : memref<10240x128xf32, #tpu.memory_space<hbm>> -> memref<10240x128xf32, #tpu.memory_space<hbm>>
      tpu.enqueue_indirect_dma source(%dma_start3A_205 : memref<10240x128xf32, #tpu.memory_space<hbm>>) target(%arg10 : memref<128x128xf32, #tpu.memory_space<vmem>>) offsets(%dma_start3A_202 : memref<128xi32, #tpu.memory_space<vmem>>) semaphore(%arg15 : memref<!tpu.dma_semaphore, #tpu.memory_space<semaphore_mem>>)
      %dma_wait3A_206 = arith.constant 0 : i32
      %dma_wait3A_207 = tpu.memref_slice %arg7[%add3A_199, %dma_wait3A_206] : memref<16x128xi32, #tpu.memory_space<vmem>> -> memref<1x128xi32, #tpu.memory_space<vmem>>
      %dma_wait3A_208 = tpu.memref_squeeze %dma_wait3A_207 : memref<1x128xi32, #tpu.memory_space<vmem>> -> memref<128xi32, #tpu.memory_space<vmem>>
      %dma_wait3A_209 = arith.constant 0 : i32
      %dma_wait3A_210 = arith.constant 0 : i32
      %dma_wait3A_211 = tpu.memref_slice %arg2[%dma_wait3A_209, %dma_wait3A_210] : memref<10240x128xf32, #tpu.memory_space<hbm>> -> memref<10240x128xf32, #tpu.memory_space<hbm>>
      tpu.wait_indirect_dma semaphore(%arg15 : memref<!tpu.dma_semaphore, #tpu.memory_space<semaphore_mem>>) src(%dma_wait3A_211 : memref<10240x128xf32, #tpu.memory_space<hbm>>) dst(%arg10 : memref<128x128xf32, #tpu.memory_space<vmem>>)
      %add3A_212 = arith.constant 5 : i32
      %add3A_213 = arith.addi %mul3A_36, %add3A_212 : i32
      %dma_start3A_214 = arith.constant 0 : i32
      %dma_start3A_215 = tpu.memref_slice %arg8[%add3A_213, %dma_start3A_214] : memref<16x128xi32, #tpu.memory_space<vmem>> -> memref<1x128xi32, #tpu.memory_space<vmem>>
      %dma_start3A_216 = tpu.memref_squeeze %dma_start3A_215 : memref<1x128xi32, #tpu.memory_space<vmem>> -> memref<128xi32, #tpu.memory_space<vmem>>
      %dma_start3A_217 = arith.constant 0 : i32
      %dma_start3A_218 = arith.constant 0 : i32
      %dma_start3A_219 = tpu.memref_slice %arg11[%dma_start3A_217, %dma_start3A_218] : memref<10240x128xf32, #tpu.memory_space<vmem_shared>> -> memref<10240x128xf32, #tpu.memory_space<vmem_shared>>
      tpu.enqueue_indirect_dma source(%arg10 : memref<128x128xf32, #tpu.memory_space<vmem>>) target(%dma_start3A_219 : memref<10240x128xf32, #tpu.memory_space<vmem_shared>>) offsets(%dma_start3A_216 : memref<128xi32, #tpu.memory_space<vmem>>) semaphore(%arg17 : memref<!tpu.dma_semaphore, #tpu.memory_space<semaphore_mem>>) {add = true}
      %dma_wait3A_220 = arith.constant 0 : i32
      %dma_wait3A_221 = tpu.memref_slice %arg8[%add3A_185, %dma_wait3A_220] : memref<16x128xi32, #tpu.memory_space<vmem>> -> memref<1x128xi32, #tpu.memory_space<vmem>>
      %dma_wait3A_222 = tpu.memref_squeeze %dma_wait3A_221 : memref<1x128xi32, #tpu.memory_space<vmem>> -> memref<128xi32, #tpu.memory_space<vmem>>
      %dma_wait3A_223 = arith.constant 0 : i32
      %dma_wait3A_224 = arith.constant 0 : i32
      %dma_wait3A_225 = tpu.memref_slice %arg11[%dma_wait3A_223, %dma_wait3A_224] : memref<10240x128xf32, #tpu.memory_space<vmem_shared>> -> memref<10240x128xf32, #tpu.memory_space<vmem_shared>>
      tpu.wait_indirect_dma semaphore(%arg16 : memref<!tpu.dma_semaphore, #tpu.memory_space<semaphore_mem>>) src(%arg9 : memref<128x128xf32, #tpu.memory_space<vmem>>) dst(%dma_wait3A_225 : memref<10240x128xf32, #tpu.memory_space<vmem_shared>>)
      %add3A_226 = arith.constant 6 : i32
      %add3A_227 = arith.addi %mul3A_36, %add3A_226 : i32
      %dma_start3A_228 = arith.constant 0 : i32
      %dma_start3A_229 = tpu.memref_slice %arg7[%add3A_227, %dma_start3A_228] : memref<16x128xi32, #tpu.memory_space<vmem>> -> memref<1x128xi32, #tpu.memory_space<vmem>>
      %dma_start3A_230 = tpu.memref_squeeze %dma_start3A_229 : memref<1x128xi32, #tpu.memory_space<vmem>> -> memref<128xi32, #tpu.memory_space<vmem>>
      %dma_start3A_231 = arith.constant 0 : i32
      %dma_start3A_232 = arith.constant 0 : i32
      %dma_start3A_233 = tpu.memref_slice %arg2[%dma_start3A_231, %dma_start3A_232] : memref<10240x128xf32, #tpu.memory_space<hbm>> -> memref<10240x128xf32, #tpu.memory_space<hbm>>
      tpu.enqueue_indirect_dma source(%dma_start3A_233 : memref<10240x128xf32, #tpu.memory_space<hbm>>) target(%arg9 : memref<128x128xf32, #tpu.memory_space<vmem>>) offsets(%dma_start3A_230 : memref<128xi32, #tpu.memory_space<vmem>>) semaphore(%arg14 : memref<!tpu.dma_semaphore, #tpu.memory_space<semaphore_mem>>)
      %dma_wait3A_234 = arith.constant 0 : i32
      %dma_wait3A_235 = tpu.memref_slice %arg7[%add3A_227, %dma_wait3A_234] : memref<16x128xi32, #tpu.memory_space<vmem>> -> memref<1x128xi32, #tpu.memory_space<vmem>>
      %dma_wait3A_236 = tpu.memref_squeeze %dma_wait3A_235 : memref<1x128xi32, #tpu.memory_space<vmem>> -> memref<128xi32, #tpu.memory_space<vmem>>
      %dma_wait3A_237 = arith.constant 0 : i32
      %dma_wait3A_238 = arith.constant 0 : i32
      %dma_wait3A_239 = tpu.memref_slice %arg2[%dma_wait3A_237, %dma_wait3A_238] : memref<10240x128xf32, #tpu.memory_space<hbm>> -> memref<10240x128xf32, #tpu.memory_space<hbm>>
      tpu.wait_indirect_dma semaphore(%arg14 : memref<!tpu.dma_semaphore, #tpu.memory_space<semaphore_mem>>) src(%dma_wait3A_239 : memref<10240x128xf32, #tpu.memory_space<hbm>>) dst(%arg9 : memref<128x128xf32, #tpu.memory_space<vmem>>)
      %add3A_240 = arith.constant 6 : i32
      %add3A_241 = arith.addi %mul3A_36, %add3A_240 : i32
      %dma_start3A_242 = arith.constant 0 : i32
      %dma_start3A_243 = tpu.memref_slice %arg8[%add3A_241, %dma_start3A_242] : memref<16x128xi32, #tpu.memory_space<vmem>> -> memref<1x128xi32, #tpu.memory_space<vmem>>
      %dma_start3A_244 = tpu.memref_squeeze %dma_start3A_243 : memref<1x128xi32, #tpu.memory_space<vmem>> -> memref<128xi32, #tpu.memory_space<vmem>>
      %dma_start3A_245 = arith.constant 0 : i32
      %dma_start3A_246 = arith.constant 0 : i32
      %dma_start3A_247 = tpu.memref_slice %arg11[%dma_start3A_245, %dma_start3A_246] : memref<10240x128xf32, #tpu.memory_space<vmem_shared>> -> memref<10240x128xf32, #tpu.memory_space<vmem_shared>>
      tpu.enqueue_indirect_dma source(%arg9 : memref<128x128xf32, #tpu.memory_space<vmem>>) target(%dma_start3A_247 : memref<10240x128xf32, #tpu.memory_space<vmem_shared>>) offsets(%dma_start3A_244 : memref<128xi32, #tpu.memory_space<vmem>>) semaphore(%arg16 : memref<!tpu.dma_semaphore, #tpu.memory_space<semaphore_mem>>) {add = true}
      %dma_wait3A_248 = arith.constant 0 : i32
      %dma_wait3A_249 = tpu.memref_slice %arg8[%add3A_213, %dma_wait3A_248] : memref<16x128xi32, #tpu.memory_space<vmem>> -> memref<1x128xi32, #tpu.memory_space<vmem>>
      %dma_wait3A_250 = tpu.memref_squeeze %dma_wait3A_249 : memref<1x128xi32, #tpu.memory_space<vmem>> -> memref<128xi32, #tpu.memory_space<vmem>>
      %dma_wait3A_251 = arith.constant 0 : i32
      %dma_wait3A_252 = arith.constant 0 : i32
      %dma_wait3A_253 = tpu.memref_slice %arg11[%dma_wait3A_251, %dma_wait3A_252] : memref<10240x128xf32, #tpu.memory_space<vmem_shared>> -> memref<10240x128xf32, #tpu.memory_space<vmem_shared>>
      tpu.wait_indirect_dma semaphore(%arg17 : memref<!tpu.dma_semaphore, #tpu.memory_space<semaphore_mem>>) src(%arg10 : memref<128x128xf32, #tpu.memory_space<vmem>>) dst(%dma_wait3A_253 : memref<10240x128xf32, #tpu.memory_space<vmem_shared>>)
      %add3A_254 = arith.constant 7 : i32
      %add3A_255 = arith.addi %mul3A_36, %add3A_254 : i32
      %dma_start3A_256 = arith.constant 0 : i32
      %dma_start3A_257 = tpu.memref_slice %arg7[%add3A_255, %dma_start3A_256] : memref<16x128xi32, #tpu.memory_space<vmem>> -> memref<1x128xi32, #tpu.memory_space<vmem>>
      %dma_start3A_258 = tpu.memref_squeeze %dma_start3A_257 : memref<1x128xi32, #tpu.memory_space<vmem>> -> memref<128xi32, #tpu.memory_space<vmem>>
      %dma_start3A_259 = arith.constant 0 : i32
      %dma_start3A_260 = arith.constant 0 : i32
      %dma_start3A_261 = tpu.memref_slice %arg2[%dma_start3A_259, %dma_start3A_260] : memref<10240x128xf32, #tpu.memory_space<hbm>> -> memref<10240x128xf32, #tpu.memory_space<hbm>>
      tpu.enqueue_indirect_dma source(%dma_start3A_261 : memref<10240x128xf32, #tpu.memory_space<hbm>>) target(%arg10 : memref<128x128xf32, #tpu.memory_space<vmem>>) offsets(%dma_start3A_258 : memref<128xi32, #tpu.memory_space<vmem>>) semaphore(%arg15 : memref<!tpu.dma_semaphore, #tpu.memory_space<semaphore_mem>>)
      %dma_wait3A_262 = arith.constant 0 : i32
      %dma_wait3A_263 = tpu.memref_slice %arg7[%add3A_255, %dma_wait3A_262] : memref<16x128xi32, #tpu.memory_space<vmem>> -> memref<1x128xi32, #tpu.memory_space<vmem>>
      %dma_wait3A_264 = tpu.memref_squeeze %dma_wait3A_263 : memref<1x128xi32, #tpu.memory_space<vmem>> -> memref<128xi32, #tpu.memory_space<vmem>>
      %dma_wait3A_265 = arith.constant 0 : i32
      %dma_wait3A_266 = arith.constant 0 : i32
      %dma_wait3A_267 = tpu.memref_slice %arg2[%dma_wait3A_265, %dma_wait3A_266] : memref<10240x128xf32, #tpu.memory_space<hbm>> -> memref<10240x128xf32, #tpu.memory_space<hbm>>
      tpu.wait_indirect_dma semaphore(%arg15 : memref<!tpu.dma_semaphore, #tpu.memory_space<semaphore_mem>>) src(%dma_wait3A_267 : memref<10240x128xf32, #tpu.memory_space<hbm>>) dst(%arg10 : memref<128x128xf32, #tpu.memory_space<vmem>>)
      %add3A_268 = arith.constant 7 : i32
      %add3A_269 = arith.addi %mul3A_36, %add3A_268 : i32
      %dma_start3A_270 = arith.constant 0 : i32
      %dma_start3A_271 = tpu.memref_slice %arg8[%add3A_269, %dma_start3A_270] : memref<16x128xi32, #tpu.memory_space<vmem>> -> memref<1x128xi32, #tpu.memory_space<vmem>>
      %dma_start3A_272 = tpu.memref_squeeze %dma_start3A_271 : memref<1x128xi32, #tpu.memory_space<vmem>> -> memref<128xi32, #tpu.memory_space<vmem>>
      %dma_start3A_273 = arith.constant 0 : i32
      %dma_start3A_274 = arith.constant 0 : i32
      %dma_start3A_275 = tpu.memref_slice %arg11[%dma_start3A_273, %dma_start3A_274] : memref<10240x128xf32, #tpu.memory_space<vmem_shared>> -> memref<10240x128xf32, #tpu.memory_space<vmem_shared>>
      tpu.enqueue_indirect_dma source(%arg10 : memref<128x128xf32, #tpu.memory_space<vmem>>) target(%dma_start3A_275 : memref<10240x128xf32, #tpu.memory_space<vmem_shared>>) offsets(%dma_start3A_272 : memref<128xi32, #tpu.memory_space<vmem>>) semaphore(%arg17 : memref<!tpu.dma_semaphore, #tpu.memory_space<semaphore_mem>>) {add = true}
      %dma_wait3A_276 = arith.constant 0 : i32
      %dma_wait3A_277 = tpu.memref_slice %arg8[%add3A_241, %dma_wait3A_276] : memref<16x128xi32, #tpu.memory_space<vmem>> -> memref<1x128xi32, #tpu.memory_space<vmem>>
      %dma_wait3A_278 = tpu.memref_squeeze %dma_wait3A_277 : memref<1x128xi32, #tpu.memory_space<vmem>> -> memref<128xi32, #tpu.memory_space<vmem>>
      %dma_wait3A_279 = arith.constant 0 : i32
      %dma_wait3A_280 = arith.constant 0 : i32
      %dma_wait3A_281 = tpu.memref_slice %arg11[%dma_wait3A_279, %dma_wait3A_280] : memref<10240x128xf32, #tpu.memory_space<vmem_shared>> -> memref<10240x128xf32, #tpu.memory_space<vmem_shared>>
      tpu.wait_indirect_dma semaphore(%arg16 : memref<!tpu.dma_semaphore, #tpu.memory_space<semaphore_mem>>) src(%arg9 : memref<128x128xf32, #tpu.memory_space<vmem>>) dst(%dma_wait3A_281 : memref<10240x128xf32, #tpu.memory_space<vmem_shared>>)
      %dma_wait3A_282 = arith.constant 0 : i32
      %dma_wait3A_283 = tpu.memref_slice %arg8[%add3A_269, %dma_wait3A_282] : memref<16x128xi32, #tpu.memory_space<vmem>> -> memref<1x128xi32, #tpu.memory_space<vmem>>
      %dma_wait3A_284 = tpu.memref_squeeze %dma_wait3A_283 : memref<1x128xi32, #tpu.memory_space<vmem>> -> memref<128xi32, #tpu.memory_space<vmem>>
      %dma_wait3A_285 = arith.constant 0 : i32
      %dma_wait3A_286 = arith.constant 0 : i32
      %dma_wait3A_287 = tpu.memref_slice %arg11[%dma_wait3A_285, %dma_wait3A_286] : memref<10240x128xf32, #tpu.memory_space<vmem_shared>> -> memref<10240x128xf32, #tpu.memory_space<vmem_shared>>
      tpu.wait_indirect_dma semaphore(%arg17 : memref<!tpu.dma_semaphore, #tpu.memory_space<semaphore_mem>>) src(%arg10 : memref<128x128xf32, #tpu.memory_space<vmem>>) dst(%dma_wait3A_287 : memref<10240x128xf32, #tpu.memory_space<vmem_shared>>)
      %dma_wait3A_288 = arith.constant 0 : i32
      %dma_wait3A_289 = tpu.memref_slice %arg7[%mul3A_44, %dma_wait3A_288] : memref<16x128xi32, #tpu.memory_space<vmem>> -> memref<8x128xi32, #tpu.memory_space<vmem>>
      %dma_wait3A_290 = arith.constant 0 : i32
      %dma_wait3A_291 = tpu.memref_slice %arg3[%add3A_42, %dma_wait3A_290] : memref<2568x128xi32, #tpu.memory_space<hbm>> -> memref<8x128xi32, #tpu.memory_space<hbm>>
      %dma_wait3A_292 = arith.constant 0 : i32
      %dma_wait3A_293 = tpu.memref_slice %arg7[%mul3A_44, %dma_wait3A_292] : memref<16x128xi32, #tpu.memory_space<vmem>> -> memref<8x128xi32, #tpu.memory_space<vmem>>
      %dma_wait3A_294 = arith.constant 0 : i32
      %dma_wait3A_295 = tpu.memref_slice %arg3[%add3A_42, %dma_wait3A_294] : memref<2568x128xi32, #tpu.memory_space<hbm>> -> memref<8x128xi32, #tpu.memory_space<hbm>>
      tpu.wait_dma2 semaphore(%arg12 : memref<!tpu.dma_semaphore, #tpu.memory_space<semaphore_mem>>) src(%dma_wait3A_295 : memref<8x128xi32, #tpu.memory_space<hbm>>) dst(%dma_wait3A_293 : memref<8x128xi32, #tpu.memory_space<vmem>>)
      %dma_wait3A_296 = arith.constant 0 : i32
      %dma_wait3A_297 = tpu.memref_slice %arg8[%mul3A_56, %dma_wait3A_296] : memref<16x128xi32, #tpu.memory_space<vmem>> -> memref<8x128xi32, #tpu.memory_space<vmem>>
      %dma_wait3A_298 = arith.constant 0 : i32
      %dma_wait3A_299 = tpu.memref_slice %arg4[%add3A_54, %dma_wait3A_298] : memref<2568x128xi32, #tpu.memory_space<hbm>> -> memref<8x128xi32, #tpu.memory_space<hbm>>
      %dma_wait3A_300 = arith.constant 0 : i32
      %dma_wait3A_301 = tpu.memref_slice %arg8[%mul3A_56, %dma_wait3A_300] : memref<16x128xi32, #tpu.memory_space<vmem>> -> memref<8x128xi32, #tpu.memory_space<vmem>>
      %dma_wait3A_302 = arith.constant 0 : i32
      %dma_wait3A_303 = tpu.memref_slice %arg4[%add3A_54, %dma_wait3A_302] : memref<2568x128xi32, #tpu.memory_space<hbm>> -> memref<8x128xi32, #tpu.memory_space<hbm>>
      tpu.wait_dma2 semaphore(%arg13 : memref<!tpu.dma_semaphore, #tpu.memory_space<semaphore_mem>>) src(%dma_wait3A_303 : memref<8x128xi32, #tpu.memory_space<hbm>>) dst(%dma_wait3A_301 : memref<8x128xi32, #tpu.memory_space<vmem>>)
    }
    %while3A_24 = arith.constant 1 : i32
    scf.for %while3A_32 = %while3A_22 to %while3A_18 step %while3A_24  : i32 {
      %rem3A = arith.constant 2 : i32
      %rem3A_33 = arith.remsi %while3A_32, %rem3A : i32
      %sub3A = arith.constant 1 : i32
      %sub3A_34 = arith.subi %sub3A, %rem3A_33 : i32
      %mul3A_35 = arith.constant 8 : i32
      %mul3A_36 = arith.muli %rem3A_33, %mul3A_35 : i32
      %add3A_37 = arith.constant 1 : i32
      %add3A_38 = arith.addi %while3A_32, %add3A_37 : i32
      %rem3A_39 = arith.remsi %add3A_38, %select_n3A : i32
      %mul3A_40 = arith.constant 8 : i32
      %mul3A_41 = arith.muli %rem3A_39, %mul3A_40 : i32
      %add3A_42 = arith.addi %select_n3A_10, %mul3A_41 : i32
      %mul3A_43 = arith.constant 8 : i32
      %mul3A_44 = arith.muli %sub3A_34, %mul3A_43 : i32
      %dma_start3A = arith.constant 0 : i32
      %dma_start3A_45 = tpu.memref_slice %arg7[%mul3A_44, %dma_start3A] : memref<16x128xi32, #tpu.memory_space<vmem>> -> memref<8x128xi32, #tpu.memory_space<vmem>>
      %dma_start3A_46 = arith.constant 0 : i32
      %dma_start3A_47 = tpu.memref_slice %arg3[%add3A_42, %dma_start3A_46] : memref<2568x128xi32, #tpu.memory_space<hbm>> -> memref<8x128xi32, #tpu.memory_space<hbm>>
      %dma_start3A_48 = arith.constant 0 : i32
      %dma_start3A_49 = tpu.memref_slice %arg7[%mul3A_44, %dma_start3A_48] : memref<16x128xi32, #tpu.memory_space<vmem>> -> memref<8x128xi32, #tpu.memory_space<vmem>>
      %dma_start3A_50 = arith.constant 0 : i32
      %dma_start3A_51 = tpu.memref_slice %arg3[%add3A_42, %dma_start3A_50] : memref<2568x128xi32, #tpu.memory_space<hbm>> -> memref<8x128xi32, #tpu.memory_space<hbm>>
      tpu.enqueue_dma source(%dma_start3A_51 : memref<8x128xi32, #tpu.memory_space<hbm>>) target(%dma_start3A_49 : memref<8x128xi32, #tpu.memory_space<vmem>>) target_semaphore(%arg12 : memref<!tpu.dma_semaphore, #tpu.memory_space<semaphore_mem>>)
      %mul3A_52 = arith.constant 8 : i32
      %mul3A_53 = arith.muli %rem3A_39, %mul3A_52 : i32
      %add3A_54 = arith.addi %select_n3A_10, %mul3A_53 : i32
      %mul3A_55 = arith.constant 8 : i32
      %mul3A_56 = arith.muli %sub3A_34, %mul3A_55 : i32
      %dma_start3A_57 = arith.constant 0 : i32
      %dma_start3A_58 = tpu.memref_slice %arg8[%mul3A_56, %dma_start3A_57] : memref<16x128xi32, #tpu.memory_space<vmem>> -> memref<8x128xi32, #tpu.memory_space<vmem>>
      %dma_start3A_59 = arith.constant 0 : i32
      %dma_start3A_60 = tpu.memref_slice %arg4[%add3A_54, %dma_start3A_59] : memref<2568x128xi32, #tpu.memory_space<hbm>> -> memref<8x128xi32, #tpu.memory_space<hbm>>
      %dma_start3A_61 = arith.constant 0 : i32
      %dma_start3A_62 = tpu.memref_slice %arg8[%mul3A_56, %dma_start3A_61] : memref<16x128xi32, #tpu.memory_space<vmem>> -> memref<8x128xi32, #tpu.memory_space<vmem>>
      %dma_start3A_63 = arith.constant 0 : i32
      %dma_start3A_64 = tpu.memref_slice %arg4[%add3A_54, %dma_start3A_63] : memref<2568x128xi32, #tpu.memory_space<hbm>> -> memref<8x128xi32, #tpu.memory_space<hbm>>
      tpu.enqueue_dma source(%dma_start3A_64 : memref<8x128xi32, #tpu.memory_space<hbm>>) target(%dma_start3A_62 : memref<8x128xi32, #tpu.memory_space<vmem>>) target_semaphore(%arg13 : memref<!tpu.dma_semaphore, #tpu.memory_space<semaphore_mem>>)
      %add3A_65 = arith.constant 0 : i32
      %add3A_66 = arith.addi %mul3A_36, %add3A_65 : i32
      %dma_start3A_67 = arith.constant 0 : i32
      %dma_start3A_68 = tpu.memref_slice %arg7[%add3A_66, %dma_start3A_67] : memref<16x128xi32, #tpu.memory_space<vmem>> -> memref<1x128xi32, #tpu.memory_space<vmem>>
      %dma_start3A_69 = tpu.memref_squeeze %dma_start3A_68 : memref<1x128xi32, #tpu.memory_space<vmem>> -> memref<128xi32, #tpu.memory_space<vmem>>
      %dma_start3A_70 = arith.constant 0 : i32
      %dma_start3A_71 = arith.constant 0 : i32
      %dma_start3A_72 = tpu.memref_slice %arg2[%dma_start3A_70, %dma_start3A_71] : memref<10240x128xf32, #tpu.memory_space<hbm>> -> memref<10240x128xf32, #tpu.memory_space<hbm>>
      tpu.enqueue_indirect_dma source(%dma_start3A_72 : memref<10240x128xf32, #tpu.memory_space<hbm>>) target(%arg9 : memref<128x128xf32, #tpu.memory_space<vmem>>) offsets(%dma_start3A_69 : memref<128xi32, #tpu.memory_space<vmem>>) semaphore(%arg14 : memref<!tpu.dma_semaphore, #tpu.memory_space<semaphore_mem>>)
      %dma_wait3A = arith.constant 0 : i32
      %dma_wait3A_73 = tpu.memref_slice %arg7[%add3A_66, %dma_wait3A] : memref<16x128xi32, #tpu.memory_space<vmem>> -> memref<1x128xi32, #tpu.memory_space<vmem>>
      %dma_wait3A_74 = tpu.memref_squeeze %dma_wait3A_73 : memref<1x128xi32, #tpu.memory_space<vmem>> -> memref<128xi32, #tpu.memory_space<vmem>>
      %dma_wait3A_75 = arith.constant 0 : i32
      %dma_wait3A_76 = arith.constant 0 : i32
      %dma_wait3A_77 = tpu.memref_slice %arg2[%dma_wait3A_75, %dma_wait3A_76] : memref<10240x128xf32, #tpu.memory_space<hbm>> -> memref<10240x128xf32, #tpu.memory_space<hbm>>
      tpu.wait_indirect_dma semaphore(%arg14 : memref<!tpu.dma_semaphore, #tpu.memory_space<semaphore_mem>>) src(%dma_wait3A_77 : memref<10240x128xf32, #tpu.memory_space<hbm>>) dst(%arg9 : memref<128x128xf32, #tpu.memory_space<vmem>>)
      %add3A_78 = arith.constant 0 : i32
      %add3A_79 = arith.addi %mul3A_36, %add3A_78 : i32
      %dma_start3A_80 = arith.constant 0 : i32
      %dma_start3A_81 = tpu.memref_slice %arg8[%add3A_79, %dma_start3A_80] : memref<16x128xi32, #tpu.memory_space<vmem>> -> memref<1x128xi32, #tpu.memory_space<vmem>>
      %dma_start3A_82 = tpu.memref_squeeze %dma_start3A_81 : memref<1x128xi32, #tpu.memory_space<vmem>> -> memref<128xi32, #tpu.memory_space<vmem>>
      %dma_start3A_83 = arith.constant 0 : i32
      %dma_start3A_84 = arith.constant 0 : i32
      %dma_start3A_85 = tpu.memref_slice %arg11[%dma_start3A_83, %dma_start3A_84] : memref<10240x128xf32, #tpu.memory_space<vmem_shared>> -> memref<10240x128xf32, #tpu.memory_space<vmem_shared>>
      tpu.enqueue_indirect_dma source(%arg9 : memref<128x128xf32, #tpu.memory_space<vmem>>) target(%dma_start3A_85 : memref<10240x128xf32, #tpu.memory_space<vmem_shared>>) offsets(%dma_start3A_82 : memref<128xi32, #tpu.memory_space<vmem>>) semaphore(%arg16 : memref<!tpu.dma_semaphore, #tpu.memory_space<semaphore_mem>>) {add = true}
      %add3A_86 = arith.constant 1 : i32
      %add3A_87 = arith.addi %mul3A_36, %add3A_86 : i32
      %dma_start3A_88 = arith.constant 0 : i32
      %dma_start3A_89 = tpu.memref_slice %arg7[%add3A_87, %dma_start3A_88] : memref<16x128xi32, #tpu.memory_space<vmem>> -> memref<1x128xi32, #tpu.memory_space<vmem>>
      %dma_start3A_90 = tpu.memref_squeeze %dma_start3A_89 : memref<1x128xi32, #tpu.memory_space<vmem>> -> memref<128xi32, #tpu.memory_space<vmem>>
      %dma_start3A_91 = arith.constant 0 : i32
      %dma_start3A_92 = arith.constant 0 : i32
      %dma_start3A_93 = tpu.memref_slice %arg2[%dma_start3A_91, %dma_start3A_92] : memref<10240x128xf32, #tpu.memory_space<hbm>> -> memref<10240x128xf32, #tpu.memory_space<hbm>>
      tpu.enqueue_indirect_dma source(%dma_start3A_93 : memref<10240x128xf32, #tpu.memory_space<hbm>>) target(%arg10 : memref<128x128xf32, #tpu.memory_space<vmem>>) offsets(%dma_start3A_90 : memref<128xi32, #tpu.memory_space<vmem>>) semaphore(%arg15 : memref<!tpu.dma_semaphore, #tpu.memory_space<semaphore_mem>>)
      %dma_wait3A_94 = arith.constant 0 : i32
      %dma_wait3A_95 = tpu.memref_slice %arg7[%add3A_87, %dma_wait3A_94] : memref<16x128xi32, #tpu.memory_space<vmem>> -> memref<1x128xi32, #tpu.memory_space<vmem>>
      %dma_wait3A_96 = tpu.memref_squeeze %dma_wait3A_95 : memref<1x128xi32, #tpu.memory_space<vmem>> -> memref<128xi32, #tpu.memory_space<vmem>>
      %dma_wait3A_97 = arith.constant 0 : i32
      %dma_wait3A_98 = arith.constant 0 : i32
      %dma_wait3A_99 = tpu.memref_slice %arg2[%dma_wait3A_97, %dma_wait3A_98] : memref<10240x128xf32, #tpu.memory_space<hbm>> -> memref<10240x128xf32, #tpu.memory_space<hbm>>
      tpu.wait_indirect_dma semaphore(%arg15 : memref<!tpu.dma_semaphore, #tpu.memory_space<semaphore_mem>>) src(%dma_wait3A_99 : memref<10240x128xf32, #tpu.memory_space<hbm>>) dst(%arg10 : memref<128x128xf32, #tpu.memory_space<vmem>>)
      %add3A_100 = arith.constant 1 : i32
      %add3A_101 = arith.addi %mul3A_36, %add3A_100 : i32
      %dma_start3A_102 = arith.constant 0 : i32
      %dma_start3A_103 = tpu.memref_slice %arg8[%add3A_101, %dma_start3A_102] : memref<16x128xi32, #tpu.memory_space<vmem>> -> memref<1x128xi32, #tpu.memory_space<vmem>>
      %dma_start3A_104 = tpu.memref_squeeze %dma_start3A_103 : memref<1x128xi32, #tpu.memory_space<vmem>> -> memref<128xi32, #tpu.memory_space<vmem>>
      %dma_start3A_105 = arith.constant 0 : i32
      %dma_start3A_106 = arith.constant 0 : i32
      %dma_start3A_107 = tpu.memref_slice %arg11[%dma_start3A_105, %dma_start3A_106] : memref<10240x128xf32, #tpu.memory_space<vmem_shared>> -> memref<10240x128xf32, #tpu.memory_space<vmem_shared>>
      tpu.enqueue_indirect_dma source(%arg10 : memref<128x128xf32, #tpu.memory_space<vmem>>) target(%dma_start3A_107 : memref<10240x128xf32, #tpu.memory_space<vmem_shared>>) offsets(%dma_start3A_104 : memref<128xi32, #tpu.memory_space<vmem>>) semaphore(%arg17 : memref<!tpu.dma_semaphore, #tpu.memory_space<semaphore_mem>>) {add = true}
      %dma_wait3A_108 = arith.constant 0 : i32
      %dma_wait3A_109 = tpu.memref_slice %arg8[%add3A_79, %dma_wait3A_108] : memref<16x128xi32, #tpu.memory_space<vmem>> -> memref<1x128xi32, #tpu.memory_space<vmem>>
      %dma_wait3A_110 = tpu.memref_squeeze %dma_wait3A_109 : memref<1x128xi32, #tpu.memory_space<vmem>> -> memref<128xi32, #tpu.memory_space<vmem>>
      %dma_wait3A_111 = arith.constant 0 : i32
      %dma_wait3A_112 = arith.constant 0 : i32
      %dma_wait3A_113 = tpu.memref_slice %arg11[%dma_wait3A_111, %dma_wait3A_112] : memref<10240x128xf32, #tpu.memory_space<vmem_shared>> -> memref<10240x128xf32, #tpu.memory_space<vmem_shared>>
      tpu.wait_indirect_dma semaphore(%arg16 : memref<!tpu.dma_semaphore, #tpu.memory_space<semaphore_mem>>) src(%arg9 : memref<128x128xf32, #tpu.memory_space<vmem>>) dst(%dma_wait3A_113 : memref<10240x128xf32, #tpu.memory_space<vmem_shared>>)
      %add3A_114 = arith.constant 2 : i32
      %add3A_115 = arith.addi %mul3A_36, %add3A_114 : i32
      %dma_start3A_116 = arith.constant 0 : i32
      %dma_start3A_117 = tpu.memref_slice %arg7[%add3A_115, %dma_start3A_116] : memref<16x128xi32, #tpu.memory_space<vmem>> -> memref<1x128xi32, #tpu.memory_space<vmem>>
      %dma_start3A_118 = tpu.memref_squeeze %dma_start3A_117 : memref<1x128xi32, #tpu.memory_space<vmem>> -> memref<128xi32, #tpu.memory_space<vmem>>
      %dma_start3A_119 = arith.constant 0 : i32
      %dma_start3A_120 = arith.constant 0 : i32
      %dma_start3A_121 = tpu.memref_slice %arg2[%dma_start3A_119, %dma_start3A_120] : memref<10240x128xf32, #tpu.memory_space<hbm>> -> memref<10240x128xf32, #tpu.memory_space<hbm>>
      tpu.enqueue_indirect_dma source(%dma_start3A_121 : memref<10240x128xf32, #tpu.memory_space<hbm>>) target(%arg9 : memref<128x128xf32, #tpu.memory_space<vmem>>) offsets(%dma_start3A_118 : memref<128xi32, #tpu.memory_space<vmem>>) semaphore(%arg14 : memref<!tpu.dma_semaphore, #tpu.memory_space<semaphore_mem>>)
      %dma_wait3A_122 = arith.constant 0 : i32
      %dma_wait3A_123 = tpu.memref_slice %arg7[%add3A_115, %dma_wait3A_122] : memref<16x128xi32, #tpu.memory_space<vmem>> -> memref<1x128xi32, #tpu.memory_space<vmem>>
      %dma_wait3A_124 = tpu.memref_squeeze %dma_wait3A_123 : memref<1x128xi32, #tpu.memory_space<vmem>> -> memref<128xi32, #tpu.memory_space<vmem>>
      %dma_wait3A_125 = arith.constant 0 : i32
      %dma_wait3A_126 = arith.constant 0 : i32
      %dma_wait3A_127 = tpu.memref_slice %arg2[%dma_wait3A_125, %dma_wait3A_126] : memref<10240x128xf32, #tpu.memory_space<hbm>> -> memref<10240x128xf32, #tpu.memory_space<hbm>>
      tpu.wait_indirect_dma semaphore(%arg14 : memref<!tpu.dma_semaphore, #tpu.memory_space<semaphore_mem>>) src(%dma_wait3A_127 : memref<10240x128xf32, #tpu.memory_space<hbm>>) dst(%arg9 : memref<128x128xf32, #tpu.memory_space<vmem>>)
      %add3A_128 = arith.constant 2 : i32
      %add3A_129 = arith.addi %mul3A_36, %add3A_128 : i32
      %dma_start3A_130 = arith.constant 0 : i32
      %dma_start3A_131 = tpu.memref_slice %arg8[%add3A_129, %dma_start3A_130] : memref<16x128xi32, #tpu.memory_space<vmem>> -> memref<1x128xi32, #tpu.memory_space<vmem>>
      %dma_start3A_132 = tpu.memref_squeeze %dma_start3A_131 : memref<1x128xi32, #tpu.memory_space<vmem>> -> memref<128xi32, #tpu.memory_space<vmem>>
      %dma_start3A_133 = arith.constant 0 : i32
      %dma_start3A_134 = arith.constant 0 : i32
      %dma_start3A_135 = tpu.memref_slice %arg11[%dma_start3A_133, %dma_start3A_134] : memref<10240x128xf32, #tpu.memory_space<vmem_shared>> -> memref<10240x128xf32, #tpu.memory_space<vmem_shared>>
      tpu.enqueue_indirect_dma source(%arg9 : memref<128x128xf32, #tpu.memory_space<vmem>>) target(%dma_start3A_135 : memref<10240x128xf32, #tpu.memory_space<vmem_shared>>) offsets(%dma_start3A_132 : memref<128xi32, #tpu.memory_space<vmem>>) semaphore(%arg16 : memref<!tpu.dma_semaphore, #tpu.memory_space<semaphore_mem>>) {add = true}
      %dma_wait3A_136 = arith.constant 0 : i32
      %dma_wait3A_137 = tpu.memref_slice %arg8[%add3A_101, %dma_wait3A_136] : memref<16x128xi32, #tpu.memory_space<vmem>> -> memref<1x128xi32, #tpu.memory_space<vmem>>
      %dma_wait3A_138 = tpu.memref_squeeze %dma_wait3A_137 : memref<1x128xi32, #tpu.memory_space<vmem>> -> memref<128xi32, #tpu.memory_space<vmem>>
      %dma_wait3A_139 = arith.constant 0 : i32
      %dma_wait3A_140 = arith.constant 0 : i32
      %dma_wait3A_141 = tpu.memref_slice %arg11[%dma_wait3A_139, %dma_wait3A_140] : memref<10240x128xf32, #tpu.memory_space<vmem_shared>> -> memref<10240x128xf32, #tpu.memory_space<vmem_shared>>
      tpu.wait_indirect_dma semaphore(%arg17 : memref<!tpu.dma_semaphore, #tpu.memory_space<semaphore_mem>>) src(%arg10 : memref<128x128xf32, #tpu.memory_space<vmem>>) dst(%dma_wait3A_141 : memref<10240x128xf32, #tpu.memory_space<vmem_shared>>)
      %add3A_142 = arith.constant 3 : i32
      %add3A_143 = arith.addi %mul3A_36, %add3A_142 : i32
      %dma_start3A_144 = arith.constant 0 : i32
      %dma_start3A_145 = tpu.memref_slice %arg7[%add3A_143, %dma_start3A_144] : memref<16x128xi32, #tpu.memory_space<vmem>> -> memref<1x128xi32, #tpu.memory_space<vmem>>
      %dma_start3A_146 = tpu.memref_squeeze %dma_start3A_145 : memref<1x128xi32, #tpu.memory_space<vmem>> -> memref<128xi32, #tpu.memory_space<vmem>>
      %dma_start3A_147 = arith.constant 0 : i32
      %dma_start3A_148 = arith.constant 0 : i32
      %dma_start3A_149 = tpu.memref_slice %arg2[%dma_start3A_147, %dma_start3A_148] : memref<10240x128xf32, #tpu.memory_space<hbm>> -> memref<10240x128xf32, #tpu.memory_space<hbm>>
      tpu.enqueue_indirect_dma source(%dma_start3A_149 : memref<10240x128xf32, #tpu.memory_space<hbm>>) target(%arg10 : memref<128x128xf32, #tpu.memory_space<vmem>>) offsets(%dma_start3A_146 : memref<128xi32, #tpu.memory_space<vmem>>) semaphore(%arg15 : memref<!tpu.dma_semaphore, #tpu.memory_space<semaphore_mem>>)
      %dma_wait3A_150 = arith.constant 0 : i32
      %dma_wait3A_151 = tpu.memref_slice %arg7[%add3A_143, %dma_wait3A_150] : memref<16x128xi32, #tpu.memory_space<vmem>> -> memref<1x128xi32, #tpu.memory_space<vmem>>
      %dma_wait3A_152 = tpu.memref_squeeze %dma_wait3A_151 : memref<1x128xi32, #tpu.memory_space<vmem>> -> memref<128xi32, #tpu.memory_space<vmem>>
      %dma_wait3A_153 = arith.constant 0 : i32
      %dma_wait3A_154 = arith.constant 0 : i32
      %dma_wait3A_155 = tpu.memref_slice %arg2[%dma_wait3A_153, %dma_wait3A_154] : memref<10240x128xf32, #tpu.memory_space<hbm>> -> memref<10240x128xf32, #tpu.memory_space<hbm>>
      tpu.wait_indirect_dma semaphore(%arg15 : memref<!tpu.dma_semaphore, #tpu.memory_space<semaphore_mem>>) src(%dma_wait3A_155 : memref<10240x128xf32, #tpu.memory_space<hbm>>) dst(%arg10 : memref<128x128xf32, #tpu.memory_space<vmem>>)
      %add3A_156 = arith.constant 3 : i32
      %add3A_157 = arith.addi %mul3A_36, %add3A_156 : i32
      %dma_start3A_158 = arith.constant 0 : i32
      %dma_start3A_159 = tpu.memref_slice %arg8[%add3A_157, %dma_start3A_158] : memref<16x128xi32, #tpu.memory_space<vmem>> -> memref<1x128xi32, #tpu.memory_space<vmem>>
      %dma_start3A_160 = tpu.memref_squeeze %dma_start3A_159 : memref<1x128xi32, #tpu.memory_space<vmem>> -> memref<128xi32, #tpu.memory_space<vmem>>
      %dma_start3A_161 = arith.constant 0 : i32
      %dma_start3A_162 = arith.constant 0 : i32
      %dma_start3A_163 = tpu.memref_slice %arg11[%dma_start3A_161, %dma_start3A_162] : memref<10240x128xf32, #tpu.memory_space<vmem_shared>> -> memref<10240x128xf32, #tpu.memory_space<vmem_shared>>
      tpu.enqueue_indirect_dma source(%arg10 : memref<128x128xf32, #tpu.memory_space<vmem>>) target(%dma_start3A_163 : memref<10240x128xf32, #tpu.memory_space<vmem_shared>>) offsets(%dma_start3A_160 : memref<128xi32, #tpu.memory_space<vmem>>) semaphore(%arg17 : memref<!tpu.dma_semaphore, #tpu.memory_space<semaphore_mem>>) {add = true}
      %dma_wait3A_164 = arith.constant 0 : i32
      %dma_wait3A_165 = tpu.memref_slice %arg8[%add3A_129, %dma_wait3A_164] : memref<16x128xi32, #tpu.memory_space<vmem>> -> memref<1x128xi32, #tpu.memory_space<vmem>>
      %dma_wait3A_166 = tpu.memref_squeeze %dma_wait3A_165 : memref<1x128xi32, #tpu.memory_space<vmem>> -> memref<128xi32, #tpu.memory_space<vmem>>
      %dma_wait3A_167 = arith.constant 0 : i32
      %dma_wait3A_168 = arith.constant 0 : i32
      %dma_wait3A_169 = tpu.memref_slice %arg11[%dma_wait3A_167, %dma_wait3A_168] : memref<10240x128xf32, #tpu.memory_space<vmem_shared>> -> memref<10240x128xf32, #tpu.memory_space<vmem_shared>>
      tpu.wait_indirect_dma semaphore(%arg16 : memref<!tpu.dma_semaphore, #tpu.memory_space<semaphore_mem>>) src(%arg9 : memref<128x128xf32, #tpu.memory_space<vmem>>) dst(%dma_wait3A_169 : memref<10240x128xf32, #tpu.memory_space<vmem_shared>>)
      %add3A_170 = arith.constant 4 : i32
      %add3A_171 = arith.addi %mul3A_36, %add3A_170 : i32
      %dma_start3A_172 = arith.constant 0 : i32
      %dma_start3A_173 = tpu.memref_slice %arg7[%add3A_171, %dma_start3A_172] : memref<16x128xi32, #tpu.memory_space<vmem>> -> memref<1x128xi32, #tpu.memory_space<vmem>>
      %dma_start3A_174 = tpu.memref_squeeze %dma_start3A_173 : memref<1x128xi32, #tpu.memory_space<vmem>> -> memref<128xi32, #tpu.memory_space<vmem>>
      %dma_start3A_175 = arith.constant 0 : i32
      %dma_start3A_176 = arith.constant 0 : i32
      %dma_start3A_177 = tpu.memref_slice %arg2[%dma_start3A_175, %dma_start3A_176] : memref<10240x128xf32, #tpu.memory_space<hbm>> -> memref<10240x128xf32, #tpu.memory_space<hbm>>
      tpu.enqueue_indirect_dma source(%dma_start3A_177 : memref<10240x128xf32, #tpu.memory_space<hbm>>) target(%arg9 : memref<128x128xf32, #tpu.memory_space<vmem>>) offsets(%dma_start3A_174 : memref<128xi32, #tpu.memory_space<vmem>>) semaphore(%arg14 : memref<!tpu.dma_semaphore, #tpu.memory_space<semaphore_mem>>)
      %dma_wait3A_178 = arith.constant 0 : i32
      %dma_wait3A_179 = tpu.memref_slice %arg7[%add3A_171, %dma_wait3A_178] : memref<16x128xi32, #tpu.memory_space<vmem>> -> memref<1x128xi32, #tpu.memory_space<vmem>>
      %dma_wait3A_180 = tpu.memref_squeeze %dma_wait3A_179 : memref<1x128xi32, #tpu.memory_space<vmem>> -> memref<128xi32, #tpu.memory_space<vmem>>
      %dma_wait3A_181 = arith.constant 0 : i32
      %dma_wait3A_182 = arith.constant 0 : i32
      %dma_wait3A_183 = tpu.memref_slice %arg2[%dma_wait3A_181, %dma_wait3A_182] : memref<10240x128xf32, #tpu.memory_space<hbm>> -> memref<10240x128xf32, #tpu.memory_space<hbm>>
      tpu.wait_indirect_dma semaphore(%arg14 : memref<!tpu.dma_semaphore, #tpu.memory_space<semaphore_mem>>) src(%dma_wait3A_183 : memref<10240x128xf32, #tpu.memory_space<hbm>>) dst(%arg9 : memref<128x128xf32, #tpu.memory_space<vmem>>)
      %add3A_184 = arith.constant 4 : i32
      %add3A_185 = arith.addi %mul3A_36, %add3A_184 : i32
      %dma_start3A_186 = arith.constant 0 : i32
      %dma_start3A_187 = tpu.memref_slice %arg8[%add3A_185, %dma_start3A_186] : memref<16x128xi32, #tpu.memory_space<vmem>> -> memref<1x128xi32, #tpu.memory_space<vmem>>
      %dma_start3A_188 = tpu.memref_squeeze %dma_start3A_187 : memref<1x128xi32, #tpu.memory_space<vmem>> -> memref<128xi32, #tpu.memory_space<vmem>>
      %dma_start3A_189 = arith.constant 0 : i32
      %dma_start3A_190 = arith.constant 0 : i32
      %dma_start3A_191 = tpu.memref_slice %arg11[%dma_start3A_189, %dma_start3A_190] : memref<10240x128xf32, #tpu.memory_space<vmem_shared>> -> memref<10240x128xf32, #tpu.memory_space<vmem_shared>>
      tpu.enqueue_indirect_dma source(%arg9 : memref<128x128xf32, #tpu.memory_space<vmem>>) target(%dma_start3A_191 : memref<10240x128xf32, #tpu.memory_space<vmem_shared>>) offsets(%dma_start3A_188 : memref<128xi32, #tpu.memory_space<vmem>>) semaphore(%arg16 : memref<!tpu.dma_semaphore, #tpu.memory_space<semaphore_mem>>) {add = true}
      %dma_wait3A_192 = arith.constant 0 : i32
      %dma_wait3A_193 = tpu.memref_slice %arg8[%add3A_157, %dma_wait3A_192] : memref<16x128xi32, #tpu.memory_space<vmem>> -> memref<1x128xi32, #tpu.memory_space<vmem>>
      %dma_wait3A_194 = tpu.memref_squeeze %dma_wait3A_193 : memref<1x128xi32, #tpu.memory_space<vmem>> -> memref<128xi32, #tpu.memory_space<vmem>>
      %dma_wait3A_195 = arith.constant 0 : i32
      %dma_wait3A_196 = arith.constant 0 : i32
      %dma_wait3A_197 = tpu.memref_slice %arg11[%dma_wait3A_195, %dma_wait3A_196] : memref<10240x128xf32, #tpu.memory_space<vmem_shared>> -> memref<10240x128xf32, #tpu.memory_space<vmem_shared>>
      tpu.wait_indirect_dma semaphore(%arg17 : memref<!tpu.dma_semaphore, #tpu.memory_space<semaphore_mem>>) src(%arg10 : memref<128x128xf32, #tpu.memory_space<vmem>>) dst(%dma_wait3A_197 : memref<10240x128xf32, #tpu.memory_space<vmem_shared>>)
      %add3A_198 = arith.constant 5 : i32
      %add3A_199 = arith.addi %mul3A_36, %add3A_198 : i32
      %dma_start3A_200 = arith.constant 0 : i32
      %dma_start3A_201 = tpu.memref_slice %arg7[%add3A_199, %dma_start3A_200] : memref<16x128xi32, #tpu.memory_space<vmem>> -> memref<1x128xi32, #tpu.memory_space<vmem>>
      %dma_start3A_202 = tpu.memref_squeeze %dma_start3A_201 : memref<1x128xi32, #tpu.memory_space<vmem>> -> memref<128xi32, #tpu.memory_space<vmem>>
      %dma_start3A_203 = arith.constant 0 : i32
      %dma_start3A_204 = arith.constant 0 : i32
      %dma_start3A_205 = tpu.memref_slice %arg2[%dma_start3A_203, %dma_start3A_204] : memref<10240x128xf32, #tpu.memory_space<hbm>> -> memref<10240x128xf32, #tpu.memory_space<hbm>>
      tpu.enqueue_indirect_dma source(%dma_start3A_205 : memref<10240x128xf32, #tpu.memory_space<hbm>>) target(%arg10 : memref<128x128xf32, #tpu.memory_space<vmem>>) offsets(%dma_start3A_202 : memref<128xi32, #tpu.memory_space<vmem>>) semaphore(%arg15 : memref<!tpu.dma_semaphore, #tpu.memory_space<semaphore_mem>>)
      %dma_wait3A_206 = arith.constant 0 : i32
      %dma_wait3A_207 = tpu.memref_slice %arg7[%add3A_199, %dma_wait3A_206] : memref<16x128xi32, #tpu.memory_space<vmem>> -> memref<1x128xi32, #tpu.memory_space<vmem>>
      %dma_wait3A_208 = tpu.memref_squeeze %dma_wait3A_207 : memref<1x128xi32, #tpu.memory_space<vmem>> -> memref<128xi32, #tpu.memory_space<vmem>>
      %dma_wait3A_209 = arith.constant 0 : i32
      %dma_wait3A_210 = arith.constant 0 : i32
      %dma_wait3A_211 = tpu.memref_slice %arg2[%dma_wait3A_209, %dma_wait3A_210] : memref<10240x128xf32, #tpu.memory_space<hbm>> -> memref<10240x128xf32, #tpu.memory_space<hbm>>
      tpu.wait_indirect_dma semaphore(%arg15 : memref<!tpu.dma_semaphore, #tpu.memory_space<semaphore_mem>>) src(%dma_wait3A_211 : memref<10240x128xf32, #tpu.memory_space<hbm>>) dst(%arg10 : memref<128x128xf32, #tpu.memory_space<vmem>>)
      %add3A_212 = arith.constant 5 : i32
      %add3A_213 = arith.addi %mul3A_36, %add3A_212 : i32
      %dma_start3A_214 = arith.constant 0 : i32
      %dma_start3A_215 = tpu.memref_slice %arg8[%add3A_213, %dma_start3A_214] : memref<16x128xi32, #tpu.memory_space<vmem>> -> memref<1x128xi32, #tpu.memory_space<vmem>>
      %dma_start3A_216 = tpu.memref_squeeze %dma_start3A_215 : memref<1x128xi32, #tpu.memory_space<vmem>> -> memref<128xi32, #tpu.memory_space<vmem>>
      %dma_start3A_217 = arith.constant 0 : i32
      %dma_start3A_218 = arith.constant 0 : i32
      %dma_start3A_219 = tpu.memref_slice %arg11[%dma_start3A_217, %dma_start3A_218] : memref<10240x128xf32, #tpu.memory_space<vmem_shared>> -> memref<10240x128xf32, #tpu.memory_space<vmem_shared>>
      tpu.enqueue_indirect_dma source(%arg10 : memref<128x128xf32, #tpu.memory_space<vmem>>) target(%dma_start3A_219 : memref<10240x128xf32, #tpu.memory_space<vmem_shared>>) offsets(%dma_start3A_216 : memref<128xi32, #tpu.memory_space<vmem>>) semaphore(%arg17 : memref<!tpu.dma_semaphore, #tpu.memory_space<semaphore_mem>>) {add = true}
      %dma_wait3A_220 = arith.constant 0 : i32
      %dma_wait3A_221 = tpu.memref_slice %arg8[%add3A_185, %dma_wait3A_220] : memref<16x128xi32, #tpu.memory_space<vmem>> -> memref<1x128xi32, #tpu.memory_space<vmem>>
      %dma_wait3A_222 = tpu.memref_squeeze %dma_wait3A_221 : memref<1x128xi32, #tpu.memory_space<vmem>> -> memref<128xi32, #tpu.memory_space<vmem>>
      %dma_wait3A_223 = arith.constant 0 : i32
      %dma_wait3A_224 = arith.constant 0 : i32
      %dma_wait3A_225 = tpu.memref_slice %arg11[%dma_wait3A_223, %dma_wait3A_224] : memref<10240x128xf32, #tpu.memory_space<vmem_shared>> -> memref<10240x128xf32, #tpu.memory_space<vmem_shared>>
      tpu.wait_indirect_dma semaphore(%arg16 : memref<!tpu.dma_semaphore, #tpu.memory_space<semaphore_mem>>) src(%arg9 : memref<128x128xf32, #tpu.memory_space<vmem>>) dst(%dma_wait3A_225 : memref<10240x128xf32, #tpu.memory_space<vmem_shared>>)
      %add3A_226 = arith.constant 6 : i32
      %add3A_227 = arith.addi %mul3A_36, %add3A_226 : i32
      %dma_start3A_228 = arith.constant 0 : i32
      %dma_start3A_229 = tpu.memref_slice %arg7[%add3A_227, %dma_start3A_228] : memref<16x128xi32, #tpu.memory_space<vmem>> -> memref<1x128xi32, #tpu.memory_space<vmem>>
      %dma_start3A_230 = tpu.memref_squeeze %dma_start3A_229 : memref<1x128xi32, #tpu.memory_space<vmem>> -> memref<128xi32, #tpu.memory_space<vmem>>
      %dma_start3A_231 = arith.constant 0 : i32
      %dma_start3A_232 = arith.constant 0 : i32
      %dma_start3A_233 = tpu.memref_slice %arg2[%dma_start3A_231, %dma_start3A_232] : memref<10240x128xf32, #tpu.memory_space<hbm>> -> memref<10240x128xf32, #tpu.memory_space<hbm>>
      tpu.enqueue_indirect_dma source(%dma_start3A_233 : memref<10240x128xf32, #tpu.memory_space<hbm>>) target(%arg9 : memref<128x128xf32, #tpu.memory_space<vmem>>) offsets(%dma_start3A_230 : memref<128xi32, #tpu.memory_space<vmem>>) semaphore(%arg14 : memref<!tpu.dma_semaphore, #tpu.memory_space<semaphore_mem>>)
      %dma_wait3A_234 = arith.constant 0 : i32
      %dma_wait3A_235 = tpu.memref_slice %arg7[%add3A_227, %dma_wait3A_234] : memref<16x128xi32, #tpu.memory_space<vmem>> -> memref<1x128xi32, #tpu.memory_space<vmem>>
      %dma_wait3A_236 = tpu.memref_squeeze %dma_wait3A_235 : memref<1x128xi32, #tpu.memory_space<vmem>> -> memref<128xi32, #tpu.memory_space<vmem>>
      %dma_wait3A_237 = arith.constant 0 : i32
      %dma_wait3A_238 = arith.constant 0 : i32
      %dma_wait3A_239 = tpu.memref_slice %arg2[%dma_wait3A_237, %dma_wait3A_238] : memref<10240x128xf32, #tpu.memory_space<hbm>> -> memref<10240x128xf32, #tpu.memory_space<hbm>>
      tpu.wait_indirect_dma semaphore(%arg14 : memref<!tpu.dma_semaphore, #tpu.memory_space<semaphore_mem>>) src(%dma_wait3A_239 : memref<10240x128xf32, #tpu.memory_space<hbm>>) dst(%arg9 : memref<128x128xf32, #tpu.memory_space<vmem>>)
      %add3A_240 = arith.constant 6 : i32
      %add3A_241 = arith.addi %mul3A_36, %add3A_240 : i32
      %dma_start3A_242 = arith.constant 0 : i32
      %dma_start3A_243 = tpu.memref_slice %arg8[%add3A_241, %dma_start3A_242] : memref<16x128xi32, #tpu.memory_space<vmem>> -> memref<1x128xi32, #tpu.memory_space<vmem>>
      %dma_start3A_244 = tpu.memref_squeeze %dma_start3A_243 : memref<1x128xi32, #tpu.memory_space<vmem>> -> memref<128xi32, #tpu.memory_space<vmem>>
      %dma_start3A_245 = arith.constant 0 : i32
      %dma_start3A_246 = arith.constant 0 : i32
      %dma_start3A_247 = tpu.memref_slice %arg11[%dma_start3A_245, %dma_start3A_246] : memref<10240x128xf32, #tpu.memory_space<vmem_shared>> -> memref<10240x128xf32, #tpu.memory_space<vmem_shared>>
      tpu.enqueue_indirect_dma source(%arg9 : memref<128x128xf32, #tpu.memory_space<vmem>>) target(%dma_start3A_247 : memref<10240x128xf32, #tpu.memory_space<vmem_shared>>) offsets(%dma_start3A_244 : memref<128xi32, #tpu.memory_space<vmem>>) semaphore(%arg16 : memref<!tpu.dma_semaphore, #tpu.memory_space<semaphore_mem>>) {add = true}
      %dma_wait3A_248 = arith.constant 0 : i32
      %dma_wait3A_249 = tpu.memref_slice %arg8[%add3A_213, %dma_wait3A_248] : memref<16x128xi32, #tpu.memory_space<vmem>> -> memref<1x128xi32, #tpu.memory_space<vmem>>
      %dma_wait3A_250 = tpu.memref_squeeze %dma_wait3A_249 : memref<1x128xi32, #tpu.memory_space<vmem>> -> memref<128xi32, #tpu.memory_space<vmem>>
      %dma_wait3A_251 = arith.constant 0 : i32
      %dma_wait3A_252 = arith.constant 0 : i32
      %dma_wait3A_253 = tpu.memref_slice %arg11[%dma_wait3A_251, %dma_wait3A_252] : memref<10240x128xf32, #tpu.memory_space<vmem_shared>> -> memref<10240x128xf32, #tpu.memory_space<vmem_shared>>
      tpu.wait_indirect_dma semaphore(%arg17 : memref<!tpu.dma_semaphore, #tpu.memory_space<semaphore_mem>>) src(%arg10 : memref<128x128xf32, #tpu.memory_space<vmem>>) dst(%dma_wait3A_253 : memref<10240x128xf32, #tpu.memory_space<vmem_shared>>)
      %add3A_254 = arith.constant 7 : i32
      %add3A_255 = arith.addi %mul3A_36, %add3A_254 : i32
      %dma_start3A_256 = arith.constant 0 : i32
      %dma_start3A_257 = tpu.memref_slice %arg7[%add3A_255, %dma_start3A_256] : memref<16x128xi32, #tpu.memory_space<vmem>> -> memref<1x128xi32, #tpu.memory_space<vmem>>
      %dma_start3A_258 = tpu.memref_squeeze %dma_start3A_257 : memref<1x128xi32, #tpu.memory_space<vmem>> -> memref<128xi32, #tpu.memory_space<vmem>>
      %dma_start3A_259 = arith.constant 0 : i32
      %dma_start3A_260 = arith.constant 0 : i32
      %dma_start3A_261 = tpu.memref_slice %arg2[%dma_start3A_259, %dma_start3A_260] : memref<10240x128xf32, #tpu.memory_space<hbm>> -> memref<10240x128xf32, #tpu.memory_space<hbm>>
      tpu.enqueue_indirect_dma source(%dma_start3A_261 : memref<10240x128xf32, #tpu.memory_space<hbm>>) target(%arg10 : memref<128x128xf32, #tpu.memory_space<vmem>>) offsets(%dma_start3A_258 : memref<128xi32, #tpu.memory_space<vmem>>) semaphore(%arg15 : memref<!tpu.dma_semaphore, #tpu.memory_space<semaphore_mem>>)
      %dma_wait3A_262 = arith.constant 0 : i32
      %dma_wait3A_263 = tpu.memref_slice %arg7[%add3A_255, %dma_wait3A_262] : memref<16x128xi32, #tpu.memory_space<vmem>> -> memref<1x128xi32, #tpu.memory_space<vmem>>
      %dma_wait3A_264 = tpu.memref_squeeze %dma_wait3A_263 : memref<1x128xi32, #tpu.memory_space<vmem>> -> memref<128xi32, #tpu.memory_space<vmem>>
      %dma_wait3A_265 = arith.constant 0 : i32
      %dma_wait3A_266 = arith.constant 0 : i32
      %dma_wait3A_267 = tpu.memref_slice %arg2[%dma_wait3A_265, %dma_wait3A_266] : memref<10240x128xf32, #tpu.memory_space<hbm>> -> memref<10240x128xf32, #tpu.memory_space<hbm>>
      tpu.wait_indirect_dma semaphore(%arg15 : memref<!tpu.dma_semaphore, #tpu.memory_space<semaphore_mem>>) src(%dma_wait3A_267 : memref<10240x128xf32, #tpu.memory_space<hbm>>) dst(%arg10 : memref<128x128xf32, #tpu.memory_space<vmem>>)
      %add3A_268 = arith.constant 7 : i32
      %add3A_269 = arith.addi %mul3A_36, %add3A_268 : i32
      %dma_start3A_270 = arith.constant 0 : i32
      %dma_start3A_271 = tpu.memref_slice %arg8[%add3A_269, %dma_start3A_270] : memref<16x128xi32, #tpu.memory_space<vmem>> -> memref<1x128xi32, #tpu.memory_space<vmem>>
      %dma_start3A_272 = tpu.memref_squeeze %dma_start3A_271 : memref<1x128xi32, #tpu.memory_space<vmem>> -> memref<128xi32, #tpu.memory_space<vmem>>
      %dma_start3A_273 = arith.constant 0 : i32
      %dma_start3A_274 = arith.constant 0 : i32
      %dma_start3A_275 = tpu.memref_slice %arg11[%dma_start3A_273, %dma_start3A_274] : memref<10240x128xf32, #tpu.memory_space<vmem_shared>> -> memref<10240x128xf32, #tpu.memory_space<vmem_shared>>
      tpu.enqueue_indirect_dma source(%arg10 : memref<128x128xf32, #tpu.memory_space<vmem>>) target(%dma_start3A_275 : memref<10240x128xf32, #tpu.memory_space<vmem_shared>>) offsets(%dma_start3A_272 : memref<128xi32, #tpu.memory_space<vmem>>) semaphore(%arg17 : memref<!tpu.dma_semaphore, #tpu.memory_space<semaphore_mem>>) {add = true}
      %dma_wait3A_276 = arith.constant 0 : i32
      %dma_wait3A_277 = tpu.memref_slice %arg8[%add3A_241, %dma_wait3A_276] : memref<16x128xi32, #tpu.memory_space<vmem>> -> memref<1x128xi32, #tpu.memory_space<vmem>>
      %dma_wait3A_278 = tpu.memref_squeeze %dma_wait3A_277 : memref<1x128xi32, #tpu.memory_space<vmem>> -> memref<128xi32, #tpu.memory_space<vmem>>
      %dma_wait3A_279 = arith.constant 0 : i32
      %dma_wait3A_280 = arith.constant 0 : i32
      %dma_wait3A_281 = tpu.memref_slice %arg11[%dma_wait3A_279, %dma_wait3A_280] : memref<10240x128xf32, #tpu.memory_space<vmem_shared>> -> memref<10240x128xf32, #tpu.memory_space<vmem_shared>>
      tpu.wait_indirect_dma semaphore(%arg16 : memref<!tpu.dma_semaphore, #tpu.memory_space<semaphore_mem>>) src(%arg9 : memref<128x128xf32, #tpu.memory_space<vmem>>) dst(%dma_wait3A_281 : memref<10240x128xf32, #tpu.memory_space<vmem_shared>>)
      %dma_wait3A_282 = arith.constant 0 : i32
      %dma_wait3A_283 = tpu.memref_slice %arg8[%add3A_269, %dma_wait3A_282] : memref<16x128xi32, #tpu.memory_space<vmem>> -> memref<1x128xi32, #tpu.memory_space<vmem>>
      %dma_wait3A_284 = tpu.memref_squeeze %dma_wait3A_283 : memref<1x128xi32, #tpu.memory_space<vmem>> -> memref<128xi32, #tpu.memory_space<vmem>>
      %dma_wait3A_285 = arith.constant 0 : i32
      %dma_wait3A_286 = arith.constant 0 : i32
      %dma_wait3A_287 = tpu.memref_slice %arg11[%dma_wait3A_285, %dma_wait3A_286] : memref<10240x128xf32, #tpu.memory_space<vmem_shared>> -> memref<10240x128xf32, #tpu.memory_space<vmem_shared>>
      tpu.wait_indirect_dma semaphore(%arg17 : memref<!tpu.dma_semaphore, #tpu.memory_space<semaphore_mem>>) src(%arg10 : memref<128x128xf32, #tpu.memory_space<vmem>>) dst(%dma_wait3A_287 : memref<10240x128xf32, #tpu.memory_space<vmem_shared>>)
      %dma_wait3A_288 = arith.constant 0 : i32
      %dma_wait3A_289 = tpu.memref_slice %arg7[%mul3A_44, %dma_wait3A_288] : memref<16x128xi32, #tpu.memory_space<vmem>> -> memref<8x128xi32, #tpu.memory_space<vmem>>
      %dma_wait3A_290 = arith.constant 0 : i32
      %dma_wait3A_291 = tpu.memref_slice %arg3[%add3A_42, %dma_wait3A_290] : memref<2568x128xi32, #tpu.memory_space<hbm>> -> memref<8x128xi32, #tpu.memory_space<hbm>>
      %dma_wait3A_292 = arith.constant 0 : i32
      %dma_wait3A_293 = tpu.memref_slice %arg7[%mul3A_44, %dma_wait3A_292] : memref<16x128xi32, #tpu.memory_space<vmem>> -> memref<8x128xi32, #tpu.memory_space<vmem>>
      %dma_wait3A_294 = arith.constant 0 : i32
      %dma_wait3A_295 = tpu.memref_slice %arg3[%add3A_42, %dma_wait3A_294] : memref<2568x128xi32, #tpu.memory_space<hbm>> -> memref<8x128xi32, #tpu.memory_space<hbm>>
      tpu.wait_dma2 semaphore(%arg12 : memref<!tpu.dma_semaphore, #tpu.memory_space<semaphore_mem>>) src(%dma_wait3A_295 : memref<8x128xi32, #tpu.memory_space<hbm>>) dst(%dma_wait3A_293 : memref<8x128xi32, #tpu.memory_space<vmem>>)
      %dma_wait3A_296 = arith.constant 0 : i32
      %dma_wait3A_297 = tpu.memref_slice %arg8[%mul3A_56, %dma_wait3A_296] : memref<16x128xi32, #tpu.memory_space<vmem>> -> memref<8x128xi32, #tpu.memory_space<vmem>>
      %dma_wait3A_298 = arith.constant 0 : i32
      %dma_wait3A_299 = tpu.memref_slice %arg4[%add3A_54, %dma_wait3A_298] : memref<2568x128xi32, #tpu.memory_space<hbm>> -> memref<8x128xi32, #tpu.memory_space<hbm>>
      %dma_wait3A_300 = arith.constant 0 : i32
      %dma_wait3A_301 = tpu.memref_slice %arg8[%mul3A_56, %dma_wait3A_300] : memref<16x128xi32, #tpu.memory_space<vmem>> -> memref<8x128xi32, #tpu.memory_space<vmem>>
      %dma_wait3A_302 = arith.constant 0 : i32
      %dma_wait3A_303 = tpu.memref_slice %arg4[%add3A_54, %dma_wait3A_302] : memref<2568x128xi32, #tpu.memory_space<hbm>> -> memref<8x128xi32, #tpu.memory_space<hbm>>
      tpu.wait_dma2 semaphore(%arg13 : memref<!tpu.dma_semaphore, #tpu.memory_space<semaphore_mem>>) src(%dma_wait3A_303 : memref<8x128xi32, #tpu.memory_space<hbm>>) dst(%dma_wait3A_301 : memref<8x128xi32, #tpu.memory_space<vmem>>)
    }
    %barrier3A_25 = arith.constant 0 : index
    tpu.barrier barrier_id(%barrier3A_25)
    %scan3A_26 = arith.constant 0 : i32
    %scan3A_27 = arith.constant 0 : i32
    %scan3A_28 = arith.constant 5 : i32
    %scan3A_29 = arith.addi %scan3A_27, %scan3A_28 : i32
    %scan3A_30 = arith.constant 1 : i32
    scf.for %scan3A_32 = %scan3A_27 to %scan3A_29 step %scan3A_30  : i32 {
      %mul3A_33 = arith.constant 128 : i32
      %mul3A_34 = arith.muli %scan3A_32, %mul3A_33 : i32
      %add3A_35 = arith.addi %mul3A_0, %mul3A_34 : i32
      "tpu.region"() ({
        %run_scoped3A = tpu.sem_alloc : memref<!tpu.dma_semaphore, #tpu.memory_space<semaphore_mem>>
        %dma_start3A = arith.constant 0 : i32
        %dma_start3A_42 = tpu.memref_slice %arg11[%add3A_35, %dma_start3A] : memref<10240x128xf32, #tpu.memory_space<vmem_shared>> -> memref<128x128xf32, #tpu.memory_space<vmem_shared>>
        %dma_start3A_43 = arith.constant 0 : i32
        %dma_start3A_44 = tpu.memref_slice %arg11[%add3A_35, %dma_start3A_43] : memref<10240x128xf32, #tpu.memory_space<vmem_shared>> -> memref<128x128xf32, #tpu.memory_space<vmem_shared>>
        tpu.enqueue_dma source(%dma_start3A_44 : memref<128x128xf32, #tpu.memory_space<vmem_shared>>) target(%arg9 : memref<128x128xf32, #tpu.memory_space<vmem>>) target_semaphore(%run_scoped3A : memref<!tpu.dma_semaphore, #tpu.memory_space<semaphore_mem>>)
        %dma_wait3A = arith.constant 0 : i32
        %dma_wait3A_45 = tpu.memref_slice %arg11[%add3A_35, %dma_wait3A] : memref<10240x128xf32, #tpu.memory_space<vmem_shared>> -> memref<128x128xf32, #tpu.memory_space<vmem_shared>>
        %dma_wait3A_46 = arith.constant 0 : i32
        %dma_wait3A_47 = tpu.memref_slice %arg11[%add3A_35, %dma_wait3A_46] : memref<10240x128xf32, #tpu.memory_space<vmem_shared>> -> memref<128x128xf32, #tpu.memory_space<vmem_shared>>
        tpu.wait_dma2 semaphore(%run_scoped3A : memref<!tpu.dma_semaphore, #tpu.memory_space<semaphore_mem>>) src(%dma_wait3A_47 : memref<128x128xf32, #tpu.memory_space<vmem_shared>>) dst(%arg9 : memref<128x128xf32, #tpu.memory_space<vmem>>)
        tpu.yield
      }) : () -> ()
      %mul3A_36 = arith.constant 10240 : i32
      %mul3A_37 = arith.muli %arg0, %mul3A_36 : i32
      %add3A_38 = arith.addi %mul3A_37, %mul3A_0 : i32
      %mul3A_39 = arith.constant 128 : i32
      %mul3A_40 = arith.muli %scan3A_32, %mul3A_39 : i32
      %add3A_41 = arith.addi %add3A_38, %mul3A_40 : i32
      "tpu.region"() ({
        %run_scoped3A = tpu.sem_alloc : memref<!tpu.dma_semaphore, #tpu.memory_space<semaphore_mem>>
        %dma_start3A = arith.constant 0 : i32
        %dma_start3A_42 = tpu.memref_slice %arg6[%add3A_41, %dma_start3A] : memref<20480x128xf32, #tpu.memory_space<hbm>> -> memref<128x128xf32, #tpu.memory_space<hbm>>
        %dma_start3A_43 = arith.constant 0 : i32
        %dma_start3A_44 = tpu.memref_slice %arg6[%add3A_41, %dma_start3A_43] : memref<20480x128xf32, #tpu.memory_space<hbm>> -> memref<128x128xf32, #tpu.memory_space<hbm>>
        tpu.enqueue_dma source(%arg9 : memref<128x128xf32, #tpu.memory_space<vmem>>) target(%dma_start3A_44 : memref<128x128xf32, #tpu.memory_space<hbm>>) target_semaphore(%run_scoped3A : memref<!tpu.dma_semaphore, #tpu.memory_space<semaphore_mem>>)
        %dma_wait3A = arith.constant 0 : i32
        %dma_wait3A_45 = tpu.memref_slice %arg6[%add3A_41, %dma_wait3A] : memref<20480x128xf32, #tpu.memory_space<hbm>> -> memref<128x128xf32, #tpu.memory_space<hbm>>
        %dma_wait3A_46 = arith.constant 0 : i32
        %dma_wait3A_47 = tpu.memref_slice %arg6[%add3A_41, %dma_wait3A_46] : memref<20480x128xf32, #tpu.memory_space<hbm>> -> memref<128x128xf32, #tpu.memory_space<hbm>>
        tpu.wait_dma2 semaphore(%run_scoped3A : memref<!tpu.dma_semaphore, #tpu.memory_space<semaphore_mem>>) src(%arg9 : memref<128x128xf32, #tpu.memory_space<vmem>>) dst(%dma_wait3A_47 : memref<128x128xf32, #tpu.memory_space<hbm>>)
        tpu.yield
      }) : () -> ()
    }
    %scan3A_31 = arith.constant 5 : i32
    return
  }
}

module attributes {stable_mosaic.version = 14 : i64} {
  func.func @_mfconv_body(%arg0: i32, %arg1: memref<400x128xf32, #tpu.memory_space<vmem>>, %arg2: memref<2x400x128xf32, #tpu.memory_space<vmem>>, %arg3: memref<2x400x128xf32, #tpu.memory_space<vmem>>, %arg4: memref<256x1408xbf16, #tpu.memory_space<vmem>>, %arg5: memref<1x1408xf32, #tpu.memory_space<vmem>>, %arg6: memref<400x128xf32, #tpu.memory_space<vmem>>) attributes {dimension_semantics = [#tpu.dimension_semantics<arbitrary>], iteration_bounds = array<i64: 25>, scalar_prefetch = 0 : i64, scratch_operands = 0 : i64, tpu.core_type = #tpu.core_type<tc>, window_params = [{transform_indices = @transform_0, window_bounds = array<i64: 400, 128>}, {transform_indices = @transform_1, window_bounds = array<i64: 2, 400, 128>}, {transform_indices = @transform_2, window_bounds = array<i64: 2, 400, 128>}, {pipeline_mode = #tpu.pipeline_mode<synchronous>, transform_indices = @transform_3, window_bounds = array<i64: 256, 1408>}, {pipeline_mode = #tpu.pipeline_mode<synchronous>, transform_indices = @transform_4, window_bounds = array<i64: 1, 1408>}, {transform_indices = @transform_5, window_bounds = array<i64: 400, 128>}]} {
    %get3A = arith.constant 0 : index
    %get3A_0 = arith.constant 0 : index
    %get3A_1 = arith.constant 0 : index
    %get3A_2 = vector.load %arg2[%get3A, %get3A_0, %get3A_1] : memref<2x400x128xf32, #tpu.memory_space<vmem>>, vector<1x400x128xf32>
    %get3A_3 = vector.shape_cast %get3A_2 : vector<1x400x128xf32> to vector<400x128xf32>
    %get3A_4 = arith.constant 1 : index
    %get3A_5 = arith.constant 0 : index
    %get3A_6 = arith.constant 0 : index
    %get3A_7 = vector.load %arg2[%get3A_4, %get3A_5, %get3A_6] : memref<2x400x128xf32, #tpu.memory_space<vmem>>, vector<1x400x128xf32>
    %get3A_8 = vector.shape_cast %get3A_7 : vector<1x400x128xf32> to vector<400x128xf32>
    %add3A = arith.addf %get3A_3, %get3A_8 : vector<400x128xf32>
    %convert_element_type3A = arith.truncf %add3A : vector<400x128xf32> to vector<400x128xbf16>
    %get3A_9 = arith.constant 0 : index
    %get3A_10 = arith.constant 0 : index
    %get3A_11 = vector.load %arg1[%get3A_9, %get3A_10] : memref<400x128xf32, #tpu.memory_space<vmem>>, vector<400x128xf32>
    %convert_element_type3A_12 = arith.truncf %get3A_11 : vector<400x128xf32> to vector<400x128xbf16>
    %get3A_13 = arith.constant 0 : index
    %get3A_14 = arith.constant 0 : index
    %get3A_15 = vector.load %arg4[%get3A_13, %get3A_14] : memref<256x1408xbf16, #tpu.memory_space<vmem>>, vector<128x1408xbf16>
    %dot_general3A = arith.constant dense<0.000000e+00> : vector<400x1408xf32>
    %dot_general3A_16 = tpu.matmul %convert_element_type3A, %get3A_15, %dot_general3A {dimension_numbers = #tpu.dot_dimension_numbers<[1], [0], [0], [1], [0, 0, 1, 1], [], []>, transpose_lhs_hint = false} : vector<400x128xbf16>, vector<128x1408xbf16>, vector<400x1408xf32> -> vector<400x1408xf32>
    %get3A_17 = arith.constant 128 : index
    %get3A_18 = arith.constant 0 : index
    %get3A_19 = vector.load %arg4[%get3A_17, %get3A_18] : memref<256x1408xbf16, #tpu.memory_space<vmem>>, vector<128x1408xbf16>
    %dot_general3A_20 = arith.constant dense<0.000000e+00> : vector<400x1408xf32>
    %dot_general3A_21 = tpu.matmul %convert_element_type3A_12, %get3A_19, %dot_general3A_20 {dimension_numbers = #tpu.dot_dimension_numbers<[1], [0], [0], [1], [0, 0, 1, 1], [], []>, transpose_lhs_hint = false} : vector<400x128xbf16>, vector<128x1408xbf16>, vector<400x1408xf32> -> vector<400x1408xf32>
    %add3A_22 = arith.addf %dot_general3A_16, %dot_general3A_21 : vector<400x1408xf32>
    %get3A_23 = arith.constant 0 : index
    %get3A_24 = arith.constant 0 : index
    %get3A_25 = vector.load %arg5[%get3A_23, %get3A_24] : memref<1x1408xf32, #tpu.memory_space<vmem>>, vector<1x1408xf32>
    %broadcast_in_dim3A = vector.shape_cast %get3A_25 : vector<1x1408xf32> to vector<1x1408xf32>
    %broadcast_in_dim3A_26 = vector.broadcast %broadcast_in_dim3A : vector<1x1408xf32> to vector<400x1408xf32>
    %add3A_27 = arith.addf %add3A_22, %broadcast_in_dim3A_26 : vector<400x1408xf32>
    %get3A_28 = arith.constant 0 : index
    %get3A_29 = arith.constant 0 : index
    %get3A_30 = arith.constant 0 : index
    %get3A_31 = vector.load %arg3[%get3A_28, %get3A_29, %get3A_30] : memref<2x400x128xf32, #tpu.memory_space<vmem>>, vector<1x400x128xf32>
    %get3A_32 = vector.shape_cast %get3A_31 : vector<1x400x128xf32> to vector<400x128xf32>
    %get3A_33 = arith.constant 1 : index
    %get3A_34 = arith.constant 0 : index
    %get3A_35 = arith.constant 0 : index
    %get3A_36 = vector.load %arg3[%get3A_33, %get3A_34, %get3A_35] : memref<2x400x128xf32, #tpu.memory_space<vmem>>, vector<1x400x128xf32>
    %get3A_37 = vector.shape_cast %get3A_36 : vector<1x400x128xf32> to vector<400x128xf32>
    %add3A_38 = arith.addf %get3A_32, %get3A_37 : vector<400x128xf32>
    %min3A = arith.constant 1.000000e+01 : f32
    %min3A_39 = vector.broadcast %min3A : f32 to vector<400x128xf32>
    %min3A_40 = arith.minimumf %add3A_38, %min3A_39 : vector<400x128xf32>
    %reduce_max3A = arith.constant dense<0xFF800000> : vector<400xf32>
    %reduce_max3A_41 = vector.multi_reduction <maximumf>, %min3A_40, %reduce_max3A [1] : vector<400x128xf32> to vector<400xf32>
    %broadcast_in_dim3A_42 = vector.shape_cast %reduce_max3A_41 : vector<400xf32> to vector<400x1xf32>
    %iota3A = tpu.iota {dimensions = array<i32: 1>} : vector<400x1408xi32>
    %jit3A = arith.constant 128 : i32
    %div3A = vector.broadcast %jit3A : i32 to vector<400x1408xi32>
    %div3A_43 = arith.divsi %iota3A, %div3A : vector<400x1408xi32>
    %sign3A = arith.constant 0 : i32
    %sign3A_44 = vector.broadcast %sign3A : i32 to vector<400x1408xi32>
    %sign3A_45 = arith.cmpi sgt, %iota3A, %sign3A_44 : vector<400x1408xi32>
    %sign3A_46 = arith.extui %sign3A_45 : vector<400x1408xi1> to vector<400x1408xi32>
    %sign3A_47 = arith.constant 0 : i32
    %sign3A_48 = vector.broadcast %sign3A_47 : i32 to vector<400x1408xi32>
    %sign3A_49 = arith.cmpi slt, %iota3A, %sign3A_48 : vector<400x1408xi32>
    %sign3A_50 = arith.extui %sign3A_49 : vector<400x1408xi1> to vector<400x1408xi32>
    %sign3A_51 = arith.subi %sign3A_46, %sign3A_50 : vector<400x1408xi32>
    %sign3A_52 = arith.constant 0 : i32
    %sign3A_53 = arith.cmpi sgt, %jit3A, %sign3A_52 : i32
    %sign3A_54 = arith.extui %sign3A_53 : i1 to i32
    %sign3A_55 = arith.constant 0 : i32
    %sign3A_56 = arith.cmpi slt, %jit3A, %sign3A_55 : i32
    %sign3A_57 = arith.extui %sign3A_56 : i1 to i32
    %sign3A_58 = arith.subi %sign3A_54, %sign3A_57 : i32
    %ne3A = vector.broadcast %sign3A_58 : i32 to vector<400x1408xi32>
    %ne3A_59 = arith.cmpi ne, %sign3A_51, %ne3A : vector<400x1408xi32>
    %rem3A = vector.broadcast %jit3A : i32 to vector<400x1408xi32>
    %rem3A_60 = arith.remsi %iota3A, %rem3A : vector<400x1408xi32>
    %ne3A_61 = arith.constant 0 : i32
    %ne3A_62 = vector.broadcast %ne3A_61 : i32 to vector<400x1408xi32>
    %ne3A_63 = arith.cmpi ne, %rem3A_60, %ne3A_62 : vector<400x1408xi32>
    %and3A = arith.andi %ne3A_59, %ne3A_63 : vector<400x1408xi1>
    %sub3A = arith.constant 1 : i32
    %sub3A_64 = vector.broadcast %sub3A : i32 to vector<400x1408xi32>
    %sub3A_65 = arith.subi %div3A_43, %sub3A_64 : vector<400x1408xi32>
    %select_n3A = arith.select %and3A, %sub3A_65, %div3A_43 : vector<400x1408xi1>, vector<400x1408xi32>
    %convert_element_type3A_66 = arith.sitofp %select_n3A : vector<400x1408xi32> to vector<400x1408xf32>
    %broadcast_in_dim3A_67 = vector.shape_cast %broadcast_in_dim3A_42 : vector<400x1xf32> to vector<400x1xf32>
    %broadcast_in_dim3A_68 = vector.broadcast %broadcast_in_dim3A_67 : vector<400x1xf32> to vector<400x1408xf32>
    %eq3A = arith.cmpf oeq, %convert_element_type3A_66, %broadcast_in_dim3A_68 : vector<400x1408xf32>
    %jit3A_69 = arith.constant 0.000000e+00 : f32
    %broadcast_in_dim3A_70 = vector.broadcast %jit3A_69 : f32 to vector<400x1408xf32>
    %select_n3A_71 = arith.select %eq3A, %add3A_27, %broadcast_in_dim3A_70 : vector<400x1408xi1>, vector<400x1408xf32>
    %slice3A = vector.extract_strided_slice %select_n3A_71 {offsets = [0, 0], sizes = [400, 128], strides = [1, 1]} : vector<400x1408xf32> to vector<400x128xf32>
    %slice3A_72 = vector.extract_strided_slice %select_n3A_71 {offsets = [0, 128], sizes = [400, 128], strides = [1, 1]} : vector<400x1408xf32> to vector<400x128xf32>
    %add3A_73 = arith.addf %slice3A, %slice3A_72 : vector<400x128xf32>
    %slice3A_74 = vector.extract_strided_slice %select_n3A_71 {offsets = [0, 256], sizes = [400, 128], strides = [1, 1]} : vector<400x1408xf32> to vector<400x128xf32>
    %add3A_75 = arith.addf %add3A_73, %slice3A_74 : vector<400x128xf32>
    %slice3A_76 = vector.extract_strided_slice %select_n3A_71 {offsets = [0, 384], sizes = [400, 128], strides = [1, 1]} : vector<400x1408xf32> to vector<400x128xf32>
    %add3A_77 = arith.addf %add3A_75, %slice3A_76 : vector<400x128xf32>
    %slice3A_78 = vector.extract_strided_slice %select_n3A_71 {offsets = [0, 512], sizes = [400, 128], strides = [1, 1]} : vector<400x1408xf32> to vector<400x128xf32>
    %add3A_79 = arith.addf %add3A_77, %slice3A_78 : vector<400x128xf32>
    %slice3A_80 = vector.extract_strided_slice %select_n3A_71 {offsets = [0, 640], sizes = [400, 128], strides = [1, 1]} : vector<400x1408xf32> to vector<400x128xf32>
    %add3A_81 = arith.addf %add3A_79, %slice3A_80 : vector<400x128xf32>
    %slice3A_82 = vector.extract_strided_slice %select_n3A_71 {offsets = [0, 768], sizes = [400, 128], strides = [1, 1]} : vector<400x1408xf32> to vector<400x128xf32>
    %add3A_83 = arith.addf %add3A_81, %slice3A_82 : vector<400x128xf32>
    %slice3A_84 = vector.extract_strided_slice %select_n3A_71 {offsets = [0, 896], sizes = [400, 128], strides = [1, 1]} : vector<400x1408xf32> to vector<400x128xf32>
    %add3A_85 = arith.addf %add3A_83, %slice3A_84 : vector<400x128xf32>
    %slice3A_86 = vector.extract_strided_slice %select_n3A_71 {offsets = [0, 1024], sizes = [400, 128], strides = [1, 1]} : vector<400x1408xf32> to vector<400x128xf32>
    %add3A_87 = arith.addf %add3A_85, %slice3A_86 : vector<400x128xf32>
    %slice3A_88 = vector.extract_strided_slice %select_n3A_71 {offsets = [0, 1152], sizes = [400, 128], strides = [1, 1]} : vector<400x1408xf32> to vector<400x128xf32>
    %add3A_89 = arith.addf %add3A_87, %slice3A_88 : vector<400x128xf32>
    %slice3A_90 = vector.extract_strided_slice %select_n3A_71 {offsets = [0, 1280], sizes = [400, 128], strides = [1, 1]} : vector<400x1408xf32> to vector<400x128xf32>
    %add3A_91 = arith.addf %add3A_89, %slice3A_90 : vector<400x128xf32>
    %logistic3A = arith.negf %add3A_91 : vector<400x128xf32>
    %logistic3A_92 = math.exp %logistic3A : vector<400x128xf32>
    %logistic3A_93 = arith.constant 1.000000e+00 : f32
    %logistic3A_94 = vector.broadcast %logistic3A_93 : f32 to vector<400x128xf32>
    %logistic3A_95 = arith.addf %logistic3A_94, %logistic3A_92 : vector<400x128xf32>
    %logistic3A_96 = arith.divf %logistic3A_94, %logistic3A_95 : vector<400x128xf32>
    %swap3A = arith.constant 0 : index
    %swap3A_97 = arith.constant 0 : index
    %swap3A_98 = vector.load %arg6[%swap3A, %swap3A_97] : memref<400x128xf32, #tpu.memory_space<vmem>>, vector<400x128xf32>
    tpu.vector_store %arg6[%swap3A, %swap3A_97], %logistic3A_96 {strides = array<i32>} : memref<400x128xf32, #tpu.memory_space<vmem>>, vector<400x128xf32>,
    return
  }
  func.func @transform_0(%arg0: i32) -> (i32, i32) {
    %c0_i32 = arith.constant 0 : i32
    %c0_i32_0 = arith.constant 0 : i32
    return %arg0, %c0_i32 : i32, i32
  }
  func.func @transform_1(%arg0: i32) -> (i32, i32, i32) {
    %c0_i32 = arith.constant 0 : i32
    %c0_i32_0 = arith.constant 0 : i32
    %c0_i32_1 = arith.constant 0 : i32
    return %c0_i32, %arg0, %c0_i32_0 : i32, i32, i32
  }
  func.func @transform_2(%arg0: i32) -> (i32, i32, i32) {
    %c0_i32 = arith.constant 0 : i32
    %c0_i32_0 = arith.constant 0 : i32
    %c0_i32_1 = arith.constant 0 : i32
    return %c0_i32, %arg0, %c0_i32_0 : i32, i32, i32
  }
  func.func @transform_3(%arg0: i32) -> (i32, i32) {
    %c0_i32 = arith.constant 0 : i32
    %c0_i32_0 = arith.constant 0 : i32
    %c0_i32_1 = arith.constant 0 : i32
    return %c0_i32, %c0_i32_0 : i32, i32
  }
  func.func @transform_4(%arg0: i32) -> (i32, i32) {
    %c0_i32 = arith.constant 0 : i32
    %c0_i32_0 = arith.constant 0 : i32
    %c0_i32_1 = arith.constant 0 : i32
    return %c0_i32, %c0_i32_0 : i32, i32
  }
  func.func @transform_5(%arg0: i32) -> (i32, i32) {
    %c0_i32 = arith.constant 0 : i32
    %c0_i32_0 = arith.constant 0 : i32
    return %arg0, %c0_i32 : i32, i32
  }
}

module attributes {stable_mosaic.version = 14 : i64} {
  func.func @_finger_body(%arg0: i32, %arg1: memref<400x128xf32, #tpu.memory_space<vmem>>, %arg2: memref<129x2048xf32, #tpu.memory_space<vmem>>, %arg3: memref<8x2048xf32, #tpu.memory_space<vmem>>) attributes {dimension_semantics = [#tpu.dimension_semantics<arbitrary>], iteration_bounds = array<i64: 25>, scalar_prefetch = 0 : i64, scratch_operands = 0 : i64, tpu.core_type = #tpu.core_type<tc>, window_params = [{transform_indices = @transform_0, window_bounds = array<i64: 400, 128>}, {pipeline_mode = #tpu.pipeline_mode<synchronous>, transform_indices = @transform_1, window_bounds = array<i64: 129, 2048>}, {pipeline_mode = #tpu.pipeline_mode<synchronous>, transform_indices = @transform_2, window_bounds = array<i64: 8, 2048>}]} {
    %get3A = arith.constant 0 : index
    %get3A_0 = arith.constant 0 : index
    %get3A_1 = vector.load %arg1[%get3A, %get3A_0] : memref<400x128xf32, #tpu.memory_space<vmem>>, vector<400x128xf32>
    %get3A_2 = arith.constant 0 : index
    %get3A_3 = arith.constant 0 : index
    %get3A_4 = vector.load %arg2[%get3A_2, %get3A_3] : memref<129x2048xf32, #tpu.memory_space<vmem>>, vector<128x2048xf32>
    %dot_general3A = arith.constant dense<0.000000e+00> : vector<400x2048xf32>
    %dot_general3A_5 = tpu.matmul %get3A_1, %get3A_4, %dot_general3A {dimension_numbers = #tpu.dot_dimension_numbers<[1], [0], [0], [1], [0, 0, 1, 1], [], []>, transpose_lhs_hint = false} : vector<400x128xf32>, vector<128x2048xf32>, vector<400x2048xf32> -> vector<400x2048xf32>
    %get3A_6 = arith.constant 128 : index
    %get3A_7 = arith.constant 0 : index
    %get3A_8 = vector.load %arg2[%get3A_6, %get3A_7] : memref<129x2048xf32, #tpu.memory_space<vmem>>, vector<1x2048xf32>
    %broadcast_in_dim3A = vector.shape_cast %get3A_8 : vector<1x2048xf32> to vector<1x2048xf32>
    %broadcast_in_dim3A_9 = vector.broadcast %broadcast_in_dim3A : vector<1x2048xf32> to vector<400x2048xf32>
    %add3A = arith.addf %dot_general3A_5, %broadcast_in_dim3A_9 : vector<400x2048xf32>
    %reduce_max3A = arith.constant dense<0xFF800000> : vector<400xf32>
    %reduce_max3A_10 = vector.multi_reduction <maximumf>, %add3A, %reduce_max3A [1] : vector<400x2048xf32> to vector<400xf32>
    %broadcast_in_dim3A_11 = vector.shape_cast %reduce_max3A_10 : vector<400xf32> to vector<400x1xf32>
    %sub3A = vector.broadcast %broadcast_in_dim3A_11 : vector<400x1xf32> to vector<400x2048xf32>
    %sub3A_12 = arith.subf %add3A, %sub3A : vector<400x2048xf32>
    %exp3A = math.exp %sub3A_12 : vector<400x2048xf32>
    %reduce_sum3A = arith.constant dense<0.000000e+00> : vector<400xf32>
    %reduce_sum3A_13 = vector.multi_reduction <add>, %exp3A, %reduce_sum3A [1] : vector<400x2048xf32> to vector<400xf32>
    %broadcast_in_dim3A_14 = vector.shape_cast %reduce_sum3A_13 : vector<400xf32> to vector<400x1xf32>
    %div3A = vector.broadcast %broadcast_in_dim3A_14 : vector<400x1xf32> to vector<400x2048xf32>
    %div3A_15 = arith.divf %exp3A, %div3A : vector<400x2048xf32>
    %reduce_sum3A_16 = arith.constant dense<0.000000e+00> : vector<2048xf32>
    %reduce_sum3A_17 = vector.multi_reduction <add>, %div3A_15, %reduce_sum3A_16 [0] : vector<400x2048xf32> to vector<2048xf32>
    %broadcast_in_dim3A_18 = vector.shape_cast %reduce_sum3A_17 : vector<2048xf32> to vector<1x2048xf32>
    %broadcast_in_dim3A_19 = vector.shape_cast %broadcast_in_dim3A_18 : vector<1x2048xf32> to vector<1x2048xf32>
    %broadcast_in_dim3A_20 = vector.broadcast %broadcast_in_dim3A_19 : vector<1x2048xf32> to vector<8x2048xf32>
    %eq3A = arith.constant 0 : i32
    %eq3A_21 = arith.cmpi eq, %arg0, %eq3A : i32
    %convert_element_type3A = arith.extui %eq3A_21 : i1 to i32
    %cond3A = arith.constant 0 : i32
    %cond3A_22 = arith.cmpi ne, %convert_element_type3A, %cond3A : i32
    scf.if %cond3A_22 {
      %swap3A = arith.constant 0 : index
      %swap3A_27 = arith.constant 0 : index
      %swap3A_28 = vector.load %arg3[%swap3A, %swap3A_27] : memref<8x2048xf32, #tpu.memory_space<vmem>>, vector<8x2048xf32>
      tpu.vector_store %arg3[%swap3A, %swap3A_27], %broadcast_in_dim3A_20 {strides = array<i32>} : memref<8x2048xf32, #tpu.memory_space<vmem>>, vector<8x2048xf32>,
    } else {
    }
    %gt3A = arith.constant 0 : i32
    %gt3A_23 = arith.cmpi sgt, %arg0, %gt3A : i32
    %convert_element_type3A_24 = arith.extui %gt3A_23 : i1 to i32
    %cond3A_25 = arith.constant 0 : i32
    %cond3A_26 = arith.cmpi ne, %convert_element_type3A_24, %cond3A_25 : i32
    scf.if %cond3A_26 {
      %get3A_27 = arith.constant 0 : index
      %get3A_28 = arith.constant 0 : index
      %get3A_29 = vector.load %arg3[%get3A_27, %get3A_28] : memref<8x2048xf32, #tpu.memory_space<vmem>>, vector<8x2048xf32>
      %add3A_30 = arith.addf %get3A_29, %broadcast_in_dim3A_20 : vector<8x2048xf32>
      %swap3A = arith.constant 0 : index
      %swap3A_31 = arith.constant 0 : index
      %swap3A_32 = vector.load %arg3[%swap3A, %swap3A_31] : memref<8x2048xf32, #tpu.memory_space<vmem>>, vector<8x2048xf32>
      tpu.vector_store %arg3[%swap3A, %swap3A_31], %add3A_30 {strides = array<i32>} : memref<8x2048xf32, #tpu.memory_space<vmem>>, vector<8x2048xf32>,
    } else {
    }
    return
  }
  func.func @transform_0(%arg0: i32) -> (i32, i32) {
    %c0_i32 = arith.constant 0 : i32
    %c0_i32_0 = arith.constant 0 : i32
    return %arg0, %c0_i32 : i32, i32
  }
  func.func @transform_1(%arg0: i32) -> (i32, i32) {
    %c0_i32 = arith.constant 0 : i32
    %c0_i32_0 = arith.constant 0 : i32
    %c0_i32_1 = arith.constant 0 : i32
    return %c0_i32, %c0_i32_0 : i32, i32
  }
  func.func @transform_2(%arg0: i32) -> (i32, i32) {
    %c0_i32 = arith.constant 0 : i32
    %c0_i32_0 = arith.constant 0 : i32
    %c0_i32_1 = arith.constant 0 : i32
    return %c0_i32, %c0_i32_0 : i32, i32
  }
}

</mosaic_0001>

<sc_bundles>
// kernel: kernel.12.cloned.1.call-start
scs
__scs_entry_jumppad:
0x0: {  	(pc) =	sbr.rel $0x88, $3  }
0x1: {  	(tag) =	ssettag $0x0;
	lr =	simm.s32 $0x1  }
0x2: {  	[smem:$0x3F9A] =	sst lr;
	_ =	strace $0xD0000000  }
0x3: {  	_ = 	snop  }
0x4: {  	_ = 	snop  }
0x5: {  	_ = 	snop  }
0x6: {  	_ = 	snop  }
0x7: {  	_ = 	snop  }
__scs_overlays_trampoline_lowered:
0x8: {  	[smem:$0x3FA9] =	sst s0  }
0x9: {  	[smem:$0x3FAA] =	sst s1  }
0xa: {  	[smem:$0x3FAB] =	sst s2  }
0xb: {  	[smem:$0x3FAC] =	sst s3  }
0xc: {  	[smem:$0x3FAD] =	sst s4  }
0xd: {  	[smem:$0x3FAE] =	sst s5  }
0xe: {  	[smem:$0x3FAF] =	sst s6  }
0xf: {  	[smem:$0x3FB0] =	sst s7  }
0x10: {  	[smem:$0x3FB1] =	sst s8  }
0x11: {  	[smem:$0x3FB2] =	sst s9;
	s0 =	simm.s32 @!p0 $0x0  }
0x12: {  	s1 =	sld [smem:$0x3F98];
	s0 =	simm.s32 @p0 $0x1  }
0x13: {  	[smem:$0x3FB3] =	sst s0;
	s0 =	simm.s32 @!p1 $0x0  }
0x14: {  	s2 =	sld [smem:$0x3F97];
	s0 =	simm.s32 @p1 $0x1  }
0x15: {  	[smem:$0x3FB4] =	sst s0;
	s0 =	simm.s32 @!p2 $0x0  }
0x16: {  	s3 =	sld [smem:$0x3FDB];
	s0 =	simm.s32 @p2 $0x1  }
0x17: {  	s4 =	simm.s32 $0x1BF5;
	[smem:$0x3FB6] =	sst s0  }
0x18: {  	s0 =	sld [smem:$0x3F99];
	_ =	swait.ge [sflag:s4], $0x0  }
0x19: {  	s7 =	sld [smem:$0x3F9A]  }
0x1a: {  	s8 =	sadd.s32 $0xFFFFE003, lr  }
0x1b: {  	s9 =	sadd.s32 $0xFFFFFEF7, lr;
	s5 =	simm.s32 $0xFFFFFFFF;
	p2 =	slt.u32 s8, $0xFFFFF086  }
0x1c: {  	p1 =	slt.u32 s9, $0xF7A;
	s5 =	simm.s32 @!p2 $0x0  }
0x1d: {  	s5 =	simm.s32 @p1 $0x1;
	p0 =	seq.s32 s7, s2  }
0x1e: {  	s7 =	smul.u32 @!p0 $0xF7A, s2;
	p2 =	seq.s32 @!p0 s5, $0x0  }
0x1f: {  	s9 =	smul.u32 $0xF7A, s1;
	s8 =	simm.s32 @!p0 $0x1BF5;
	p2 =	por !p2, p0  }
0x20: {  	[sflag:s8] =	ssyncset.s32 @!p0 $0xFFFFF086;
	s6 =	sadd.s32 @!p0 s3, s7;
	s7 =	simm.s32 @!p0 $0x108  }
0x21: {  	s3 =	sadd.s32 s3, s9;
	s6 =	sadd.s32 @!p0 $0x88, s6;
	s7 =	simm.s32 @p2 $0x1082  }
0x22: {  	[simem:s7], [sflag:s8] =	dma.local @!p0 [hbm:s6], $0xF7A  }
0x23: {  	s9 =	sor.u32 $0xD0000000, s2;
	s6 =	simm.s32 $0x108;
	_ =	swait.ge @!p0 [sflag:s8], $0x0  }
0x24: {  	s3 =	sadd.s32 $0x88, s3;
	s6 =	simm.s32 @!p1 $0x1082;
	[sflag:s4] =	ssyncset.s32 $0xFFFFF086  }
0x25: {  	[simem:s6], [sflag:s4] =	dma.local [hbm:s3], $0xF7A  }
0x26: {  	[smem:$0x3F9A] =	sst s1;
	(tag) =	ssettag s2;
	_ =	strace s9  }
0x27: {  	s1 =	sld [smem:$0x3FAA]  }
0x28: {  	s2 =	sld [smem:$0x3FAB]  }
0x29: {  	s4 =	sld [smem:$0x3FAD]  }
0x2a: {  	p0 =	seq.s32 s5, $0x0;
	s5 =	sld [smem:$0x3FAE]  }
0x2b: {  	s6 =	sld [smem:$0x3FAF]  }
0x2c: {  	s7 =	sld [smem:$0x3FB0]  }
0x2d: {  	s3 =	simm.s32 $0x108;
	s8 =	sld [smem:$0x3FB1]  }
0x2e: {  	s3 =	simm.s32 @!p0 $0x1082;
	s9 =	sld [smem:$0x3FB2]  }
0x2f: {  	lr =	sadd.s32 s0, s3;
	s0 =	sld [smem:$0x3FA9]  }
0x30: {  	s3 =	sld [smem:$0x3FAC]  }
0x31: {  	[smem:$0x3FB5] =	sst s10  }
0x32: {  	s10 =	sld [smem:$0x3FB3];
	_ =	sdelay $0x3  }
0x33: {  	p0 =	seq.s32 s10, $0x1;
	s10 =	sld [smem:$0x3FB5];
	_ =	sdelay $0x3  }
0x34: {  	[smem:$0x3FB5] =	sst s10  }
0x35: {  	s10 =	sld [smem:$0x3FB4];
	_ =	sdelay $0x3  }
0x36: {  	p1 =	seq.s32 s10, $0x1;
	s10 =	sld [smem:$0x3FB5];
	_ =	sdelay $0x3  }
0x37: {  	[smem:$0x3FB5] =	sst s10  }
0x38: {  	s10 =	sld [smem:$0x3FB6]  }
0x39: {  	_ = 	snop;
	(pc) =	sbr.ind lr, $3  }
0x3a: {  	_ = 	snop  }
0x3b: {  	_ = 	snop  }
0x3c: {  	p2 =	seq.s32 s10, $0x1;
	s10 =	sld [smem:$0x3FB5]  }
0x3d: {  	_ =	shalt  }
0x3e: {  	_ =	shalt  }
0x3f: {  	_ =	shalt  }
0x40: {  	_ =	shalt  }
0x41: {  	_ =	shalt  }
0x42: {  	_ =	shalt  }
0x43: {  	_ =	shalt  }
0x44: {  	_ =	shalt  }
0x45: {  	_ =	shalt  }
0x46: {  	_ =	shalt  }
0x47: {  	_ =	shalt  }
0x48: {  	_ =	shalt  }
0x49: {  	_ =	shalt  }
0x4a: {  	_ =	shalt  }
0x4b: {  	_ =	shalt  }
0x4c: {  	_ =	shalt  }
0x4d: {  	_ =	shalt  }
0x4e: {  	_ =	shalt  }
0x4f: {  	_ =	shalt  }
0x50: {  	_ =	shalt  }
0x51: {  	_ =	shalt  }
0x52: {  	_ =	shalt  }
0x53: {  	_ =	shalt  }
0x54: {  	_ =	shalt  }
0x55: {  	_ =	shalt  }
0x56: {  	_ =	shalt  }
0x57: {  	_ =	shalt  }
0x58: {  	_ =	shalt  }
0x59: {  	_ =	shalt  }
0x5a: {  	_ =	shalt  }
0x5b: {  	_ =	shalt  }
0x5c: {  	_ =	shalt  }
0x5d: {  	_ =	shalt  }
0x5e: {  	_ =	shalt  }
0x5f: {  	_ =	shalt  }
0x60: {  	_ =	shalt  }
0x61: {  	_ =	shalt  }
0x62: {  	_ =	shalt  }
0x63: {  	_ =	shalt  }
0x64: {  	_ =	shalt  }
0x65: {  	_ =	shalt  }
0x66: {  	_ =	shalt  }
0x67: {  	_ =	shalt  }
0x68: {  	_ =	shalt  }
0x69: {  	_ =	shalt  }
0x6a: {  	_ =	shalt  }
0x6b: {  	_ =	shalt  }
0x6c: {  	_ =	shalt  }
0x6d: {  	_ =	shalt  }
0x6e: {  	_ =	shalt  }
0x6f: {  	_ =	shalt  }
0x70: {  	_ =	shalt  }
0x71: {  	_ =	shalt  }
0x72: {  	_ =	shalt  }
0x73: {  	_ =	shalt  }
0x74: {  	_ =	shalt  }
0x75: {  	_ =	shalt  }
0x76: {  	_ =	shalt  }
0x77: {  	_ =	shalt  }
0x78: {  	_ =	shalt  }
0x79: {  	_ =	shalt  }
0x7a: {  	_ =	shalt  }
0x7b: {  	_ =	shalt  }
0x7c: {  	_ =	shalt  }
0x7d: {  	_ =	shalt  }
0x7e: {  	_ =	shalt  }
0x7f: {  	_ =	shalt  }
0x80: {  	_ =	shalt  }
0x81: {  	_ =	shalt  }
0x82: {  	_ =	shalt  }
0x83: {  	_ =	shalt  }
0x84: {  	_ =	shalt  }
0x85: {  	_ =	shalt  }
0x86: {  	_ =	shalt  }
0x87: {  	_ =	shalt  }
.Lfunc_end0:
.L_simem_size_0:
called_computation_lowered:
.L_overlay_start_0:
0x88: {  	s2 =	sld [smem:$0x3FD9]  }
0x89: {  	s3 =	sld [smem:$0x3FFE];
	_ =	sdelay $0x1  }
0x8a: {  	s1 =	srdreg.scid  }
0x8b: {  	s0 =	sand.u32 $0x1, s1  }
0x8c: {  	s17 =	sshll.u32 s0, $0xA;
	s2 =	sadd.s32 s3, s2  }
0x8d: {  	s2 =	sadd.s32 s2, s17  }
0x8e: {  	[smem:$0x3FC1] =	sst s2  }
0x8f: {  	_ = 	snop  }
0x90: {  	(tm) =	ssettm $0x1  }
0x91: {  	s18 =	sld [smem:$0x3FFB];
	_ =	sdelay $0x3  }
0x92: {  	_ =	strace s18  }
0x93: {  	s2 =	sld [smem:$0x3FFC];
	_ =	sdelay $0x3  }
0x94: {  	_ =	strace s2  }
0x95: {  	s2 =	sld [smem:$0x3FFD];
	_ =	sdelay $0x3  }
0x96: {  	_ =	strace s2  }
0x97: {  	_ =	strace $0x8FFFFFFF  }
0x98: {  	s19 =	sld [smem:$0x3FDB];
	_ =	sdelay $0x1  }
0x99: {  	s20 =	simm.s32 $_scs_section_size  }
0x9a: {  	s4 =	simm.s32 $_size__tile_overlayer_lowered;
	s5 =	simm.s32 $_tile_overlayer_lowered  }
0x9b: {  	s6 =	simm.s32 $0x1BFF;
	s21 =	sshll.u32 s5, $0x1;
	s3 =	sadd.s32 s20, s19  }
0x9c: {  	s22 =	simm.s32 $0x0;
	s4 =	sshll.u32 s4, $0x1;
	s5 =	sadd.s32 s21, s3  }
0x9d: {  	[timem:s22], [sflag:s6] =	dma.local [hbm:s5], s4  }
0x9e: {  	_ =	swait.ge [sflag:s6], s4  }
0x9f: {  	s4 =	ssub.s32 $0x0, s4;
	[sflag:s6] =	ssyncset.done $0x0  }
0xa0: {  	[sflag:s6] =	ssyncadd.s32 s4;
	_ =	sdelay $0x1  }
0xa1: {  	s23 =	simm.s32 $0x1B8B  }
0xa2: {  	_ =	swait.ge [sflag:s23], $0x1  }
0xa3: {  	[sflag:s23] =	ssyncset.done $0x0  }
0xa4: {  	[sflag:s23] =	ssyncadd.s32 $0xFFFFFFFF  }
0xa5: {  	s4 =	sld [smem:$0x0]  }
0xa6: {  	s5 =	sand.u32 $0xFFFFFFFE, s1  }
0xa7: {  	p0 =	sne.s32 s1, s5  }
0xa8: {  	s5 =	sshll.u32 @p0 s5, $0xE  }
0xa9: {  	s5 =	sadd.s32 @p0 $0x11B8D, s5;
	s6 =	sshll.u32 @p0 s4, $0x11  }
0xaa: {  	s5 =	sor.u32 @p0 s6, s5  }
0xab: {  	[sflag:s5] =	ssyncadd.remote.s32 @p0 $0x1;
	_ =	sdelay $0x1  }
0xac: {  	s5 =	simm.s32 @p0 $0x1B8D  }
0xad: {  	_ =	swait.eq @p0 [sflag:s5], $0x1  }
0xae: {  	[sflag:s5] =	ssyncadd.s32 @p0 $0xFFFFFFFF  }
0xaf: {  	s6 =	sshll.u32 @!p0 s1, $0xE  }
0xb0: {  	s6 =	sor.u32 @!p0 $0x4000, s6;
	s5 =	simm.s32 @!p0 $0x1B8D  }
0xb1: {  	s4 =	sshll.u32 @!p0 s4, $0x11;
	s6 =	sadd.s32 @!p0 $0x11B8D, s6;
	_ =	swait.eq @!p0 [sflag:s5], $0x1  }
0xb2: {  	s4 =	sor.u32 @!p0 s4, s6;
	[sflag:s5] =	ssyncadd.s32 @!p0 $0xFFFFFFFF  }
0xb3: {  	s25 =	simm.s32 $0x1B8E;
	s24 =	sld [smem:$0x3FFE];
	[sflag:s4] =	ssyncadd.remote.s32 @!p0 $0x1  }
0xb4: {  	s26 =	simm.s32 $execute0_lowered;
	[smem:$0x3FD2] =	sst s25  }
0xb5: {  	s5 =	sshll.u32 s26, $0x1;
	_ =	strace $0x80000049;
	[dreg:$0x1] =	wrdreg $0xFFFFFFFF  }
0xb6: {  	s28 =	simm.s32 $_size_execute0_lowered;
	s3 =	sadd.s32 s3, s5;
	[dreg:$0x0] =	wrdreg $0x0  }
0xb7: {  	s5 =	sshll.u32 s28, $0x1;
	[dreg:$0x2] =	wrdreg s3  }
0xb8: {  	[dreg:$0x3] =	wrdreg s5  }
0xb9: {  	[dreg:$0x4] =	wrdreg $0xC0  }
0xba: {  	_ =	task [dreg:s22], $0x5FFFF  }
0xbb: {  	[dreg:$0x1] =	wrdreg $0xFFFFFFFF  }
0xbc: {  	[dreg:$0x0] =	wrdreg $0x60  }
0xbd: {  	[dreg:$0x2] =	wrdreg s24  }
0xbe: {  	[dreg:$0x3] =	wrdreg $0x40800  }
0xbf: {  	[dreg:$0x4] =	wrdreg $0x9  }
0xc0: {  	_ =	task.clear_ibuf [dreg:s22], $0x5FFFF;
	_ =	strace $0x90000049  }
0xc1: {  	s29 =	simm.s32 $0x9;
	_ =	strace $0x8000004B  }
0xc2: {  	_ =	swait.ge [sflag:s29], $0x1  }
0xc3: {  	[sflag:s29] =	ssyncadd.s32 $0xFFFFFFFF  }
0xc4: {  	_ =	strace $0x9000004B  }
0xc5: {  	_ =	sfence  }
0xc6: {  	s30 =	sld [smem:$0x0];
	_ =	sdelay $0x2  }
0xc7: {  	s31 =	sshll.u32 s1, $0xD;
	s1 =	sshrl.u32 s1, $0x2  }
0xc8: {  	s4 =	sand.u32 $0x4000, s31;
	s1 =	sadd.s32 s1, s30  }
0xc9: {  	s0 =	sor.u32 s4, s0;
	s1 =	sshll.u32 s1, $0x11  }
0xca: {  	s0 =	sor.u32 s1, s0  }
0xcb: {  	s0 =	sadd.s32 $0x8F2B, s0  }
0xcc: {  	[sflag:s0] =	ssyncadd.remote.s32 $0x1  }
0xcd: {  	_ =	sfence.sel $0xFFFF  }
0xce: {  	[dreg:$0x0] =	wrdreg $0xFFFFFFFF;
	(pc) =	sbr.abs _section_cstart, $3  }
0xcf: {  	[dreg:$0x1] =	wrdreg $0xFFFFFFFF  }
0xd0: {  	_ =	task.clear_ibuf [dreg:s22], $0x2FFFF;
	_ =	strace $0x9FFFFFFF  }
0xd1: {  	(tm) =	ssettm $0x7FFFFFFF  }
tec
execute0_lowered:
.L_overlay_start_1:
0x0: {  	(tag) =	ssettag $0x1  }
0x1: {  	s7 =	rddreg [dreg:$0x0]  }
0x2: {  	s2 =	rddreg [dreg:$0x1]  }
0x3: {  	s0 =	rddreg [dreg:$0x2]  }
0x4: {  	s3 =	simm.s32 $0x0;
	s4 =	srdreg.scid;
	s1 =	stileid.u32  }
0x5: {  	s20 =	simm.s32 $0x1;
	s21 =	simm.s32 $0x0;
	s8 =	smul.u32 $0x280, s1  }
0x6: {  	[smem:$0x7FF] =	sst s3;
	s11 =	sand.u32 $0x1, s4;
	s12 =	smul.u32 $0x50000, s1  }
0x7: {  	s4 =	sadd.s32 $0x3800, s7;
	s5 =	sadd.s32 $0x90400, s7;
	s19 =	smul.u32 $0x500, s1  }
0x8: {  	s6 =	sadd.s32 $0x3FC00, s7;
	s9 =	smul.u32 $0x2800, s11;
	s10 =	ssub.s32 $0x2, s11  }
0x9: {  	_ =	strace $0x8000004A;
	s18 =	smul.u32 $0x5000, s11;
	s30 =	sshrl.u32 s10, $0x1  }
0xa: {  	s31 =	sshrl.u32 s12, $0x2;
	s8 =	sadd.s32 s9, s8;
	s9 =	ssub.s32 s10, s30  }
0xb: {  	s18 =	sadd.s32 s19, s18;
	s19 =	simm.s32 $0x80;
	s8 =	sshll.u32 s8, $0x4  }
0xc: {  	s17 =	sadd.s32 s8, s7;
	s7 =	sadd.s32 s31, s2;
	s8 =	smax.u32 s9, $0x1  }
0xd: {  	s9 =	sadd.s32 $0x4000, s7;
	s10 =	sadd.s32 $0x8000, s7;
	s11 =	sadd.s32 $0xC000, s7  }
0xe: {  	s12 =	sadd.s32 $0x10000, s7;
	s13 =	sadd.s32 $0x90C00, s17;
	s14 =	sadd.s32 $0x91400, s17  }
0xf: {  	s15 =	sadd.s32 $0x91C00, s17;
	s16 =	sadd.s32 $0x92400, s17;
	s17 =	sadd.s32 $0x92C00, s17  }
.LBB2_1:
0x10: {  	[tilespmem:s19], [sflag:$0x1] =	stream.linear.gather [hbm4b:s6+s3], $0x4000, $0x38;
	[tilespmem:$0x18080] =	vst v63  }
0x11: {  	_ =	swait.ge [sflag:s20], $0x4000  }
0x12: {  	[sflag:s20] =	ssyncset.done $0x0  }
0x13: {  	[sflag:s20] =	ssyncadd.s32 $0xFFFFC000  }
0x14: {  	[spmem:s7] =	stream.linear.scatter [tilespmem:s19], [sflag:$0x1], $0x4000, $0x38;
	[tilespmem:$0x18080] =	vst v63  }
0x15: {  	_ =	swait.ge [sflag:s20], $0x4000  }
0x16: {  	[sflag:s20] =	ssyncset.done $0x0  }
0x17: {  	[sflag:s20] =	ssyncadd.s32 $0xFFFFC000  }
0x18: {  	[spmem:s9] =	stream.linear.scatter [tilespmem:s19], [sflag:$0x1], $0x4000, $0x38;
	[tilespmem:$0x18080] =	vst v63  }
0x19: {  	_ =	swait.ge [sflag:s20], $0x4000  }
0x1a: {  	[sflag:s20] =	ssyncset.done $0x0  }
0x1b: {  	[sflag:s20] =	ssyncadd.s32 $0xFFFFC000  }
0x1c: {  	[spmem:s10] =	stream.linear.scatter [tilespmem:s19], [sflag:$0x1], $0x4000, $0x38;
	[tilespmem:$0x18080] =	vst v63  }
0x1d: {  	_ =	swait.ge [sflag:s20], $0x4000  }
0x1e: {  	[sflag:s20] =	ssyncset.done $0x0  }
0x1f: {  	[sflag:s20] =	ssyncadd.s32 $0xFFFFC000  }
0x20: {  	[spmem:s11] =	stream.linear.scatter [tilespmem:s19], [sflag:$0x1], $0x4000, $0x38;
	[tilespmem:$0x18080] =	vst v63  }
0x21: {  	_ =	swait.ge [sflag:s20], $0x4000  }
0x22: {  	[sflag:s20] =	ssyncset.done $0x0  }
0x23: {  	[sflag:s20] =	ssyncadd.s32 $0xFFFFC000  }
0x24: {  	[spmem:s12] =	stream.linear.scatter [tilespmem:s19], [sflag:$0x1], $0x4000, $0x38;
	[tilespmem:$0x18080] =	vst v63  }
0x25: {  	_ =	swait.ge [sflag:s20], $0x4000  }
0x26: {  	[sflag:s20] =	ssyncset.done $0x0  }
0x27: {  	[sflag:s20] =	ssyncadd.s32 $0xFFFFC000  }
0x28: {  	[tilespmem:s19], [sflag:$0x1] =	stream.linear.gather [hbm4b:s5+s3], $0x4000, $0x38;
	[tilespmem:$0x18080] =	vst v63  }
0x29: {  	_ =	swait.ge [sflag:s20], $0x4000  }
0x2a: {  	s22 =	sadd.s32 $0x0, s18;
	s23 =	sand.u32 $0x70, s3;
	[sflag:s20] =	ssyncset.done $0x0  }
0x2b: {  	s22 =	sand.u32 $0xFFFFF80, s22;
	s23 =	sadd.s32 s4, s23;
	[sflag:s20] =	ssyncadd.s32 $0xFFFFC000  }
0x2c: {  	s22 =	sadd.s32 s22, s23;
	[bflag:$0x0] =	sbarrier.arrive $0xFFFF  }
0x2d: {  	[tilespmem:s3], [sflag:$0x1] =	stream.linear.gather [hbm4b:s22+s3], $0x80, $0x38;
	[tilespmem:$0x18080] =	vst v63  }
0x2e: {  	_ =	swait.ge [sflag:s20], $0x80  }
0x2f: {  	[sflag:s20] =	ssyncset.done $0x0  }
0x30: {  	s31 =	simm.s32 $0x10;
	s24 =	sadd.s32 $0x10, s18;
	[sflag:s20] =	ssyncadd.s32 $0xFFFFFF80  }
0x31: {  	[spmem:s2] =	stream.indirect.scatter.add.f32 [tilespmem:s19], [sflag:$0x1], $0x80, s3, s19, $0xb8;
	[tilespmem:$0x18080] =	vst v63  }
0x32: {  	s25 =	sand.u32 $0x70, s31;
	s23 =	sand.u32 $0xFFFFF80, s24;
	_ =	swait.ge [sflag:s20], $0x4000  }
0x33: {  	s24 =	sadd.s32 s4, s25;
	s22 =	simm.s32 $0x20;
	[sflag:s20] =	ssyncset.done $0x0  }
.LBB2_2:
0x34: {  	s23 =	sadd.s32 s23, s24  }
0x35: {  	[sflag:s20] =	ssyncadd.s32 $0xFFFFC000;
	s24 =	smov.u32 s22;
	s25 =	sadd.s32 $0x10, s22  }
0x36: {  	[tilespmem:s3], [sflag:$0x1] =	stream.linear.gather [hbm4b:s23+s3], $0x80, $0x38;
	[tilespmem:$0x18080] =	vst v63  }
0x37: {  	p0 =	sne.s32 s22, $0x4F0;
	_ =	swait.ge [sflag:s20], $0x80  }
.Ltmp0:
0x38: {  	[sflag:s20] =	ssyncset.done $0x0;
	(pc) =	sbr.rel @p0 .LBB2_2-.Ltmp0, $4  }
0x39: {  	s22 =	sadd.s32 s24, s18;
	[sflag:s20] =	ssyncadd.s32 $0xFFFFFF80  }
0x3a: {  	[spmem:s2] =	stream.indirect.scatter.add.f32 [tilespmem:s19], [sflag:$0x1], $0x80, s3, s19, $0xb8;
	[tilespmem:$0x18080] =	vst v63  }
0x3b: {  	s24 =	sand.u32 $0x70, s24;
	s23 =	sand.u32 $0xFFFFF80, s22;
	_ =	swait.ge [sflag:s20], $0x4000  }
0x3c: {  	s24 =	sadd.s32 s4, s24;
	s22 =	smov.u32 s25;
	[sflag:s20] =	ssyncset.done $0x0  }
0x3d: {  	s22 =	sadd.s32 s23, s24;
	[sflag:s20] =	ssyncadd.s32 $0xFFFFC000  }
0x3e: {  	[tilespmem:s3], [sflag:$0x1] =	stream.linear.gather [hbm4b:s22+s3], $0x80, $0x38;
	[tilespmem:$0x18080] =	vst v63  }
0x3f: {  	_ =	swait.ge [sflag:s20], $0x80  }
0x40: {  	[sflag:s20] =	ssyncset.done $0x0  }
0x41: {  	[sflag:s20] =	ssyncadd.s32 $0xFFFFFF80  }
0x42: {  	[spmem:s2] =	stream.indirect.scatter.add.f32 [tilespmem:s19], [sflag:$0x1], $0x80, s3, s19, $0xb8;
	[tilespmem:$0x18080] =	vst v63  }
0x43: {  	_ =	swait.ge [sflag:s20], $0x4000  }
0x44: {  	[sflag:s20] =	ssyncset.done $0x0  }
0x45: {  	[sflag:s20] =	ssyncadd.s32 $0xFFFFC000  }
0x46: {  	[bflag:$0x0] =	sbarrier.arrive $0xFFFF  }
0x47: {  	[tilespmem:s19], [sflag:$0x1] =	stream.linear.gather [spmem:s7], $0x4000, $0x38;
	[tilespmem:$0x18080] =	vst v63  }
0x48: {  	_ =	swait.ge [sflag:s20], $0x4000  }
0x49: {  	[sflag:s20] =	ssyncset.done $0x0  }
0x4a: {  	[sflag:s20] =	ssyncadd.s32 $0xFFFFC000  }
0x4b: {  	[hbm4b:s13+s3] =	stream.linear.scatter [tilespmem:s19], [sflag:$0x1], $0x4000, $0x38;
	[tilespmem:$0x18080] =	vst v63  }
0x4c: {  	_ =	swait.ge [sflag:s20], $0x4000  }
0x4d: {  	[sflag:s20] =	ssyncset.done $0x0  }
0x4e: {  	[sflag:s20] =	ssyncadd.s32 $0xFFFFC000  }
0x4f: {  	[tilespmem:s19], [sflag:$0x1] =	stream.linear.gather [spmem:s9], $0x4000, $0x38;
	[tilespmem:$0x18080] =	vst v63  }
0x50: {  	_ =	swait.ge [sflag:s20], $0x4000  }
0x51: {  	[sflag:s20] =	ssyncset.done $0x0  }
0x52: {  	[sflag:s20] =	ssyncadd.s32 $0xFFFFC000  }
0x53: {  	[hbm4b:s14+s3] =	stream.linear.scatter [tilespmem:s19], [sflag:$0x1], $0x4000, $0x38;
	[tilespmem:$0x18080] =	vst v63  }
0x54: {  	_ =	swait.ge [sflag:s20], $0x4000  }
0x55: {  	[sflag:s20] =	ssyncset.done $0x0  }
0x56: {  	[sflag:s20] =	ssyncadd.s32 $0xFFFFC000  }
0x57: {  	[tilespmem:s19], [sflag:$0x1] =	stream.linear.gather [spmem:s10], $0x4000, $0x38;
	[tilespmem:$0x18080] =	vst v63  }
0x58: {  	_ =	swait.ge [sflag:s20], $0x4000  }
0x59: {  	[sflag:s20] =	ssyncset.done $0x0  }
0x5a: {  	[sflag:s20] =	ssyncadd.s32 $0xFFFFC000  }
0x5b: {  	[hbm4b:s15+s3] =	stream.linear.scatter [tilespmem:s19], [sflag:$0x1], $0x4000, $0x38;
	[tilespmem:$0x18080] =	vst v63  }
0x5c: {  	_ =	swait.ge [sflag:s20], $0x4000  }
0x5d: {  	[sflag:s20] =	ssyncset.done $0x0  }
0x5e: {  	[sflag:s20] =	ssyncadd.s32 $0xFFFFC000  }
0x5f: {  	[tilespmem:s19], [sflag:$0x1] =	stream.linear.gather [spmem:s11], $0x4000, $0x38;
	[tilespmem:$0x18080] =	vst v63  }
0x60: {  	_ =	swait.ge [sflag:s20], $0x4000  }
0x61: {  	[sflag:s20] =	ssyncset.done $0x0  }
0x62: {  	[sflag:s20] =	ssyncadd.s32 $0xFFFFC000  }
0x63: {  	[hbm4b:s16+s3] =	stream.linear.scatter [tilespmem:s19], [sflag:$0x1], $0x4000, $0x38;
	[tilespmem:$0x18080] =	vst v63  }
0x64: {  	_ =	swait.ge [sflag:s20], $0x4000  }
0x65: {  	[sflag:s20] =	ssyncset.done $0x0  }
0x66: {  	[sflag:s20] =	ssyncadd.s32 $0xFFFFC000  }
0x67: {  	[tilespmem:s19], [sflag:$0x1] =	stream.linear.gather [spmem:s12], $0x4000, $0x38;
	[tilespmem:$0x18080] =	vst v63  }
0x68: {  	s21 =	sadd.s32 $0x1, s21;
	_ =	swait.ge [sflag:s20], $0x4000  }
0x69: {  	p0 =	sne.s32 s21, s8;
	[sflag:s20] =	ssyncset.done $0x0  }
.Ltmp1:
0x6a: {  	[sflag:s20] =	ssyncadd.s32 $0xFFFFC000;
	(pc) =	sbr.rel @p0 .LBB2_1-.Ltmp1, $4  }
0x6b: {  	[hbm4b:s17+s3] =	stream.linear.scatter [tilespmem:s19], [sflag:$0x1], $0x4000, $0x38;
	[tilespmem:$0x18080] =	vst v63  }
0x6c: {  	_ =	swait.ge [sflag:s20], $0x4000  }
0x6d: {  	[sflag:s20] =	ssyncset.done $0x0  }
0x6e: {  	[sflag:s20] =	ssyncadd.s32 $0xFFFFC000  }
0x6f: {  	_ =	sfence.sel $0x180000  }
0x70: {  	[bflag:$0x0] =	sbarrier.arrive $0xFFFF  }
0x71: {  	p0 =	sne.s32 s1, $0x0;
	_ =	strace $0x9000004A  }
0x72: {  	s0 =	sadd.s32 @!p0 $0x100000, s0;
	[bflag:$0x2] =	sbarrier.arrive $0xFFFF  }
0x73: {  	[sflag:s0] =	ssyncadd.tile.s32 @!p0 $0x1;
	_ =	shalt  }
.Lfunc_end2:
_tile_overlayer_lowered:
.L_overlay_start_2:
0x74: {  	(tag) =	ssettag $0x2  }
0x75: {  	s0 =	rddreg [dreg:$0x0];
	s2 =	stileid.u32  }
0x76: {  	s1 =	rddreg [dreg:$0x1];
	p0 =	sne.s32 s2, $0x0  }
0x77: {  	s3 =	rddreg [dreg:$0x2];
	[bflag:$0x3] =	sbarrier.arrive $0xFFFF;
	s2 =	simm.s32 @!p0 $0x1C01  }
0x78: {  	[timem:s3], [sflag:s2] =	dma.local @!p0 [hbm:s0], s1  }
0x79: {  	s0 =	simm.s32 @!p0 $0x1  }
0x7a: {  	_ =	swait.ge @!p0 [sflag:s0], s1  }
0x7b: {  	s1 =	ssub.s32 @!p0 $0x0, s1;
	[sflag:s0] =	ssyncset.done @!p0 $0x0  }
0x7c: {  	[sflag:s0] =	ssyncadd.s32 @!p0 s1  }
0x7d: {  	[bflag:$0x3] =	sbarrier.arrive $0xFFFF  }
0x7e: {  	_ =	shalt  }

// kernel: kernel.15.cloned.1.call-start
scs
__scs_entry_jumppad:
0x0: {  	(pc) =	sbr.rel $0x88, $3  }
0x1: {  	(tag) =	ssettag $0x0;
	lr =	simm.s32 $0x1  }
0x2: {  	[smem:$0x3F9A] =	sst lr;
	_ =	strace $0xD0000000  }
0x3: {  	_ = 	snop  }
0x4: {  	_ = 	snop  }
0x5: {  	_ = 	snop  }
0x6: {  	_ = 	snop  }
0x7: {  	_ = 	snop  }
__scs_overlays_trampoline_lowered:
0x8: {  	[smem:$0x3FA9] =	sst s0  }
0x9: {  	[smem:$0x3FAA] =	sst s1  }
0xa: {  	[smem:$0x3FAB] =	sst s2  }
0xb: {  	[smem:$0x3FAC] =	sst s3  }
0xc: {  	[smem:$0x3FAD] =	sst s4  }
0xd: {  	[smem:$0x3FAE] =	sst s5  }
0xe: {  	[smem:$0x3FAF] =	sst s6  }
0xf: {  	[smem:$0x3FB0] =	sst s7  }
0x10: {  	[smem:$0x3FB1] =	sst s8  }
0x11: {  	[smem:$0x3FB2] =	sst s9;
	s0 =	simm.s32 @!p0 $0x0  }
0x12: {  	s1 =	sld [smem:$0x3F98];
	s0 =	simm.s32 @p0 $0x1  }
0x13: {  	[smem:$0x3FB3] =	sst s0;
	s0 =	simm.s32 @!p1 $0x0  }
0x14: {  	s2 =	sld [smem:$0x3F97];
	s0 =	simm.s32 @p1 $0x1  }
0x15: {  	[smem:$0x3FB4] =	sst s0;
	s0 =	simm.s32 @!p2 $0x0  }
0x16: {  	s3 =	sld [smem:$0x3FDB];
	s0 =	simm.s32 @p2 $0x1  }
0x17: {  	s4 =	simm.s32 $0x1BF5;
	[smem:$0x3FB6] =	sst s0  }
0x18: {  	s0 =	sld [smem:$0x3F99];
	_ =	swait.ge [sflag:s4], $0x0  }
0x19: {  	s7 =	sld [smem:$0x3F9A]  }
0x1a: {  	s8 =	sadd.s32 $0xFFFFE003, lr  }
0x1b: {  	s9 =	sadd.s32 $0xFFFFFEF7, lr;
	s5 =	simm.s32 $0xFFFFFFFF;
	p2 =	slt.u32 s8, $0xFFFFF086  }
0x1c: {  	p1 =	slt.u32 s9, $0xF7A;
	s5 =	simm.s32 @!p2 $0x0  }
0x1d: {  	s5 =	simm.s32 @p1 $0x1;
	p0 =	seq.s32 s7, s2  }
0x1e: {  	s7 =	smul.u32 @!p0 $0xF7A, s2;
	p2 =	seq.s32 @!p0 s5, $0x0  }
0x1f: {  	s9 =	smul.u32 $0xF7A, s1;
	s8 =	simm.s32 @!p0 $0x1BF5;
	p2 =	por !p2, p0  }
0x20: {  	[sflag:s8] =	ssyncset.s32 @!p0 $0xFFFFF086;
	s6 =	sadd.s32 @!p0 s3, s7;
	s7 =	simm.s32 @!p0 $0x108  }
0x21: {  	s3 =	sadd.s32 s3, s9;
	s6 =	sadd.s32 @!p0 $0x88, s6;
	s7 =	simm.s32 @p2 $0x1082  }
0x22: {  	[simem:s7], [sflag:s8] =	dma.local @!p0 [hbm:s6], $0xF7A  }
0x23: {  	s9 =	sor.u32 $0xD0000000, s2;
	s6 =	simm.s32 $0x108;
	_ =	swait.ge @!p0 [sflag:s8], $0x0  }
0x24: {  	s3 =	sadd.s32 $0x88, s3;
	s6 =	simm.s32 @!p1 $0x1082;
	[sflag:s4] =	ssyncset.s32 $0xFFFFF086  }
0x25: {  	[simem:s6], [sflag:s4] =	dma.local [hbm:s3], $0xF7A  }
0x26: {  	[smem:$0x3F9A] =	sst s1;
	(tag) =	ssettag s2;
	_ =	strace s9  }
0x27: {  	s1 =	sld [smem:$0x3FAA]  }
0x28: {  	s2 =	sld [smem:$0x3FAB]  }
0x29: {  	s4 =	sld [smem:$0x3FAD]  }
0x2a: {  	p0 =	seq.s32 s5, $0x0;
	s5 =	sld [smem:$0x3FAE]  }
0x2b: {  	s6 =	sld [smem:$0x3FAF]  }
0x2c: {  	s7 =	sld [smem:$0x3FB0]  }
0x2d: {  	s3 =	simm.s32 $0x108;
	s8 =	sld [smem:$0x3FB1]  }
0x2e: {  	s3 =	simm.s32 @!p0 $0x1082;
	s9 =	sld [smem:$0x3FB2]  }
0x2f: {  	lr =	sadd.s32 s0, s3;
	s0 =	sld [smem:$0x3FA9]  }
0x30: {  	s3 =	sld [smem:$0x3FAC]  }
0x31: {  	[smem:$0x3FB5] =	sst s10  }
0x32: {  	s10 =	sld [smem:$0x3FB3];
	_ =	sdelay $0x3  }
0x33: {  	p0 =	seq.s32 s10, $0x1;
	s10 =	sld [smem:$0x3FB5];
	_ =	sdelay $0x3  }
0x34: {  	[smem:$0x3FB5] =	sst s10  }
0x35: {  	s10 =	sld [smem:$0x3FB4];
	_ =	sdelay $0x3  }
0x36: {  	p1 =	seq.s32 s10, $0x1;
	s10 =	sld [smem:$0x3FB5];
	_ =	sdelay $0x3  }
0x37: {  	[smem:$0x3FB5] =	sst s10  }
0x38: {  	s10 =	sld [smem:$0x3FB6]  }
0x39: {  	_ = 	snop;
	(pc) =	sbr.ind lr, $3  }
0x3a: {  	_ = 	snop  }
0x3b: {  	_ = 	snop  }
0x3c: {  	p2 =	seq.s32 s10, $0x1;
	s10 =	sld [smem:$0x3FB5]  }
0x3d: {  	_ =	shalt  }
0x3e: {  	_ =	shalt  }
0x3f: {  	_ =	shalt  }
0x40: {  	_ =	shalt  }
0x41: {  	_ =	shalt  }
0x42: {  	_ =	shalt  }
0x43: {  	_ =	shalt  }
0x44: {  	_ =	shalt  }
0x45: {  	_ =	shalt  }
0x46: {  	_ =	shalt  }
0x47: {  	_ =	shalt  }
0x48: {  	_ =	shalt  }
0x49: {  	_ =	shalt  }
0x4a: {  	_ =	shalt  }
0x4b: {  	_ =	shalt  }
0x4c: {  	_ =	shalt  }
0x4d: {  	_ =	shalt  }
0x4e: {  	_ =	shalt  }
0x4f: {  	_ =	shalt  }
0x50: {  	_ =	shalt  }
0x51: {  	_ =	shalt  }
0x52: {  	_ =	shalt  }
0x53: {  	_ =	shalt  }
0x54: {  	_ =	shalt  }
0x55: {  	_ =	shalt  }
0x56: {  	_ =	shalt  }
0x57: {  	_ =	shalt  }
0x58: {  	_ =	shalt  }
0x59: {  	_ =	shalt  }
0x5a: {  	_ =	shalt  }
0x5b: {  	_ =	shalt  }
0x5c: {  	_ =	shalt  }
0x5d: {  	_ =	shalt  }
0x5e: {  	_ =	shalt  }
0x5f: {  	_ =	shalt  }
0x60: {  	_ =	shalt  }
0x61: {  	_ =	shalt  }
0x62: {  	_ =	shalt  }
0x63: {  	_ =	shalt  }
0x64: {  	_ =	shalt  }
0x65: {  	_ =	shalt  }
0x66: {  	_ =	shalt  }
0x67: {  	_ =	shalt  }
0x68: {  	_ =	shalt  }
0x69: {  	_ =	shalt  }
0x6a: {  	_ =	shalt  }
0x6b: {  	_ =	shalt  }
0x6c: {  	_ =	shalt  }
0x6d: {  	_ =	shalt  }
0x6e: {  	_ =	shalt  }
0x6f: {  	_ =	shalt  }
0x70: {  	_ =	shalt  }
0x71: {  	_ =	shalt  }
0x72: {  	_ =	shalt  }
0x73: {  	_ =	shalt  }
0x74: {  	_ =	shalt  }
0x75: {  	_ =	shalt  }
0x76: {  	_ =	shalt  }
0x77: {  	_ =	shalt  }
0x78: {  	_ =	shalt  }
0x79: {  	_ =	shalt  }
0x7a: {  	_ =	shalt  }
0x7b: {  	_ =	shalt  }
0x7c: {  	_ =	shalt  }
0x7d: {  	_ =	shalt  }
0x7e: {  	_ =	shalt  }
0x7f: {  	_ =	shalt  }
0x80: {  	_ =	shalt  }
0x81: {  	_ =	shalt  }
0x82: {  	_ =	shalt  }
0x83: {  	_ =	shalt  }
0x84: {  	_ =	shalt  }
0x85: {  	_ =	shalt  }
0x86: {  	_ =	shalt  }
0x87: {  	_ =	shalt  }
.Lfunc_end0:
.L_simem_size_0:
called_computation.1_lowered:
.L_overlay_start_0:
0x88: {  	s2 =	sld [smem:$0x3FD9]  }
0x89: {  	s3 =	sld [smem:$0x3FFE];
	_ =	sdelay $0x1  }
0x8a: {  	s1 =	srdreg.scid  }
0x8b: {  	s0 =	sand.u32 $0x1, s1  }
0x8c: {  	s16 =	sshll.u32 s0, $0xA;
	s2 =	sadd.s32 s3, s2  }
0x8d: {  	s2 =	sadd.s32 s2, s16  }
0x8e: {  	[smem:$0x3FC1] =	sst s2  }
0x8f: {  	_ = 	snop  }
0x90: {  	(tm) =	ssettm $0x1  }
0x91: {  	s17 =	sld [smem:$0x3FFB];
	_ =	sdelay $0x3  }
0x92: {  	_ =	strace s17  }
0x93: {  	s2 =	sld [smem:$0x3FFC];
	_ =	sdelay $0x3  }
0x94: {  	_ =	strace s2  }
0x95: {  	s2 =	sld [smem:$0x3FFD];
	_ =	sdelay $0x3  }
0x96: {  	_ =	strace s2  }
0x97: {  	_ =	strace $0x8FFFFFFF  }
0x98: {  	s18 =	sld [smem:$0x3FDB];
	_ =	sdelay $0x1  }
0x99: {  	s19 =	simm.s32 $_scs_section_size  }
0x9a: {  	s4 =	simm.s32 $_size__tile_overlayer_lowered;
	s5 =	simm.s32 $_tile_overlayer_lowered  }
0x9b: {  	s22 =	simm.s32 $0x1BFF;
	s21 =	sshll.u32 s5, $0x1;
	s2 =	sadd.s32 s19, s18  }
0x9c: {  	s6 =	simm.s32 $0x0;
	s20 =	sshll.u32 s4, $0x1;
	s4 =	sadd.s32 s21, s2  }
0x9d: {  	[timem:s6], [sflag:s22] =	dma.local [hbm:s4], s20  }
0x9e: {  	_ =	swait.ge [sflag:s22], s20  }
0x9f: {  	s3 =	ssub.s32 $0x0, s20;
	[sflag:s22] =	ssyncset.done $0x0  }
0xa0: {  	[sflag:s22] =	ssyncadd.s32 s3;
	_ =	sdelay $0x1  }
0xa1: {  	s23 =	simm.s32 $0x1B8B  }
0xa2: {  	_ =	swait.ge [sflag:s23], $0x1  }
0xa3: {  	[sflag:s23] =	ssyncset.done $0x0  }
0xa4: {  	s25 =	simm.s32 $0x1B8E;
	s24 =	sld [smem:$0x3FFE];
	[sflag:s23] =	ssyncadd.s32 $0xFFFFFFFF  }
0xa5: {  	s26 =	simm.s32 $execute0_lowered;
	[smem:$0x3FD2] =	sst s25  }
0xa6: {  	s4 =	sshll.u32 s26, $0x1;
	_ =	strace $0x80000046;
	[dreg:$0x1] =	wrdreg $0xFFFFFFFF  }
0xa7: {  	s28 =	simm.s32 $_size_execute0_lowered;
	s2 =	sadd.s32 s2, s4;
	[dreg:$0x0] =	wrdreg $0x0  }
0xa8: {  	s4 =	sshll.u32 s28, $0x1;
	[dreg:$0x2] =	wrdreg s2  }
0xa9: {  	[dreg:$0x3] =	wrdreg s4  }
0xaa: {  	[dreg:$0x4] =	wrdreg $0xC0  }
0xab: {  	_ =	task [dreg:s6], $0x5FFFF  }
0xac: {  	[dreg:$0x1] =	wrdreg $0xFFFFFFFF  }
0xad: {  	[dreg:$0x0] =	wrdreg $0x60  }
0xae: {  	[dreg:$0x2] =	wrdreg s24  }
0xaf: {  	[dreg:$0x3] =	wrdreg $0x90000  }
0xb0: {  	[dreg:$0x4] =	wrdreg $0xA  }
0xb1: {  	_ =	task.clear_ibuf [dreg:s6], $0x5FFFF;
	_ =	strace $0x90000046  }
0xb2: {  	s29 =	simm.s32 $0xA;
	_ =	strace $0x80000048  }
0xb3: {  	_ =	swait.ge [sflag:s29], $0x1  }
0xb4: {  	[sflag:s29] =	ssyncadd.s32 $0xFFFFFFFF  }
0xb5: {  	_ =	strace $0x90000048  }
0xb6: {  	_ =	sfence  }
0xb7: {  	s30 =	sld [smem:$0x0];
	_ =	sdelay $0x2  }
0xb8: {  	s31 =	sshll.u32 s1, $0xD;
	s1 =	sshrl.u32 s1, $0x2  }
0xb9: {  	s3 =	sand.u32 $0x4000, s31;
	s1 =	sadd.s32 s1, s30  }
0xba: {  	s0 =	sor.u32 s3, s0;
	s1 =	sshll.u32 s1, $0x11  }
0xbb: {  	s0 =	sor.u32 s1, s0  }
0xbc: {  	s0 =	sadd.s32 $0x8F2B, s0  }
0xbd: {  	[sflag:s0] =	ssyncadd.remote.s32 $0x1  }
0xbe: {  	_ =	sfence.sel $0xFFFF  }
0xbf: {  	[dreg:$0x0] =	wrdreg $0xFFFFFFFF;
	(pc) =	sbr.abs _section_cstart, $3  }
0xc0: {  	[dreg:$0x1] =	wrdreg $0xFFFFFFFF  }
0xc1: {  	_ =	task.clear_ibuf [dreg:s6], $0x2FFFF;
	_ =	strace $0x9FFFFFFF  }
0xc2: {  	(tm) =	ssettm $0x7FFFFFFF  }
0xc3: {  	_ =	shalt  }
tec
execute0_lowered:
.L_overlay_start_1:
0x0: {  	(tag) =	ssettag $0x1  }
0x1: {  	s0 =	rddreg [dreg:$0x0]  }
0x2: {  	s2 =	rddreg [dreg:$0x1];
	s3 =	simm.s32 $0x0  }
0x3: {  	s1 =	srdreg.scid;
	s12 =	stileid.u32;
	s28 =	simm.s32 $0x5000  }
0x4: {  	s29 =	simm.s32 $0x4;
	s30 =	simm.s32 $0x5;
	s31 =	simm.s32 $0x6  }
0x5: {  	[smem:$0x7FF] =	sst s3;
	s1 =	sand.u32 $0x1, s1;
	s7 =	smul.u32 $0x280, s12  }
0x6: {  	s4 =	sadd.s32 $0x17C00, s0;
	s5 =	sadd.s32 $0xDA00, s0;
	s11 =	smul.u32 $0x28, s12  }
0x7: {  	s6 =	sadd.s32 $0x3800, s0;
	s9 =	sadd.s32 $0x3FC00, s0;
	s17 =	smul.u32 $0x50000, s12  }
0x8: {  	_ =	strace $0x80000047;
	s8 =	smul.u32 $0x2800, s1;
	[dreg:$0x5] =	wrdreg s9  }
0x9: {  	s15 =	ssub.s32 $0x2, s1;
	s9 =	smul.u32 $0x78, s12;
	p0 =	seq.s32 s1, $0x0  }
0xa: {  	s10 =	sshrl.u32 s15, $0x1;
	s1 =	sadd.s32 $0x780, s11;
	s18 =	sshrl.u32 s17, $0x2  }
0xb: {  	s7 =	sadd.s32 s8, s7;
	s16 =	ssub.s32 s15, s10;
	s8 =	simm.s32 $0xF  }
0xc: {  	s1 =	smov.u32 @p0 s9;
	s9 =	sadd.s32 s18, s2;
	s7 =	sshll.u32 s7, $0x4  }
0xd: {  	s8 =	simm.s32 @!p0 $0x5;
	s19 =	sshll.u32 s1, $0x4;
	s1 =	sshrl.u32 s1, $0x3  }
0xe: {  	s21 =	smax.u32 s16, $0x1;
	s13 =	sadd.s32 $0x4000, s9;
	[dreg:$0x3] =	wrdreg s1  }
0xf: {  	s14 =	sadd.s32 $0x8000, s9;
	s20 =	sadd.s32 s5, s19;
	[dreg:$0x8] =	wrdreg s21  }
0x10: {  	s15 =	sadd.s32 $0xC000, s9;
	s10 =	sadd.s32 s6, s19;
	[dreg:$0x6] =	wrdreg s20  }
0x11: {  	s0 =	sadd.s32 s7, s0;
	s25 =	sadd.s32 $0xFFFFFFFF, s8;
	[dreg:$0x7] =	wrdreg s10  }
0x12: {  	s16 =	sadd.s32 $0x10000, s9;
	s22 =	sadd.s32 $0x40400, s0;
	[dreg:$0x4] =	wrdreg s25  }
0x13: {  	s1 =	simm.s32 $0x2;
	s23 =	sadd.s32 $0x40C00, s0;
	[dreg:$0x9] =	wrdreg s22  }
0x14: {  	s24 =	sadd.s32 $0x41400, s0;
	s26 =	sadd.s32 $0x41C00, s0;
	[dreg:$0xa] =	wrdreg s23  }
0x15: {  	s21 =	sadd.s32 $0x42400, s0;
	s25 =	simm.s32 $0x80;
	[dreg:$0xb] =	wrdreg s24  }
0x16: {  	s0 =	simm.s32 $0x1;
	[dreg:$0xc] =	wrdreg s26;
	s22 =	simm.s32 $0x1000  }
0x17: {  	s23 =	simm.s32 $0x7;
	s26 =	simm.s32 $0x3;
	s24 =	simm.s32 $0x0  }
.LBB2_1:
0x18: {  	s7 =	rddreg [dreg:$0x5]  }
0x19: {  	[tilespmem:s22], [sflag:$0x7] =	stream.linear.gather [hbm4b:s7+s3], $0x4000, $0x38;
	[tilespmem:$0x1D000] =	vst v63  }
0x1a: {  	_ =	swait.ge [sflag:s23], $0x4000  }
0x1b: {  	[sflag:s23] =	ssyncset.done $0x0  }
0x1c: {  	[sflag:s23] =	ssyncadd.s32 $0xFFFFC000  }
0x1d: {  	[spmem:s9] =	stream.linear.scatter [tilespmem:s22], [sflag:$0x7], $0x4000, $0x38;
	[tilespmem:$0x1D000] =	vst v63  }
0x1e: {  	_ =	swait.ge [sflag:s23], $0x4000  }
0x1f: {  	[sflag:s23] =	ssyncset.done $0x0  }
0x20: {  	[sflag:s23] =	ssyncadd.s32 $0xFFFFC000  }
0x21: {  	[spmem:s13] =	stream.linear.scatter [tilespmem:s22], [sflag:$0x7], $0x4000, $0x38;
	[tilespmem:$0x1D000] =	vst v63  }
0x22: {  	_ =	swait.ge [sflag:s23], $0x4000  }
0x23: {  	[sflag:s23] =	ssyncset.done $0x0  }
0x24: {  	[sflag:s23] =	ssyncadd.s32 $0xFFFFC000  }
0x25: {  	[spmem:s14] =	stream.linear.scatter [tilespmem:s22], [sflag:$0x7], $0x4000, $0x38;
	[tilespmem:$0x1D000] =	vst v63  }
0x26: {  	_ =	swait.ge [sflag:s23], $0x4000  }
0x27: {  	[sflag:s23] =	ssyncset.done $0x0  }
0x28: {  	[sflag:s23] =	ssyncadd.s32 $0xFFFFC000  }
0x29: {  	[spmem:s15] =	stream.linear.scatter [tilespmem:s22], [sflag:$0x7], $0x4000, $0x38;
	[tilespmem:$0x1D000] =	vst v63  }
0x2a: {  	_ =	swait.ge [sflag:s23], $0x4000  }
0x2b: {  	[sflag:s23] =	ssyncset.done $0x0  }
0x2c: {  	[sflag:s23] =	ssyncadd.s32 $0xFFFFC000  }
0x2d: {  	[spmem:s16] =	stream.linear.scatter [tilespmem:s22], [sflag:$0x7], $0x4000, $0x38;
	[tilespmem:$0x1D000] =	vst v63  }
0x2e: {  	_ =	swait.ge [sflag:s23], $0x4000  }
0x2f: {  	[sflag:s23] =	ssyncset.done $0x0  }
0x30: {  	s19 =	rddreg [dreg:$0x6];
	[sflag:s23] =	ssyncadd.s32 $0xFFFFC000  }
0x31: {  	[tilespmem:s3], [sflag:$0x7] =	stream.linear.gather [hbm4b:s19+s3], $0x400, $0x38;
	[tilespmem:$0x1D000] =	vst v63  }
0x32: {  	_ =	swait.ge [sflag:s23], $0x400  }
0x33: {  	s10 =	simm.s32 $0x800;
	[sflag:s23] =	ssyncset.done $0x0  }
0x34: {  	p1 =	sne.s32 s8, $0x1;
	s20 =	rddreg [dreg:$0x7];
	[sflag:s23] =	ssyncadd.s32 $0xFFFFFC00  }
0x35: {  	[tilespmem:s10], [sflag:$0x7] =	stream.linear.gather [hbm4b:s20+s3], $0x400, $0x38;
	[tilespmem:$0x1D000] =	vst v63  }
.Ltmp0:
0x36: {  	_ =	swait.ge [sflag:s23], $0x400;
	(pc) =	sbr.rel @!p1 .LBB2_2-.Ltmp0, $4  }
0x37: {  	[sflag:s23] =	ssyncset.done $0x0  }
0x38: {  	[sflag:s23] =	ssyncadd.s32 $0xFFFFFC00  }
0x39: {  	[bflag:$0x0] =	sbarrier.arrive $0xFFFF  }
0x3a: {  	s11 =	simm.s32 $0x1;
	p0 =	por $0x0, $0x0;
	s17 =	rddreg [dreg:$0x4]  }
0x3b: {  	p0 =	seq.s32 s17, $0x0;
	s10 =	simm.s32 $0x1  }
0x3c: {  	s7 =	rddreg [dreg:$0x3];
	s10 =	simm.s32 @p0 $0x0  }
0x3d: {  	s7 =	sadd.s32 s7, s10  }
0x3e: {  	s10 =	sshll.u32 s7, $0x7  }
0x3f: {  	s7 =	sand.u32 $0x400, s3;
	s10 =	sand.u32 $0x1FFFFF80, s10  }
0x40: {  	s12 =	sxor.u32 $0x400, s7;
	s19 =	sadd.s32 s5, s10  }
0x41: {  	[tilespmem:s12], [sflag:$0x1] =	stream.linear.gather [hbm4b:s19+s3], $0x400, $0x38;
	[tilespmem:$0x1D000] =	vst v63  }
0x42: {  	s20 =	sxor.u32 $0xC00, s7;
	s10 =	sadd.s32 s6, s10  }
0x43: {  	[tilespmem:s20], [sflag:$0x2] =	stream.linear.gather [hbm4b:s10+s3], $0x400, $0x38;
	[tilespmem:$0x1D000] =	vst v63  }
0x44: {  	_ = 	snop  }
0x45: {  	[tilespmem:s22], [sflag:$0x3] =	stream.indirect.gather [hbm4b:s4+s25], $0x80, s7, s25, $0xb8;
	[tilespmem:$0x1D000] =	vst v63  }
0x46: {  	_ =	swait.ge [sflag:s26], $0x4000  }
0x47: {  	[sflag:s26] =	ssyncset.done $0x0  }
0x48: {  	s17 =	sor.u32 $0x800, s7;
	[sflag:s26] =	ssyncadd.s32 $0xFFFFC000  }
0x49: {  	[spmem:s2] =	stream.indirect.scatter.add.f32 [tilespmem:s22], [sflag:$0x5], $0x80, s17, s25, $0xb8;
	[tilespmem:$0x1D000] =	vst v63  }
0x4a: {  	s18 =	sor.u32 $0x80, s7  }
0x4b: {  	[tilespmem:s28], [sflag:$0x4] =	stream.indirect.gather [hbm4b:s4+s25], $0x80, s18, s25, $0xb8;
	[tilespmem:$0x1D000] =	vst v63  }
0x4c: {  	_ =	swait.ge [sflag:s29], $0x4000  }
0x4d: {  	[sflag:s29] =	ssyncset.done $0x0  }
0x4e: {  	s19 =	sor.u32 $0x880, s7;
	[sflag:s29] =	ssyncadd.s32 $0xFFFFC000  }
0x4f: {  	[spmem:s2] =	stream.indirect.scatter.add.f32 [tilespmem:s28], [sflag:$0x6], $0x80, s19, s25, $0xb8;
	[tilespmem:$0x1D000] =	vst v63  }
0x50: {  	_ =	swait.ge [sflag:s30], $0x4000  }
0x51: {  	[sflag:s30] =	ssyncset.done $0x0  }
0x52: {  	s20 =	sor.u32 $0x100, s7;
	[sflag:s30] =	ssyncadd.s32 $0xFFFFC000  }
0x53: {  	[tilespmem:s22], [sflag:$0x3] =	stream.indirect.gather [hbm4b:s4+s25], $0x80, s20, s25, $0xb8;
	[tilespmem:$0x1D000] =	vst v63  }
0x54: {  	_ =	swait.ge [sflag:s26], $0x4000  }
0x55: {  	[sflag:s26] =	ssyncset.done $0x0  }
0x56: {  	s12 =	sor.u32 $0x900, s7;
	[sflag:s26] =	ssyncadd.s32 $0xFFFFC000  }
0x57: {  	[spmem:s2] =	stream.indirect.scatter.add.f32 [tilespmem:s22], [sflag:$0x5], $0x80, s12, s25, $0xb8;
	[tilespmem:$0x1D000] =	vst v63  }
0x58: {  	_ =	swait.ge [sflag:s31], $0x4000  }
0x59: {  	[sflag:s31] =	ssyncset.done $0x0  }
0x5a: {  	s17 =	sor.u32 $0x180, s7;
	[sflag:s31] =	ssyncadd.s32 $0xFFFFC000  }
0x5b: {  	[tilespmem:s28], [sflag:$0x4] =	stream.indirect.gather [hbm4b:s4+s25], $0x80, s17, s25, $0xb8;
	[tilespmem:$0x1D000] =	vst v63  }
0x5c: {  	_ =	swait.ge [sflag:s29], $0x4000  }
0x5d: {  	[sflag:s29] =	ssyncset.done $0x0  }
0x5e: {  	s18 =	sor.u32 $0x980, s7;
	[sflag:s29] =	ssyncadd.s32 $0xFFFFC000  }
0x5f: {  	[spmem:s2] =	stream.indirect.scatter.add.f32 [tilespmem:s28], [sflag:$0x6], $0x80, s18, s25, $0xb8;
	[tilespmem:$0x1D000] =	vst v63  }
0x60: {  	_ =	swait.ge [sflag:s30], $0x4000  }
0x61: {  	[sflag:s30] =	ssyncset.done $0x0  }
0x62: {  	s19 =	sor.u32 $0x200, s7;
	[sflag:s30] =	ssyncadd.s32 $0xFFFFC000  }
0x63: {  	[tilespmem:s22], [sflag:$0x3] =	stream.indirect.gather [hbm4b:s4+s25], $0x80, s19, s25, $0xb8;
	[tilespmem:$0x1D000] =	vst v63  }
0x64: {  	_ =	swait.ge [sflag:s26], $0x4000  }
0x65: {  	[sflag:s26] =	ssyncset.done $0x0  }
0x66: {  	s20 =	sor.u32 $0xA00, s7;
	[sflag:s26] =	ssyncadd.s32 $0xFFFFC000  }
0x67: {  	[spmem:s2] =	stream.indirect.scatter.add.f32 [tilespmem:s22], [sflag:$0x5], $0x80, s20, s25, $0xb8;
	[tilespmem:$0x1D000] =	vst v63  }
0x68: {  	_ =	swait.ge [sflag:s31], $0x4000  }
0x69: {  	[sflag:s31] =	ssyncset.done $0x0  }
0x6a: {  	s12 =	sor.u32 $0x280, s7;
	[sflag:s31] =	ssyncadd.s32 $0xFFFFC000  }
0x6b: {  	[tilespmem:s28], [sflag:$0x4] =	stream.indirect.gather [hbm4b:s4+s25], $0x80, s12, s25, $0xb8;
	[tilespmem:$0x1D000] =	vst v63  }
0x6c: {  	_ =	swait.ge [sflag:s29], $0x4000  }
0x6d: {  	[sflag:s29] =	ssyncset.done $0x0  }
0x6e: {  	s17 =	sor.u32 $0xA80, s7;
	[sflag:s29] =	ssyncadd.s32 $0xFFFFC000  }
0x6f: {  	[spmem:s2] =	stream.indirect.scatter.add.f32 [tilespmem:s28], [sflag:$0x6], $0x80, s17, s25, $0xb8;
	[tilespmem:$0x1D000] =	vst v63  }
0x70: {  	_ =	swait.ge [sflag:s30], $0x4000  }
0x71: {  	[sflag:s30] =	ssyncset.done $0x0  }
0x72: {  	s18 =	sor.u32 $0x300, s7;
	[sflag:s30] =	ssyncadd.s32 $0xFFFFC000  }
0x73: {  	[tilespmem:s22], [sflag:$0x3] =	stream.indirect.gather [hbm4b:s4+s25], $0x80, s18, s25, $0xb8;
	[tilespmem:$0x1D000] =	vst v63  }
0x74: {  	_ =	swait.ge [sflag:s26], $0x4000  }
0x75: {  	[sflag:s26] =	ssyncset.done $0x0  }
0x76: {  	s19 =	sor.u32 $0xB00, s7;
	[sflag:s26] =	ssyncadd.s32 $0xFFFFC000  }
0x77: {  	[spmem:s2] =	stream.indirect.scatter.add.f32 [tilespmem:s22], [sflag:$0x5], $0x80, s19, s25, $0xb8;
	[tilespmem:$0x1D000] =	vst v63  }
0x78: {  	_ =	swait.ge [sflag:s31], $0x4000  }
0x79: {  	[sflag:s31] =	ssyncset.done $0x0  }
0x7a: {  	s20 =	sor.u32 $0x380, s7;
	[sflag:s31] =	ssyncadd.s32 $0xFFFFC000  }
0x7b: {  	[tilespmem:s28], [sflag:$0x4] =	stream.indirect.gather [hbm4b:s4+s25], $0x80, s20, s25, $0xb8;
	[tilespmem:$0x1D000] =	vst v63  }
0x7c: {  	_ =	swait.ge [sflag:s29], $0x4000  }
0x7d: {  	[sflag:s29] =	ssyncset.done $0x0  }
0x7e: {  	s7 =	sor.u32 $0xB80, s7;
	[sflag:s29] =	ssyncadd.s32 $0xFFFFC000  }
0x7f: {  	[spmem:s2] =	stream.indirect.scatter.add.f32 [tilespmem:s28], [sflag:$0x6], $0x80, s7, s25, $0xb8;
	[tilespmem:$0x1D000] =	vst v63  }
0x80: {  	_ =	swait.ge [sflag:s30], $0x4000  }
0x81: {  	[sflag:s30] =	ssyncset.done $0x0  }
0x82: {  	[sflag:s30] =	ssyncadd.s32 $0xFFFFC000  }
0x83: {  	_ =	swait.ge [sflag:s31], $0x4000  }
0x84: {  	[sflag:s31] =	ssyncset.done $0x0  }
0x85: {  	p1 =	sne.s32 s8, $0x2;
	[sflag:s31] =	ssyncadd.s32 $0xFFFFC000  }
.Ltmp1:
0x86: {  	_ =	swait.ge [sflag:s0], $0x400;
	(pc) =	sbr.rel @!p1 .LBB2_4-.Ltmp1, $4  }
0x87: {  	[sflag:s0] =	ssyncset.done $0x0  }
0x88: {  	p0 =	por $0x1, $0x1;
	[sflag:s0] =	ssyncadd.s32 $0xFFFFFC00  }
0x89: {  	s10 =	simm.s32 $0x0;
	s12 =	simm.s32 $0x2;
	_ =	swait.ge [sflag:s1], $0x400  }
0x8a: {  	s7 =	simm.s32 $0x2;
	s17 =	rddreg [dreg:$0x4];
	[sflag:s1] =	ssyncset.done $0x0  }
.LBB2_5:
0x8b: {  	p2 =	seq.s32 s17, s11;
	s17 =	smov.u32 s7  }
0x8c: {  	s19 =	rddreg [dreg:$0x3];
	s17 =	simm.s32 @p2 $0x0  }
0x8d: {  	s17 =	sadd.s32 s19, s17  }
0x8e: {  	s10 =	sadd.s32 $0x400, s10;
	s18 =	smov.u32 s12;
	s19 =	sshll.u32 s17, $0x7  }
0x8f: {  	s11 =	smov.u32 s18;
	s17 =	sand.u32 $0x400, s10;
	s18 =	sand.u32 $0x1FFFFF80, s19  }
0x90: {  	[sflag:s1] =	ssyncadd.s32 $0xFFFFFC00;
	s19 =	sxor.u32 $0x400, s17;
	s20 =	sadd.s32 s5, s18  }
0x91: {  	[tilespmem:s19], [sflag:$0x1] =	stream.linear.gather [hbm4b:s20+s3], $0x400, $0x38;
	[tilespmem:$0x1D000] =	vst v63  }
0x92: {  	s18 =	sadd.s32 s6, s18;
	s20 =	sxor.u32 $0xC00, s17  }
0x93: {  	[tilespmem:s20], [sflag:$0x2] =	stream.linear.gather [hbm4b:s18+s3], $0x400, $0x38;
	[tilespmem:$0x1D000] =	vst v63  }
0x94: {  	_ = 	snop  }
0x95: {  	[tilespmem:s22], [sflag:$0x3] =	stream.indirect.gather [hbm4b:s4+s25], $0x80, s17, s25, $0xb8;
	[tilespmem:$0x1D000] =	vst v63  }
0x96: {  	_ =	swait.ge [sflag:s26], $0x4000  }
0x97: {  	[sflag:s26] =	ssyncset.done $0x0  }
0x98: {  	s19 =	sor.u32 $0x800, s17;
	[sflag:s26] =	ssyncadd.s32 $0xFFFFC000  }
0x99: {  	[spmem:s2] =	stream.indirect.scatter.add.f32 [tilespmem:s22], [sflag:$0x5], $0x80, s19, s25, $0xb8;
	[tilespmem:$0x1D000] =	vst v63  }
0x9a: {  	s20 =	sor.u32 $0x80, s17  }
0x9b: {  	[tilespmem:s28], [sflag:$0x4] =	stream.indirect.gather [hbm4b:s4+s25], $0x80, s20, s25, $0xb8;
	[tilespmem:$0x1D000] =	vst v63  }
0x9c: {  	_ =	swait.ge [sflag:s29], $0x4000  }
0x9d: {  	[sflag:s29] =	ssyncset.done $0x0  }
0x9e: {  	s19 =	sor.u32 $0x880, s17;
	[sflag:s29] =	ssyncadd.s32 $0xFFFFC000  }
0x9f: {  	[spmem:s2] =	stream.indirect.scatter.add.f32 [tilespmem:s28], [sflag:$0x6], $0x80, s19, s25, $0xb8;
	[tilespmem:$0x1D000] =	vst v63  }
0xa0: {  	_ =	swait.ge [sflag:s30], $0x4000  }
0xa1: {  	[sflag:s30] =	ssyncset.done $0x0  }
0xa2: {  	s20 =	sor.u32 $0x100, s17;
	[sflag:s30] =	ssyncadd.s32 $0xFFFFC000  }
0xa3: {  	[tilespmem:s22], [sflag:$0x3] =	stream.indirect.gather [hbm4b:s4+s25], $0x80, s20, s25, $0xb8;
	[tilespmem:$0x1D000] =	vst v63  }
0xa4: {  	_ =	swait.ge [sflag:s26], $0x4000  }
0xa5: {  	[sflag:s26] =	ssyncset.done $0x0  }
0xa6: {  	s19 =	sor.u32 $0x900, s17;
	[sflag:s26] =	ssyncadd.s32 $0xFFFFC000  }
0xa7: {  	[spmem:s2] =	stream.indirect.scatter.add.f32 [tilespmem:s22], [sflag:$0x5], $0x80, s19, s25, $0xb8;
	[tilespmem:$0x1D000] =	vst v63  }
0xa8: {  	_ =	swait.ge [sflag:s31], $0x4000  }
0xa9: {  	[sflag:s31] =	ssyncset.done $0x0  }
0xaa: {  	s20 =	sor.u32 $0x180, s17;
	[sflag:s31] =	ssyncadd.s32 $0xFFFFC000  }
0xab: {  	[tilespmem:s28], [sflag:$0x4] =	stream.indirect.gather [hbm4b:s4+s25], $0x80, s20, s25, $0xb8;
	[tilespmem:$0x1D000] =	vst v63  }
0xac: {  	_ =	swait.ge [sflag:s29], $0x4000  }
0xad: {  	[sflag:s29] =	ssyncset.done $0x0  }
0xae: {  	s19 =	sor.u32 $0x980, s17;
	[sflag:s29] =	ssyncadd.s32 $0xFFFFC000  }
0xaf: {  	[spmem:s2] =	stream.indirect.scatter.add.f32 [tilespmem:s28], [sflag:$0x6], $0x80, s19, s25, $0xb8;
	[tilespmem:$0x1D000] =	vst v63  }
0xb0: {  	_ =	swait.ge [sflag:s30], $0x4000  }
0xb1: {  	[sflag:s30] =	ssyncset.done $0x0  }
0xb2: {  	s20 =	sor.u32 $0x200, s17;
	[sflag:s30] =	ssyncadd.s32 $0xFFFFC000  }
0xb3: {  	[tilespmem:s22], [sflag:$0x3] =	stream.indirect.gather [hbm4b:s4+s25], $0x80, s20, s25, $0xb8;
	[tilespmem:$0x1D000] =	vst v63  }
0xb4: {  	_ =	swait.ge [sflag:s26], $0x4000  }
0xb5: {  	[sflag:s26] =	ssyncset.done $0x0  }
0xb6: {  	s19 =	sor.u32 $0xA00, s17;
	[sflag:s26] =	ssyncadd.s32 $0xFFFFC000  }
0xb7: {  	[spmem:s2] =	stream.indirect.scatter.add.f32 [tilespmem:s22], [sflag:$0x5], $0x80, s19, s25, $0xb8;
	[tilespmem:$0x1D000] =	vst v63  }
0xb8: {  	_ =	swait.ge [sflag:s31], $0x4000  }
0xb9: {  	[sflag:s31] =	ssyncset.done $0x0  }
0xba: {  	s20 =	sor.u32 $0x280, s17;
	[sflag:s31] =	ssyncadd.s32 $0xFFFFC000  }
0xbb: {  	[tilespmem:s28], [sflag:$0x4] =	stream.indirect.gather [hbm4b:s4+s25], $0x80, s20, s25, $0xb8;
	[tilespmem:$0x1D000] =	vst v63  }
0xbc: {  	_ =	swait.ge [sflag:s29], $0x4000  }
0xbd: {  	[sflag:s29] =	ssyncset.done $0x0  }
0xbe: {  	s19 =	sor.u32 $0xA80, s17;
	[sflag:s29] =	ssyncadd.s32 $0xFFFFC000  }
0xbf: {  	[spmem:s2] =	stream.indirect.scatter.add.f32 [tilespmem:s28], [sflag:$0x6], $0x80, s19, s25, $0xb8;
	[tilespmem:$0x1D000] =	vst v63  }
0xc0: {  	_ =	swait.ge [sflag:s30], $0x4000  }
0xc1: {  	[sflag:s30] =	ssyncset.done $0x0  }
0xc2: {  	s20 =	sor.u32 $0x300, s17;
	[sflag:s30] =	ssyncadd.s32 $0xFFFFC000  }
0xc3: {  	[tilespmem:s22], [sflag:$0x3] =	stream.indirect.gather [hbm4b:s4+s25], $0x80, s20, s25, $0xb8;
	[tilespmem:$0x1D000] =	vst v63  }
0xc4: {  	_ =	swait.ge [sflag:s26], $0x4000  }
0xc5: {  	[sflag:s26] =	ssyncset.done $0x0  }
0xc6: {  	s19 =	sor.u32 $0xB00, s17;
	[sflag:s26] =	ssyncadd.s32 $0xFFFFC000  }
0xc7: {  	[spmem:s2] =	stream.indirect.scatter.add.f32 [tilespmem:s22], [sflag:$0x5], $0x80, s19, s25, $0xb8;
	[tilespmem:$0x1D000] =	vst v63  }
0xc8: {  	_ =	swait.ge [sflag:s31], $0x4000  }
0xc9: {  	[sflag:s31] =	ssyncset.done $0x0  }
0xca: {  	s20 =	sor.u32 $0x380, s17;
	[sflag:s31] =	ssyncadd.s32 $0xFFFFC000  }
0xcb: {  	[tilespmem:s28], [sflag:$0x4] =	stream.indirect.gather [hbm4b:s4+s25], $0x80, s20, s25, $0xb8;
	[tilespmem:$0x1D000] =	vst v63  }
0xcc: {  	_ =	swait.ge [sflag:s29], $0x4000  }
0xcd: {  	[sflag:s29] =	ssyncset.done $0x0  }
0xce: {  	s17 =	sor.u32 $0xB80, s17;
	[sflag:s29] =	ssyncadd.s32 $0xFFFFC000  }
0xcf: {  	[spmem:s2] =	stream.indirect.scatter.add.f32 [tilespmem:s28], [sflag:$0x6], $0x80, s17, s25, $0xb8;
	[tilespmem:$0x1D000] =	vst v63  }
0xd0: {  	_ =	swait.ge [sflag:s30], $0x4000  }
0xd1: {  	[sflag:s30] =	ssyncset.done $0x0  }
0xd2: {  	[sflag:s30] =	ssyncadd.s32 $0xFFFFC000  }
0xd3: {  	_ =	swait.ge [sflag:s31], $0x4000  }
0xd4: {  	s12 =	sadd.s32 $0x1, s12;
	[sflag:s31] =	ssyncset.done $0x0  }
0xd5: {  	p1 =	sne.s32 s8, s12;
	[sflag:s31] =	ssyncadd.s32 $0xFFFFC000  }
.Ltmp2:
0xd6: {  	_ =	swait.ge [sflag:s0], $0x400;
	(pc) =	sbr.rel @p1 .LBB2_5-.Ltmp2, $4  }
0xd7: {  	[sflag:s0] =	ssyncset.done $0x0  }
0xd8: {  	[sflag:s0] =	ssyncadd.s32 $0xFFFFFC00  }
0xd9: {  	_ =	swait.ge [sflag:s1], $0x400  }
0xda: {  	s7 =	smov.u32 s12;
	s17 =	rddreg [dreg:$0x4];
	[sflag:s1] =	ssyncset.done $0x0  }
0xdb: {  	s12 =	smov.u32 s11;
	s11 =	smov.u32 s7  }
.LBB2_7:
0xdc: {  	p1 =	seq.s32 s17, s12  }
0xdd: {  	s7 =	rddreg [dreg:$0x3];
	s11 =	simm.s32 @p1 $0x0  }
0xde: {  	s10 =	sadd.s32 @p0 $0x400, s10;
	s7 =	sadd.s32 s7, s11;
	s11 =	simm.s32 $0x0  }
0xdf: {  	s17 =	sshll.u32 s7, $0x7;
	s11 =	smov.u32 @p0 s10  }
0xe0: {  	s7 =	sand.u32 $0x400, s11;
	s18 =	sand.u32 $0x1FFFFF80, s17  }
0xe1: {  	[sflag:s1] =	ssyncadd.s32 @p0 $0xFFFFFC00;
	s11 =	sxor.u32 $0x400, s7;
	s12 =	sadd.s32 s5, s18  }
0xe2: {  	[tilespmem:s11], [sflag:$0x1] =	stream.linear.gather [hbm4b:s12+s3], $0x400, $0x38;
	[tilespmem:$0x1D000] =	vst v63  }
0xe3: {  	s19 =	sxor.u32 $0xC00, s7;
	s10 =	sadd.s32 s6, s18  }
0xe4: {  	[tilespmem:s19], [sflag:$0x2] =	stream.linear.gather [hbm4b:s10+s3], $0x400, $0x38;
	[tilespmem:$0x1D000] =	vst v63  }
0xe5: {  	_ = 	snop  }
0xe6: {  	[tilespmem:s22], [sflag:$0x3] =	stream.indirect.gather [hbm4b:s4+s25], $0x80, s7, s25, $0xb8;
	[tilespmem:$0x1D000] =	vst v63  }
0xe7: {  	_ =	swait.ge [sflag:s26], $0x4000  }
0xe8: {  	[sflag:s26] =	ssyncset.done $0x0  }
0xe9: {  	s20 =	sor.u32 $0x800, s7;
	[sflag:s26] =	ssyncadd.s32 $0xFFFFC000  }
0xea: {  	[spmem:s2] =	stream.indirect.scatter.add.f32 [tilespmem:s22], [sflag:$0x5], $0x80, s20, s25, $0xb8;
	[tilespmem:$0x1D000] =	vst v63  }
0xeb: {  	s11 =	sor.u32 $0x80, s7  }
0xec: {  	[tilespmem:s28], [sflag:$0x4] =	stream.indirect.gather [hbm4b:s4+s25], $0x80, s11, s25, $0xb8;
	[tilespmem:$0x1D000] =	vst v63  }
0xed: {  	_ =	swait.ge [sflag:s29], $0x4000  }
0xee: {  	[sflag:s29] =	ssyncset.done $0x0  }
0xef: {  	s12 =	sor.u32 $0x880, s7;
	[sflag:s29] =	ssyncadd.s32 $0xFFFFC000  }
0xf0: {  	[spmem:s2] =	stream.indirect.scatter.add.f32 [tilespmem:s28], [sflag:$0x6], $0x80, s12, s25, $0xb8;
	[tilespmem:$0x1D000] =	vst v63  }
0xf1: {  	_ =	swait.ge [sflag:s30], $0x4000  }
0xf2: {  	[sflag:s30] =	ssyncset.done $0x0  }
0xf3: {  	s17 =	sor.u32 $0x100, s7;
	[sflag:s30] =	ssyncadd.s32 $0xFFFFC000  }
0xf4: {  	[tilespmem:s22], [sflag:$0x3] =	stream.indirect.gather [hbm4b:s4+s25], $0x80, s17, s25, $0xb8;
	[tilespmem:$0x1D000] =	vst v63  }
0xf5: {  	_ =	swait.ge [sflag:s26], $0x4000  }
0xf6: {  	[sflag:s26] =	ssyncset.done $0x0  }
0xf7: {  	s18 =	sor.u32 $0x900, s7;
	[sflag:s26] =	ssyncadd.s32 $0xFFFFC000  }
0xf8: {  	[spmem:s2] =	stream.indirect.scatter.add.f32 [tilespmem:s22], [sflag:$0x5], $0x80, s18, s25, $0xb8;
	[tilespmem:$0x1D000] =	vst v63  }
0xf9: {  	_ =	swait.ge [sflag:s31], $0x4000  }
0xfa: {  	[sflag:s31] =	ssyncset.done $0x0  }
0xfb: {  	s19 =	sor.u32 $0x180, s7;
	[sflag:s31] =	ssyncadd.s32 $0xFFFFC000  }
0xfc: {  	[tilespmem:s28], [sflag:$0x4] =	stream.indirect.gather [hbm4b:s4+s25], $0x80, s19, s25, $0xb8;
	[tilespmem:$0x1D000] =	vst v63  }
0xfd: {  	_ =	swait.ge [sflag:s29], $0x4000  }
0xfe: {  	[sflag:s29] =	ssyncset.done $0x0  }
0xff: {  	s20 =	sor.u32 $0x980, s7;
	[sflag:s29] =	ssyncadd.s32 $0xFFFFC000  }
0x100: {  	[spmem:s2] =	stream.indirect.scatter.add.f32 [tilespmem:s28], [sflag:$0x6], $0x80, s20, s25, $0xb8;
	[tilespmem:$0x1D000] =	vst v63  }
0x101: {  	_ =	swait.ge [sflag:s30], $0x4000  }
0x102: {  	[sflag:s30] =	ssyncset.done $0x0  }
0x103: {  	s11 =	sor.u32 $0x200, s7;
	[sflag:s30] =	ssyncadd.s32 $0xFFFFC000  }
0x104: {  	[tilespmem:s22], [sflag:$0x3] =	stream.indirect.gather [hbm4b:s4+s25], $0x80, s11, s25, $0xb8;
	[tilespmem:$0x1D000] =	vst v63  }
0x105: {  	_ =	swait.ge [sflag:s26], $0x4000  }
0x106: {  	[sflag:s26] =	ssyncset.done $0x0  }
0x107: {  	s12 =	sor.u32 $0xA00, s7;
	[sflag:s26] =	ssyncadd.s32 $0xFFFFC000  }
0x108: {  	[spmem:s2] =	stream.indirect.scatter.add.f32 [tilespmem:s22], [sflag:$0x5], $0x80, s12, s25, $0xb8;
	[tilespmem:$0x1D000] =	vst v63  }
0x109: {  	_ =	swait.ge [sflag:s31], $0x4000  }
0x10a: {  	[sflag:s31] =	ssyncset.done $0x0  }
0x10b: {  	s17 =	sor.u32 $0x280, s7;
	[sflag:s31] =	ssyncadd.s32 $0xFFFFC000  }
0x10c: {  	[tilespmem:s28], [sflag:$0x4] =	stream.indirect.gather [hbm4b:s4+s25], $0x80, s17, s25, $0xb8;
	[tilespmem:$0x1D000] =	vst v63  }
0x10d: {  	_ =	swait.ge [sflag:s29], $0x4000  }
0x10e: {  	[sflag:s29] =	ssyncset.done $0x0  }
0x10f: {  	s18 =	sor.u32 $0xA80, s7;
	[sflag:s29] =	ssyncadd.s32 $0xFFFFC000  }
0x110: {  	[spmem:s2] =	stream.indirect.scatter.add.f32 [tilespmem:s28], [sflag:$0x6], $0x80, s18, s25, $0xb8;
	[tilespmem:$0x1D000] =	vst v63  }
0x111: {  	_ =	swait.ge [sflag:s30], $0x4000  }
0x112: {  	[sflag:s30] =	ssyncset.done $0x0  }
0x113: {  	s19 =	sor.u32 $0x300, s7;
	[sflag:s30] =	ssyncadd.s32 $0xFFFFC000  }
0x114: {  	[tilespmem:s22], [sflag:$0x3] =	stream.indirect.gather [hbm4b:s4+s25], $0x80, s19, s25, $0xb8;
	[tilespmem:$0x1D000] =	vst v63  }
0x115: {  	_ =	swait.ge [sflag:s26], $0x4000  }
0x116: {  	[sflag:s26] =	ssyncset.done $0x0  }
0x117: {  	s20 =	sor.u32 $0xB00, s7;
	[sflag:s26] =	ssyncadd.s32 $0xFFFFC000  }
0x118: {  	[spmem:s2] =	stream.indirect.scatter.add.f32 [tilespmem:s22], [sflag:$0x5], $0x80, s20, s25, $0xb8;
	[tilespmem:$0x1D000] =	vst v63  }
0x119: {  	_ =	swait.ge [sflag:s31], $0x4000  }
0x11a: {  	[sflag:s31] =	ssyncset.done $0x0  }
0x11b: {  	s11 =	sor.u32 $0x380, s7;
	[sflag:s31] =	ssyncadd.s32 $0xFFFFC000  }
0x11c: {  	[tilespmem:s28], [sflag:$0x4] =	stream.indirect.gather [hbm4b:s4+s25], $0x80, s11, s25, $0xb8;
	[tilespmem:$0x1D000] =	vst v63  }
0x11d: {  	_ =	swait.ge [sflag:s29], $0x4000  }
0x11e: {  	[sflag:s29] =	ssyncset.done $0x0  }
0x11f: {  	s7 =	sor.u32 $0xB80, s7;
	[sflag:s29] =	ssyncadd.s32 $0xFFFFC000  }
0x120: {  	[spmem:s2] =	stream.indirect.scatter.add.f32 [tilespmem:s28], [sflag:$0x6], $0x80, s7, s25, $0xb8;
	[tilespmem:$0x1D000] =	vst v63  }
0x121: {  	_ =	swait.ge [sflag:s30], $0x4000  }
0x122: {  	[sflag:s30] =	ssyncset.done $0x0  }
0x123: {  	[sflag:s30] =	ssyncadd.s32 $0xFFFFC000  }
0x124: {  	_ =	swait.ge [sflag:s31], $0x4000  }
0x125: {  	[sflag:s31] =	ssyncset.done $0x0  }
0x126: {  	[sflag:s31] =	ssyncadd.s32 $0xFFFFC000  }
0x127: {  	_ =	swait.ge [sflag:s0], $0x400  }
0x128: {  	[sflag:s0] =	ssyncset.done $0x0  }
0x129: {  	[sflag:s0] =	ssyncadd.s32 $0xFFFFFC00  }
0x12a: {  	_ =	swait.ge [sflag:s1], $0x400  }
0x12b: {  	[sflag:s1] =	ssyncset.done $0x0  }
0x12c: {  	[sflag:s1] =	ssyncadd.s32 $0xFFFFFC00  }
0x12d: {  	[bflag:$0x0] =	sbarrier.arrive $0xFFFF  }
0x12e: {  	[tilespmem:s22], [sflag:$0x7] =	stream.linear.gather [spmem:s9], $0x4000, $0x38;
	[tilespmem:$0x1D000] =	vst v63  }
0x12f: {  	_ =	swait.ge [sflag:s23], $0x4000  }
0x130: {  	[sflag:s23] =	ssyncset.done $0x0  }
0x131: {  	s12 =	rddreg [dreg:$0x9];
	[sflag:s23] =	ssyncadd.s32 $0xFFFFC000  }
0x132: {  	[hbm4b:s12+s3] =	stream.linear.scatter [tilespmem:s22], [sflag:$0x7], $0x4000, $0x38;
	[tilespmem:$0x1D000] =	vst v63  }
0x133: {  	_ =	swait.ge [sflag:s23], $0x4000  }
0x134: {  	[sflag:s23] =	ssyncset.done $0x0  }
0x135: {  	[sflag:s23] =	ssyncadd.s32 $0xFFFFC000  }
0x136: {  	[tilespmem:s22], [sflag:$0x7] =	stream.linear.gather [spmem:s13], $0x4000, $0x38;
	[tilespmem:$0x1D000] =	vst v63  }
0x137: {  	_ =	swait.ge [sflag:s23], $0x4000  }
0x138: {  	[sflag:s23] =	ssyncset.done $0x0  }
0x139: {  	s17 =	rddreg [dreg:$0xa];
	[sflag:s23] =	ssyncadd.s32 $0xFFFFC000  }
0x13a: {  	[hbm4b:s17+s3] =	stream.linear.scatter [tilespmem:s22], [sflag:$0x7], $0x4000, $0x38;
	[tilespmem:$0x1D000] =	vst v63  }
0x13b: {  	_ =	swait.ge [sflag:s23], $0x4000  }
0x13c: {  	[sflag:s23] =	ssyncset.done $0x0  }
0x13d: {  	[sflag:s23] =	ssyncadd.s32 $0xFFFFC000  }
0x13e: {  	[tilespmem:s22], [sflag:$0x7] =	stream.linear.gather [spmem:s14], $0x4000, $0x38;
	[tilespmem:$0x1D000] =	vst v63  }
0x13f: {  	_ =	swait.ge [sflag:s23], $0x4000  }
0x140: {  	[sflag:s23] =	ssyncset.done $0x0  }
0x141: {  	s18 =	rddreg [dreg:$0xb];
	[sflag:s23] =	ssyncadd.s32 $0xFFFFC000  }
0x142: {  	[hbm4b:s18+s3] =	stream.linear.scatter [tilespmem:s22], [sflag:$0x7], $0x4000, $0x38;
	[tilespmem:$0x1D000] =	vst v63  }
0x143: {  	_ =	swait.ge [sflag:s23], $0x4000  }
0x144: {  	[sflag:s23] =	ssyncset.done $0x0  }
0x145: {  	[sflag:s23] =	ssyncadd.s32 $0xFFFFC000  }
0x146: {  	[tilespmem:s22], [sflag:$0x7] =	stream.linear.gather [spmem:s15], $0x4000, $0x38;
	[tilespmem:$0x1D000] =	vst v63  }
0x147: {  	_ =	swait.ge [sflag:s23], $0x4000  }
0x148: {  	[sflag:s23] =	ssyncset.done $0x0  }
0x149: {  	s19 =	rddreg [dreg:$0xc];
	[sflag:s23] =	ssyncadd.s32 $0xFFFFC000  }
0x14a: {  	[hbm4b:s19+s3] =	stream.linear.scatter [tilespmem:s22], [sflag:$0x7], $0x4000, $0x38;
	[tilespmem:$0x1D000] =	vst v63  }
0x14b: {  	_ =	swait.ge [sflag:s23], $0x4000  }
0x14c: {  	[sflag:s23] =	ssyncset.done $0x0  }
0x14d: {  	[sflag:s23] =	ssyncadd.s32 $0xFFFFC000  }
0x14e: {  	[tilespmem:s22], [sflag:$0x7] =	stream.linear.gather [spmem:s16], $0x4000, $0x38;
	[tilespmem:$0x1D000] =	vst v63  }
0x14f: {  	_ =	swait.ge [sflag:s23], $0x4000  }
0x150: {  	[sflag:s23] =	ssyncset.done $0x0  }
0x151: {  	[sflag:s23] =	ssyncadd.s32 $0xFFFFC000  }
0x152: {  	[hbm4b:s21+s3] =	stream.linear.scatter [tilespmem:s22], [sflag:$0x7], $0x4000, $0x38;
	[tilespmem:$0x1D000] =	vst v63  }
0x153: {  	_ =	swait.ge [sflag:s23], $0x4000  }
0x154: {  	s24 =	sadd.s32 $0x1, s24;
	s20 =	rddreg [dreg:$0x8]  }
0x155: {  	p0 =	sne.s32 s24, s20  }
.Ltmp3:
0x156: {  	_ = 	snop;
	(pc) =	sbr.rel @p0 .LBB2_1-.Ltmp3, $4  }
.Ltmp4:
0x157: {  	_ = 	snop;
	(pc) =	sbr.rel @!p0 .LBB2_8-.Ltmp4, $4  }
0x158: {  	_ = 	snop  }
0x159: {  	[sflag:s23] =	ssyncset.done $0x0  }
0x15a: {  	[sflag:s23] =	ssyncadd.s32 $0xFFFFC000  }
0x15b: {  	_ = 	snop  }
.LBB2_2:
.Ltmp5:
0x15c: {  	(pc) =	sbr.rel .LBB2_7-.Ltmp5, $2  }
0x15d: {  	_ =	sdelay $0x2  }
0x15e: {  	s10 =	simm.s32 $0x0;
	s12 =	simm.s32 $0x0  }
.LBB2_4:
.Ltmp6:
0x15f: {  	(pc) =	sbr.rel .LBB2_7-.Ltmp6, $2  }
0x160: {  	_ =	sdelay $0x2  }
0x161: {  	s10 =	simm.s32 $0x0;
	s12 =	simm.s32 $0x1;
	s11 =	simm.s32 $0x2  }
.LBB2_8:
0x162: {  	_ =	sfence.sel $0x180000  }
0x163: {  	[bflag:$0x0] =	sbarrier.arrive $0xFFFF  }
0x164: {  	_ =	strace $0x90000047  }
0x165: {  	s0 =	stileid.u32;
	[bflag:$0x2] =	sbarrier.arrive $0xFFFF  }
0x166: {  	p0 =	sne.s32 s0, $0x0;
	s0 =	rddreg [dreg:$0x2]  }
0x167: {  	s0 =	sadd.s32 @!p0 $0x100000, s0  }
0x168: {  	[sflag:s0] =	ssyncadd.tile.s32 @!p0 $0x1;
	_ =	shalt  }
.Lfunc_end2:
_tile_overlayer_lowered:
.L_overlay_start_2:
0x169: {  	(tag) =	ssettag $0x2  }
0x16a: {  	s0 =	rddreg [dreg:$0x0];
	s2 =	stileid.u32  }
0x16b: {  	s1 =	rddreg [dreg:$0x1];
	p0 =	sne.s32 s2, $0x0  }
0x16c: {  	s3 =	rddreg [dreg:$0x2];
	[bflag:$0x3] =	sbarrier.arrive $0xFFFF;
	s2 =	simm.s32 @!p0 $0x1C07  }
0x16d: {  	[timem:s3], [sflag:s2] =	dma.local @!p0 [hbm:s0], s1  }
0x16e: {  	s0 =	simm.s32 @!p0 $0x7  }
0x16f: {  	_ =	swait.ge @!p0 [sflag:s0], s1  }
0x170: {  	s1 =	ssub.s32 @!p0 $0x0, s1;
	[sflag:s0] =	ssyncset.done @!p0 $0x0  }
0x171: {  	[sflag:s0] =	ssyncadd.s32 @!p0 s1  }
0x172: {  	[bflag:$0x3] =	sbarrier.arrive $0xFFFF  }
0x173: {  	_ =	shalt  }

// kernel: kernel.18.cloned.1.call-start
scs
__scs_entry_jumppad:
0x0: {  	(pc) =	sbr.rel $0x88, $3  }
0x1: {  	(tag) =	ssettag $0x0;
	lr =	simm.s32 $0x1  }
0x2: {  	[smem:$0x3F9A] =	sst lr;
	_ =	strace $0xD0000000  }
0x3: {  	_ = 	snop  }
0x4: {  	_ = 	snop  }
0x5: {  	_ = 	snop  }
0x6: {  	_ = 	snop  }
0x7: {  	_ = 	snop  }
__scs_overlays_trampoline_lowered:
0x8: {  	[smem:$0x3FA9] =	sst s0  }
0x9: {  	[smem:$0x3FAA] =	sst s1  }
0xa: {  	[smem:$0x3FAB] =	sst s2  }
0xb: {  	[smem:$0x3FAC] =	sst s3  }
0xc: {  	[smem:$0x3FAD] =	sst s4  }
0xd: {  	[smem:$0x3FAE] =	sst s5  }
0xe: {  	[smem:$0x3FAF] =	sst s6  }
0xf: {  	[smem:$0x3FB0] =	sst s7  }
0x10: {  	[smem:$0x3FB1] =	sst s8  }
0x11: {  	[smem:$0x3FB2] =	sst s9;
	s0 =	simm.s32 @!p0 $0x0  }
0x12: {  	s1 =	sld [smem:$0x3F98];
	s0 =	simm.s32 @p0 $0x1  }
0x13: {  	[smem:$0x3FB3] =	sst s0;
	s0 =	simm.s32 @!p1 $0x0  }
0x14: {  	s2 =	sld [smem:$0x3F97];
	s0 =	simm.s32 @p1 $0x1  }
0x15: {  	[smem:$0x3FB4] =	sst s0;
	s0 =	simm.s32 @!p2 $0x0  }
0x16: {  	s3 =	sld [smem:$0x3FDB];
	s0 =	simm.s32 @p2 $0x1  }
0x17: {  	s4 =	simm.s32 $0x1BF5;
	[smem:$0x3FB6] =	sst s0  }
0x18: {  	s0 =	sld [smem:$0x3F99];
	_ =	swait.ge [sflag:s4], $0x0  }
0x19: {  	s7 =	sld [smem:$0x3F9A]  }
0x1a: {  	s8 =	sadd.s32 $0xFFFFE003, lr  }
0x1b: {  	s9 =	sadd.s32 $0xFFFFFEF7, lr;
	s5 =	simm.s32 $0xFFFFFFFF;
	p2 =	slt.u32 s8, $0xFFFFF086  }
0x1c: {  	p1 =	slt.u32 s9, $0xF7A;
	s5 =	simm.s32 @!p2 $0x0  }
0x1d: {  	s5 =	simm.s32 @p1 $0x1;
	p0 =	seq.s32 s7, s2  }
0x1e: {  	s7 =	smul.u32 @!p0 $0xF7A, s2;
	p2 =	seq.s32 @!p0 s5, $0x0  }
0x1f: {  	s9 =	smul.u32 $0xF7A, s1;
	s8 =	simm.s32 @!p0 $0x1BF5;
	p2 =	por !p2, p0  }
0x20: {  	[sflag:s8] =	ssyncset.s32 @!p0 $0xFFFFF086;
	s6 =	sadd.s32 @!p0 s3, s7;
	s7 =	simm.s32 @!p0 $0x108  }
0x21: {  	s3 =	sadd.s32 s3, s9;
	s6 =	sadd.s32 @!p0 $0x88, s6;
	s7 =	simm.s32 @p2 $0x1082  }
0x22: {  	[simem:s7], [sflag:s8] =	dma.local @!p0 [hbm:s6], $0xF7A  }
0x23: {  	s9 =	sor.u32 $0xD0000000, s2;
	s6 =	simm.s32 $0x108;
	_ =	swait.ge @!p0 [sflag:s8], $0x0  }
0x24: {  	s3 =	sadd.s32 $0x88, s3;
	s6 =	simm.s32 @!p1 $0x1082;
	[sflag:s4] =	ssyncset.s32 $0xFFFFF086  }
0x25: {  	[simem:s6], [sflag:s4] =	dma.local [hbm:s3], $0xF7A  }
0x26: {  	[smem:$0x3F9A] =	sst s1;
	(tag) =	ssettag s2;
	_ =	strace s9  }
0x27: {  	s1 =	sld [smem:$0x3FAA]  }
0x28: {  	s2 =	sld [smem:$0x3FAB]  }
0x29: {  	s4 =	sld [smem:$0x3FAD]  }
0x2a: {  	p0 =	seq.s32 s5, $0x0;
	s5 =	sld [smem:$0x3FAE]  }
0x2b: {  	s6 =	sld [smem:$0x3FAF]  }
0x2c: {  	s7 =	sld [smem:$0x3FB0]  }
0x2d: {  	s3 =	simm.s32 $0x108;
	s8 =	sld [smem:$0x3FB1]  }
0x2e: {  	s3 =	simm.s32 @!p0 $0x1082;
	s9 =	sld [smem:$0x3FB2]  }
0x2f: {  	lr =	sadd.s32 s0, s3;
	s0 =	sld [smem:$0x3FA9]  }
0x30: {  	s3 =	sld [smem:$0x3FAC]  }
0x31: {  	[smem:$0x3FB5] =	sst s10  }
0x32: {  	s10 =	sld [smem:$0x3FB3];
	_ =	sdelay $0x3  }
0x33: {  	p0 =	seq.s32 s10, $0x1;
	s10 =	sld [smem:$0x3FB5];
	_ =	sdelay $0x3  }
0x34: {  	[smem:$0x3FB5] =	sst s10  }
0x35: {  	s10 =	sld [smem:$0x3FB4];
	_ =	sdelay $0x3  }
0x36: {  	p1 =	seq.s32 s10, $0x1;
	s10 =	sld [smem:$0x3FB5];
	_ =	sdelay $0x3  }
0x37: {  	[smem:$0x3FB5] =	sst s10  }
0x38: {  	s10 =	sld [smem:$0x3FB6]  }
0x39: {  	_ = 	snop;
	(pc) =	sbr.ind lr, $3  }
0x3a: {  	_ = 	snop  }
0x3b: {  	_ = 	snop  }
0x3c: {  	p2 =	seq.s32 s10, $0x1;
	s10 =	sld [smem:$0x3FB5]  }
0x3d: {  	_ =	shalt  }
0x3e: {  	_ =	shalt  }
0x3f: {  	_ =	shalt  }
0x40: {  	_ =	shalt  }
0x41: {  	_ =	shalt  }
0x42: {  	_ =	shalt  }
0x43: {  	_ =	shalt  }
0x44: {  	_ =	shalt  }
0x45: {  	_ =	shalt  }
0x46: {  	_ =	shalt  }
0x47: {  	_ =	shalt  }
0x48: {  	_ =	shalt  }
0x49: {  	_ =	shalt  }
0x4a: {  	_ =	shalt  }
0x4b: {  	_ =	shalt  }
0x4c: {  	_ =	shalt  }
0x4d: {  	_ =	shalt  }
0x4e: {  	_ =	shalt  }
0x4f: {  	_ =	shalt  }
0x50: {  	_ =	shalt  }
0x51: {  	_ =	shalt  }
0x52: {  	_ =	shalt  }
0x53: {  	_ =	shalt  }
0x54: {  	_ =	shalt  }
0x55: {  	_ =	shalt  }
0x56: {  	_ =	shalt  }
0x57: {  	_ =	shalt  }
0x58: {  	_ =	shalt  }
0x59: {  	_ =	shalt  }
0x5a: {  	_ =	shalt  }
0x5b: {  	_ =	shalt  }
0x5c: {  	_ =	shalt  }
0x5d: {  	_ =	shalt  }
0x5e: {  	_ =	shalt  }
0x5f: {  	_ =	shalt  }
0x60: {  	_ =	shalt  }
0x61: {  	_ =	shalt  }
0x62: {  	_ =	shalt  }
0x63: {  	_ =	shalt  }
0x64: {  	_ =	shalt  }
0x65: {  	_ =	shalt  }
0x66: {  	_ =	shalt  }
0x67: {  	_ =	shalt  }
0x68: {  	_ =	shalt  }
0x69: {  	_ =	shalt  }
0x6a: {  	_ =	shalt  }
0x6b: {  	_ =	shalt  }
0x6c: {  	_ =	shalt  }
0x6d: {  	_ =	shalt  }
0x6e: {  	_ =	shalt  }
0x6f: {  	_ =	shalt  }
0x70: {  	_ =	shalt  }
0x71: {  	_ =	shalt  }
0x72: {  	_ =	shalt  }
0x73: {  	_ =	shalt  }
0x74: {  	_ =	shalt  }
0x75: {  	_ =	shalt  }
0x76: {  	_ =	shalt  }
0x77: {  	_ =	shalt  }
0x78: {  	_ =	shalt  }
0x79: {  	_ =	shalt  }
0x7a: {  	_ =	shalt  }
0x7b: {  	_ =	shalt  }
0x7c: {  	_ =	shalt  }
0x7d: {  	_ =	shalt  }
0x7e: {  	_ =	shalt  }
0x7f: {  	_ =	shalt  }
0x80: {  	_ =	shalt  }
0x81: {  	_ =	shalt  }
0x82: {  	_ =	shalt  }
0x83: {  	_ =	shalt  }
0x84: {  	_ =	shalt  }
0x85: {  	_ =	shalt  }
0x86: {  	_ =	shalt  }
0x87: {  	_ =	shalt  }
.Lfunc_end0:
.L_simem_size_0:
called_computation.2_lowered:
.L_overlay_start_0:
0x88: {  	s2 =	sld [smem:$0x3FD9]  }
0x89: {  	s3 =	sld [smem:$0x3FFE];
	_ =	sdelay $0x1  }
0x8a: {  	s1 =	srdreg.scid  }
0x8b: {  	s0 =	sand.u32 $0x1, s1  }
0x8c: {  	s16 =	sshll.u32 s0, $0xA;
	s2 =	sadd.s32 s3, s2  }
0x8d: {  	s2 =	sadd.s32 s2, s16  }
0x8e: {  	[smem:$0x3FC1] =	sst s2  }
0x8f: {  	_ = 	snop  }
0x90: {  	(tm) =	ssettm $0x1  }
0x91: {  	s17 =	sld [smem:$0x3FFB];
	_ =	sdelay $0x3  }
0x92: {  	_ =	strace s17  }
0x93: {  	s2 =	sld [smem:$0x3FFC];
	_ =	sdelay $0x3  }
0x94: {  	_ =	strace s2  }
0x95: {  	s2 =	sld [smem:$0x3FFD];
	_ =	sdelay $0x3  }
0x96: {  	_ =	strace s2  }
0x97: {  	_ =	strace $0x8FFFFFFF  }
0x98: {  	s18 =	sld [smem:$0x3FDB];
	_ =	sdelay $0x1  }
0x99: {  	s19 =	simm.s32 $_scs_section_size  }
0x9a: {  	s4 =	simm.s32 $_size__tile_overlayer_lowered;
	s5 =	simm.s32 $_tile_overlayer_lowered  }
0x9b: {  	s22 =	simm.s32 $0x1BFF;
	s21 =	sshll.u32 s5, $0x1;
	s2 =	sadd.s32 s19, s18  }
0x9c: {  	s6 =	simm.s32 $0x0;
	s20 =	sshll.u32 s4, $0x1;
	s4 =	sadd.s32 s21, s2  }
0x9d: {  	[timem:s6], [sflag:s22] =	dma.local [hbm:s4], s20  }
0x9e: {  	_ =	swait.ge [sflag:s22], s20  }
0x9f: {  	s3 =	ssub.s32 $0x0, s20;
	[sflag:s22] =	ssyncset.done $0x0  }
0xa0: {  	[sflag:s22] =	ssyncadd.s32 s3;
	_ =	sdelay $0x1  }
0xa1: {  	s23 =	simm.s32 $0x1B8B  }
0xa2: {  	_ =	swait.ge [sflag:s23], $0x1  }
0xa3: {  	[sflag:s23] =	ssyncset.done $0x0  }
0xa4: {  	s25 =	simm.s32 $0x1B8E;
	s24 =	sld [smem:$0x3FFE];
	[sflag:s23] =	ssyncadd.s32 $0xFFFFFFFF  }
0xa5: {  	s26 =	simm.s32 $execute0_lowered;
	[smem:$0x3FD2] =	sst s25  }
0xa6: {  	s4 =	sshll.u32 s26, $0x1;
	_ =	strace $0x8000004C;
	[dreg:$0x1] =	wrdreg $0xFFFFFFFF  }
0xa7: {  	s28 =	simm.s32 $_size_execute0_lowered;
	s2 =	sadd.s32 s2, s4;
	[dreg:$0x0] =	wrdreg $0x0  }
0xa8: {  	s4 =	sshll.u32 s28, $0x1;
	[dreg:$0x2] =	wrdreg s2  }
0xa9: {  	[dreg:$0x3] =	wrdreg s4  }
0xaa: {  	[dreg:$0x4] =	wrdreg $0xC0  }
0xab: {  	_ =	task [dreg:s6], $0x5FFFF  }
0xac: {  	[dreg:$0x1] =	wrdreg $0xFFFFFFFF  }
0xad: {  	[dreg:$0x0] =	wrdreg $0x60  }
0xae: {  	[dreg:$0x2] =	wrdreg s24  }
0xaf: {  	[dreg:$0x3] =	wrdreg $0x90000  }
0xb0: {  	[dreg:$0x4] =	wrdreg $0x9  }
0xb1: {  	_ =	task.clear_ibuf [dreg:s6], $0x5FFFF;
	_ =	strace $0x9000004C  }
0xb2: {  	s29 =	simm.s32 $0x9;
	_ =	strace $0x8000004E  }
0xb3: {  	_ =	swait.ge [sflag:s29], $0x1  }
0xb4: {  	[sflag:s29] =	ssyncadd.s32 $0xFFFFFFFF  }
0xb5: {  	_ =	strace $0x9000004E  }
0xb6: {  	_ =	sfence  }
0xb7: {  	s30 =	sld [smem:$0x0];
	_ =	sdelay $0x2  }
0xb8: {  	s31 =	sshll.u32 s1, $0xD;
	s1 =	sshrl.u32 s1, $0x2  }
0xb9: {  	s3 =	sand.u32 $0x4000, s31;
	s1 =	sadd.s32 s1, s30  }
0xba: {  	s0 =	sor.u32 s3, s0;
	s1 =	sshll.u32 s1, $0x11  }
0xbb: {  	s0 =	sor.u32 s1, s0  }
0xbc: {  	s0 =	sadd.s32 $0x8F2B, s0  }
0xbd: {  	[sflag:s0] =	ssyncadd.remote.s32 $0x1  }
0xbe: {  	_ =	sfence.sel $0xFFFF  }
0xbf: {  	[dreg:$0x0] =	wrdreg $0xFFFFFFFF;
	(pc) =	sbr.abs _section_cstart, $3  }
0xc0: {  	[dreg:$0x1] =	wrdreg $0xFFFFFFFF  }
0xc1: {  	_ =	task.clear_ibuf [dreg:s6], $0x2FFFF;
	_ =	strace $0x9FFFFFFF  }
0xc2: {  	(tm) =	ssettm $0x7FFFFFFF  }
0xc3: {  	_ =	shalt  }
tec
execute0_lowered:
.L_overlay_start_1:
0x0: {  	(tag) =	ssettag $0x1  }
0x1: {  	s0 =	rddreg [dreg:$0x0]  }
0x2: {  	s2 =	rddreg [dreg:$0x1];
	s3 =	simm.s32 $0x0  }
0x3: {  	s1 =	srdreg.scid;
	s12 =	stileid.u32;
	s28 =	simm.s32 $0x5000  }
0x4: {  	s29 =	simm.s32 $0x4;
	s30 =	simm.s32 $0x5;
	s31 =	simm.s32 $0x6  }
0x5: {  	[smem:$0x7FF] =	sst s3;
	s1 =	sand.u32 $0x1, s1;
	s7 =	smul.u32 $0x280, s12  }
0x6: {  	s4 =	sadd.s32 $0x17C00, s0;
	s5 =	sadd.s32 $0xDA00, s0;
	s11 =	smul.u32 $0x28, s12  }
0x7: {  	s6 =	sadd.s32 $0x3800, s0;
	s9 =	sadd.s32 $0x3FC00, s0;
	s17 =	smul.u32 $0x50000, s12  }
0x8: {  	_ =	strace $0x8000004D;
	s8 =	smul.u32 $0x2800, s1;
	[dreg:$0x5] =	wrdreg s9  }
0x9: {  	s15 =	ssub.s32 $0x2, s1;
	s9 =	smul.u32 $0x78, s12;
	p0 =	seq.s32 s1, $0x0  }
0xa: {  	s10 =	sshrl.u32 s15, $0x1;
	s1 =	sadd.s32 $0x780, s11;
	s18 =	sshrl.u32 s17, $0x2  }
0xb: {  	s7 =	sadd.s32 s8, s7;
	s16 =	ssub.s32 s15, s10;
	s8 =	simm.s32 $0xF  }
0xc: {  	s1 =	smov.u32 @p0 s9;
	s9 =	sadd.s32 s18, s2;
	s7 =	sshll.u32 s7, $0x4  }
0xd: {  	s8 =	simm.s32 @!p0 $0x5;
	s19 =	sshll.u32 s1, $0x4;
	s1 =	sshrl.u32 s1, $0x3  }
0xe: {  	s21 =	smax.u32 s16, $0x1;
	s13 =	sadd.s32 $0x4000, s9;
	[dreg:$0x3] =	wrdreg s1  }
0xf: {  	s14 =	sadd.s32 $0x8000, s9;
	s20 =	sadd.s32 s5, s19;
	[dreg:$0x8] =	wrdreg s21  }
0x10: {  	s15 =	sadd.s32 $0xC000, s9;
	s10 =	sadd.s32 s6, s19;
	[dreg:$0x6] =	wrdreg s20  }
0x11: {  	s0 =	sadd.s32 s7, s0;
	s25 =	sadd.s32 $0xFFFFFFFF, s8;
	[dreg:$0x7] =	wrdreg s10  }
0x12: {  	s16 =	sadd.s32 $0x10000, s9;
	s22 =	sadd.s32 $0x40400, s0;
	[dreg:$0x4] =	wrdreg s25  }
0x13: {  	s1 =	simm.s32 $0x2;
	s23 =	sadd.s32 $0x40C00, s0;
	[dreg:$0x9] =	wrdreg s22  }
0x14: {  	s24 =	sadd.s32 $0x41400, s0;
	s26 =	sadd.s32 $0x41C00, s0;
	[dreg:$0xa] =	wrdreg s23  }
0x15: {  	s21 =	sadd.s32 $0x42400, s0;
	s25 =	simm.s32 $0x80;
	[dreg:$0xb] =	wrdreg s24  }
0x16: {  	s0 =	simm.s32 $0x1;
	[dreg:$0xc] =	wrdreg s26;
	s22 =	simm.s32 $0x1000  }
0x17: {  	s23 =	simm.s32 $0x7;
	s26 =	simm.s32 $0x3;
	s24 =	simm.s32 $0x0  }
.LBB2_1:
0x18: {  	s7 =	rddreg [dreg:$0x5]  }
0x19: {  	[tilespmem:s22], [sflag:$0x7] =	stream.linear.gather [hbm4b:s7+s3], $0x4000, $0x38;
	[tilespmem:$0x1D000] =	vst v63  }
0x1a: {  	_ =	swait.ge [sflag:s23], $0x4000  }
0x1b: {  	[sflag:s23] =	ssyncset.done $0x0  }
0x1c: {  	[sflag:s23] =	ssyncadd.s32 $0xFFFFC000  }
0x1d: {  	[spmem:s9] =	stream.linear.scatter [tilespmem:s22], [sflag:$0x7], $0x4000, $0x38;
	[tilespmem:$0x1D000] =	vst v63  }
0x1e: {  	_ =	swait.ge [sflag:s23], $0x4000  }
0x1f: {  	[sflag:s23] =	ssyncset.done $0x0  }
0x20: {  	[sflag:s23] =	ssyncadd.s32 $0xFFFFC000  }
0x21: {  	[spmem:s13] =	stream.linear.scatter [tilespmem:s22], [sflag:$0x7], $0x4000, $0x38;
	[tilespmem:$0x1D000] =	vst v63  }
0x22: {  	_ =	swait.ge [sflag:s23], $0x4000  }
0x23: {  	[sflag:s23] =	ssyncset.done $0x0  }
0x24: {  	[sflag:s23] =	ssyncadd.s32 $0xFFFFC000  }
0x25: {  	[spmem:s14] =	stream.linear.scatter [tilespmem:s22], [sflag:$0x7], $0x4000, $0x38;
	[tilespmem:$0x1D000] =	vst v63  }
0x26: {  	_ =	swait.ge [sflag:s23], $0x4000  }
0x27: {  	[sflag:s23] =	ssyncset.done $0x0  }
0x28: {  	[sflag:s23] =	ssyncadd.s32 $0xFFFFC000  }
0x29: {  	[spmem:s15] =	stream.linear.scatter [tilespmem:s22], [sflag:$0x7], $0x4000, $0x38;
	[tilespmem:$0x1D000] =	vst v63  }
0x2a: {  	_ =	swait.ge [sflag:s23], $0x4000  }
0x2b: {  	[sflag:s23] =	ssyncset.done $0x0  }
0x2c: {  	[sflag:s23] =	ssyncadd.s32 $0xFFFFC000  }
0x2d: {  	[spmem:s16] =	stream.linear.scatter [tilespmem:s22], [sflag:$0x7], $0x4000, $0x38;
	[tilespmem:$0x1D000] =	vst v63  }
0x2e: {  	_ =	swait.ge [sflag:s23], $0x4000  }
0x2f: {  	[sflag:s23] =	ssyncset.done $0x0  }
0x30: {  	s19 =	rddreg [dreg:$0x6];
	[sflag:s23] =	ssyncadd.s32 $0xFFFFC000  }
0x31: {  	[tilespmem:s3], [sflag:$0x7] =	stream.linear.gather [hbm4b:s19+s3], $0x400, $0x38;
	[tilespmem:$0x1D000] =	vst v63  }
0x32: {  	_ =	swait.ge [sflag:s23], $0x400  }
0x33: {  	s10 =	simm.s32 $0x800;
	[sflag:s23] =	ssyncset.done $0x0  }
0x34: {  	p1 =	sne.s32 s8, $0x1;
	s20 =	rddreg [dreg:$0x7];
	[sflag:s23] =	ssyncadd.s32 $0xFFFFFC00  }
0x35: {  	[tilespmem:s10], [sflag:$0x7] =	stream.linear.gather [hbm4b:s20+s3], $0x400, $0x38;
	[tilespmem:$0x1D000] =	vst v63  }
.Ltmp0:
0x36: {  	_ =	swait.ge [sflag:s23], $0x400;
	(pc) =	sbr.rel @!p1 .LBB2_2-.Ltmp0, $4  }
0x37: {  	[sflag:s23] =	ssyncset.done $0x0  }
0x38: {  	[sflag:s23] =	ssyncadd.s32 $0xFFFFFC00  }
0x39: {  	[bflag:$0x0] =	sbarrier.arrive $0xFFFF  }
0x3a: {  	s11 =	simm.s32 $0x1;
	p0 =	por $0x0, $0x0;
	s17 =	rddreg [dreg:$0x4]  }
0x3b: {  	p0 =	seq.s32 s17, $0x0;
	s10 =	simm.s32 $0x1  }
0x3c: {  	s7 =	rddreg [dreg:$0x3];
	s10 =	simm.s32 @p0 $0x0  }
0x3d: {  	s7 =	sadd.s32 s7, s10  }
0x3e: {  	s10 =	sshll.u32 s7, $0x7  }
0x3f: {  	s7 =	sand.u32 $0x400, s3;
	s10 =	sand.u32 $0x1FFFFF80, s10  }
0x40: {  	s12 =	sxor.u32 $0x400, s7;
	s19 =	sadd.s32 s5, s10  }
0x41: {  	[tilespmem:s12], [sflag:$0x1] =	stream.linear.gather [hbm4b:s19+s3], $0x400, $0x38;
	[tilespmem:$0x1D000] =	vst v63  }
0x42: {  	s20 =	sxor.u32 $0xC00, s7;
	s10 =	sadd.s32 s6, s10  }
0x43: {  	[tilespmem:s20], [sflag:$0x2] =	stream.linear.gather [hbm4b:s10+s3], $0x400, $0x38;
	[tilespmem:$0x1D000] =	vst v63  }
0x44: {  	_ = 	snop  }
0x45: {  	[tilespmem:s22], [sflag:$0x3] =	stream.indirect.gather [hbm4b:s4+s25], $0x80, s7, s25, $0xb8;
	[tilespmem:$0x1D000] =	vst v63  }
0x46: {  	_ =	swait.ge [sflag:s26], $0x4000  }
0x47: {  	[sflag:s26] =	ssyncset.done $0x0  }
0x48: {  	s17 =	sor.u32 $0x800, s7;
	[sflag:s26] =	ssyncadd.s32 $0xFFFFC000  }
0x49: {  	[spmem:s2] =	stream.indirect.scatter.add.f32 [tilespmem:s22], [sflag:$0x5], $0x80, s17, s25, $0xb8;
	[tilespmem:$0x1D000] =	vst v63  }
0x4a: {  	s18 =	sor.u32 $0x80, s7  }
0x4b: {  	[tilespmem:s28], [sflag:$0x4] =	stream.indirect.gather [hbm4b:s4+s25], $0x80, s18, s25, $0xb8;
	[tilespmem:$0x1D000] =	vst v63  }
0x4c: {  	_ =	swait.ge [sflag:s29], $0x4000  }
0x4d: {  	[sflag:s29] =	ssyncset.done $0x0  }
0x4e: {  	s19 =	sor.u32 $0x880, s7;
	[sflag:s29] =	ssyncadd.s32 $0xFFFFC000  }
0x4f: {  	[spmem:s2] =	stream.indirect.scatter.add.f32 [tilespmem:s28], [sflag:$0x6], $0x80, s19, s25, $0xb8;
	[tilespmem:$0x1D000] =	vst v63  }
0x50: {  	_ =	swait.ge [sflag:s30], $0x4000  }
0x51: {  	[sflag:s30] =	ssyncset.done $0x0  }
0x52: {  	s20 =	sor.u32 $0x100, s7;
	[sflag:s30] =	ssyncadd.s32 $0xFFFFC000  }
0x53: {  	[tilespmem:s22], [sflag:$0x3] =	stream.indirect.gather [hbm4b:s4+s25], $0x80, s20, s25, $0xb8;
	[tilespmem:$0x1D000] =	vst v63  }
0x54: {  	_ =	swait.ge [sflag:s26], $0x4000  }
0x55: {  	[sflag:s26] =	ssyncset.done $0x0  }
0x56: {  	s12 =	sor.u32 $0x900, s7;
	[sflag:s26] =	ssyncadd.s32 $0xFFFFC000  }
0x57: {  	[spmem:s2] =	stream.indirect.scatter.add.f32 [tilespmem:s22], [sflag:$0x5], $0x80, s12, s25, $0xb8;
	[tilespmem:$0x1D000] =	vst v63  }
0x58: {  	_ =	swait.ge [sflag:s31], $0x4000  }
0x59: {  	[sflag:s31] =	ssyncset.done $0x0  }
0x5a: {  	s17 =	sor.u32 $0x180, s7;
	[sflag:s31] =	ssyncadd.s32 $0xFFFFC000  }
0x5b: {  	[tilespmem:s28], [sflag:$0x4] =	stream.indirect.gather [hbm4b:s4+s25], $0x80, s17, s25, $0xb8;
	[tilespmem:$0x1D000] =	vst v63  }
0x5c: {  	_ =	swait.ge [sflag:s29], $0x4000  }
0x5d: {  	[sflag:s29] =	ssyncset.done $0x0  }
0x5e: {  	s18 =	sor.u32 $0x980, s7;
	[sflag:s29] =	ssyncadd.s32 $0xFFFFC000  }
0x5f: {  	[spmem:s2] =	stream.indirect.scatter.add.f32 [tilespmem:s28], [sflag:$0x6], $0x80, s18, s25, $0xb8;
	[tilespmem:$0x1D000] =	vst v63  }
0x60: {  	_ =	swait.ge [sflag:s30], $0x4000  }
0x61: {  	[sflag:s30] =	ssyncset.done $0x0  }
0x62: {  	s19 =	sor.u32 $0x200, s7;
	[sflag:s30] =	ssyncadd.s32 $0xFFFFC000  }
0x63: {  	[tilespmem:s22], [sflag:$0x3] =	stream.indirect.gather [hbm4b:s4+s25], $0x80, s19, s25, $0xb8;
	[tilespmem:$0x1D000] =	vst v63  }
0x64: {  	_ =	swait.ge [sflag:s26], $0x4000  }
0x65: {  	[sflag:s26] =	ssyncset.done $0x0  }
0x66: {  	s20 =	sor.u32 $0xA00, s7;
	[sflag:s26] =	ssyncadd.s32 $0xFFFFC000  }
0x67: {  	[spmem:s2] =	stream.indirect.scatter.add.f32 [tilespmem:s22], [sflag:$0x5], $0x80, s20, s25, $0xb8;
	[tilespmem:$0x1D000] =	vst v63  }
0x68: {  	_ =	swait.ge [sflag:s31], $0x4000  }
0x69: {  	[sflag:s31] =	ssyncset.done $0x0  }
0x6a: {  	s12 =	sor.u32 $0x280, s7;
	[sflag:s31] =	ssyncadd.s32 $0xFFFFC000  }
0x6b: {  	[tilespmem:s28], [sflag:$0x4] =	stream.indirect.gather [hbm4b:s4+s25], $0x80, s12, s25, $0xb8;
	[tilespmem:$0x1D000] =	vst v63  }
0x6c: {  	_ =	swait.ge [sflag:s29], $0x4000  }
0x6d: {  	[sflag:s29] =	ssyncset.done $0x0  }
0x6e: {  	s17 =	sor.u32 $0xA80, s7;
	[sflag:s29] =	ssyncadd.s32 $0xFFFFC000  }
0x6f: {  	[spmem:s2] =	stream.indirect.scatter.add.f32 [tilespmem:s28], [sflag:$0x6], $0x80, s17, s25, $0xb8;
	[tilespmem:$0x1D000] =	vst v63  }
0x70: {  	_ =	swait.ge [sflag:s30], $0x4000  }
0x71: {  	[sflag:s30] =	ssyncset.done $0x0  }
0x72: {  	s18 =	sor.u32 $0x300, s7;
	[sflag:s30] =	ssyncadd.s32 $0xFFFFC000  }
0x73: {  	[tilespmem:s22], [sflag:$0x3] =	stream.indirect.gather [hbm4b:s4+s25], $0x80, s18, s25, $0xb8;
	[tilespmem:$0x1D000] =	vst v63  }
0x74: {  	_ =	swait.ge [sflag:s26], $0x4000  }
0x75: {  	[sflag:s26] =	ssyncset.done $0x0  }
0x76: {  	s19 =	sor.u32 $0xB00, s7;
	[sflag:s26] =	ssyncadd.s32 $0xFFFFC000  }
0x77: {  	[spmem:s2] =	stream.indirect.scatter.add.f32 [tilespmem:s22], [sflag:$0x5], $0x80, s19, s25, $0xb8;
	[tilespmem:$0x1D000] =	vst v63  }
0x78: {  	_ =	swait.ge [sflag:s31], $0x4000  }
0x79: {  	[sflag:s31] =	ssyncset.done $0x0  }
0x7a: {  	s20 =	sor.u32 $0x380, s7;
	[sflag:s31] =	ssyncadd.s32 $0xFFFFC000  }
0x7b: {  	[tilespmem:s28], [sflag:$0x4] =	stream.indirect.gather [hbm4b:s4+s25], $0x80, s20, s25, $0xb8;
	[tilespmem:$0x1D000] =	vst v63  }
0x7c: {  	_ =	swait.ge [sflag:s29], $0x4000  }
0x7d: {  	[sflag:s29] =	ssyncset.done $0x0  }
0x7e: {  	s7 =	sor.u32 $0xB80, s7;
	[sflag:s29] =	ssyncadd.s32 $0xFFFFC000  }
0x7f: {  	[spmem:s2] =	stream.indirect.scatter.add.f32 [tilespmem:s28], [sflag:$0x6], $0x80, s7, s25, $0xb8;
	[tilespmem:$0x1D000] =	vst v63  }
0x80: {  	_ =	swait.ge [sflag:s30], $0x4000  }
0x81: {  	[sflag:s30] =	ssyncset.done $0x0  }
0x82: {  	[sflag:s30] =	ssyncadd.s32 $0xFFFFC000  }
0x83: {  	_ =	swait.ge [sflag:s31], $0x4000  }
0x84: {  	[sflag:s31] =	ssyncset.done $0x0  }
0x85: {  	p1 =	sne.s32 s8, $0x2;
	[sflag:s31] =	ssyncadd.s32 $0xFFFFC000  }
.Ltmp1:
0x86: {  	_ =	swait.ge [sflag:s0], $0x400;
	(pc) =	sbr.rel @!p1 .LBB2_4-.Ltmp1, $4  }
0x87: {  	[sflag:s0] =	ssyncset.done $0x0  }
0x88: {  	p0 =	por $0x1, $0x1;
	[sflag:s0] =	ssyncadd.s32 $0xFFFFFC00  }
0x89: {  	s10 =	simm.s32 $0x0;
	s12 =	simm.s32 $0x2;
	_ =	swait.ge [sflag:s1], $0x400  }
0x8a: {  	s7 =	simm.s32 $0x2;
	s17 =	rddreg [dreg:$0x4];
	[sflag:s1] =	ssyncset.done $0x0  }
.LBB2_5:
0x8b: {  	p2 =	seq.s32 s17, s11;
	s17 =	smov.u32 s7  }
0x8c: {  	s19 =	rddreg [dreg:$0x3];
	s17 =	simm.s32 @p2 $0x0  }
0x8d: {  	s17 =	sadd.s32 s19, s17  }
0x8e: {  	s10 =	sadd.s32 $0x400, s10;
	s18 =	smov.u32 s12;
	s19 =	sshll.u32 s17, $0x7  }
0x8f: {  	s11 =	smov.u32 s18;
	s17 =	sand.u32 $0x400, s10;
	s18 =	sand.u32 $0x1FFFFF80, s19  }
0x90: {  	[sflag:s1] =	ssyncadd.s32 $0xFFFFFC00;
	s19 =	sxor.u32 $0x400, s17;
	s20 =	sadd.s32 s5, s18  }
0x91: {  	[tilespmem:s19], [sflag:$0x1] =	stream.linear.gather [hbm4b:s20+s3], $0x400, $0x38;
	[tilespmem:$0x1D000] =	vst v63  }
0x92: {  	s18 =	sadd.s32 s6, s18;
	s20 =	sxor.u32 $0xC00, s17  }
0x93: {  	[tilespmem:s20], [sflag:$0x2] =	stream.linear.gather [hbm4b:s18+s3], $0x400, $0x38;
	[tilespmem:$0x1D000] =	vst v63  }
0x94: {  	_ = 	snop  }
0x95: {  	[tilespmem:s22], [sflag:$0x3] =	stream.indirect.gather [hbm4b:s4+s25], $0x80, s17, s25, $0xb8;
	[tilespmem:$0x1D000] =	vst v63  }
0x96: {  	_ =	swait.ge [sflag:s26], $0x4000  }
0x97: {  	[sflag:s26] =	ssyncset.done $0x0  }
0x98: {  	s19 =	sor.u32 $0x800, s17;
	[sflag:s26] =	ssyncadd.s32 $0xFFFFC000  }
0x99: {  	[spmem:s2] =	stream.indirect.scatter.add.f32 [tilespmem:s22], [sflag:$0x5], $0x80, s19, s25, $0xb8;
	[tilespmem:$0x1D000] =	vst v63  }
0x9a: {  	s20 =	sor.u32 $0x80, s17  }
0x9b: {  	[tilespmem:s28], [sflag:$0x4] =	stream.indirect.gather [hbm4b:s4+s25], $0x80, s20, s25, $0xb8;
	[tilespmem:$0x1D000] =	vst v63  }
0x9c: {  	_ =	swait.ge [sflag:s29], $0x4000  }
0x9d: {  	[sflag:s29] =	ssyncset.done $0x0  }
0x9e: {  	s19 =	sor.u32 $0x880, s17;
	[sflag:s29] =	ssyncadd.s32 $0xFFFFC000  }
0x9f: {  	[spmem:s2] =	stream.indirect.scatter.add.f32 [tilespmem:s28], [sflag:$0x6], $0x80, s19, s25, $0xb8;
	[tilespmem:$0x1D000] =	vst v63  }
0xa0: {  	_ =	swait.ge [sflag:s30], $0x4000  }
0xa1: {  	[sflag:s30] =	ssyncset.done $0x0  }
0xa2: {  	s20 =	sor.u32 $0x100, s17;
	[sflag:s30] =	ssyncadd.s32 $0xFFFFC000  }
0xa3: {  	[tilespmem:s22], [sflag:$0x3] =	stream.indirect.gather [hbm4b:s4+s25], $0x80, s20, s25, $0xb8;
	[tilespmem:$0x1D000] =	vst v63  }
0xa4: {  	_ =	swait.ge [sflag:s26], $0x4000  }
0xa5: {  	[sflag:s26] =	ssyncset.done $0x0  }
0xa6: {  	s19 =	sor.u32 $0x900, s17;
	[sflag:s26] =	ssyncadd.s32 $0xFFFFC000  }
0xa7: {  	[spmem:s2] =	stream.indirect.scatter.add.f32 [tilespmem:s22], [sflag:$0x5], $0x80, s19, s25, $0xb8;
	[tilespmem:$0x1D000] =	vst v63  }
0xa8: {  	_ =	swait.ge [sflag:s31], $0x4000  }
0xa9: {  	[sflag:s31] =	ssyncset.done $0x0  }
0xaa: {  	s20 =	sor.u32 $0x180, s17;
	[sflag:s31] =	ssyncadd.s32 $0xFFFFC000  }
0xab: {  	[tilespmem:s28], [sflag:$0x4] =	stream.indirect.gather [hbm4b:s4+s25], $0x80, s20, s25, $0xb8;
	[tilespmem:$0x1D000] =	vst v63  }
0xac: {  	_ =	swait.ge [sflag:s29], $0x4000  }
0xad: {  	[sflag:s29] =	ssyncset.done $0x0  }
0xae: {  	s19 =	sor.u32 $0x980, s17;
	[sflag:s29] =	ssyncadd.s32 $0xFFFFC000  }
0xaf: {  	[spmem:s2] =	stream.indirect.scatter.add.f32 [tilespmem:s28], [sflag:$0x6], $0x80, s19, s25, $0xb8;
	[tilespmem:$0x1D000] =	vst v63  }
0xb0: {  	_ =	swait.ge [sflag:s30], $0x4000  }
0xb1: {  	[sflag:s30] =	ssyncset.done $0x0  }
0xb2: {  	s20 =	sor.u32 $0x200, s17;
	[sflag:s30] =	ssyncadd.s32 $0xFFFFC000  }
0xb3: {  	[tilespmem:s22], [sflag:$0x3] =	stream.indirect.gather [hbm4b:s4+s25], $0x80, s20, s25, $0xb8;
	[tilespmem:$0x1D000] =	vst v63  }
0xb4: {  	_ =	swait.ge [sflag:s26], $0x4000  }
0xb5: {  	[sflag:s26] =	ssyncset.done $0x0  }
0xb6: {  	s19 =	sor.u32 $0xA00, s17;
	[sflag:s26] =	ssyncadd.s32 $0xFFFFC000  }
0xb7: {  	[spmem:s2] =	stream.indirect.scatter.add.f32 [tilespmem:s22], [sflag:$0x5], $0x80, s19, s25, $0xb8;
	[tilespmem:$0x1D000] =	vst v63  }
0xb8: {  	_ =	swait.ge [sflag:s31], $0x4000  }
0xb9: {  	[sflag:s31] =	ssyncset.done $0x0  }
0xba: {  	s20 =	sor.u32 $0x280, s17;
	[sflag:s31] =	ssyncadd.s32 $0xFFFFC000  }
0xbb: {  	[tilespmem:s28], [sflag:$0x4] =	stream.indirect.gather [hbm4b:s4+s25], $0x80, s20, s25, $0xb8;
	[tilespmem:$0x1D000] =	vst v63  }
0xbc: {  	_ =	swait.ge [sflag:s29], $0x4000  }
0xbd: {  	[sflag:s29] =	ssyncset.done $0x0  }
0xbe: {  	s19 =	sor.u32 $0xA80, s17;
	[sflag:s29] =	ssyncadd.s32 $0xFFFFC000  }
0xbf: {  	[spmem:s2] =	stream.indirect.scatter.add.f32 [tilespmem:s28], [sflag:$0x6], $0x80, s19, s25, $0xb8;
	[tilespmem:$0x1D000] =	vst v63  }
0xc0: {  	_ =	swait.ge [sflag:s30], $0x4000  }
0xc1: {  	[sflag:s30] =	ssyncset.done $0x0  }
0xc2: {  	s20 =	sor.u32 $0x300, s17;
	[sflag:s30] =	ssyncadd.s32 $0xFFFFC000  }
0xc3: {  	[tilespmem:s22], [sflag:$0x3] =	stream.indirect.gather [hbm4b:s4+s25], $0x80, s20, s25, $0xb8;
	[tilespmem:$0x1D000] =	vst v63  }
0xc4: {  	_ =	swait.ge [sflag:s26], $0x4000  }
0xc5: {  	[sflag:s26] =	ssyncset.done $0x0  }
0xc6: {  	s19 =	sor.u32 $0xB00, s17;
	[sflag:s26] =	ssyncadd.s32 $0xFFFFC000  }
0xc7: {  	[spmem:s2] =	stream.indirect.scatter.add.f32 [tilespmem:s22], [sflag:$0x5], $0x80, s19, s25, $0xb8;
	[tilespmem:$0x1D000] =	vst v63  }
0xc8: {  	_ =	swait.ge [sflag:s31], $0x4000  }
0xc9: {  	[sflag:s31] =	ssyncset.done $0x0  }
0xca: {  	s20 =	sor.u32 $0x380, s17;
	[sflag:s31] =	ssyncadd.s32 $0xFFFFC000  }
0xcb: {  	[tilespmem:s28], [sflag:$0x4] =	stream.indirect.gather [hbm4b:s4+s25], $0x80, s20, s25, $0xb8;
	[tilespmem:$0x1D000] =	vst v63  }
0xcc: {  	_ =	swait.ge [sflag:s29], $0x4000  }
0xcd: {  	[sflag:s29] =	ssyncset.done $0x0  }
0xce: {  	s17 =	sor.u32 $0xB80, s17;
	[sflag:s29] =	ssyncadd.s32 $0xFFFFC000  }
0xcf: {  	[spmem:s2] =	stream.indirect.scatter.add.f32 [tilespmem:s28], [sflag:$0x6], $0x80, s17, s25, $0xb8;
	[tilespmem:$0x1D000] =	vst v63  }
0xd0: {  	_ =	swait.ge [sflag:s30], $0x4000  }
0xd1: {  	[sflag:s30] =	ssyncset.done $0x0  }
0xd2: {  	[sflag:s30] =	ssyncadd.s32 $0xFFFFC000  }
0xd3: {  	_ =	swait.ge [sflag:s31], $0x4000  }
0xd4: {  	s12 =	sadd.s32 $0x1, s12;
	[sflag:s31] =	ssyncset.done $0x0  }
0xd5: {  	p1 =	sne.s32 s8, s12;
	[sflag:s31] =	ssyncadd.s32 $0xFFFFC000  }
.Ltmp2:
0xd6: {  	_ =	swait.ge [sflag:s0], $0x400;
	(pc) =	sbr.rel @p1 .LBB2_5-.Ltmp2, $4  }
0xd7: {  	[sflag:s0] =	ssyncset.done $0x0  }
0xd8: {  	[sflag:s0] =	ssyncadd.s32 $0xFFFFFC00  }
0xd9: {  	_ =	swait.ge [sflag:s1], $0x400  }
0xda: {  	s7 =	smov.u32 s12;
	s17 =	rddreg [dreg:$0x4];
	[sflag:s1] =	ssyncset.done $0x0  }
0xdb: {  	s12 =	smov.u32 s11;
	s11 =	smov.u32 s7  }
.LBB2_7:
0xdc: {  	p1 =	seq.s32 s17, s12  }
0xdd: {  	s7 =	rddreg [dreg:$0x3];
	s11 =	simm.s32 @p1 $0x0  }
0xde: {  	s10 =	sadd.s32 @p0 $0x400, s10;
	s7 =	sadd.s32 s7, s11;
	s11 =	simm.s32 $0x0  }
0xdf: {  	s17 =	sshll.u32 s7, $0x7;
	s11 =	smov.u32 @p0 s10  }
0xe0: {  	s7 =	sand.u32 $0x400, s11;
	s18 =	sand.u32 $0x1FFFFF80, s17  }
0xe1: {  	[sflag:s1] =	ssyncadd.s32 @p0 $0xFFFFFC00;
	s11 =	sxor.u32 $0x400, s7;
	s12 =	sadd.s32 s5, s18  }
0xe2: {  	[tilespmem:s11], [sflag:$0x1] =	stream.linear.gather [hbm4b:s12+s3], $0x400, $0x38;
	[tilespmem:$0x1D000] =	vst v63  }
0xe3: {  	s19 =	sxor.u32 $0xC00, s7;
	s10 =	sadd.s32 s6, s18  }
0xe4: {  	[tilespmem:s19], [sflag:$0x2] =	stream.linear.gather [hbm4b:s10+s3], $0x400, $0x38;
	[tilespmem:$0x1D000] =	vst v63  }
0xe5: {  	_ = 	snop  }
0xe6: {  	[tilespmem:s22], [sflag:$0x3] =	stream.indirect.gather [hbm4b:s4+s25], $0x80, s7, s25, $0xb8;
	[tilespmem:$0x1D000] =	vst v63  }
0xe7: {  	_ =	swait.ge [sflag:s26], $0x4000  }
0xe8: {  	[sflag:s26] =	ssyncset.done $0x0  }
0xe9: {  	s20 =	sor.u32 $0x800, s7;
	[sflag:s26] =	ssyncadd.s32 $0xFFFFC000  }
0xea: {  	[spmem:s2] =	stream.indirect.scatter.add.f32 [tilespmem:s22], [sflag:$0x5], $0x80, s20, s25, $0xb8;
	[tilespmem:$0x1D000] =	vst v63  }
0xeb: {  	s11 =	sor.u32 $0x80, s7  }
0xec: {  	[tilespmem:s28], [sflag:$0x4] =	stream.indirect.gather [hbm4b:s4+s25], $0x80, s11, s25, $0xb8;
	[tilespmem:$0x1D000] =	vst v63  }
0xed: {  	_ =	swait.ge [sflag:s29], $0x4000  }
0xee: {  	[sflag:s29] =	ssyncset.done $0x0  }
0xef: {  	s12 =	sor.u32 $0x880, s7;
	[sflag:s29] =	ssyncadd.s32 $0xFFFFC000  }
0xf0: {  	[spmem:s2] =	stream.indirect.scatter.add.f32 [tilespmem:s28], [sflag:$0x6], $0x80, s12, s25, $0xb8;
	[tilespmem:$0x1D000] =	vst v63  }
0xf1: {  	_ =	swait.ge [sflag:s30], $0x4000  }
0xf2: {  	[sflag:s30] =	ssyncset.done $0x0  }
0xf3: {  	s17 =	sor.u32 $0x100, s7;
	[sflag:s30] =	ssyncadd.s32 $0xFFFFC000  }
0xf4: {  	[tilespmem:s22], [sflag:$0x3] =	stream.indirect.gather [hbm4b:s4+s25], $0x80, s17, s25, $0xb8;
	[tilespmem:$0x1D000] =	vst v63  }
0xf5: {  	_ =	swait.ge [sflag:s26], $0x4000  }
0xf6: {  	[sflag:s26] =	ssyncset.done $0x0  }
0xf7: {  	s18 =	sor.u32 $0x900, s7;
	[sflag:s26] =	ssyncadd.s32 $0xFFFFC000  }
0xf8: {  	[spmem:s2] =	stream.indirect.scatter.add.f32 [tilespmem:s22], [sflag:$0x5], $0x80, s18, s25, $0xb8;
	[tilespmem:$0x1D000] =	vst v63  }
0xf9: {  	_ =	swait.ge [sflag:s31], $0x4000  }
0xfa: {  	[sflag:s31] =	ssyncset.done $0x0  }
0xfb: {  	s19 =	sor.u32 $0x180, s7;
	[sflag:s31] =	ssyncadd.s32 $0xFFFFC000  }
0xfc: {  	[tilespmem:s28], [sflag:$0x4] =	stream.indirect.gather [hbm4b:s4+s25], $0x80, s19, s25, $0xb8;
	[tilespmem:$0x1D000] =	vst v63  }
0xfd: {  	_ =	swait.ge [sflag:s29], $0x4000  }
0xfe: {  	[sflag:s29] =	ssyncset.done $0x0  }
0xff: {  	s20 =	sor.u32 $0x980, s7;
	[sflag:s29] =	ssyncadd.s32 $0xFFFFC000  }
0x100: {  	[spmem:s2] =	stream.indirect.scatter.add.f32 [tilespmem:s28], [sflag:$0x6], $0x80, s20, s25, $0xb8;
	[tilespmem:$0x1D000] =	vst v63  }
0x101: {  	_ =	swait.ge [sflag:s30], $0x4000  }
0x102: {  	[sflag:s30] =	ssyncset.done $0x0  }
0x103: {  	s11 =	sor.u32 $0x200, s7;
	[sflag:s30] =	ssyncadd.s32 $0xFFFFC000  }
0x104: {  	[tilespmem:s22], [sflag:$0x3] =	stream.indirect.gather [hbm4b:s4+s25], $0x80, s11, s25, $0xb8;
	[tilespmem:$0x1D000] =	vst v63  }
0x105: {  	_ =	swait.ge [sflag:s26], $0x4000  }
0x106: {  	[sflag:s26] =	ssyncset.done $0x0  }
0x107: {  	s12 =	sor.u32 $0xA00, s7;
	[sflag:s26] =	ssyncadd.s32 $0xFFFFC000  }
0x108: {  	[spmem:s2] =	stream.indirect.scatter.add.f32 [tilespmem:s22], [sflag:$0x5], $0x80, s12, s25, $0xb8;
	[tilespmem:$0x1D000] =	vst v63  }
0x109: {  	_ =	swait.ge [sflag:s31], $0x4000  }
0x10a: {  	[sflag:s31] =	ssyncset.done $0x0  }
0x10b: {  	s17 =	sor.u32 $0x280, s7;
	[sflag:s31] =	ssyncadd.s32 $0xFFFFC000  }
0x10c: {  	[tilespmem:s28], [sflag:$0x4] =	stream.indirect.gather [hbm4b:s4+s25], $0x80, s17, s25, $0xb8;
	[tilespmem:$0x1D000] =	vst v63  }
0x10d: {  	_ =	swait.ge [sflag:s29], $0x4000  }
0x10e: {  	[sflag:s29] =	ssyncset.done $0x0  }
0x10f: {  	s18 =	sor.u32 $0xA80, s7;
	[sflag:s29] =	ssyncadd.s32 $0xFFFFC000  }
0x110: {  	[spmem:s2] =	stream.indirect.scatter.add.f32 [tilespmem:s28], [sflag:$0x6], $0x80, s18, s25, $0xb8;
	[tilespmem:$0x1D000] =	vst v63  }
0x111: {  	_ =	swait.ge [sflag:s30], $0x4000  }
0x112: {  	[sflag:s30] =	ssyncset.done $0x0  }
0x113: {  	s19 =	sor.u32 $0x300, s7;
	[sflag:s30] =	ssyncadd.s32 $0xFFFFC000  }
0x114: {  	[tilespmem:s22], [sflag:$0x3] =	stream.indirect.gather [hbm4b:s4+s25], $0x80, s19, s25, $0xb8;
	[tilespmem:$0x1D000] =	vst v63  }
0x115: {  	_ =	swait.ge [sflag:s26], $0x4000  }
0x116: {  	[sflag:s26] =	ssyncset.done $0x0  }
0x117: {  	s20 =	sor.u32 $0xB00, s7;
	[sflag:s26] =	ssyncadd.s32 $0xFFFFC000  }
0x118: {  	[spmem:s2] =	stream.indirect.scatter.add.f32 [tilespmem:s22], [sflag:$0x5], $0x80, s20, s25, $0xb8;
	[tilespmem:$0x1D000] =	vst v63  }
0x119: {  	_ =	swait.ge [sflag:s31], $0x4000  }
0x11a: {  	[sflag:s31] =	ssyncset.done $0x0  }
0x11b: {  	s11 =	sor.u32 $0x380, s7;
	[sflag:s31] =	ssyncadd.s32 $0xFFFFC000  }
0x11c: {  	[tilespmem:s28], [sflag:$0x4] =	stream.indirect.gather [hbm4b:s4+s25], $0x80, s11, s25, $0xb8;
	[tilespmem:$0x1D000] =	vst v63  }
0x11d: {  	_ =	swait.ge [sflag:s29], $0x4000  }
0x11e: {  	[sflag:s29] =	ssyncset.done $0x0  }
0x11f: {  	s7 =	sor.u32 $0xB80, s7;
	[sflag:s29] =	ssyncadd.s32 $0xFFFFC000  }
0x120: {  	[spmem:s2] =	stream.indirect.scatter.add.f32 [tilespmem:s28], [sflag:$0x6], $0x80, s7, s25, $0xb8;
	[tilespmem:$0x1D000] =	vst v63  }
0x121: {  	_ =	swait.ge [sflag:s30], $0x4000  }
0x122: {  	[sflag:s30] =	ssyncset.done $0x0  }
0x123: {  	[sflag:s30] =	ssyncadd.s32 $0xFFFFC000  }
0x124: {  	_ =	swait.ge [sflag:s31], $0x4000  }
0x125: {  	[sflag:s31] =	ssyncset.done $0x0  }
0x126: {  	[sflag:s31] =	ssyncadd.s32 $0xFFFFC000  }
0x127: {  	_ =	swait.ge [sflag:s0], $0x400  }
0x128: {  	[sflag:s0] =	ssyncset.done $0x0  }
0x129: {  	[sflag:s0] =	ssyncadd.s32 $0xFFFFFC00  }
0x12a: {  	_ =	swait.ge [sflag:s1], $0x400  }
0x12b: {  	[sflag:s1] =	ssyncset.done $0x0  }
0x12c: {  	[sflag:s1] =	ssyncadd.s32 $0xFFFFFC00  }
0x12d: {  	[bflag:$0x0] =	sbarrier.arrive $0xFFFF  }
0x12e: {  	[tilespmem:s22], [sflag:$0x7] =	stream.linear.gather [spmem:s9], $0x4000, $0x38;
	[tilespmem:$0x1D000] =	vst v63  }
0x12f: {  	_ =	swait.ge [sflag:s23], $0x4000  }
0x130: {  	[sflag:s23] =	ssyncset.done $0x0  }
0x131: {  	s12 =	rddreg [dreg:$0x9];
	[sflag:s23] =	ssyncadd.s32 $0xFFFFC000  }
0x132: {  	[hbm4b:s12+s3] =	stream.linear.scatter [tilespmem:s22], [sflag:$0x7], $0x4000, $0x38;
	[tilespmem:$0x1D000] =	vst v63  }
0x133: {  	_ =	swait.ge [sflag:s23], $0x4000  }
0x134: {  	[sflag:s23] =	ssyncset.done $0x0  }
0x135: {  	[sflag:s23] =	ssyncadd.s32 $0xFFFFC000  }
0x136: {  	[tilespmem:s22], [sflag:$0x7] =	stream.linear.gather [spmem:s13], $0x4000, $0x38;
	[tilespmem:$0x1D000] =	vst v63  }
0x137: {  	_ =	swait.ge [sflag:s23], $0x4000  }
0x138: {  	[sflag:s23] =	ssyncset.done $0x0  }
0x139: {  	s17 =	rddreg [dreg:$0xa];
	[sflag:s23] =	ssyncadd.s32 $0xFFFFC000  }
0x13a: {  	[hbm4b:s17+s3] =	stream.linear.scatter [tilespmem:s22], [sflag:$0x7], $0x4000, $0x38;
	[tilespmem:$0x1D000] =	vst v63  }
0x13b: {  	_ =	swait.ge [sflag:s23], $0x4000  }
0x13c: {  	[sflag:s23] =	ssyncset.done $0x0  }
0x13d: {  	[sflag:s23] =	ssyncadd.s32 $0xFFFFC000  }
0x13e: {  	[tilespmem:s22], [sflag:$0x7] =	stream.linear.gather [spmem:s14], $0x4000, $0x38;
	[tilespmem:$0x1D000] =	vst v63  }
0x13f: {  	_ =	swait.ge [sflag:s23], $0x4000  }
0x140: {  	[sflag:s23] =	ssyncset.done $0x0  }
0x141: {  	s18 =	rddreg [dreg:$0xb];
	[sflag:s23] =	ssyncadd.s32 $0xFFFFC000  }
0x142: {  	[hbm4b:s18+s3] =	stream.linear.scatter [tilespmem:s22], [sflag:$0x7], $0x4000, $0x38;
	[tilespmem:$0x1D000] =	vst v63  }
0x143: {  	_ =	swait.ge [sflag:s23], $0x4000  }
0x144: {  	[sflag:s23] =	ssyncset.done $0x0  }
0x145: {  	[sflag:s23] =	ssyncadd.s32 $0xFFFFC000  }
0x146: {  	[tilespmem:s22], [sflag:$0x7] =	stream.linear.gather [spmem:s15], $0x4000, $0x38;
	[tilespmem:$0x1D000] =	vst v63  }
0x147: {  	_ =	swait.ge [sflag:s23], $0x4000  }
0x148: {  	[sflag:s23] =	ssyncset.done $0x0  }
0x149: {  	s19 =	rddreg [dreg:$0xc];
	[sflag:s23] =	ssyncadd.s32 $0xFFFFC000  }
0x14a: {  	[hbm4b:s19+s3] =	stream.linear.scatter [tilespmem:s22], [sflag:$0x7], $0x4000, $0x38;
	[tilespmem:$0x1D000] =	vst v63  }
0x14b: {  	_ =	swait.ge [sflag:s23], $0x4000  }
0x14c: {  	[sflag:s23] =	ssyncset.done $0x0  }
0x14d: {  	[sflag:s23] =	ssyncadd.s32 $0xFFFFC000  }
0x14e: {  	[tilespmem:s22], [sflag:$0x7] =	stream.linear.gather [spmem:s16], $0x4000, $0x38;
	[tilespmem:$0x1D000] =	vst v63  }
0x14f: {  	_ =	swait.ge [sflag:s23], $0x4000  }
0x150: {  	[sflag:s23] =	ssyncset.done $0x0  }
0x151: {  	[sflag:s23] =	ssyncadd.s32 $0xFFFFC000  }
0x152: {  	[hbm4b:s21+s3] =	stream.linear.scatter [tilespmem:s22], [sflag:$0x7], $0x4000, $0x38;
	[tilespmem:$0x1D000] =	vst v63  }
0x153: {  	_ =	swait.ge [sflag:s23], $0x4000  }
0x154: {  	s24 =	sadd.s32 $0x1, s24;
	s20 =	rddreg [dreg:$0x8]  }
0x155: {  	p0 =	sne.s32 s24, s20  }
.Ltmp3:
0x156: {  	_ = 	snop;
	(pc) =	sbr.rel @p0 .LBB2_1-.Ltmp3, $4  }
.Ltmp4:
0x157: {  	_ = 	snop;
	(pc) =	sbr.rel @!p0 .LBB2_8-.Ltmp4, $4  }
0x158: {  	_ = 	snop  }
0x159: {  	[sflag:s23] =	ssyncset.done $0x0  }
0x15a: {  	[sflag:s23] =	ssyncadd.s32 $0xFFFFC000  }
0x15b: {  	_ = 	snop  }
.LBB2_2:
.Ltmp5:
0x15c: {  	(pc) =	sbr.rel .LBB2_7-.Ltmp5, $2  }
0x15d: {  	_ =	sdelay $0x2  }
0x15e: {  	s10 =	simm.s32 $0x0;
	s12 =	simm.s32 $0x0  }
.LBB2_4:
.Ltmp6:
0x15f: {  	(pc) =	sbr.rel .LBB2_7-.Ltmp6, $2  }
0x160: {  	_ =	sdelay $0x2  }
0x161: {  	s10 =	simm.s32 $0x0;
	s12 =	simm.s32 $0x1;
	s11 =	simm.s32 $0x2  }
.LBB2_8:
0x162: {  	_ =	sfence.sel $0x180000  }
0x163: {  	[bflag:$0x0] =	sbarrier.arrive $0xFFFF  }
0x164: {  	_ =	strace $0x9000004D  }
0x165: {  	s0 =	stileid.u32;
	[bflag:$0x2] =	sbarrier.arrive $0xFFFF  }
0x166: {  	p0 =	sne.s32 s0, $0x0;
	s0 =	rddreg [dreg:$0x2]  }
0x167: {  	s0 =	sadd.s32 @!p0 $0x100000, s0  }
0x168: {  	[sflag:s0] =	ssyncadd.tile.s32 @!p0 $0x1;
	_ =	shalt  }
.Lfunc_end2:
_tile_overlayer_lowered:
.L_overlay_start_2:
0x169: {  	(tag) =	ssettag $0x2  }
0x16a: {  	s0 =	rddreg [dreg:$0x0];
	s2 =	stileid.u32  }
0x16b: {  	s1 =	rddreg [dreg:$0x1];
	p0 =	sne.s32 s2, $0x0  }
0x16c: {  	s3 =	rddreg [dreg:$0x2];
	[bflag:$0x3] =	sbarrier.arrive $0xFFFF;
	s2 =	simm.s32 @!p0 $0x1C07  }
0x16d: {  	[timem:s3], [sflag:s2] =	dma.local @!p0 [hbm:s0], s1  }
0x16e: {  	s0 =	simm.s32 @!p0 $0x7  }
0x16f: {  	_ =	swait.ge @!p0 [sflag:s0], s1  }
0x170: {  	s1 =	ssub.s32 @!p0 $0x0, s1;
	[sflag:s0] =	ssyncset.done @!p0 $0x0  }
0x171: {  	[sflag:s0] =	ssyncadd.s32 @!p0 s1  }
0x172: {  	[bflag:$0x3] =	sbarrier.arrive $0xFFFF  }
0x173: {  	_ =	shalt  }

// kernel: kernel.21.cloned.1.call-start
scs
__scs_entry_jumppad:
0x0: {  	(pc) =	sbr.rel $0x88, $3  }
0x1: {  	(tag) =	ssettag $0x0;
	lr =	simm.s32 $0x1  }
0x2: {  	[smem:$0x3F9A] =	sst lr;
	_ =	strace $0xD0000000  }
0x3: {  	_ = 	snop  }
0x4: {  	_ = 	snop  }
0x5: {  	_ = 	snop  }
0x6: {  	_ = 	snop  }
0x7: {  	_ = 	snop  }
__scs_overlays_trampoline_lowered:
0x8: {  	[smem:$0x3FA9] =	sst s0  }
0x9: {  	[smem:$0x3FAA] =	sst s1  }
0xa: {  	[smem:$0x3FAB] =	sst s2  }
0xb: {  	[smem:$0x3FAC] =	sst s3  }
0xc: {  	[smem:$0x3FAD] =	sst s4  }
0xd: {  	[smem:$0x3FAE] =	sst s5  }
0xe: {  	[smem:$0x3FAF] =	sst s6  }
0xf: {  	[smem:$0x3FB0] =	sst s7  }
0x10: {  	[smem:$0x3FB1] =	sst s8  }
0x11: {  	[smem:$0x3FB2] =	sst s9;
	s0 =	simm.s32 @!p0 $0x0  }
0x12: {  	s1 =	sld [smem:$0x3F98];
	s0 =	simm.s32 @p0 $0x1  }
0x13: {  	[smem:$0x3FB3] =	sst s0;
	s0 =	simm.s32 @!p1 $0x0  }
0x14: {  	s2 =	sld [smem:$0x3F97];
	s0 =	simm.s32 @p1 $0x1  }
0x15: {  	[smem:$0x3FB4] =	sst s0;
	s0 =	simm.s32 @!p2 $0x0  }
0x16: {  	s3 =	sld [smem:$0x3FDB];
	s0 =	simm.s32 @p2 $0x1  }
0x17: {  	s4 =	simm.s32 $0x1BF5;
	[smem:$0x3FB6] =	sst s0  }
0x18: {  	s0 =	sld [smem:$0x3F99];
	_ =	swait.ge [sflag:s4], $0x0  }
0x19: {  	s7 =	sld [smem:$0x3F9A]  }
0x1a: {  	s8 =	sadd.s32 $0xFFFFE003, lr  }
0x1b: {  	s9 =	sadd.s32 $0xFFFFFEF7, lr;
	s5 =	simm.s32 $0xFFFFFFFF;
	p2 =	slt.u32 s8, $0xFFFFF086  }
0x1c: {  	p1 =	slt.u32 s9, $0xF7A;
	s5 =	simm.s32 @!p2 $0x0  }
0x1d: {  	s5 =	simm.s32 @p1 $0x1;
	p0 =	seq.s32 s7, s2  }
0x1e: {  	s7 =	smul.u32 @!p0 $0xF7A, s2;
	p2 =	seq.s32 @!p0 s5, $0x0  }
0x1f: {  	s9 =	smul.u32 $0xF7A, s1;
	s8 =	simm.s32 @!p0 $0x1BF5;
	p2 =	por !p2, p0  }
0x20: {  	[sflag:s8] =	ssyncset.s32 @!p0 $0xFFFFF086;
	s6 =	sadd.s32 @!p0 s3, s7;
	s7 =	simm.s32 @!p0 $0x108  }
0x21: {  	s3 =	sadd.s32 s3, s9;
	s6 =	sadd.s32 @!p0 $0x88, s6;
	s7 =	simm.s32 @p2 $0x1082  }
0x22: {  	[simem:s7], [sflag:s8] =	dma.local @!p0 [hbm:s6], $0xF7A  }
0x23: {  	s9 =	sor.u32 $0xD0000000, s2;
	s6 =	simm.s32 $0x108;
	_ =	swait.ge @!p0 [sflag:s8], $0x0  }
0x24: {  	s3 =	sadd.s32 $0x88, s3;
	s6 =	simm.s32 @!p1 $0x1082;
	[sflag:s4] =	ssyncset.s32 $0xFFFFF086  }
0x25: {  	[simem:s6], [sflag:s4] =	dma.local [hbm:s3], $0xF7A  }
0x26: {  	[smem:$0x3F9A] =	sst s1;
	(tag) =	ssettag s2;
	_ =	strace s9  }
0x27: {  	s1 =	sld [smem:$0x3FAA]  }
0x28: {  	s2 =	sld [smem:$0x3FAB]  }
0x29: {  	s4 =	sld [smem:$0x3FAD]  }
0x2a: {  	p0 =	seq.s32 s5, $0x0;
	s5 =	sld [smem:$0x3FAE]  }
0x2b: {  	s6 =	sld [smem:$0x3FAF]  }
0x2c: {  	s7 =	sld [smem:$0x3FB0]  }
0x2d: {  	s3 =	simm.s32 $0x108;
	s8 =	sld [smem:$0x3FB1]  }
0x2e: {  	s3 =	simm.s32 @!p0 $0x1082;
	s9 =	sld [smem:$0x3FB2]  }
0x2f: {  	lr =	sadd.s32 s0, s3;
	s0 =	sld [smem:$0x3FA9]  }
0x30: {  	s3 =	sld [smem:$0x3FAC]  }
0x31: {  	[smem:$0x3FB5] =	sst s10  }
0x32: {  	s10 =	sld [smem:$0x3FB3];
	_ =	sdelay $0x3  }
0x33: {  	p0 =	seq.s32 s10, $0x1;
	s10 =	sld [smem:$0x3FB5];
	_ =	sdelay $0x3  }
0x34: {  	[smem:$0x3FB5] =	sst s10  }
0x35: {  	s10 =	sld [smem:$0x3FB4];
	_ =	sdelay $0x3  }
0x36: {  	p1 =	seq.s32 s10, $0x1;
	s10 =	sld [smem:$0x3FB5];
	_ =	sdelay $0x3  }
0x37: {  	[smem:$0x3FB5] =	sst s10  }
0x38: {  	s10 =	sld [smem:$0x3FB6]  }
0x39: {  	_ = 	snop;
	(pc) =	sbr.ind lr, $3  }
0x3a: {  	_ = 	snop  }
0x3b: {  	_ = 	snop  }
0x3c: {  	p2 =	seq.s32 s10, $0x1;
	s10 =	sld [smem:$0x3FB5]  }
0x3d: {  	_ =	shalt  }
0x3e: {  	_ =	shalt  }
0x3f: {  	_ =	shalt  }
0x40: {  	_ =	shalt  }
0x41: {  	_ =	shalt  }
0x42: {  	_ =	shalt  }
0x43: {  	_ =	shalt  }
0x44: {  	_ =	shalt  }
0x45: {  	_ =	shalt  }
0x46: {  	_ =	shalt  }
0x47: {  	_ =	shalt  }
0x48: {  	_ =	shalt  }
0x49: {  	_ =	shalt  }
0x4a: {  	_ =	shalt  }
0x4b: {  	_ =	shalt  }
0x4c: {  	_ =	shalt  }
0x4d: {  	_ =	shalt  }
0x4e: {  	_ =	shalt  }
0x4f: {  	_ =	shalt  }
0x50: {  	_ =	shalt  }
0x51: {  	_ =	shalt  }
0x52: {  	_ =	shalt  }
0x53: {  	_ =	shalt  }
0x54: {  	_ =	shalt  }
0x55: {  	_ =	shalt  }
0x56: {  	_ =	shalt  }
0x57: {  	_ =	shalt  }
0x58: {  	_ =	shalt  }
0x59: {  	_ =	shalt  }
0x5a: {  	_ =	shalt  }
0x5b: {  	_ =	shalt  }
0x5c: {  	_ =	shalt  }
0x5d: {  	_ =	shalt  }
0x5e: {  	_ =	shalt  }
0x5f: {  	_ =	shalt  }
0x60: {  	_ =	shalt  }
0x61: {  	_ =	shalt  }
0x62: {  	_ =	shalt  }
0x63: {  	_ =	shalt  }
0x64: {  	_ =	shalt  }
0x65: {  	_ =	shalt  }
0x66: {  	_ =	shalt  }
0x67: {  	_ =	shalt  }
0x68: {  	_ =	shalt  }
0x69: {  	_ =	shalt  }
0x6a: {  	_ =	shalt  }
0x6b: {  	_ =	shalt  }
0x6c: {  	_ =	shalt  }
0x6d: {  	_ =	shalt  }
0x6e: {  	_ =	shalt  }
0x6f: {  	_ =	shalt  }
0x70: {  	_ =	shalt  }
0x71: {  	_ =	shalt  }
0x72: {  	_ =	shalt  }
0x73: {  	_ =	shalt  }
0x74: {  	_ =	shalt  }
0x75: {  	_ =	shalt  }
0x76: {  	_ =	shalt  }
0x77: {  	_ =	shalt  }
0x78: {  	_ =	shalt  }
0x79: {  	_ =	shalt  }
0x7a: {  	_ =	shalt  }
0x7b: {  	_ =	shalt  }
0x7c: {  	_ =	shalt  }
0x7d: {  	_ =	shalt  }
0x7e: {  	_ =	shalt  }
0x7f: {  	_ =	shalt  }
0x80: {  	_ =	shalt  }
0x81: {  	_ =	shalt  }
0x82: {  	_ =	shalt  }
0x83: {  	_ =	shalt  }
0x84: {  	_ =	shalt  }
0x85: {  	_ =	shalt  }
0x86: {  	_ =	shalt  }
0x87: {  	_ =	shalt  }
.Lfunc_end0:
.L_simem_size_0:
called_computation.3_lowered:
.L_overlay_start_0:
0x88: {  	s2 =	sld [smem:$0x3FD9]  }
0x89: {  	s3 =	sld [smem:$0x3FFE];
	_ =	sdelay $0x1  }
0x8a: {  	s1 =	srdreg.scid  }
0x8b: {  	s0 =	sand.u32 $0x1, s1  }
0x8c: {  	s16 =	sshll.u32 s0, $0xA;
	s2 =	sadd.s32 s3, s2  }
0x8d: {  	s2 =	sadd.s32 s2, s16  }
0x8e: {  	[smem:$0x3FC1] =	sst s2  }
0x8f: {  	_ = 	snop  }
0x90: {  	(tm) =	ssettm $0x1  }
0x91: {  	s17 =	sld [smem:$0x3FFB];
	_ =	sdelay $0x3  }
0x92: {  	_ =	strace s17  }
0x93: {  	s2 =	sld [smem:$0x3FFC];
	_ =	sdelay $0x3  }
0x94: {  	_ =	strace s2  }
0x95: {  	s2 =	sld [smem:$0x3FFD];
	_ =	sdelay $0x3  }
0x96: {  	_ =	strace s2  }
0x97: {  	_ =	strace $0x8FFFFFFF  }
0x98: {  	s18 =	sld [smem:$0x3FDB];
	_ =	sdelay $0x1  }
0x99: {  	s19 =	simm.s32 $_scs_section_size  }
0x9a: {  	s4 =	simm.s32 $_size__tile_overlayer_lowered;
	s5 =	simm.s32 $_tile_overlayer_lowered  }
0x9b: {  	s22 =	simm.s32 $0x1BFF;
	s21 =	sshll.u32 s5, $0x1;
	s2 =	sadd.s32 s19, s18  }
0x9c: {  	s6 =	simm.s32 $0x0;
	s20 =	sshll.u32 s4, $0x1;
	s4 =	sadd.s32 s21, s2  }
0x9d: {  	[timem:s6], [sflag:s22] =	dma.local [hbm:s4], s20  }
0x9e: {  	_ =	swait.ge [sflag:s22], s20  }
0x9f: {  	s3 =	ssub.s32 $0x0, s20;
	[sflag:s22] =	ssyncset.done $0x0  }
0xa0: {  	[sflag:s22] =	ssyncadd.s32 s3;
	_ =	sdelay $0x1  }
0xa1: {  	s23 =	simm.s32 $0x1B8B  }
0xa2: {  	_ =	swait.ge [sflag:s23], $0x1  }
0xa3: {  	[sflag:s23] =	ssyncset.done $0x0  }
0xa4: {  	s25 =	simm.s32 $0x1B8E;
	s24 =	sld [smem:$0x3FFE];
	[sflag:s23] =	ssyncadd.s32 $0xFFFFFFFF  }
0xa5: {  	s26 =	simm.s32 $execute0_lowered;
	[smem:$0x3FD2] =	sst s25  }
0xa6: {  	s4 =	sshll.u32 s26, $0x1;
	_ =	strace $0x8000004F;
	[dreg:$0x1] =	wrdreg $0xFFFFFFFF  }
0xa7: {  	s28 =	simm.s32 $_size_execute0_lowered;
	s2 =	sadd.s32 s2, s4;
	[dreg:$0x0] =	wrdreg $0x0  }
0xa8: {  	s4 =	sshll.u32 s28, $0x1;
	[dreg:$0x2] =	wrdreg s2  }
0xa9: {  	[dreg:$0x3] =	wrdreg s4  }
0xaa: {  	[dreg:$0x4] =	wrdreg $0xC0  }
0xab: {  	_ =	task [dreg:s6], $0x5FFFF  }
0xac: {  	[dreg:$0x1] =	wrdreg $0xFFFFFFFF  }
0xad: {  	[dreg:$0x0] =	wrdreg $0x60  }
0xae: {  	[dreg:$0x2] =	wrdreg s24  }
0xaf: {  	[dreg:$0x3] =	wrdreg $0x90000  }
0xb0: {  	[dreg:$0x4] =	wrdreg $0x9  }
0xb1: {  	_ =	task.clear_ibuf [dreg:s6], $0x5FFFF;
	_ =	strace $0x9000004F  }
0xb2: {  	s29 =	simm.s32 $0x9;
	_ =	strace $0x80000051  }
0xb3: {  	_ =	swait.ge [sflag:s29], $0x1  }
0xb4: {  	[sflag:s29] =	ssyncadd.s32 $0xFFFFFFFF  }
0xb5: {  	_ =	strace $0x90000051  }
0xb6: {  	_ =	sfence  }
0xb7: {  	s30 =	sld [smem:$0x0];
	_ =	sdelay $0x2  }
0xb8: {  	s31 =	sshll.u32 s1, $0xD;
	s1 =	sshrl.u32 s1, $0x2  }
0xb9: {  	s3 =	sand.u32 $0x4000, s31;
	s1 =	sadd.s32 s1, s30  }
0xba: {  	s0 =	sor.u32 s3, s0;
	s1 =	sshll.u32 s1, $0x11  }
0xbb: {  	s0 =	sor.u32 s1, s0  }
0xbc: {  	s0 =	sadd.s32 $0x8F2B, s0  }
0xbd: {  	[sflag:s0] =	ssyncadd.remote.s32 $0x1  }
0xbe: {  	_ =	sfence.sel $0xFFFF  }
0xbf: {  	[dreg:$0x0] =	wrdreg $0xFFFFFFFF;
	(pc) =	sbr.abs _section_cstart, $3  }
0xc0: {  	[dreg:$0x1] =	wrdreg $0xFFFFFFFF  }
0xc1: {  	_ =	task.clear_ibuf [dreg:s6], $0x2FFFF;
	_ =	strace $0x9FFFFFFF  }
0xc2: {  	(tm) =	ssettm $0x7FFFFFFF  }
0xc3: {  	_ =	shalt  }
tec
execute0_lowered:
.L_overlay_start_1:
0x0: {  	(tag) =	ssettag $0x1  }
0x1: {  	s0 =	rddreg [dreg:$0x0]  }
0x2: {  	s2 =	rddreg [dreg:$0x1];
	s3 =	simm.s32 $0x0  }
0x3: {  	s1 =	srdreg.scid;
	s12 =	stileid.u32;
	s28 =	simm.s32 $0x5000  }
0x4: {  	s29 =	simm.s32 $0x4;
	s30 =	simm.s32 $0x5;
	s31 =	simm.s32 $0x6  }
0x5: {  	[smem:$0x7FF] =	sst s3;
	s1 =	sand.u32 $0x1, s1;
	s7 =	smul.u32 $0x280, s12  }
0x6: {  	s4 =	sadd.s32 $0x17C00, s0;
	s5 =	sadd.s32 $0xDA00, s0;
	s11 =	smul.u32 $0x28, s12  }
0x7: {  	s6 =	sadd.s32 $0x3800, s0;
	s9 =	sadd.s32 $0x3FC00, s0;
	s17 =	smul.u32 $0x50000, s12  }
0x8: {  	_ =	strace $0x80000050;
	s8 =	smul.u32 $0x2800, s1;
	[dreg:$0x5] =	wrdreg s9  }
0x9: {  	s15 =	ssub.s32 $0x2, s1;
	s9 =	smul.u32 $0x78, s12;
	p0 =	seq.s32 s1, $0x0  }
0xa: {  	s10 =	sshrl.u32 s15, $0x1;
	s1 =	sadd.s32 $0x780, s11;
	s18 =	sshrl.u32 s17, $0x2  }
0xb: {  	s7 =	sadd.s32 s8, s7;
	s16 =	ssub.s32 s15, s10;
	s8 =	simm.s32 $0xF  }
0xc: {  	s1 =	smov.u32 @p0 s9;
	s9 =	sadd.s32 s18, s2;
	s7 =	sshll.u32 s7, $0x4  }
0xd: {  	s8 =	simm.s32 @!p0 $0x5;
	s19 =	sshll.u32 s1, $0x4;
	s1 =	sshrl.u32 s1, $0x3  }
0xe: {  	s21 =	smax.u32 s16, $0x1;
	s13 =	sadd.s32 $0x4000, s9;
	[dreg:$0x3] =	wrdreg s1  }
0xf: {  	s14 =	sadd.s32 $0x8000, s9;
	s20 =	sadd.s32 s5, s19;
	[dreg:$0x8] =	wrdreg s21  }
0x10: {  	s15 =	sadd.s32 $0xC000, s9;
	s10 =	sadd.s32 s6, s19;
	[dreg:$0x6] =	wrdreg s20  }
0x11: {  	s0 =	sadd.s32 s7, s0;
	s25 =	sadd.s32 $0xFFFFFFFF, s8;
	[dreg:$0x7] =	wrdreg s10  }
0x12: {  	s16 =	sadd.s32 $0x10000, s9;
	s22 =	sadd.s32 $0x40400, s0;
	[dreg:$0x4] =	wrdreg s25  }
0x13: {  	s1 =	simm.s32 $0x2;
	s23 =	sadd.s32 $0x40C00, s0;
	[dreg:$0x9] =	wrdreg s22  }
0x14: {  	s24 =	sadd.s32 $0x41400, s0;
	s26 =	sadd.s32 $0x41C00, s0;
	[dreg:$0xa] =	wrdreg s23  }
0x15: {  	s21 =	sadd.s32 $0x42400, s0;
	s25 =	simm.s32 $0x80;
	[dreg:$0xb] =	wrdreg s24  }
0x16: {  	s0 =	simm.s32 $0x1;
	[dreg:$0xc] =	wrdreg s26;
	s22 =	simm.s32 $0x1000  }
0x17: {  	s23 =	simm.s32 $0x7;
	s26 =	simm.s32 $0x3;
	s24 =	simm.s32 $0x0  }
.LBB2_1:
0x18: {  	s7 =	rddreg [dreg:$0x5]  }
0x19: {  	[tilespmem:s22], [sflag:$0x7] =	stream.linear.gather [hbm4b:s7+s3], $0x4000, $0x38;
	[tilespmem:$0x1D000] =	vst v63  }
0x1a: {  	_ =	swait.ge [sflag:s23], $0x4000  }
0x1b: {  	[sflag:s23] =	ssyncset.done $0x0  }
0x1c: {  	[sflag:s23] =	ssyncadd.s32 $0xFFFFC000  }
0x1d: {  	[spmem:s9] =	stream.linear.scatter [tilespmem:s22], [sflag:$0x7], $0x4000, $0x38;
	[tilespmem:$0x1D000] =	vst v63  }
0x1e: {  	_ =	swait.ge [sflag:s23], $0x4000  }
0x1f: {  	[sflag:s23] =	ssyncset.done $0x0  }
0x20: {  	[sflag:s23] =	ssyncadd.s32 $0xFFFFC000  }
0x21: {  	[spmem:s13] =	stream.linear.scatter [tilespmem:s22], [sflag:$0x7], $0x4000, $0x38;
	[tilespmem:$0x1D000] =	vst v63  }
0x22: {  	_ =	swait.ge [sflag:s23], $0x4000  }
0x23: {  	[sflag:s23] =	ssyncset.done $0x0  }
0x24: {  	[sflag:s23] =	ssyncadd.s32 $0xFFFFC000  }
0x25: {  	[spmem:s14] =	stream.linear.scatter [tilespmem:s22], [sflag:$0x7], $0x4000, $0x38;
	[tilespmem:$0x1D000] =	vst v63  }
0x26: {  	_ =	swait.ge [sflag:s23], $0x4000  }
0x27: {  	[sflag:s23] =	ssyncset.done $0x0  }
0x28: {  	[sflag:s23] =	ssyncadd.s32 $0xFFFFC000  }
0x29: {  	[spmem:s15] =	stream.linear.scatter [tilespmem:s22], [sflag:$0x7], $0x4000, $0x38;
	[tilespmem:$0x1D000] =	vst v63  }
0x2a: {  	_ =	swait.ge [sflag:s23], $0x4000  }
0x2b: {  	[sflag:s23] =	ssyncset.done $0x0  }
0x2c: {  	[sflag:s23] =	ssyncadd.s32 $0xFFFFC000  }
0x2d: {  	[spmem:s16] =	stream.linear.scatter [tilespmem:s22], [sflag:$0x7], $0x4000, $0x38;
	[tilespmem:$0x1D000] =	vst v63  }
0x2e: {  	_ =	swait.ge [sflag:s23], $0x4000  }
0x2f: {  	[sflag:s23] =	ssyncset.done $0x0  }
0x30: {  	s19 =	rddreg [dreg:$0x6];
	[sflag:s23] =	ssyncadd.s32 $0xFFFFC000  }
0x31: {  	[tilespmem:s3], [sflag:$0x7] =	stream.linear.gather [hbm4b:s19+s3], $0x400, $0x38;
	[tilespmem:$0x1D000] =	vst v63  }
0x32: {  	_ =	swait.ge [sflag:s23], $0x400  }
0x33: {  	s10 =	simm.s32 $0x800;
	[sflag:s23] =	ssyncset.done $0x0  }
0x34: {  	p1 =	sne.s32 s8, $0x1;
	s20 =	rddreg [dreg:$0x7];
	[sflag:s23] =	ssyncadd.s32 $0xFFFFFC00  }
0x35: {  	[tilespmem:s10], [sflag:$0x7] =	stream.linear.gather [hbm4b:s20+s3], $0x400, $0x38;
	[tilespmem:$0x1D000] =	vst v63  }
.Ltmp0:
0x36: {  	_ =	swait.ge [sflag:s23], $0x400;
	(pc) =	sbr.rel @!p1 .LBB2_2-.Ltmp0, $4  }
0x37: {  	[sflag:s23] =	ssyncset.done $0x0  }
0x38: {  	[sflag:s23] =	ssyncadd.s32 $0xFFFFFC00  }
0x39: {  	[bflag:$0x0] =	sbarrier.arrive $0xFFFF  }
0x3a: {  	s11 =	simm.s32 $0x1;
	p0 =	por $0x0, $0x0;
	s17 =	rddreg [dreg:$0x4]  }
0x3b: {  	p0 =	seq.s32 s17, $0x0;
	s10 =	simm.s32 $0x1  }
0x3c: {  	s7 =	rddreg [dreg:$0x3];
	s10 =	simm.s32 @p0 $0x0  }
0x3d: {  	s7 =	sadd.s32 s7, s10  }
0x3e: {  	s10 =	sshll.u32 s7, $0x7  }
0x3f: {  	s7 =	sand.u32 $0x400, s3;
	s10 =	sand.u32 $0x1FFFFF80, s10  }
0x40: {  	s12 =	sxor.u32 $0x400, s7;
	s19 =	sadd.s32 s5, s10  }
0x41: {  	[tilespmem:s12], [sflag:$0x1] =	stream.linear.gather [hbm4b:s19+s3], $0x400, $0x38;
	[tilespmem:$0x1D000] =	vst v63  }
0x42: {  	s20 =	sxor.u32 $0xC00, s7;
	s10 =	sadd.s32 s6, s10  }
0x43: {  	[tilespmem:s20], [sflag:$0x2] =	stream.linear.gather [hbm4b:s10+s3], $0x400, $0x38;
	[tilespmem:$0x1D000] =	vst v63  }
0x44: {  	_ = 	snop  }
0x45: {  	[tilespmem:s22], [sflag:$0x3] =	stream.indirect.gather [hbm4b:s4+s25], $0x80, s7, s25, $0xb8;
	[tilespmem:$0x1D000] =	vst v63  }
0x46: {  	_ =	swait.ge [sflag:s26], $0x4000  }
0x47: {  	[sflag:s26] =	ssyncset.done $0x0  }
0x48: {  	s17 =	sor.u32 $0x800, s7;
	[sflag:s26] =	ssyncadd.s32 $0xFFFFC000  }
0x49: {  	[spmem:s2] =	stream.indirect.scatter.add.f32 [tilespmem:s22], [sflag:$0x5], $0x80, s17, s25, $0xb8;
	[tilespmem:$0x1D000] =	vst v63  }
0x4a: {  	s18 =	sor.u32 $0x80, s7  }
0x4b: {  	[tilespmem:s28], [sflag:$0x4] =	stream.indirect.gather [hbm4b:s4+s25], $0x80, s18, s25, $0xb8;
	[tilespmem:$0x1D000] =	vst v63  }
0x4c: {  	_ =	swait.ge [sflag:s29], $0x4000  }
0x4d: {  	[sflag:s29] =	ssyncset.done $0x0  }
0x4e: {  	s19 =	sor.u32 $0x880, s7;
	[sflag:s29] =	ssyncadd.s32 $0xFFFFC000  }
0x4f: {  	[spmem:s2] =	stream.indirect.scatter.add.f32 [tilespmem:s28], [sflag:$0x6], $0x80, s19, s25, $0xb8;
	[tilespmem:$0x1D000] =	vst v63  }
0x50: {  	_ =	swait.ge [sflag:s30], $0x4000  }
0x51: {  	[sflag:s30] =	ssyncset.done $0x0  }
0x52: {  	s20 =	sor.u32 $0x100, s7;
	[sflag:s30] =	ssyncadd.s32 $0xFFFFC000  }
0x53: {  	[tilespmem:s22], [sflag:$0x3] =	stream.indirect.gather [hbm4b:s4+s25], $0x80, s20, s25, $0xb8;
	[tilespmem:$0x1D000] =	vst v63  }
0x54: {  	_ =	swait.ge [sflag:s26], $0x4000  }
0x55: {  	[sflag:s26] =	ssyncset.done $0x0  }
0x56: {  	s12 =	sor.u32 $0x900, s7;
	[sflag:s26] =	ssyncadd.s32 $0xFFFFC000  }
0x57: {  	[spmem:s2] =	stream.indirect.scatter.add.f32 [tilespmem:s22], [sflag:$0x5], $0x80, s12, s25, $0xb8;
	[tilespmem:$0x1D000] =	vst v63  }
0x58: {  	_ =	swait.ge [sflag:s31], $0x4000  }
0x59: {  	[sflag:s31] =	ssyncset.done $0x0  }
0x5a: {  	s17 =	sor.u32 $0x180, s7;
	[sflag:s31] =	ssyncadd.s32 $0xFFFFC000  }
0x5b: {  	[tilespmem:s28], [sflag:$0x4] =	stream.indirect.gather [hbm4b:s4+s25], $0x80, s17, s25, $0xb8;
	[tilespmem:$0x1D000] =	vst v63  }
0x5c: {  	_ =	swait.ge [sflag:s29], $0x4000  }
0x5d: {  	[sflag:s29] =	ssyncset.done $0x0  }
0x5e: {  	s18 =	sor.u32 $0x980, s7;
	[sflag:s29] =	ssyncadd.s32 $0xFFFFC000  }
0x5f: {  	[spmem:s2] =	stream.indirect.scatter.add.f32 [tilespmem:s28], [sflag:$0x6], $0x80, s18, s25, $0xb8;
	[tilespmem:$0x1D000] =	vst v63  }
0x60: {  	_ =	swait.ge [sflag:s30], $0x4000  }
0x61: {  	[sflag:s30] =	ssyncset.done $0x0  }
0x62: {  	s19 =	sor.u32 $0x200, s7;
	[sflag:s30] =	ssyncadd.s32 $0xFFFFC000  }
0x63: {  	[tilespmem:s22], [sflag:$0x3] =	stream.indirect.gather [hbm4b:s4+s25], $0x80, s19, s25, $0xb8;
	[tilespmem:$0x1D000] =	vst v63  }
0x64: {  	_ =	swait.ge [sflag:s26], $0x4000  }
0x65: {  	[sflag:s26] =	ssyncset.done $0x0  }
0x66: {  	s20 =	sor.u32 $0xA00, s7;
	[sflag:s26] =	ssyncadd.s32 $0xFFFFC000  }
0x67: {  	[spmem:s2] =	stream.indirect.scatter.add.f32 [tilespmem:s22], [sflag:$0x5], $0x80, s20, s25, $0xb8;
	[tilespmem:$0x1D000] =	vst v63  }
0x68: {  	_ =	swait.ge [sflag:s31], $0x4000  }
0x69: {  	[sflag:s31] =	ssyncset.done $0x0  }
0x6a: {  	s12 =	sor.u32 $0x280, s7;
	[sflag:s31] =	ssyncadd.s32 $0xFFFFC000  }
0x6b: {  	[tilespmem:s28], [sflag:$0x4] =	stream.indirect.gather [hbm4b:s4+s25], $0x80, s12, s25, $0xb8;
	[tilespmem:$0x1D000] =	vst v63  }
0x6c: {  	_ =	swait.ge [sflag:s29], $0x4000  }
0x6d: {  	[sflag:s29] =	ssyncset.done $0x0  }
0x6e: {  	s17 =	sor.u32 $0xA80, s7;
	[sflag:s29] =	ssyncadd.s32 $0xFFFFC000  }
0x6f: {  	[spmem:s2] =	stream.indirect.scatter.add.f32 [tilespmem:s28], [sflag:$0x6], $0x80, s17, s25, $0xb8;
	[tilespmem:$0x1D000] =	vst v63  }
0x70: {  	_ =	swait.ge [sflag:s30], $0x4000  }
0x71: {  	[sflag:s30] =	ssyncset.done $0x0  }
0x72: {  	s18 =	sor.u32 $0x300, s7;
	[sflag:s30] =	ssyncadd.s32 $0xFFFFC000  }
0x73: {  	[tilespmem:s22], [sflag:$0x3] =	stream.indirect.gather [hbm4b:s4+s25], $0x80, s18, s25, $0xb8;
	[tilespmem:$0x1D000] =	vst v63  }
0x74: {  	_ =	swait.ge [sflag:s26], $0x4000  }
0x75: {  	[sflag:s26] =	ssyncset.done $0x0  }
0x76: {  	s19 =	sor.u32 $0xB00, s7;
	[sflag:s26] =	ssyncadd.s32 $0xFFFFC000  }
0x77: {  	[spmem:s2] =	stream.indirect.scatter.add.f32 [tilespmem:s22], [sflag:$0x5], $0x80, s19, s25, $0xb8;
	[tilespmem:$0x1D000] =	vst v63  }
0x78: {  	_ =	swait.ge [sflag:s31], $0x4000  }
0x79: {  	[sflag:s31] =	ssyncset.done $0x0  }
0x7a: {  	s20 =	sor.u32 $0x380, s7;
	[sflag:s31] =	ssyncadd.s32 $0xFFFFC000  }
0x7b: {  	[tilespmem:s28], [sflag:$0x4] =	stream.indirect.gather [hbm4b:s4+s25], $0x80, s20, s25, $0xb8;
	[tilespmem:$0x1D000] =	vst v63  }
0x7c: {  	_ =	swait.ge [sflag:s29], $0x4000  }
0x7d: {  	[sflag:s29] =	ssyncset.done $0x0  }
0x7e: {  	s7 =	sor.u32 $0xB80, s7;
	[sflag:s29] =	ssyncadd.s32 $0xFFFFC000  }
0x7f: {  	[spmem:s2] =	stream.indirect.scatter.add.f32 [tilespmem:s28], [sflag:$0x6], $0x80, s7, s25, $0xb8;
	[tilespmem:$0x1D000] =	vst v63  }
0x80: {  	_ =	swait.ge [sflag:s30], $0x4000  }
0x81: {  	[sflag:s30] =	ssyncset.done $0x0  }
0x82: {  	[sflag:s30] =	ssyncadd.s32 $0xFFFFC000  }
0x83: {  	_ =	swait.ge [sflag:s31], $0x4000  }
0x84: {  	[sflag:s31] =	ssyncset.done $0x0  }
0x85: {  	p1 =	sne.s32 s8, $0x2;
	[sflag:s31] =	ssyncadd.s32 $0xFFFFC000  }
.Ltmp1:
0x86: {  	_ =	swait.ge [sflag:s0], $0x400;
	(pc) =	sbr.rel @!p1 .LBB2_4-.Ltmp1, $4  }
0x87: {  	[sflag:s0] =	ssyncset.done $0x0  }
0x88: {  	p0 =	por $0x1, $0x1;
	[sflag:s0] =	ssyncadd.s32 $0xFFFFFC00  }
0x89: {  	s10 =	simm.s32 $0x0;
	s12 =	simm.s32 $0x2;
	_ =	swait.ge [sflag:s1], $0x400  }
0x8a: {  	s7 =	simm.s32 $0x2;
	s17 =	rddreg [dreg:$0x4];
	[sflag:s1] =	ssyncset.done $0x0  }
.LBB2_5:
0x8b: {  	p2 =	seq.s32 s17, s11;
	s17 =	smov.u32 s7  }
0x8c: {  	s19 =	rddreg [dreg:$0x3];
	s17 =	simm.s32 @p2 $0x0  }
0x8d: {  	s17 =	sadd.s32 s19, s17  }
0x8e: {  	s10 =	sadd.s32 $0x400, s10;
	s18 =	smov.u32 s12;
	s19 =	sshll.u32 s17, $0x7  }
0x8f: {  	s11 =	smov.u32 s18;
	s17 =	sand.u32 $0x400, s10;
	s18 =	sand.u32 $0x1FFFFF80, s19  }
0x90: {  	[sflag:s1] =	ssyncadd.s32 $0xFFFFFC00;
	s19 =	sxor.u32 $0x400, s17;
	s20 =	sadd.s32 s5, s18  }
0x91: {  	[tilespmem:s19], [sflag:$0x1] =	stream.linear.gather [hbm4b:s20+s3], $0x400, $0x38;
	[tilespmem:$0x1D000] =	vst v63  }
0x92: {  	s18 =	sadd.s32 s6, s18;
	s20 =	sxor.u32 $0xC00, s17  }
0x93: {  	[tilespmem:s20], [sflag:$0x2] =	stream.linear.gather [hbm4b:s18+s3], $0x400, $0x38;
	[tilespmem:$0x1D000] =	vst v63  }
0x94: {  	_ = 	snop  }
0x95: {  	[tilespmem:s22], [sflag:$0x3] =	stream.indirect.gather [hbm4b:s4+s25], $0x80, s17, s25, $0xb8;
	[tilespmem:$0x1D000] =	vst v63  }
0x96: {  	_ =	swait.ge [sflag:s26], $0x4000  }
0x97: {  	[sflag:s26] =	ssyncset.done $0x0  }
0x98: {  	s19 =	sor.u32 $0x800, s17;
	[sflag:s26] =	ssyncadd.s32 $0xFFFFC000  }
0x99: {  	[spmem:s2] =	stream.indirect.scatter.add.f32 [tilespmem:s22], [sflag:$0x5], $0x80, s19, s25, $0xb8;
	[tilespmem:$0x1D000] =	vst v63  }
0x9a: {  	s20 =	sor.u32 $0x80, s17  }
0x9b: {  	[tilespmem:s28], [sflag:$0x4] =	stream.indirect.gather [hbm4b:s4+s25], $0x80, s20, s25, $0xb8;
	[tilespmem:$0x1D000] =	vst v63  }
0x9c: {  	_ =	swait.ge [sflag:s29], $0x4000  }
0x9d: {  	[sflag:s29] =	ssyncset.done $0x0  }
0x9e: {  	s19 =	sor.u32 $0x880, s17;
	[sflag:s29] =	ssyncadd.s32 $0xFFFFC000  }
0x9f: {  	[spmem:s2] =	stream.indirect.scatter.add.f32 [tilespmem:s28], [sflag:$0x6], $0x80, s19, s25, $0xb8;
	[tilespmem:$0x1D000] =	vst v63  }
0xa0: {  	_ =	swait.ge [sflag:s30], $0x4000  }
0xa1: {  	[sflag:s30] =	ssyncset.done $0x0  }
0xa2: {  	s20 =	sor.u32 $0x100, s17;
	[sflag:s30] =	ssyncadd.s32 $0xFFFFC000  }
0xa3: {  	[tilespmem:s22], [sflag:$0x3] =	stream.indirect.gather [hbm4b:s4+s25], $0x80, s20, s25, $0xb8;
	[tilespmem:$0x1D000] =	vst v63  }
0xa4: {  	_ =	swait.ge [sflag:s26], $0x4000  }
0xa5: {  	[sflag:s26] =	ssyncset.done $0x0  }
0xa6: {  	s19 =	sor.u32 $0x900, s17;
	[sflag:s26] =	ssyncadd.s32 $0xFFFFC000  }
0xa7: {  	[spmem:s2] =	stream.indirect.scatter.add.f32 [tilespmem:s22], [sflag:$0x5], $0x80, s19, s25, $0xb8;
	[tilespmem:$0x1D000] =	vst v63  }
0xa8: {  	_ =	swait.ge [sflag:s31], $0x4000  }
0xa9: {  	[sflag:s31] =	ssyncset.done $0x0  }
0xaa: {  	s20 =	sor.u32 $0x180, s17;
	[sflag:s31] =	ssyncadd.s32 $0xFFFFC000  }
0xab: {  	[tilespmem:s28], [sflag:$0x4] =	stream.indirect.gather [hbm4b:s4+s25], $0x80, s20, s25, $0xb8;
	[tilespmem:$0x1D000] =	vst v63  }
0xac: {  	_ =	swait.ge [sflag:s29], $0x4000  }
0xad: {  	[sflag:s29] =	ssyncset.done $0x0  }
0xae: {  	s19 =	sor.u32 $0x980, s17;
	[sflag:s29] =	ssyncadd.s32 $0xFFFFC000  }
0xaf: {  	[spmem:s2] =	stream.indirect.scatter.add.f32 [tilespmem:s28], [sflag:$0x6], $0x80, s19, s25, $0xb8;
	[tilespmem:$0x1D000] =	vst v63  }
0xb0: {  	_ =	swait.ge [sflag:s30], $0x4000  }
0xb1: {  	[sflag:s30] =	ssyncset.done $0x0  }
0xb2: {  	s20 =	sor.u32 $0x200, s17;
	[sflag:s30] =	ssyncadd.s32 $0xFFFFC000  }
0xb3: {  	[tilespmem:s22], [sflag:$0x3] =	stream.indirect.gather [hbm4b:s4+s25], $0x80, s20, s25, $0xb8;
	[tilespmem:$0x1D000] =	vst v63  }
0xb4: {  	_ =	swait.ge [sflag:s26], $0x4000  }
0xb5: {  	[sflag:s26] =	ssyncset.done $0x0  }
0xb6: {  	s19 =	sor.u32 $0xA00, s17;
	[sflag:s26] =	ssyncadd.s32 $0xFFFFC000  }
0xb7: {  	[spmem:s2] =	stream.indirect.scatter.add.f32 [tilespmem:s22], [sflag:$0x5], $0x80, s19, s25, $0xb8;
	[tilespmem:$0x1D000] =	vst v63  }
0xb8: {  	_ =	swait.ge [sflag:s31], $0x4000  }
0xb9: {  	[sflag:s31] =	ssyncset.done $0x0  }
0xba: {  	s20 =	sor.u32 $0x280, s17;
	[sflag:s31] =	ssyncadd.s32 $0xFFFFC000  }
0xbb: {  	[tilespmem:s28], [sflag:$0x4] =	stream.indirect.gather [hbm4b:s4+s25], $0x80, s20, s25, $0xb8;
	[tilespmem:$0x1D000] =	vst v63  }
0xbc: {  	_ =	swait.ge [sflag:s29], $0x4000  }
0xbd: {  	[sflag:s29] =	ssyncset.done $0x0  }
0xbe: {  	s19 =	sor.u32 $0xA80, s17;
	[sflag:s29] =	ssyncadd.s32 $0xFFFFC000  }
0xbf: {  	[spmem:s2] =	stream.indirect.scatter.add.f32 [tilespmem:s28], [sflag:$0x6], $0x80, s19, s25, $0xb8;
	[tilespmem:$0x1D000] =	vst v63  }
0xc0: {  	_ =	swait.ge [sflag:s30], $0x4000  }
0xc1: {  	[sflag:s30] =	ssyncset.done $0x0  }
0xc2: {  	s20 =	sor.u32 $0x300, s17;
	[sflag:s30] =	ssyncadd.s32 $0xFFFFC000  }
0xc3: {  	[tilespmem:s22], [sflag:$0x3] =	stream.indirect.gather [hbm4b:s4+s25], $0x80, s20, s25, $0xb8;
	[tilespmem:$0x1D000] =	vst v63  }
0xc4: {  	_ =	swait.ge [sflag:s26], $0x4000  }
0xc5: {  	[sflag:s26] =	ssyncset.done $0x0  }
0xc6: {  	s19 =	sor.u32 $0xB00, s17;
	[sflag:s26] =	ssyncadd.s32 $0xFFFFC000  }
0xc7: {  	[spmem:s2] =	stream.indirect.scatter.add.f32 [tilespmem:s22], [sflag:$0x5], $0x80, s19, s25, $0xb8;
	[tilespmem:$0x1D000] =	vst v63  }
0xc8: {  	_ =	swait.ge [sflag:s31], $0x4000  }
0xc9: {  	[sflag:s31] =	ssyncset.done $0x0  }
0xca: {  	s20 =	sor.u32 $0x380, s17;
	[sflag:s31] =	ssyncadd.s32 $0xFFFFC000  }
0xcb: {  	[tilespmem:s28], [sflag:$0x4] =	stream.indirect.gather [hbm4b:s4+s25], $0x80, s20, s25, $0xb8;
	[tilespmem:$0x1D000] =	vst v63  }
0xcc: {  	_ =	swait.ge [sflag:s29], $0x4000  }
0xcd: {  	[sflag:s29] =	ssyncset.done $0x0  }
0xce: {  	s17 =	sor.u32 $0xB80, s17;
	[sflag:s29] =	ssyncadd.s32 $0xFFFFC000  }
0xcf: {  	[spmem:s2] =	stream.indirect.scatter.add.f32 [tilespmem:s28], [sflag:$0x6], $0x80, s17, s25, $0xb8;
	[tilespmem:$0x1D000] =	vst v63  }
0xd0: {  	_ =	swait.ge [sflag:s30], $0x4000  }
0xd1: {  	[sflag:s30] =	ssyncset.done $0x0  }
0xd2: {  	[sflag:s30] =	ssyncadd.s32 $0xFFFFC000  }
0xd3: {  	_ =	swait.ge [sflag:s31], $0x4000  }
0xd4: {  	s12 =	sadd.s32 $0x1, s12;
	[sflag:s31] =	ssyncset.done $0x0  }
0xd5: {  	p1 =	sne.s32 s8, s12;
	[sflag:s31] =	ssyncadd.s32 $0xFFFFC000  }
.Ltmp2:
0xd6: {  	_ =	swait.ge [sflag:s0], $0x400;
	(pc) =	sbr.rel @p1 .LBB2_5-.Ltmp2, $4  }
0xd7: {  	[sflag:s0] =	ssyncset.done $0x0  }
0xd8: {  	[sflag:s0] =	ssyncadd.s32 $0xFFFFFC00  }
0xd9: {  	_ =	swait.ge [sflag:s1], $0x400  }
0xda: {  	s7 =	smov.u32 s12;
	s17 =	rddreg [dreg:$0x4];
	[sflag:s1] =	ssyncset.done $0x0  }
0xdb: {  	s12 =	smov.u32 s11;
	s11 =	smov.u32 s7  }
.LBB2_7:
0xdc: {  	p1 =	seq.s32 s17, s12  }
0xdd: {  	s7 =	rddreg [dreg:$0x3];
	s11 =	simm.s32 @p1 $0x0  }
0xde: {  	s10 =	sadd.s32 @p0 $0x400, s10;
	s7 =	sadd.s32 s7, s11;
	s11 =	simm.s32 $0x0  }
0xdf: {  	s17 =	sshll.u32 s7, $0x7;
	s11 =	smov.u32 @p0 s10  }
0xe0: {  	s7 =	sand.u32 $0x400, s11;
	s18 =	sand.u32 $0x1FFFFF80, s17  }
0xe1: {  	[sflag:s1] =	ssyncadd.s32 @p0 $0xFFFFFC00;
	s11 =	sxor.u32 $0x400, s7;
	s12 =	sadd.s32 s5, s18  }
0xe2: {  	[tilespmem:s11], [sflag:$0x1] =	stream.linear.gather [hbm4b:s12+s3], $0x400, $0x38;
	[tilespmem:$0x1D000] =	vst v63  }
0xe3: {  	s19 =	sxor.u32 $0xC00, s7;
	s10 =	sadd.s32 s6, s18  }
0xe4: {  	[tilespmem:s19], [sflag:$0x2] =	stream.linear.gather [hbm4b:s10+s3], $0x400, $0x38;
	[tilespmem:$0x1D000] =	vst v63  }
0xe5: {  	_ = 	snop  }
0xe6: {  	[tilespmem:s22], [sflag:$0x3] =	stream.indirect.gather [hbm4b:s4+s25], $0x80, s7, s25, $0xb8;
	[tilespmem:$0x1D000] =	vst v63  }
0xe7: {  	_ =	swait.ge [sflag:s26], $0x4000  }
0xe8: {  	[sflag:s26] =	ssyncset.done $0x0  }
0xe9: {  	s20 =	sor.u32 $0x800, s7;
	[sflag:s26] =	ssyncadd.s32 $0xFFFFC000  }
0xea: {  	[spmem:s2] =	stream.indirect.scatter.add.f32 [tilespmem:s22], [sflag:$0x5], $0x80, s20, s25, $0xb8;
	[tilespmem:$0x1D000] =	vst v63  }
0xeb: {  	s11 =	sor.u32 $0x80, s7  }
0xec: {  	[tilespmem:s28], [sflag:$0x4] =	stream.indirect.gather [hbm4b:s4+s25], $0x80, s11, s25, $0xb8;
	[tilespmem:$0x1D000] =	vst v63  }
0xed: {  	_ =	swait.ge [sflag:s29], $0x4000  }
0xee: {  	[sflag:s29] =	ssyncset.done $0x0  }
0xef: {  	s12 =	sor.u32 $0x880, s7;
	[sflag:s29] =	ssyncadd.s32 $0xFFFFC000  }
0xf0: {  	[spmem:s2] =	stream.indirect.scatter.add.f32 [tilespmem:s28], [sflag:$0x6], $0x80, s12, s25, $0xb8;
	[tilespmem:$0x1D000] =	vst v63  }
0xf1: {  	_ =	swait.ge [sflag:s30], $0x4000  }
0xf2: {  	[sflag:s30] =	ssyncset.done $0x0  }
0xf3: {  	s17 =	sor.u32 $0x100, s7;
	[sflag:s30] =	ssyncadd.s32 $0xFFFFC000  }
0xf4: {  	[tilespmem:s22], [sflag:$0x3] =	stream.indirect.gather [hbm4b:s4+s25], $0x80, s17, s25, $0xb8;
	[tilespmem:$0x1D000] =	vst v63  }
0xf5: {  	_ =	swait.ge [sflag:s26], $0x4000  }
0xf6: {  	[sflag:s26] =	ssyncset.done $0x0  }
0xf7: {  	s18 =	sor.u32 $0x900, s7;
	[sflag:s26] =	ssyncadd.s32 $0xFFFFC000  }
0xf8: {  	[spmem:s2] =	stream.indirect.scatter.add.f32 [tilespmem:s22], [sflag:$0x5], $0x80, s18, s25, $0xb8;
	[tilespmem:$0x1D000] =	vst v63  }
0xf9: {  	_ =	swait.ge [sflag:s31], $0x4000  }
0xfa: {  	[sflag:s31] =	ssyncset.done $0x0  }
0xfb: {  	s19 =	sor.u32 $0x180, s7;
	[sflag:s31] =	ssyncadd.s32 $0xFFFFC000  }
0xfc: {  	[tilespmem:s28], [sflag:$0x4] =	stream.indirect.gather [hbm4b:s4+s25], $0x80, s19, s25, $0xb8;
	[tilespmem:$0x1D000] =	vst v63  }
0xfd: {  	_ =	swait.ge [sflag:s29], $0x4000  }
0xfe: {  	[sflag:s29] =	ssyncset.done $0x0  }
0xff: {  	s20 =	sor.u32 $0x980, s7;
	[sflag:s29] =	ssyncadd.s32 $0xFFFFC000  }
0x100: {  	[spmem:s2] =	stream.indirect.scatter.add.f32 [tilespmem:s28], [sflag:$0x6], $0x80, s20, s25, $0xb8;
	[tilespmem:$0x1D000] =	vst v63  }
0x101: {  	_ =	swait.ge [sflag:s30], $0x4000  }
0x102: {  	[sflag:s30] =	ssyncset.done $0x0  }
0x103: {  	s11 =	sor.u32 $0x200, s7;
	[sflag:s30] =	ssyncadd.s32 $0xFFFFC000  }
0x104: {  	[tilespmem:s22], [sflag:$0x3] =	stream.indirect.gather [hbm4b:s4+s25], $0x80, s11, s25, $0xb8;
	[tilespmem:$0x1D000] =	vst v63  }
0x105: {  	_ =	swait.ge [sflag:s26], $0x4000  }
0x106: {  	[sflag:s26] =	ssyncset.done $0x0  }
0x107: {  	s12 =	sor.u32 $0xA00, s7;
	[sflag:s26] =	ssyncadd.s32 $0xFFFFC000  }
0x108: {  	[spmem:s2] =	stream.indirect.scatter.add.f32 [tilespmem:s22], [sflag:$0x5], $0x80, s12, s25, $0xb8;
	[tilespmem:$0x1D000] =	vst v63  }
0x109: {  	_ =	swait.ge [sflag:s31], $0x4000  }
0x10a: {  	[sflag:s31] =	ssyncset.done $0x0  }
0x10b: {  	s17 =	sor.u32 $0x280, s7;
	[sflag:s31] =	ssyncadd.s32 $0xFFFFC000  }
0x10c: {  	[tilespmem:s28], [sflag:$0x4] =	stream.indirect.gather [hbm4b:s4+s25], $0x80, s17, s25, $0xb8;
	[tilespmem:$0x1D000] =	vst v63  }
0x10d: {  	_ =	swait.ge [sflag:s29], $0x4000  }
0x10e: {  	[sflag:s29] =	ssyncset.done $0x0  }
0x10f: {  	s18 =	sor.u32 $0xA80, s7;
	[sflag:s29] =	ssyncadd.s32 $0xFFFFC000  }
0x110: {  	[spmem:s2] =	stream.indirect.scatter.add.f32 [tilespmem:s28], [sflag:$0x6], $0x80, s18, s25, $0xb8;
	[tilespmem:$0x1D000] =	vst v63  }
0x111: {  	_ =	swait.ge [sflag:s30], $0x4000  }
0x112: {  	[sflag:s30] =	ssyncset.done $0x0  }
0x113: {  	s19 =	sor.u32 $0x300, s7;
	[sflag:s30] =	ssyncadd.s32 $0xFFFFC000  }
0x114: {  	[tilespmem:s22], [sflag:$0x3] =	stream.indirect.gather [hbm4b:s4+s25], $0x80, s19, s25, $0xb8;
	[tilespmem:$0x1D000] =	vst v63  }
0x115: {  	_ =	swait.ge [sflag:s26], $0x4000  }
0x116: {  	[sflag:s26] =	ssyncset.done $0x0  }
0x117: {  	s20 =	sor.u32 $0xB00, s7;
	[sflag:s26] =	ssyncadd.s32 $0xFFFFC000  }
0x118: {  	[spmem:s2] =	stream.indirect.scatter.add.f32 [tilespmem:s22], [sflag:$0x5], $0x80, s20, s25, $0xb8;
	[tilespmem:$0x1D000] =	vst v63  }
0x119: {  	_ =	swait.ge [sflag:s31], $0x4000  }
0x11a: {  	[sflag:s31] =	ssyncset.done $0x0  }
0x11b: {  	s11 =	sor.u32 $0x380, s7;
	[sflag:s31] =	ssyncadd.s32 $0xFFFFC000  }
0x11c: {  	[tilespmem:s28], [sflag:$0x4] =	stream.indirect.gather [hbm4b:s4+s25], $0x80, s11, s25, $0xb8;
	[tilespmem:$0x1D000] =	vst v63  }
0x11d: {  	_ =	swait.ge [sflag:s29], $0x4000  }
0x11e: {  	[sflag:s29] =	ssyncset.done $0x0  }
0x11f: {  	s7 =	sor.u32 $0xB80, s7;
	[sflag:s29] =	ssyncadd.s32 $0xFFFFC000  }
0x120: {  	[spmem:s2] =	stream.indirect.scatter.add.f32 [tilespmem:s28], [sflag:$0x6], $0x80, s7, s25, $0xb8;
	[tilespmem:$0x1D000] =	vst v63  }
0x121: {  	_ =	swait.ge [sflag:s30], $0x4000  }
0x122: {  	[sflag:s30] =	ssyncset.done $0x0  }
0x123: {  	[sflag:s30] =	ssyncadd.s32 $0xFFFFC000  }
0x124: {  	_ =	swait.ge [sflag:s31], $0x4000  }
0x125: {  	[sflag:s31] =	ssyncset.done $0x0  }
0x126: {  	[sflag:s31] =	ssyncadd.s32 $0xFFFFC000  }
0x127: {  	_ =	swait.ge [sflag:s0], $0x400  }
0x128: {  	[sflag:s0] =	ssyncset.done $0x0  }
0x129: {  	[sflag:s0] =	ssyncadd.s32 $0xFFFFFC00  }
0x12a: {  	_ =	swait.ge [sflag:s1], $0x400  }
0x12b: {  	[sflag:s1] =	ssyncset.done $0x0  }
0x12c: {  	[sflag:s1] =	ssyncadd.s32 $0xFFFFFC00  }
0x12d: {  	[bflag:$0x0] =	sbarrier.arrive $0xFFFF  }
0x12e: {  	[tilespmem:s22], [sflag:$0x7] =	stream.linear.gather [spmem:s9], $0x4000, $0x38;
	[tilespmem:$0x1D000] =	vst v63  }
0x12f: {  	_ =	swait.ge [sflag:s23], $0x4000  }
0x130: {  	[sflag:s23] =	ssyncset.done $0x0  }
0x131: {  	s12 =	rddreg [dreg:$0x9];
	[sflag:s23] =	ssyncadd.s32 $0xFFFFC000  }
0x132: {  	[hbm4b:s12+s3] =	stream.linear.scatter [tilespmem:s22], [sflag:$0x7], $0x4000, $0x38;
	[tilespmem:$0x1D000] =	vst v63  }
0x133: {  	_ =	swait.ge [sflag:s23], $0x4000  }
0x134: {  	[sflag:s23] =	ssyncset.done $0x0  }
0x135: {  	[sflag:s23] =	ssyncadd.s32 $0xFFFFC000  }
0x136: {  	[tilespmem:s22], [sflag:$0x7] =	stream.linear.gather [spmem:s13], $0x4000, $0x38;
	[tilespmem:$0x1D000] =	vst v63  }
0x137: {  	_ =	swait.ge [sflag:s23], $0x4000  }
0x138: {  	[sflag:s23] =	ssyncset.done $0x0  }
0x139: {  	s17 =	rddreg [dreg:$0xa];
	[sflag:s23] =	ssyncadd.s32 $0xFFFFC000  }
0x13a: {  	[hbm4b:s17+s3] =	stream.linear.scatter [tilespmem:s22], [sflag:$0x7], $0x4000, $0x38;
	[tilespmem:$0x1D000] =	vst v63  }
0x13b: {  	_ =	swait.ge [sflag:s23], $0x4000  }
0x13c: {  	[sflag:s23] =	ssyncset.done $0x0  }
0x13d: {  	[sflag:s23] =	ssyncadd.s32 $0xFFFFC000  }
0x13e: {  	[tilespmem:s22], [sflag:$0x7] =	stream.linear.gather [spmem:s14], $0x4000, $0x38;
	[tilespmem:$0x1D000] =	vst v63  }
0x13f: {  	_ =	swait.ge [sflag:s23], $0x4000  }
0x140: {  	[sflag:s23] =	ssyncset.done $0x0  }
0x141: {  	s18 =	rddreg [dreg:$0xb];
	[sflag:s23] =	ssyncadd.s32 $0xFFFFC000  }
0x142: {  	[hbm4b:s18+s3] =	stream.linear.scatter [tilespmem:s22], [sflag:$0x7], $0x4000, $0x38;
	[tilespmem:$0x1D000] =	vst v63  }
0x143: {  	_ =	swait.ge [sflag:s23], $0x4000  }
0x144: {  	[sflag:s23] =	ssyncset.done $0x0  }
0x145: {  	[sflag:s23] =	ssyncadd.s32 $0xFFFFC000  }
0x146: {  	[tilespmem:s22], [sflag:$0x7] =	stream.linear.gather [spmem:s15], $0x4000, $0x38;
	[tilespmem:$0x1D000] =	vst v63  }
0x147: {  	_ =	swait.ge [sflag:s23], $0x4000  }
0x148: {  	[sflag:s23] =	ssyncset.done $0x0  }
0x149: {  	s19 =	rddreg [dreg:$0xc];
	[sflag:s23] =	ssyncadd.s32 $0xFFFFC000  }
0x14a: {  	[hbm4b:s19+s3] =	stream.linear.scatter [tilespmem:s22], [sflag:$0x7], $0x4000, $0x38;
	[tilespmem:$0x1D000] =	vst v63  }
0x14b: {  	_ =	swait.ge [sflag:s23], $0x4000  }
0x14c: {  	[sflag:s23] =	ssyncset.done $0x0  }
0x14d: {  	[sflag:s23] =	ssyncadd.s32 $0xFFFFC000  }
0x14e: {  	[tilespmem:s22], [sflag:$0x7] =	stream.linear.gather [spmem:s16], $0x4000, $0x38;
	[tilespmem:$0x1D000] =	vst v63  }
0x14f: {  	_ =	swait.ge [sflag:s23], $0x4000  }
0x150: {  	[sflag:s23] =	ssyncset.done $0x0  }
0x151: {  	[sflag:s23] =	ssyncadd.s32 $0xFFFFC000  }
0x152: {  	[hbm4b:s21+s3] =	stream.linear.scatter [tilespmem:s22], [sflag:$0x7], $0x4000, $0x38;
	[tilespmem:$0x1D000] =	vst v63  }
0x153: {  	_ =	swait.ge [sflag:s23], $0x4000  }
0x154: {  	s24 =	sadd.s32 $0x1, s24;
	s20 =	rddreg [dreg:$0x8]  }
0x155: {  	p0 =	sne.s32 s24, s20  }
.Ltmp3:
0x156: {  	_ = 	snop;
	(pc) =	sbr.rel @p0 .LBB2_1-.Ltmp3, $4  }
.Ltmp4:
0x157: {  	_ = 	snop;
	(pc) =	sbr.rel @!p0 .LBB2_8-.Ltmp4, $4  }
0x158: {  	_ = 	snop  }
0x159: {  	[sflag:s23] =	ssyncset.done $0x0  }
0x15a: {  	[sflag:s23] =	ssyncadd.s32 $0xFFFFC000  }
0x15b: {  	_ = 	snop  }
.LBB2_2:
.Ltmp5:
0x15c: {  	(pc) =	sbr.rel .LBB2_7-.Ltmp5, $2  }
0x15d: {  	_ =	sdelay $0x2  }
0x15e: {  	s10 =	simm.s32 $0x0;
	s12 =	simm.s32 $0x0  }
.LBB2_4:
.Ltmp6:
0x15f: {  	(pc) =	sbr.rel .LBB2_7-.Ltmp6, $2  }
0x160: {  	_ =	sdelay $0x2  }
0x161: {  	s10 =	simm.s32 $0x0;
	s12 =	simm.s32 $0x1;
	s11 =	simm.s32 $0x2  }
.LBB2_8:
0x162: {  	_ =	sfence.sel $0x180000  }
0x163: {  	[bflag:$0x0] =	sbarrier.arrive $0xFFFF  }
0x164: {  	_ =	strace $0x90000050  }
0x165: {  	s0 =	stileid.u32;
	[bflag:$0x2] =	sbarrier.arrive $0xFFFF  }
0x166: {  	p0 =	sne.s32 s0, $0x0;
	s0 =	rddreg [dreg:$0x2]  }
0x167: {  	s0 =	sadd.s32 @!p0 $0x100000, s0  }
0x168: {  	[sflag:s0] =	ssyncadd.tile.s32 @!p0 $0x1;
	_ =	shalt  }
.Lfunc_end2:
_tile_overlayer_lowered:
.L_overlay_start_2:
0x169: {  	(tag) =	ssettag $0x2  }
0x16a: {  	s0 =	rddreg [dreg:$0x0];
	s2 =	stileid.u32  }
0x16b: {  	s1 =	rddreg [dreg:$0x1];
	p0 =	sne.s32 s2, $0x0  }
0x16c: {  	s3 =	rddreg [dreg:$0x2];
	[bflag:$0x3] =	sbarrier.arrive $0xFFFF;
	s2 =	simm.s32 @!p0 $0x1C07  }
0x16d: {  	[timem:s3], [sflag:s2] =	dma.local @!p0 [hbm:s0], s1  }
0x16e: {  	s0 =	simm.s32 @!p0 $0x7  }
0x16f: {  	_ =	swait.ge @!p0 [sflag:s0], s1  }
0x170: {  	s1 =	ssub.s32 @!p0 $0x0, s1;
	[sflag:s0] =	ssyncset.done @!p0 $0x0  }
0x171: {  	[sflag:s0] =	ssyncadd.s32 @!p0 s1  }
0x172: {  	[bflag:$0x3] =	sbarrier.arrive $0xFFFF  }
0x173: {  	_ =	shalt  }

</sc_bundles>
